<compile_context>
chip_gen: v7x
topology: tpu7x:2x2x1
jax: 0.10.2.dev20260603
libtpu: 0.0.44.dev20260713+nightly
codegen_flags: <defaults>
</compile_context>

<pallas_src>
import functools

import jax
import jax.numpy as jnp
from jax import lax
from jax.experimental import pallas as pl
from jax.experimental.pallas import tpu as pltpu
from jax.experimental.pallas import tpu_sc as plsc

NUM_USERS = 5000
N = 10000
D = 128
E = 320000
B = 16384

NC = 2
NS = 16
NW = NC * NS
EPW = E // NW
CH = 80
NCH = EPW // CH
NPAD = 10240
RPT = NPAD // NS
BPW = B // NW
PCH = 128
NPC = BPW // PCH


def _mesh():
    return plsc.VectorSubcoreMesh(
        core_axis_name="c", subcore_axis_name="s", num_cores=NC, num_subcores=NS
    )


def _sc_degree(dst_flat, ones_row, zrow):

    @functools.partial(
        pl.kernel,
        mesh=_mesh(),
        out_type=jax.ShapeDtypeStruct((NC, NPAD, D), jnp.float32),
        scratch_types=[
            pltpu.VMEM((CH,), jnp.int32),
            pltpu.VMEM((CH,), jnp.int32),
            pltpu.VMEM((CH, D), jnp.float32),
            pltpu.VMEM_SHARED((NPAD, D), jnp.float32),
            pltpu.SemaphoreType.DMA,
        ],
    )
    def k(dst_hbm, ones_hbm, z_hbm, out_hbm, idx0, idx1, buf, acc_sh, sem):
        cid = lax.axis_index("c")
        sid = lax.axis_index("s")
        wid = cid * NS + sid
        base = wid * EPW
        pltpu.sync_copy(z_hbm, buf)
        for t in range(RPT // CH):
            pltpu.sync_copy(buf, acc_sh.at[pl.ds(sid * RPT + t * CH, CH)])
        pltpu.sync_copy(ones_hbm, buf)
        plsc.subcore_barrier()
        pltpu.sync_copy(dst_hbm.at[pl.ds(base, CH)], idx0)

        def body(i, carry):
            j1 = 2 * i + 1
            j2 = jnp.minimum(2 * i + 2, NCH - 1)
            pltpu.async_copy(dst_hbm.at[pl.ds(base + j1 * CH, CH)], idx1, sem)
            pltpu.sync_copy(buf, acc_sh.at[idx0], add=True)
            pltpu.make_async_copy(dst_hbm.at[pl.ds(base, CH)], idx1, sem).wait()
            pltpu.async_copy(dst_hbm.at[pl.ds(base + j2 * CH, CH)], idx0, sem)
            pltpu.sync_copy(buf, acc_sh.at[idx1], add=True)
            pltpu.make_async_copy(dst_hbm.at[pl.ds(base, CH)], idx0, sem).wait()
            return carry

        lax.fori_loop(0, (NCH - 1) // 2, body, 0)
        pltpu.sync_copy(buf, acc_sh.at[idx0], add=True)
        plsc.subcore_barrier()
        for t in range(RPT // CH):
            pltpu.sync_copy(acc_sh.at[pl.ds(sid * RPT + t * CH, CH)], buf)
            pltpu.sync_copy(buf, out_hbm.at[cid, pl.ds(sid * RPT + t * CH, CH)])

    return k(dst_flat, ones_row, zrow)


def _sc_edge_agg(hs, src_flat, dst_flat, zrow):

    @functools.partial(
        pl.kernel,
        mesh=_mesh(),
        out_type=jax.ShapeDtypeStruct((NC, NPAD, D), jnp.float32),
        scratch_types=[
            [pltpu.VMEM((CH,), jnp.int32)] * 4,
            [pltpu.VMEM((CH,), jnp.int32)] * 4,
            pltpu.VMEM((CH, D), jnp.float32),
            pltpu.VMEM((CH, D), jnp.float32),
            pltpu.VMEM_SHARED((NPAD, D), jnp.float32),
            pltpu.SemaphoreType.DMA,
            pltpu.SemaphoreType.DMA,
            [pltpu.SemaphoreType.DMA] * 4,
        ],
    )
    def k(hs_hbm, src_hbm, dst_hbm, z_hbm, out_hbm,
          sidx, didx, rows0, rows1, acc_sh, sem0, sem1, semi):
        cid = lax.axis_index("c")
        sid = lax.axis_index("s")
        wid = cid * NS + sid
        base = wid * EPW

        def load_idx(j, k, sem=None):
            if sem is None:
                pltpu.sync_copy(src_hbm.at[pl.ds(base + j * CH, CH)], sidx[k])
                pltpu.sync_copy(dst_hbm.at[pl.ds(base + j * CH, CH)], didx[k])
            else:
                pltpu.async_copy(src_hbm.at[pl.ds(base + j * CH, CH)], sidx[k], sem)
                pltpu.async_copy(dst_hbm.at[pl.ds(base + j * CH, CH)], didx[k], sem)

        def wait_idx(k):
            pltpu.make_async_copy(src_hbm.at[pl.ds(base, CH)], sidx[k], semi[k]).wait()
            pltpu.make_async_copy(dst_hbm.at[pl.ds(base, CH)], didx[k], semi[k]).wait()

        def wait_rows(buf, sem):
            pltpu.make_async_copy(hs_hbm.at[sidx[0]], buf, sem).wait()

        pltpu.sync_copy(z_hbm, rows0)
        for t in range(RPT // CH):
            pltpu.sync_copy(rows0, acc_sh.at[pl.ds(sid * RPT + t * CH, CH)])
        plsc.subcore_barrier()
        load_idx(0, 0)
        load_idx(1, 1)
        load_idx(2, 2, semi[2])
        load_idx(3, 3, semi[3])
        pltpu.async_copy(hs_hbm.at[sidx[0]], rows0, sem0)
        pltpu.async_copy(hs_hbm.at[sidx[1]], rows1, sem1)

        def body(i, carry):
            j4 = jnp.minimum(4 * i + 4, NCH - 1)
            j5 = jnp.minimum(4 * i + 5, NCH - 1)
            j6 = jnp.minimum(4 * i + 6, NCH - 1)
            j7 = jnp.minimum(4 * i + 7, NCH - 1)
            wait_rows(rows0, sem0)
            pltpu.sync_copy(rows0, acc_sh.at[didx[0]], add=True)
            load_idx(j4, 0, semi[0])
            wait_idx(2)
            pltpu.async_copy(hs_hbm.at[sidx[2]], rows0, sem0)
            wait_rows(rows1, sem1)
            pltpu.sync_copy(rows1, acc_sh.at[didx[1]], add=True)
            load_idx(j5, 1, semi[1])
            wait_idx(3)
            pltpu.async_copy(hs_hbm.at[sidx[3]], rows1, sem1)
            wait_rows(rows0, sem0)
            pltpu.sync_copy(rows0, acc_sh.at[didx[2]], add=True)
            load_idx(j6, 2, semi[2])
            wait_idx(0)
            pltpu.async_copy(hs_hbm.at[sidx[0]], rows0, sem0)
            wait_rows(rows1, sem1)
            pltpu.sync_copy(rows1, acc_sh.at[didx[3]], add=True)
            load_idx(j7, 3, semi[3])
            wait_idx(1)
            pltpu.async_copy(hs_hbm.at[sidx[1]], rows1, sem1)
            return carry

        lax.fori_loop(0, (NCH - 1) // 4, body, 0)
        wait_rows(rows0, sem0)
        pltpu.sync_copy(rows0, acc_sh.at[didx[0]], add=True)
        wait_rows(rows1, sem1)
        wait_idx(2)
        wait_idx(3)
        plsc.subcore_barrier()
        for t in range(RPT // CH):
            pltpu.sync_copy(acc_sh.at[pl.ds(sid * RPT + t * CH, CH)], rows0)
            pltpu.sync_copy(rows0, out_hbm.at[cid, pl.ds(sid * RPT + t * CH, CH)])

    return k(hs, src_flat, dst_flat, zrow)


def _sc_predict(x2, ui_flat, ji_flat):

    @functools.partial(
        pl.kernel,
        mesh=_mesh(),
        out_type=(
            jax.ShapeDtypeStruct((B, D), jnp.float32),
            jax.ShapeDtypeStruct((B, D), jnp.float32),
        ),
        scratch_types=[
            [pltpu.VMEM((PCH,), jnp.int32)] * NPC,
            [pltpu.VMEM((PCH,), jnp.int32)] * NPC,
            [pltpu.VMEM((PCH, D), jnp.float32)] * 2,
            [pltpu.VMEM((PCH, D), jnp.float32)] * 2,
            pltpu.SemaphoreType.DMA,
            pltpu.SemaphoreType.DMA,
        ],
    )
    def k(x2_hbm, ui_hbm, ji_hbm, gu_hbm, gj_hbm, uix, jix, ub, jb, s0, s1):
        cid = lax.axis_index("c")
        sid = lax.axis_index("s")
        wid = cid * NS + sid

        for t in range(NPC):
            pltpu.sync_copy(ui_hbm.at[pl.ds(wid * BPW + t * PCH, PCH)], uix[t])
            pltpu.sync_copy(ji_hbm.at[pl.ds(wid * BPW + t * PCH, PCH)], jix[t])
        cpu = [pltpu.async_copy(x2_hbm.at[uix[t]], ub[t], s0) for t in range(2)]
        cpj = [pltpu.async_copy(x2_hbm.at[jix[t]], jb[t], s1) for t in range(2)]
        for t in range(NPC):
            b = t % 2
            cpu[b].wait()
            pltpu.sync_copy(ub[b], gu_hbm.at[pl.ds(wid * BPW + t * PCH, PCH)])
            if t + 2 < NPC:
                cpu[b] = pltpu.async_copy(x2_hbm.at[uix[t + 2]], ub[b], s0)
            cpj[b].wait()
            pltpu.sync_copy(jb[b], gj_hbm.at[pl.ds(wid * BPW + t * PCH, PCH)])
            if t + 2 < NPC:
                cpj[b] = pltpu.async_copy(x2_hbm.at[jix[t + 2]], jb[b], s1)

    return k(x2, ui_flat, ji_flat)


def _tc_first(x, W1, degp):

    def body(x_ref, w_ref, degp_ref, hs_ref, dis_ref):
        deg = degp_ref[0, :N, :1] + degp_ref[1, :N, :1] + 1.0
        dis = 1.0 / jnp.sqrt(deg)
        h = jnp.dot(x_ref[...], w_ref[...], preferred_element_type=jnp.float32)
        hs_ref[...] = h * dis
        dis_ref[...] = dis

    return pl.pallas_call(
        body,
        out_shape=(
            jax.ShapeDtypeStruct((N, D), jnp.float32),
            jax.ShapeDtypeStruct((N, 1), jnp.float32),
        ),
    )(x, W1, degp)


def _tc_mid(aggp, hs1, dis, b1, W2):

    def body(aggp_ref, hs_ref, dis_ref, b_ref, w_ref, out_ref):
        agg = aggp_ref[0, :N] + aggp_ref[1, :N] + hs_ref[...]
        x1 = jnp.maximum(agg * dis_ref[...] + b_ref[...], 0.0)
        out_ref[...] = (
            jnp.dot(x1, w_ref[...], preferred_element_type=jnp.float32) * dis_ref[...]
        )

    return pl.pallas_call(
        body, out_shape=jax.ShapeDtypeStruct((N, D), jnp.float32)
    )(aggp, hs1, dis, b1, W2)


def _tc_final(aggp, hs2, dis, b2):

    def body(aggp_ref, hs_ref, dis_ref, b_ref, out_ref):
        out_ref[...] = (
            aggp_ref[0, :N] + aggp_ref[1, :N] + hs_ref[...]
        ) * dis_ref[...] + b_ref[...]

    return pl.pallas_call(
        body, out_shape=jax.ShapeDtypeStruct((N, D), jnp.float32)
    )(aggp, hs2, dis, b2)


def _tc_addpred(gu, gj, wpu, wpj):

    def body(gu_ref, gj_ref, wu_ref, wj_ref, out_ref):
        t = gu_ref[...] * wu_ref[...] + gj_ref[...] * wj_ref[...]
        out_ref[...] = jnp.sum(t, axis=1, keepdims=True)

    return pl.pallas_call(
        body, out_shape=jax.ShapeDtypeStruct((B, 1), jnp.float32)
    )(gu, gj, wpu, wpj)


def kernel(edge_index, user_indices, job_indices, user_emb, job_emb, W1, b1, W2, b2, Wp, bp):
    f32 = jnp.float32
    x = jnp.concatenate([user_emb, job_emb], axis=0)
    src_flat = edge_index[0]
    dst_flat = edge_index[1]
    zrow = jnp.zeros((CH, D), f32)
    ones_row = jnp.ones((CH, D), f32)

    degp = _sc_degree(dst_flat, ones_row, zrow)
    hs1, dis = _tc_first(x, W1, degp)
    aggp1 = _sc_edge_agg(hs1, src_flat, dst_flat, zrow)
    hs2 = _tc_mid(aggp1, hs1, dis, b1.reshape(1, D), W2)
    aggp2 = _sc_edge_agg(hs2, src_flat, dst_flat, zrow)
    x2 = _tc_final(aggp2, hs2, dis, b2.reshape(1, D))
    gu, gj = _sc_predict(x2, user_indices, job_indices + NUM_USERS)
    wpu = Wp[:D, 0].reshape(1, D)
    wpj = Wp[D:, 0].reshape(1, D)
    pred = _tc_addpred(gu, gj, wpu, wpj)
    return pred.reshape(B) + bp[0]

# --- scband reference (transcript-rebuilt; emitter-appended) ---
"""Pipeline reference for scband-gcnrecommender-70480413327754 (READ-ONLY COPY).

The authoritative reference and input builder live on the scoring server;
editing this copy changes nothing except your own understanding.
"""

import jax, jax.numpy as jnp
import numpy as np

NUM_USERS = 5000
NUM_JOBS = 5000
N = NUM_USERS + NUM_JOBS
D = 128
H = 128
E = 320000
B = 16384


def setup_inputs(seed: int = 0) -> dict:
    key = jax.random.key(seed)
    ks = jax.random.split(key, 12)
    edge_index = jax.random.randint(ks[0], (2, E), 0, N, dtype=jnp.int32)
    user_indices = jax.random.randint(ks[1], (B,), 0, NUM_USERS, dtype=jnp.int32)
    job_indices = jax.random.randint(ks[2], (B,), 0, NUM_JOBS, dtype=jnp.int32)
    user_emb = 0.1 * jax.random.normal(ks[3], (NUM_USERS, D), dtype=jnp.float32)
    job_emb = 0.1 * jax.random.normal(ks[4], (NUM_JOBS, D), dtype=jnp.float32)
    W1 = jax.random.normal(ks[5], (D, H), dtype=jnp.float32) * (1.0 / np.sqrt(D))
    b1 = jnp.zeros((H,), dtype=jnp.float32)
    W2 = jax.random.normal(ks[6], (H, H), dtype=jnp.float32) * (1.0 / np.sqrt(H))
    b2 = jnp.zeros((H,), dtype=jnp.float32)
    Wp = jax.random.normal(ks[7], (2 * H, 1), dtype=jnp.float32) * np.sqrt(6.0 / (2 * H + 1))
    bp = jnp.zeros((1,), dtype=jnp.float32)
    return {
        "edge_index": edge_index,
        "user_indices": user_indices,
        "job_indices": job_indices,
        "user_emb": user_emb,
        "job_emb": job_emb,
        "W1": W1,
        "b1": b1,
        "W2": W2,
        "b2": b2,
        "Wp": Wp,
        "bp": bp,
    }


def _gcn_layer(x, src, dst, W, b):
    # PyG-style GCNConv: x' = D^{-1/2} (A + I) D^{-1/2} (X W) + b
    n = x.shape[0]
    h = x @ W
    loop = jnp.arange(n, dtype=src.dtype)
    s = jnp.concatenate([src, loop])
    d = jnp.concatenate([dst, loop])
    deg = jnp.zeros((n,), dtype=h.dtype).at[d].add(1.0)
    dis = jnp.where(deg > 0, 1.0 / jnp.sqrt(jnp.maximum(deg, 1e-12)), 0.0)
    norm = dis[s] * dis[d]
    msg = h[s] * norm[:, None]
    out = jnp.zeros_like(h).at[d].add(msg)
    return out + b


def reference(edge_index, user_indices, job_indices, user_emb, job_emb, W1, b1, W2, b2, Wp, bp):
    x = jnp.concatenate([user_emb, job_emb], axis=0)
    src = edge_index[0]
    dst = edge_index[1]
    x = _gcn_layer(x, src, dst, W1, b1)
    x = jax.nn.relu(x)
    # dropout p=0.0 / eval mode: identity
    x = _gcn_layer(x, src, dst, W2, b2)
    ue = x[user_indices]
    je = x[NUM_USERS + job_indices]
    comb = jnp.concatenate([ue, je], axis=1)
    pred = (comb @ Wp + bp)[:, 0]
    return pred

if __name__ == "__main__":
    import jax
    _d = setup_inputs()
    print(jax.jit(kernel)(*tuple(_d.values())))

</pallas_src>

<mosaic_0001>
#map = affine_map<(d0, d1) -> (0, 0)>
#map1 = affine_map<(d0, d1) -> (0)>
#map2 = affine_map<(d0, d1) -> (0, 0, 0)>
module attributes {stable_mosaic.version = 14 : i64} {
  func.func @k(%arg0: i32, %arg1: i32, %arg2: memref<10000x128xf32, #tpu.memory_space<hbm>>, %arg3: memref<320000xi32, #tpu.memory_space<hbm>>, %arg4: memref<320000xi32, #tpu.memory_space<hbm>>, %arg5: memref<80x128xf32, #tpu.memory_space<hbm>>, %arg6: memref<2x10240x128xf32, #tpu.memory_space<hbm>>, %arg7: memref<80xi32, #tpu.memory_space<vmem>>, %arg8: memref<80xi32, #tpu.memory_space<vmem>>, %arg9: memref<80xi32, #tpu.memory_space<vmem>>, %arg10: memref<80xi32, #tpu.memory_space<vmem>>, %arg11: memref<80xi32, #tpu.memory_space<vmem>>, %arg12: memref<80xi32, #tpu.memory_space<vmem>>, %arg13: memref<80xi32, #tpu.memory_space<vmem>>, %arg14: memref<80xi32, #tpu.memory_space<vmem>>, %arg15: memref<80x128xf32, #tpu.memory_space<vmem>>, %arg16: memref<80x128xf32, #tpu.memory_space<vmem>>, %arg17: memref<10240x128xf32, #tpu.memory_space<vmem_shared>>, %arg18: memref<!tpu.dma_semaphore, #tpu.memory_space<semaphore_mem>>, %arg19: memref<!tpu.dma_semaphore, #tpu.memory_space<semaphore_mem>>, %arg20: memref<!tpu.dma_semaphore, #tpu.memory_space<semaphore_mem>>, %arg21: memref<!tpu.dma_semaphore, #tpu.memory_space<semaphore_mem>>, %arg22: memref<!tpu.dma_semaphore, #tpu.memory_space<semaphore_mem>>, %arg23: memref<!tpu.dma_semaphore, #tpu.memory_space<semaphore_mem>>) attributes {dimension_semantics = [#tpu.dimension_semantics<core_parallel>, #tpu.dimension_semantics<subcore_parallel>], iteration_bounds = array<i64: 2, 16>, scalar_prefetch = 0 : i64, scratch_operands = 17 : i64, tpu.core_type = #tpu.core_type<sc_vector_subcore>, window_params = [{transform_indices = #map}, {transform_indices = #map1}, {transform_indices = #map1}, {transform_indices = #map}, {transform_indices = #map2}]} {
    %mul3A = arith.constant 16 : i32
    %mul3A_0 = arith.muli %arg0, %mul3A : i32
    %add3A = arith.addi %mul3A_0, %arg1 : i32
    %mul3A_1 = arith.constant 10000 : i32
    %mul3A_2 = arith.muli %add3A, %mul3A_1 : i32
    "tpu.region"() ({
      %run_scoped3A = tpu.sem_alloc : memref<!tpu.dma_semaphore, #tpu.memory_space<semaphore_mem>>
      tpu.enqueue_dma source(%arg5 : memref<80x128xf32, #tpu.memory_space<hbm>>) target(%arg15 : memref<80x128xf32, #tpu.memory_space<vmem>>) target_semaphore(%run_scoped3A : memref<!tpu.dma_semaphore, #tpu.memory_space<semaphore_mem>>)
      tpu.wait_dma2 semaphore(%run_scoped3A : memref<!tpu.dma_semaphore, #tpu.memory_space<semaphore_mem>>) src(%arg5 : memref<80x128xf32, #tpu.memory_space<hbm>>) dst(%arg15 : memref<80x128xf32, #tpu.memory_space<vmem>>)
      tpu.yield
    }) : () -> ()
    %mul3A_3 = arith.constant 640 : i32
    %mul3A_4 = arith.muli %arg1, %mul3A_3 : i32
    %add3A_5 = arith.constant 0 : i32
    %add3A_6 = arith.addi %mul3A_4, %add3A_5 : i32
    "tpu.region"() ({
      %run_scoped3A = tpu.sem_alloc : memref<!tpu.dma_semaphore, #tpu.memory_space<semaphore_mem>>
      %dma_start3A_147 = arith.constant 0 : i32
      %dma_start3A_148 = tpu.memref_slice %arg17[%add3A_6, %dma_start3A_147] : memref<10240x128xf32, #tpu.memory_space<vmem_shared>> -> memref<80x128xf32, #tpu.memory_space<vmem_shared>>
      %dma_start3A_149 = arith.constant 0 : i32
      %dma_start3A_150 = tpu.memref_slice %arg17[%add3A_6, %dma_start3A_149] : memref<10240x128xf32, #tpu.memory_space<vmem_shared>> -> memref<80x128xf32, #tpu.memory_space<vmem_shared>>
      tpu.enqueue_dma source(%arg15 : memref<80x128xf32, #tpu.memory_space<vmem>>) target(%dma_start3A_150 : memref<80x128xf32, #tpu.memory_space<vmem_shared>>) target_semaphore(%run_scoped3A : memref<!tpu.dma_semaphore, #tpu.memory_space<semaphore_mem>>)
      %dma_wait3A_151 = arith.constant 0 : i32
      %dma_wait3A_152 = tpu.memref_slice %arg17[%add3A_6, %dma_wait3A_151] : memref<10240x128xf32, #tpu.memory_space<vmem_shared>> -> memref<80x128xf32, #tpu.memory_space<vmem_shared>>
      %dma_wait3A_153 = arith.constant 0 : i32
      %dma_wait3A_154 = tpu.memref_slice %arg17[%add3A_6, %dma_wait3A_153] : memref<10240x128xf32, #tpu.memory_space<vmem_shared>> -> memref<80x128xf32, #tpu.memory_space<vmem_shared>>
      tpu.wait_dma2 semaphore(%run_scoped3A : memref<!tpu.dma_semaphore, #tpu.memory_space<semaphore_mem>>) src(%arg15 : memref<80x128xf32, #tpu.memory_space<vmem>>) dst(%dma_wait3A_154 : memref<80x128xf32, #tpu.memory_space<vmem_shared>>)
      tpu.yield
    }) : () -> ()
    %mul3A_7 = arith.constant 640 : i32
    %mul3A_8 = arith.muli %arg1, %mul3A_7 : i32
    %add3A_9 = arith.constant 80 : i32
    %add3A_10 = arith.addi %mul3A_8, %add3A_9 : i32
    "tpu.region"() ({
      %run_scoped3A = tpu.sem_alloc : memref<!tpu.dma_semaphore, #tpu.memory_space<semaphore_mem>>
      %dma_start3A_147 = arith.constant 0 : i32
      %dma_start3A_148 = tpu.memref_slice %arg17[%add3A_10, %dma_start3A_147] : memref<10240x128xf32, #tpu.memory_space<vmem_shared>> -> memref<80x128xf32, #tpu.memory_space<vmem_shared>>
      %dma_start3A_149 = arith.constant 0 : i32
      %dma_start3A_150 = tpu.memref_slice %arg17[%add3A_10, %dma_start3A_149] : memref<10240x128xf32, #tpu.memory_space<vmem_shared>> -> memref<80x128xf32, #tpu.memory_space<vmem_shared>>
      tpu.enqueue_dma source(%arg15 : memref<80x128xf32, #tpu.memory_space<vmem>>) target(%dma_start3A_150 : memref<80x128xf32, #tpu.memory_space<vmem_shared>>) target_semaphore(%run_scoped3A : memref<!tpu.dma_semaphore, #tpu.memory_space<semaphore_mem>>)
      %dma_wait3A_151 = arith.constant 0 : i32
      %dma_wait3A_152 = tpu.memref_slice %arg17[%add3A_10, %dma_wait3A_151] : memref<10240x128xf32, #tpu.memory_space<vmem_shared>> -> memref<80x128xf32, #tpu.memory_space<vmem_shared>>
      %dma_wait3A_153 = arith.constant 0 : i32
      %dma_wait3A_154 = tpu.memref_slice %arg17[%add3A_10, %dma_wait3A_153] : memref<10240x128xf32, #tpu.memory_space<vmem_shared>> -> memref<80x128xf32, #tpu.memory_space<vmem_shared>>
      tpu.wait_dma2 semaphore(%run_scoped3A : memref<!tpu.dma_semaphore, #tpu.memory_space<semaphore_mem>>) src(%arg15 : memref<80x128xf32, #tpu.memory_space<vmem>>) dst(%dma_wait3A_154 : memref<80x128xf32, #tpu.memory_space<vmem_shared>>)
      tpu.yield
    }) : () -> ()
    %mul3A_11 = arith.constant 640 : i32
    %mul3A_12 = arith.muli %arg1, %mul3A_11 : i32
    %add3A_13 = arith.constant 160 : i32
    %add3A_14 = arith.addi %mul3A_12, %add3A_13 : i32
    "tpu.region"() ({
      %run_scoped3A = tpu.sem_alloc : memref<!tpu.dma_semaphore, #tpu.memory_space<semaphore_mem>>
      %dma_start3A_147 = arith.constant 0 : i32
      %dma_start3A_148 = tpu.memref_slice %arg17[%add3A_14, %dma_start3A_147] : memref<10240x128xf32, #tpu.memory_space<vmem_shared>> -> memref<80x128xf32, #tpu.memory_space<vmem_shared>>
      %dma_start3A_149 = arith.constant 0 : i32
      %dma_start3A_150 = tpu.memref_slice %arg17[%add3A_14, %dma_start3A_149] : memref<10240x128xf32, #tpu.memory_space<vmem_shared>> -> memref<80x128xf32, #tpu.memory_space<vmem_shared>>
      tpu.enqueue_dma source(%arg15 : memref<80x128xf32, #tpu.memory_space<vmem>>) target(%dma_start3A_150 : memref<80x128xf32, #tpu.memory_space<vmem_shared>>) target_semaphore(%run_scoped3A : memref<!tpu.dma_semaphore, #tpu.memory_space<semaphore_mem>>)
      %dma_wait3A_151 = arith.constant 0 : i32
      %dma_wait3A_152 = tpu.memref_slice %arg17[%add3A_14, %dma_wait3A_151] : memref<10240x128xf32, #tpu.memory_space<vmem_shared>> -> memref<80x128xf32, #tpu.memory_space<vmem_shared>>
      %dma_wait3A_153 = arith.constant 0 : i32
      %dma_wait3A_154 = tpu.memref_slice %arg17[%add3A_14, %dma_wait3A_153] : memref<10240x128xf32, #tpu.memory_space<vmem_shared>> -> memref<80x128xf32, #tpu.memory_space<vmem_shared>>
      tpu.wait_dma2 semaphore(%run_scoped3A : memref<!tpu.dma_semaphore, #tpu.memory_space<semaphore_mem>>) src(%arg15 : memref<80x128xf32, #tpu.memory_space<vmem>>) dst(%dma_wait3A_154 : memref<80x128xf32, #tpu.memory_space<vmem_shared>>)
      tpu.yield
    }) : () -> ()
    %mul3A_15 = arith.constant 640 : i32
    %mul3A_16 = arith.muli %arg1, %mul3A_15 : i32
    %add3A_17 = arith.constant 240 : i32
    %add3A_18 = arith.addi %mul3A_16, %add3A_17 : i32
    "tpu.region"() ({
      %run_scoped3A = tpu.sem_alloc : memref<!tpu.dma_semaphore, #tpu.memory_space<semaphore_mem>>
      %dma_start3A_147 = arith.constant 0 : i32
      %dma_start3A_148 = tpu.memref_slice %arg17[%add3A_18, %dma_start3A_147] : memref<10240x128xf32, #tpu.memory_space<vmem_shared>> -> memref<80x128xf32, #tpu.memory_space<vmem_shared>>
      %dma_start3A_149 = arith.constant 0 : i32
      %dma_start3A_150 = tpu.memref_slice %arg17[%add3A_18, %dma_start3A_149] : memref<10240x128xf32, #tpu.memory_space<vmem_shared>> -> memref<80x128xf32, #tpu.memory_space<vmem_shared>>
      tpu.enqueue_dma source(%arg15 : memref<80x128xf32, #tpu.memory_space<vmem>>) target(%dma_start3A_150 : memref<80x128xf32, #tpu.memory_space<vmem_shared>>) target_semaphore(%run_scoped3A : memref<!tpu.dma_semaphore, #tpu.memory_space<semaphore_mem>>)
      %dma_wait3A_151 = arith.constant 0 : i32
      %dma_wait3A_152 = tpu.memref_slice %arg17[%add3A_18, %dma_wait3A_151] : memref<10240x128xf32, #tpu.memory_space<vmem_shared>> -> memref<80x128xf32, #tpu.memory_space<vmem_shared>>
      %dma_wait3A_153 = arith.constant 0 : i32
      %dma_wait3A_154 = tpu.memref_slice %arg17[%add3A_18, %dma_wait3A_153] : memref<10240x128xf32, #tpu.memory_space<vmem_shared>> -> memref<80x128xf32, #tpu.memory_space<vmem_shared>>
      tpu.wait_dma2 semaphore(%run_scoped3A : memref<!tpu.dma_semaphore, #tpu.memory_space<semaphore_mem>>) src(%arg15 : memref<80x128xf32, #tpu.memory_space<vmem>>) dst(%dma_wait3A_154 : memref<80x128xf32, #tpu.memory_space<vmem_shared>>)
      tpu.yield
    }) : () -> ()
    %mul3A_19 = arith.constant 640 : i32
    %mul3A_20 = arith.muli %arg1, %mul3A_19 : i32
    %add3A_21 = arith.constant 320 : i32
    %add3A_22 = arith.addi %mul3A_20, %add3A_21 : i32
    "tpu.region"() ({
      %run_scoped3A = tpu.sem_alloc : memref<!tpu.dma_semaphore, #tpu.memory_space<semaphore_mem>>
      %dma_start3A_147 = arith.constant 0 : i32
      %dma_start3A_148 = tpu.memref_slice %arg17[%add3A_22, %dma_start3A_147] : memref<10240x128xf32, #tpu.memory_space<vmem_shared>> -> memref<80x128xf32, #tpu.memory_space<vmem_shared>>
      %dma_start3A_149 = arith.constant 0 : i32
      %dma_start3A_150 = tpu.memref_slice %arg17[%add3A_22, %dma_start3A_149] : memref<10240x128xf32, #tpu.memory_space<vmem_shared>> -> memref<80x128xf32, #tpu.memory_space<vmem_shared>>
      tpu.enqueue_dma source(%arg15 : memref<80x128xf32, #tpu.memory_space<vmem>>) target(%dma_start3A_150 : memref<80x128xf32, #tpu.memory_space<vmem_shared>>) target_semaphore(%run_scoped3A : memref<!tpu.dma_semaphore, #tpu.memory_space<semaphore_mem>>)
      %dma_wait3A_151 = arith.constant 0 : i32
      %dma_wait3A_152 = tpu.memref_slice %arg17[%add3A_22, %dma_wait3A_151] : memref<10240x128xf32, #tpu.memory_space<vmem_shared>> -> memref<80x128xf32, #tpu.memory_space<vmem_shared>>
      %dma_wait3A_153 = arith.constant 0 : i32
      %dma_wait3A_154 = tpu.memref_slice %arg17[%add3A_22, %dma_wait3A_153] : memref<10240x128xf32, #tpu.memory_space<vmem_shared>> -> memref<80x128xf32, #tpu.memory_space<vmem_shared>>
      tpu.wait_dma2 semaphore(%run_scoped3A : memref<!tpu.dma_semaphore, #tpu.memory_space<semaphore_mem>>) src(%arg15 : memref<80x128xf32, #tpu.memory_space<vmem>>) dst(%dma_wait3A_154 : memref<80x128xf32, #tpu.memory_space<vmem_shared>>)
      tpu.yield
    }) : () -> ()
    %mul3A_23 = arith.constant 640 : i32
    %mul3A_24 = arith.muli %arg1, %mul3A_23 : i32
    %add3A_25 = arith.constant 400 : i32
    %add3A_26 = arith.addi %mul3A_24, %add3A_25 : i32
    "tpu.region"() ({
      %run_scoped3A = tpu.sem_alloc : memref<!tpu.dma_semaphore, #tpu.memory_space<semaphore_mem>>
      %dma_start3A_147 = arith.constant 0 : i32
      %dma_start3A_148 = tpu.memref_slice %arg17[%add3A_26, %dma_start3A_147] : memref<10240x128xf32, #tpu.memory_space<vmem_shared>> -> memref<80x128xf32, #tpu.memory_space<vmem_shared>>
      %dma_start3A_149 = arith.constant 0 : i32
      %dma_start3A_150 = tpu.memref_slice %arg17[%add3A_26, %dma_start3A_149] : memref<10240x128xf32, #tpu.memory_space<vmem_shared>> -> memref<80x128xf32, #tpu.memory_space<vmem_shared>>
      tpu.enqueue_dma source(%arg15 : memref<80x128xf32, #tpu.memory_space<vmem>>) target(%dma_start3A_150 : memref<80x128xf32, #tpu.memory_space<vmem_shared>>) target_semaphore(%run_scoped3A : memref<!tpu.dma_semaphore, #tpu.memory_space<semaphore_mem>>)
      %dma_wait3A_151 = arith.constant 0 : i32
      %dma_wait3A_152 = tpu.memref_slice %arg17[%add3A_26, %dma_wait3A_151] : memref<10240x128xf32, #tpu.memory_space<vmem_shared>> -> memref<80x128xf32, #tpu.memory_space<vmem_shared>>
      %dma_wait3A_153 = arith.constant 0 : i32
      %dma_wait3A_154 = tpu.memref_slice %arg17[%add3A_26, %dma_wait3A_153] : memref<10240x128xf32, #tpu.memory_space<vmem_shared>> -> memref<80x128xf32, #tpu.memory_space<vmem_shared>>
      tpu.wait_dma2 semaphore(%run_scoped3A : memref<!tpu.dma_semaphore, #tpu.memory_space<semaphore_mem>>) src(%arg15 : memref<80x128xf32, #tpu.memory_space<vmem>>) dst(%dma_wait3A_154 : memref<80x128xf32, #tpu.memory_space<vmem_shared>>)
      tpu.yield
    }) : () -> ()
    %mul3A_27 = arith.constant 640 : i32
    %mul3A_28 = arith.muli %arg1, %mul3A_27 : i32
    %add3A_29 = arith.constant 480 : i32
    %add3A_30 = arith.addi %mul3A_28, %add3A_29 : i32
    "tpu.region"() ({
      %run_scoped3A = tpu.sem_alloc : memref<!tpu.dma_semaphore, #tpu.memory_space<semaphore_mem>>
      %dma_start3A_147 = arith.constant 0 : i32
      %dma_start3A_148 = tpu.memref_slice %arg17[%add3A_30, %dma_start3A_147] : memref<10240x128xf32, #tpu.memory_space<vmem_shared>> -> memref<80x128xf32, #tpu.memory_space<vmem_shared>>
      %dma_start3A_149 = arith.constant 0 : i32
      %dma_start3A_150 = tpu.memref_slice %arg17[%add3A_30, %dma_start3A_149] : memref<10240x128xf32, #tpu.memory_space<vmem_shared>> -> memref<80x128xf32, #tpu.memory_space<vmem_shared>>
      tpu.enqueue_dma source(%arg15 : memref<80x128xf32, #tpu.memory_space<vmem>>) target(%dma_start3A_150 : memref<80x128xf32, #tpu.memory_space<vmem_shared>>) target_semaphore(%run_scoped3A : memref<!tpu.dma_semaphore, #tpu.memory_space<semaphore_mem>>)
      %dma_wait3A_151 = arith.constant 0 : i32
      %dma_wait3A_152 = tpu.memref_slice %arg17[%add3A_30, %dma_wait3A_151] : memref<10240x128xf32, #tpu.memory_space<vmem_shared>> -> memref<80x128xf32, #tpu.memory_space<vmem_shared>>
      %dma_wait3A_153 = arith.constant 0 : i32
      %dma_wait3A_154 = tpu.memref_slice %arg17[%add3A_30, %dma_wait3A_153] : memref<10240x128xf32, #tpu.memory_space<vmem_shared>> -> memref<80x128xf32, #tpu.memory_space<vmem_shared>>
      tpu.wait_dma2 semaphore(%run_scoped3A : memref<!tpu.dma_semaphore, #tpu.memory_space<semaphore_mem>>) src(%arg15 : memref<80x128xf32, #tpu.memory_space<vmem>>) dst(%dma_wait3A_154 : memref<80x128xf32, #tpu.memory_space<vmem_shared>>)
      tpu.yield
    }) : () -> ()
    %mul3A_31 = arith.constant 640 : i32
    %mul3A_32 = arith.muli %arg1, %mul3A_31 : i32
    %add3A_33 = arith.constant 560 : i32
    %add3A_34 = arith.addi %mul3A_32, %add3A_33 : i32
    "tpu.region"() ({
      %run_scoped3A = tpu.sem_alloc : memref<!tpu.dma_semaphore, #tpu.memory_space<semaphore_mem>>
      %dma_start3A_147 = arith.constant 0 : i32
      %dma_start3A_148 = tpu.memref_slice %arg17[%add3A_34, %dma_start3A_147] : memref<10240x128xf32, #tpu.memory_space<vmem_shared>> -> memref<80x128xf32, #tpu.memory_space<vmem_shared>>
      %dma_start3A_149 = arith.constant 0 : i32
      %dma_start3A_150 = tpu.memref_slice %arg17[%add3A_34, %dma_start3A_149] : memref<10240x128xf32, #tpu.memory_space<vmem_shared>> -> memref<80x128xf32, #tpu.memory_space<vmem_shared>>
      tpu.enqueue_dma source(%arg15 : memref<80x128xf32, #tpu.memory_space<vmem>>) target(%dma_start3A_150 : memref<80x128xf32, #tpu.memory_space<vmem_shared>>) target_semaphore(%run_scoped3A : memref<!tpu.dma_semaphore, #tpu.memory_space<semaphore_mem>>)
      %dma_wait3A_151 = arith.constant 0 : i32
      %dma_wait3A_152 = tpu.memref_slice %arg17[%add3A_34, %dma_wait3A_151] : memref<10240x128xf32, #tpu.memory_space<vmem_shared>> -> memref<80x128xf32, #tpu.memory_space<vmem_shared>>
      %dma_wait3A_153 = arith.constant 0 : i32
      %dma_wait3A_154 = tpu.memref_slice %arg17[%add3A_34, %dma_wait3A_153] : memref<10240x128xf32, #tpu.memory_space<vmem_shared>> -> memref<80x128xf32, #tpu.memory_space<vmem_shared>>
      tpu.wait_dma2 semaphore(%run_scoped3A : memref<!tpu.dma_semaphore, #tpu.memory_space<semaphore_mem>>) src(%arg15 : memref<80x128xf32, #tpu.memory_space<vmem>>) dst(%dma_wait3A_154 : memref<80x128xf32, #tpu.memory_space<vmem_shared>>)
      tpu.yield
    }) : () -> ()
    %barrier3A = arith.constant 0 : index
    tpu.barrier barrier_id(%barrier3A)
    %add3A_35 = arith.constant 0 : i32
    %add3A_36 = arith.addi %mul3A_2, %add3A_35 : i32
    "tpu.region"() ({
      %run_scoped3A = tpu.sem_alloc : memref<!tpu.dma_semaphore, #tpu.memory_space<semaphore_mem>>
      %dma_start3A_147 = tpu.memref_slice %arg3[%add3A_36] : memref<320000xi32, #tpu.memory_space<hbm>> -> memref<80xi32, #tpu.memory_space<hbm>>
      %dma_start3A_148 = tpu.memref_slice %arg3[%add3A_36] : memref<320000xi32, #tpu.memory_space<hbm>> -> memref<80xi32, #tpu.memory_space<hbm>>
      tpu.enqueue_dma source(%dma_start3A_148 : memref<80xi32, #tpu.memory_space<hbm>>) target(%arg7 : memref<80xi32, #tpu.memory_space<vmem>>) target_semaphore(%run_scoped3A : memref<!tpu.dma_semaphore, #tpu.memory_space<semaphore_mem>>)
      %dma_wait3A_149 = tpu.memref_slice %arg3[%add3A_36] : memref<320000xi32, #tpu.memory_space<hbm>> -> memref<80xi32, #tpu.memory_space<hbm>>
      %dma_wait3A_150 = tpu.memref_slice %arg3[%add3A_36] : memref<320000xi32, #tpu.memory_space<hbm>> -> memref<80xi32, #tpu.memory_space<hbm>>
      tpu.wait_dma2 semaphore(%run_scoped3A : memref<!tpu.dma_semaphore, #tpu.memory_space<semaphore_mem>>) src(%dma_wait3A_150 : memref<80xi32, #tpu.memory_space<hbm>>) dst(%arg7 : memref<80xi32, #tpu.memory_space<vmem>>)
      tpu.yield
    }) : () -> ()
    %add3A_37 = arith.constant 0 : i32
    %add3A_38 = arith.addi %mul3A_2, %add3A_37 : i32
    "tpu.region"() ({
      %run_scoped3A = tpu.sem_alloc : memref<!tpu.dma_semaphore, #tpu.memory_space<semaphore_mem>>
      %dma_start3A_147 = tpu.memref_slice %arg4[%add3A_38] : memref<320000xi32, #tpu.memory_space<hbm>> -> memref<80xi32, #tpu.memory_space<hbm>>
      %dma_start3A_148 = tpu.memref_slice %arg4[%add3A_38] : memref<320000xi32, #tpu.memory_space<hbm>> -> memref<80xi32, #tpu.memory_space<hbm>>
      tpu.enqueue_dma source(%dma_start3A_148 : memref<80xi32, #tpu.memory_space<hbm>>) target(%arg11 : memref<80xi32, #tpu.memory_space<vmem>>) target_semaphore(%run_scoped3A : memref<!tpu.dma_semaphore, #tpu.memory_space<semaphore_mem>>)
      %dma_wait3A_149 = tpu.memref_slice %arg4[%add3A_38] : memref<320000xi32, #tpu.memory_space<hbm>> -> memref<80xi32, #tpu.memory_space<hbm>>
      %dma_wait3A_150 = tpu.memref_slice %arg4[%add3A_38] : memref<320000xi32, #tpu.memory_space<hbm>> -> memref<80xi32, #tpu.memory_space<hbm>>
      tpu.wait_dma2 semaphore(%run_scoped3A : memref<!tpu.dma_semaphore, #tpu.memory_space<semaphore_mem>>) src(%dma_wait3A_150 : memref<80xi32, #tpu.memory_space<hbm>>) dst(%arg11 : memref<80xi32, #tpu.memory_space<vmem>>)
      tpu.yield
    }) : () -> ()
    %add3A_39 = arith.constant 80 : i32
    %add3A_40 = arith.addi %mul3A_2, %add3A_39 : i32
    "tpu.region"() ({
      %run_scoped3A = tpu.sem_alloc : memref<!tpu.dma_semaphore, #tpu.memory_space<semaphore_mem>>
      %dma_start3A_147 = tpu.memref_slice %arg3[%add3A_40] : memref<320000xi32, #tpu.memory_space<hbm>> -> memref<80xi32, #tpu.memory_space<hbm>>
      %dma_start3A_148 = tpu.memref_slice %arg3[%add3A_40] : memref<320000xi32, #tpu.memory_space<hbm>> -> memref<80xi32, #tpu.memory_space<hbm>>
      tpu.enqueue_dma source(%dma_start3A_148 : memref<80xi32, #tpu.memory_space<hbm>>) target(%arg8 : memref<80xi32, #tpu.memory_space<vmem>>) target_semaphore(%run_scoped3A : memref<!tpu.dma_semaphore, #tpu.memory_space<semaphore_mem>>)
      %dma_wait3A_149 = tpu.memref_slice %arg3[%add3A_40] : memref<320000xi32, #tpu.memory_space<hbm>> -> memref<80xi32, #tpu.memory_space<hbm>>
      %dma_wait3A_150 = tpu.memref_slice %arg3[%add3A_40] : memref<320000xi32, #tpu.memory_space<hbm>> -> memref<80xi32, #tpu.memory_space<hbm>>
      tpu.wait_dma2 semaphore(%run_scoped3A : memref<!tpu.dma_semaphore, #tpu.memory_space<semaphore_mem>>) src(%dma_wait3A_150 : memref<80xi32, #tpu.memory_space<hbm>>) dst(%arg8 : memref<80xi32, #tpu.memory_space<vmem>>)
      tpu.yield
    }) : () -> ()
    %add3A_41 = arith.constant 80 : i32
    %add3A_42 = arith.addi %mul3A_2, %add3A_41 : i32
    "tpu.region"() ({
      %run_scoped3A = tpu.sem_alloc : memref<!tpu.dma_semaphore, #tpu.memory_space<semaphore_mem>>
      %dma_start3A_147 = tpu.memref_slice %arg4[%add3A_42] : memref<320000xi32, #tpu.memory_space<hbm>> -> memref<80xi32, #tpu.memory_space<hbm>>
      %dma_start3A_148 = tpu.memref_slice %arg4[%add3A_42] : memref<320000xi32, #tpu.memory_space<hbm>> -> memref<80xi32, #tpu.memory_space<hbm>>
      tpu.enqueue_dma source(%dma_start3A_148 : memref<80xi32, #tpu.memory_space<hbm>>) target(%arg12 : memref<80xi32, #tpu.memory_space<vmem>>) target_semaphore(%run_scoped3A : memref<!tpu.dma_semaphore, #tpu.memory_space<semaphore_mem>>)
      %dma_wait3A_149 = tpu.memref_slice %arg4[%add3A_42] : memref<320000xi32, #tpu.memory_space<hbm>> -> memref<80xi32, #tpu.memory_space<hbm>>
      %dma_wait3A_150 = tpu.memref_slice %arg4[%add3A_42] : memref<320000xi32, #tpu.memory_space<hbm>> -> memref<80xi32, #tpu.memory_space<hbm>>
      tpu.wait_dma2 semaphore(%run_scoped3A : memref<!tpu.dma_semaphore, #tpu.memory_space<semaphore_mem>>) src(%dma_wait3A_150 : memref<80xi32, #tpu.memory_space<hbm>>) dst(%arg12 : memref<80xi32, #tpu.memory_space<vmem>>)
      tpu.yield
    }) : () -> ()
    %add3A_43 = arith.constant 160 : i32
    %add3A_44 = arith.addi %mul3A_2, %add3A_43 : i32
    %dma_start3A = tpu.memref_slice %arg3[%add3A_44] : memref<320000xi32, #tpu.memory_space<hbm>> -> memref<80xi32, #tpu.memory_space<hbm>>
    %dma_start3A_45 = tpu.memref_slice %arg3[%add3A_44] : memref<320000xi32, #tpu.memory_space<hbm>> -> memref<80xi32, #tpu.memory_space<hbm>>
    tpu.enqueue_dma source(%dma_start3A_45 : memref<80xi32, #tpu.memory_space<hbm>>) target(%arg9 : memref<80xi32, #tpu.memory_space<vmem>>) target_semaphore(%arg22 : memref<!tpu.dma_semaphore, #tpu.memory_space<semaphore_mem>>)
    %add3A_46 = arith.constant 160 : i32
    %add3A_47 = arith.addi %mul3A_2, %add3A_46 : i32
    %dma_start3A_48 = tpu.memref_slice %arg4[%add3A_47] : memref<320000xi32, #tpu.memory_space<hbm>> -> memref<80xi32, #tpu.memory_space<hbm>>
    %dma_start3A_49 = tpu.memref_slice %arg4[%add3A_47] : memref<320000xi32, #tpu.memory_space<hbm>> -> memref<80xi32, #tpu.memory_space<hbm>>
    tpu.enqueue_dma source(%dma_start3A_49 : memref<80xi32, #tpu.memory_space<hbm>>) target(%arg13 : memref<80xi32, #tpu.memory_space<vmem>>) target_semaphore(%arg22 : memref<!tpu.dma_semaphore, #tpu.memory_space<semaphore_mem>>)
    %add3A_50 = arith.constant 240 : i32
    %add3A_51 = arith.addi %mul3A_2, %add3A_50 : i32
    %dma_start3A_52 = tpu.memref_slice %arg3[%add3A_51] : memref<320000xi32, #tpu.memory_space<hbm>> -> memref<80xi32, #tpu.memory_space<hbm>>
    %dma_start3A_53 = tpu.memref_slice %arg3[%add3A_51] : memref<320000xi32, #tpu.memory_space<hbm>> -> memref<80xi32, #tpu.memory_space<hbm>>
    tpu.enqueue_dma source(%dma_start3A_53 : memref<80xi32, #tpu.memory_space<hbm>>) target(%arg10 : memref<80xi32, #tpu.memory_space<vmem>>) target_semaphore(%arg23 : memref<!tpu.dma_semaphore, #tpu.memory_space<semaphore_mem>>)
    %add3A_54 = arith.constant 240 : i32
    %add3A_55 = arith.addi %mul3A_2, %add3A_54 : i32
    %dma_start3A_56 = tpu.memref_slice %arg4[%add3A_55] : memref<320000xi32, #tpu.memory_space<hbm>> -> memref<80xi32, #tpu.memory_space<hbm>>
    %dma_start3A_57 = tpu.memref_slice %arg4[%add3A_55] : memref<320000xi32, #tpu.memory_space<hbm>> -> memref<80xi32, #tpu.memory_space<hbm>>
    tpu.enqueue_dma source(%dma_start3A_57 : memref<80xi32, #tpu.memory_space<hbm>>) target(%arg14 : memref<80xi32, #tpu.memory_space<vmem>>) target_semaphore(%arg23 : memref<!tpu.dma_semaphore, #tpu.memory_space<semaphore_mem>>)
    %dma_start3A_58 = arith.constant 0 : i32
    %dma_start3A_59 = arith.constant 0 : i32
    %dma_start3A_60 = tpu.memref_slice %arg2[%dma_start3A_58, %dma_start3A_59] : memref<10000x128xf32, #tpu.memory_space<hbm>> -> memref<10000x128xf32, #tpu.memory_space<hbm>>
    tpu.enqueue_indirect_dma source(%dma_start3A_60 : memref<10000x128xf32, #tpu.memory_space<hbm>>) target(%arg15 : memref<80x128xf32, #tpu.memory_space<vmem>>) offsets(%arg7 : memref<80xi32, #tpu.memory_space<vmem>>) semaphore(%arg18 : memref<!tpu.dma_semaphore, #tpu.memory_space<semaphore_mem>>)
    %dma_start3A_61 = arith.constant 0 : i32
    %dma_start3A_62 = arith.constant 0 : i32
    %dma_start3A_63 = tpu.memref_slice %arg2[%dma_start3A_61, %dma_start3A_62] : memref<10000x128xf32, #tpu.memory_space<hbm>> -> memref<10000x128xf32, #tpu.memory_space<hbm>>
    tpu.enqueue_indirect_dma source(%dma_start3A_63 : memref<10000x128xf32, #tpu.memory_space<hbm>>) target(%arg16 : memref<80x128xf32, #tpu.memory_space<vmem>>) offsets(%arg8 : memref<80xi32, #tpu.memory_space<vmem>>) semaphore(%arg19 : memref<!tpu.dma_semaphore, #tpu.memory_space<semaphore_mem>>)
    %scan3A = arith.constant 0 : i32
    %scan3A_64 = arith.constant 0 : i32
    %scan3A_65 = arith.constant 31 : i32
    %scan3A_66 = arith.addi %scan3A_64, %scan3A_65 : i32
    %scan3A_67 = arith.constant 1 : i32
    scf.for %scan3A_147 = %scan3A_64 to %scan3A_66 step %scan3A_67  : i32 {
      %mul3A_148 = arith.constant 4 : i32
      %mul3A_149 = arith.muli %mul3A_148, %scan3A_147 : i32
      %add3A_150 = arith.constant 4 : i32
      %add3A_151 = arith.addi %mul3A_149, %add3A_150 : i32
      %min3A = arith.constant 124 : i32
      %min3A_152 = arith.minsi %add3A_151, %min3A : i32
      %mul3A_153 = arith.constant 4 : i32
      %mul3A_154 = arith.muli %mul3A_153, %scan3A_147 : i32
      %add3A_155 = arith.constant 5 : i32
      %add3A_156 = arith.addi %mul3A_154, %add3A_155 : i32
      %min3A_157 = arith.constant 124 : i32
      %min3A_158 = arith.minsi %add3A_156, %min3A_157 : i32
      %mul3A_159 = arith.constant 4 : i32
      %mul3A_160 = arith.muli %mul3A_159, %scan3A_147 : i32
      %add3A_161 = arith.constant 6 : i32
      %add3A_162 = arith.addi %mul3A_160, %add3A_161 : i32
      %min3A_163 = arith.constant 124 : i32
      %min3A_164 = arith.minsi %add3A_162, %min3A_163 : i32
      %mul3A_165 = arith.constant 4 : i32
      %mul3A_166 = arith.muli %mul3A_165, %scan3A_147 : i32
      %add3A_167 = arith.constant 7 : i32
      %add3A_168 = arith.addi %mul3A_166, %add3A_167 : i32
      %min3A_169 = arith.constant 124 : i32
      %min3A_170 = arith.minsi %add3A_168, %min3A_169 : i32
      %dma_wait3A_171 = arith.constant 0 : i32
      %dma_wait3A_172 = arith.constant 0 : i32
      %dma_wait3A_173 = tpu.memref_slice %arg2[%dma_wait3A_171, %dma_wait3A_172] : memref<10000x128xf32, #tpu.memory_space<hbm>> -> memref<10000x128xf32, #tpu.memory_space<hbm>>
      tpu.wait_indirect_dma semaphore(%arg18 : memref<!tpu.dma_semaphore, #tpu.memory_space<semaphore_mem>>) src(%dma_wait3A_173 : memref<10000x128xf32, #tpu.memory_space<hbm>>) dst(%arg15 : memref<80x128xf32, #tpu.memory_space<vmem>>)
      "tpu.region"() ({
        %run_scoped3A = tpu.sem_alloc : memref<!tpu.dma_semaphore, #tpu.memory_space<semaphore_mem>>
        %dma_start3A_251 = arith.constant 0 : i32
        %dma_start3A_252 = arith.constant 0 : i32
        %dma_start3A_253 = tpu.memref_slice %arg17[%dma_start3A_251, %dma_start3A_252] : memref<10240x128xf32, #tpu.memory_space<vmem_shared>> -> memref<10240x128xf32, #tpu.memory_space<vmem_shared>>
        tpu.enqueue_indirect_dma source(%arg15 : memref<80x128xf32, #tpu.memory_space<vmem>>) target(%dma_start3A_253 : memref<10240x128xf32, #tpu.memory_space<vmem_shared>>) offsets(%arg11 : memref<80xi32, #tpu.memory_space<vmem>>) semaphore(%run_scoped3A : memref<!tpu.dma_semaphore, #tpu.memory_space<semaphore_mem>>) {add = true}
        %dma_wait3A_254 = arith.constant 0 : i32
        %dma_wait3A_255 = arith.constant 0 : i32
        %dma_wait3A_256 = tpu.memref_slice %arg17[%dma_wait3A_254, %dma_wait3A_255] : memref<10240x128xf32, #tpu.memory_space<vmem_shared>> -> memref<10240x128xf32, #tpu.memory_space<vmem_shared>>
        tpu.wait_indirect_dma semaphore(%run_scoped3A : memref<!tpu.dma_semaphore, #tpu.memory_space<semaphore_mem>>) src(%arg15 : memref<80x128xf32, #tpu.memory_space<vmem>>) dst(%dma_wait3A_256 : memref<10240x128xf32, #tpu.memory_space<vmem_shared>>)
        tpu.yield
      }) : () -> ()
      %mul3A_174 = arith.constant 80 : i32
      %mul3A_175 = arith.muli %min3A_152, %mul3A_174 : i32
      %add3A_176 = arith.addi %mul3A_2, %mul3A_175 : i32
      %dma_start3A_177 = tpu.memref_slice %arg3[%add3A_176] : memref<320000xi32, #tpu.memory_space<hbm>> -> memref<80xi32, #tpu.memory_space<hbm>>
      %dma_start3A_178 = tpu.memref_slice %arg3[%add3A_176] : memref<320000xi32, #tpu.memory_space<hbm>> -> memref<80xi32, #tpu.memory_space<hbm>>
      tpu.enqueue_dma source(%dma_start3A_178 : memref<80xi32, #tpu.memory_space<hbm>>) target(%arg7 : memref<80xi32, #tpu.memory_space<vmem>>) target_semaphore(%arg20 : memref<!tpu.dma_semaphore, #tpu.memory_space<semaphore_mem>>)
      %mul3A_179 = arith.constant 80 : i32
      %mul3A_180 = arith.muli %min3A_152, %mul3A_179 : i32
      %add3A_181 = arith.addi %mul3A_2, %mul3A_180 : i32
      %dma_start3A_182 = tpu.memref_slice %arg4[%add3A_181] : memref<320000xi32, #tpu.memory_space<hbm>> -> memref<80xi32, #tpu.memory_space<hbm>>
      %dma_start3A_183 = tpu.memref_slice %arg4[%add3A_181] : memref<320000xi32, #tpu.memory_space<hbm>> -> memref<80xi32, #tpu.memory_space<hbm>>
      tpu.enqueue_dma source(%dma_start3A_183 : memref<80xi32, #tpu.memory_space<hbm>>) target(%arg11 : memref<80xi32, #tpu.memory_space<vmem>>) target_semaphore(%arg20 : memref<!tpu.dma_semaphore, #tpu.memory_space<semaphore_mem>>)
      %dma_wait3A_184 = tpu.memref_slice %arg3[%mul3A_2] : memref<320000xi32, #tpu.memory_space<hbm>> -> memref<80xi32, #tpu.memory_space<hbm>>
      %dma_wait3A_185 = tpu.memref_slice %arg3[%mul3A_2] : memref<320000xi32, #tpu.memory_space<hbm>> -> memref<80xi32, #tpu.memory_space<hbm>>
      tpu.wait_dma2 semaphore(%arg22 : memref<!tpu.dma_semaphore, #tpu.memory_space<semaphore_mem>>) src(%dma_wait3A_185 : memref<80xi32, #tpu.memory_space<hbm>>) dst(%arg9 : memref<80xi32, #tpu.memory_space<vmem>>)
      %dma_wait3A_186 = tpu.memref_slice %arg4[%mul3A_2] : memref<320000xi32, #tpu.memory_space<hbm>> -> memref<80xi32, #tpu.memory_space<hbm>>
      %dma_wait3A_187 = tpu.memref_slice %arg4[%mul3A_2] : memref<320000xi32, #tpu.memory_space<hbm>> -> memref<80xi32, #tpu.memory_space<hbm>>
      tpu.wait_dma2 semaphore(%arg22 : memref<!tpu.dma_semaphore, #tpu.memory_space<semaphore_mem>>) src(%dma_wait3A_187 : memref<80xi32, #tpu.memory_space<hbm>>) dst(%arg13 : memref<80xi32, #tpu.memory_space<vmem>>)
      %dma_start3A_188 = arith.constant 0 : i32
      %dma_start3A_189 = arith.constant 0 : i32
      %dma_start3A_190 = tpu.memref_slice %arg2[%dma_start3A_188, %dma_start3A_189] : memref<10000x128xf32, #tpu.memory_space<hbm>> -> memref<10000x128xf32, #tpu.memory_space<hbm>>
      tpu.enqueue_indirect_dma source(%dma_start3A_190 : memref<10000x128xf32, #tpu.memory_space<hbm>>) target(%arg15 : memref<80x128xf32, #tpu.memory_space<vmem>>) offsets(%arg9 : memref<80xi32, #tpu.memory_space<vmem>>) semaphore(%arg18 : memref<!tpu.dma_semaphore, #tpu.memory_space<semaphore_mem>>)
      %dma_wait3A_191 = arith.constant 0 : i32
      %dma_wait3A_192 = arith.constant 0 : i32
      %dma_wait3A_193 = tpu.memref_slice %arg2[%dma_wait3A_191, %dma_wait3A_192] : memref<10000x128xf32, #tpu.memory_space<hbm>> -> memref<10000x128xf32, #tpu.memory_space<hbm>>
      tpu.wait_indirect_dma semaphore(%arg19 : memref<!tpu.dma_semaphore, #tpu.memory_space<semaphore_mem>>) src(%dma_wait3A_193 : memref<10000x128xf32, #tpu.memory_space<hbm>>) dst(%arg16 : memref<80x128xf32, #tpu.memory_space<vmem>>)
      "tpu.region"() ({
        %run_scoped3A = tpu.sem_alloc : memref<!tpu.dma_semaphore, #tpu.memory_space<semaphore_mem>>
        %dma_start3A_251 = arith.constant 0 : i32
        %dma_start3A_252 = arith.constant 0 : i32
        %dma_start3A_253 = tpu.memref_slice %arg17[%dma_start3A_251, %dma_start3A_252] : memref<10240x128xf32, #tpu.memory_space<vmem_shared>> -> memref<10240x128xf32, #tpu.memory_space<vmem_shared>>
        tpu.enqueue_indirect_dma source(%arg16 : memref<80x128xf32, #tpu.memory_space<vmem>>) target(%dma_start3A_253 : memref<10240x128xf32, #tpu.memory_space<vmem_shared>>) offsets(%arg12 : memref<80xi32, #tpu.memory_space<vmem>>) semaphore(%run_scoped3A : memref<!tpu.dma_semaphore, #tpu.memory_space<semaphore_mem>>) {add = true}
        %dma_wait3A_254 = arith.constant 0 : i32
        %dma_wait3A_255 = arith.constant 0 : i32
        %dma_wait3A_256 = tpu.memref_slice %arg17[%dma_wait3A_254, %dma_wait3A_255] : memref<10240x128xf32, #tpu.memory_space<vmem_shared>> -> memref<10240x128xf32, #tpu.memory_space<vmem_shared>>
        tpu.wait_indirect_dma semaphore(%run_scoped3A : memref<!tpu.dma_semaphore, #tpu.memory_space<semaphore_mem>>) src(%arg16 : memref<80x128xf32, #tpu.memory_space<vmem>>) dst(%dma_wait3A_256 : memref<10240x128xf32, #tpu.memory_space<vmem_shared>>)
        tpu.yield
      }) : () -> ()
      %mul3A_194 = arith.constant 80 : i32
      %mul3A_195 = arith.muli %min3A_158, %mul3A_194 : i32
      %add3A_196 = arith.addi %mul3A_2, %mul3A_195 : i32
      %dma_start3A_197 = tpu.memref_slice %arg3[%add3A_196] : memref<320000xi32, #tpu.memory_space<hbm>> -> memref<80xi32, #tpu.memory_space<hbm>>
      %dma_start3A_198 = tpu.memref_slice %arg3[%add3A_196] : memref<320000xi32, #tpu.memory_space<hbm>> -> memref<80xi32, #tpu.memory_space<hbm>>
      tpu.enqueue_dma source(%dma_start3A_198 : memref<80xi32, #tpu.memory_space<hbm>>) target(%arg8 : memref<80xi32, #tpu.memory_space<vmem>>) target_semaphore(%arg21 : memref<!tpu.dma_semaphore, #tpu.memory_space<semaphore_mem>>)
      %mul3A_199 = arith.constant 80 : i32
      %mul3A_200 = arith.muli %min3A_158, %mul3A_199 : i32
      %add3A_201 = arith.addi %mul3A_2, %mul3A_200 : i32
      %dma_start3A_202 = tpu.memref_slice %arg4[%add3A_201] : memref<320000xi32, #tpu.memory_space<hbm>> -> memref<80xi32, #tpu.memory_space<hbm>>
      %dma_start3A_203 = tpu.memref_slice %arg4[%add3A_201] : memref<320000xi32, #tpu.memory_space<hbm>> -> memref<80xi32, #tpu.memory_space<hbm>>
      tpu.enqueue_dma source(%dma_start3A_203 : memref<80xi32, #tpu.memory_space<hbm>>) target(%arg12 : memref<80xi32, #tpu.memory_space<vmem>>) target_semaphore(%arg21 : memref<!tpu.dma_semaphore, #tpu.memory_space<semaphore_mem>>)
      %dma_wait3A_204 = tpu.memref_slice %arg3[%mul3A_2] : memref<320000xi32, #tpu.memory_space<hbm>> -> memref<80xi32, #tpu.memory_space<hbm>>
      %dma_wait3A_205 = tpu.memref_slice %arg3[%mul3A_2] : memref<320000xi32, #tpu.memory_space<hbm>> -> memref<80xi32, #tpu.memory_space<hbm>>
      tpu.wait_dma2 semaphore(%arg23 : memref<!tpu.dma_semaphore, #tpu.memory_space<semaphore_mem>>) src(%dma_wait3A_205 : memref<80xi32, #tpu.memory_space<hbm>>) dst(%arg10 : memref<80xi32, #tpu.memory_space<vmem>>)
      %dma_wait3A_206 = tpu.memref_slice %arg4[%mul3A_2] : memref<320000xi32, #tpu.memory_space<hbm>> -> memref<80xi32, #tpu.memory_space<hbm>>
      %dma_wait3A_207 = tpu.memref_slice %arg4[%mul3A_2] : memref<320000xi32, #tpu.memory_space<hbm>> -> memref<80xi32, #tpu.memory_space<hbm>>
      tpu.wait_dma2 semaphore(%arg23 : memref<!tpu.dma_semaphore, #tpu.memory_space<semaphore_mem>>) src(%dma_wait3A_207 : memref<80xi32, #tpu.memory_space<hbm>>) dst(%arg14 : memref<80xi32, #tpu.memory_space<vmem>>)
      %dma_start3A_208 = arith.constant 0 : i32
      %dma_start3A_209 = arith.constant 0 : i32
      %dma_start3A_210 = tpu.memref_slice %arg2[%dma_start3A_208, %dma_start3A_209] : memref<10000x128xf32, #tpu.memory_space<hbm>> -> memref<10000x128xf32, #tpu.memory_space<hbm>>
      tpu.enqueue_indirect_dma source(%dma_start3A_210 : memref<10000x128xf32, #tpu.memory_space<hbm>>) target(%arg16 : memref<80x128xf32, #tpu.memory_space<vmem>>) offsets(%arg10 : memref<80xi32, #tpu.memory_space<vmem>>) semaphore(%arg19 : memref<!tpu.dma_semaphore, #tpu.memory_space<semaphore_mem>>)
      %dma_wait3A_211 = arith.constant 0 : i32
      %dma_wait3A_212 = arith.constant 0 : i32
      %dma_wait3A_213 = tpu.memref_slice %arg2[%dma_wait3A_211, %dma_wait3A_212] : memref<10000x128xf32, #tpu.memory_space<hbm>> -> memref<10000x128xf32, #tpu.memory_space<hbm>>
      tpu.wait_indirect_dma semaphore(%arg18 : memref<!tpu.dma_semaphore, #tpu.memory_space<semaphore_mem>>) src(%dma_wait3A_213 : memref<10000x128xf32, #tpu.memory_space<hbm>>) dst(%arg15 : memref<80x128xf32, #tpu.memory_space<vmem>>)
      "tpu.region"() ({
        %run_scoped3A = tpu.sem_alloc : memref<!tpu.dma_semaphore, #tpu.memory_space<semaphore_mem>>
        %dma_start3A_251 = arith.constant 0 : i32
        %dma_start3A_252 = arith.constant 0 : i32
        %dma_start3A_253 = tpu.memref_slice %arg17[%dma_start3A_251, %dma_start3A_252] : memref<10240x128xf32, #tpu.memory_space<vmem_shared>> -> memref<10240x128xf32, #tpu.memory_space<vmem_shared>>
        tpu.enqueue_indirect_dma source(%arg15 : memref<80x128xf32, #tpu.memory_space<vmem>>) target(%dma_start3A_253 : memref<10240x128xf32, #tpu.memory_space<vmem_shared>>) offsets(%arg13 : memref<80xi32, #tpu.memory_space<vmem>>) semaphore(%run_scoped3A : memref<!tpu.dma_semaphore, #tpu.memory_space<semaphore_mem>>) {add = true}
        %dma_wait3A_254 = arith.constant 0 : i32
        %dma_wait3A_255 = arith.constant 0 : i32
        %dma_wait3A_256 = tpu.memref_slice %arg17[%dma_wait3A_254, %dma_wait3A_255] : memref<10240x128xf32, #tpu.memory_space<vmem_shared>> -> memref<10240x128xf32, #tpu.memory_space<vmem_shared>>
        tpu.wait_indirect_dma semaphore(%run_scoped3A : memref<!tpu.dma_semaphore, #tpu.memory_space<semaphore_mem>>) src(%arg15 : memref<80x128xf32, #tpu.memory_space<vmem>>) dst(%dma_wait3A_256 : memref<10240x128xf32, #tpu.memory_space<vmem_shared>>)
        tpu.yield
      }) : () -> ()
      %mul3A_214 = arith.constant 80 : i32
      %mul3A_215 = arith.muli %min3A_164, %mul3A_214 : i32
      %add3A_216 = arith.addi %mul3A_2, %mul3A_215 : i32
      %dma_start3A_217 = tpu.memref_slice %arg3[%add3A_216] : memref<320000xi32, #tpu.memory_space<hbm>> -> memref<80xi32, #tpu.memory_space<hbm>>
      %dma_start3A_218 = tpu.memref_slice %arg3[%add3A_216] : memref<320000xi32, #tpu.memory_space<hbm>> -> memref<80xi32, #tpu.memory_space<hbm>>
      tpu.enqueue_dma source(%dma_start3A_218 : memref<80xi32, #tpu.memory_space<hbm>>) target(%arg9 : memref<80xi32, #tpu.memory_space<vmem>>) target_semaphore(%arg22 : memref<!tpu.dma_semaphore, #tpu.memory_space<semaphore_mem>>)
      %mul3A_219 = arith.constant 80 : i32
      %mul3A_220 = arith.muli %min3A_164, %mul3A_219 : i32
      %add3A_221 = arith.addi %mul3A_2, %mul3A_220 : i32
      %dma_start3A_222 = tpu.memref_slice %arg4[%add3A_221] : memref<320000xi32, #tpu.memory_space<hbm>> -> memref<80xi32, #tpu.memory_space<hbm>>
      %dma_start3A_223 = tpu.memref_slice %arg4[%add3A_221] : memref<320000xi32, #tpu.memory_space<hbm>> -> memref<80xi32, #tpu.memory_space<hbm>>
      tpu.enqueue_dma source(%dma_start3A_223 : memref<80xi32, #tpu.memory_space<hbm>>) target(%arg13 : memref<80xi32, #tpu.memory_space<vmem>>) target_semaphore(%arg22 : memref<!tpu.dma_semaphore, #tpu.memory_space<semaphore_mem>>)
      %dma_wait3A_224 = tpu.memref_slice %arg3[%mul3A_2] : memref<320000xi32, #tpu.memory_space<hbm>> -> memref<80xi32, #tpu.memory_space<hbm>>
      %dma_wait3A_225 = tpu.memref_slice %arg3[%mul3A_2] : memref<320000xi32, #tpu.memory_space<hbm>> -> memref<80xi32, #tpu.memory_space<hbm>>
      tpu.wait_dma2 semaphore(%arg20 : memref<!tpu.dma_semaphore, #tpu.memory_space<semaphore_mem>>) src(%dma_wait3A_225 : memref<80xi32, #tpu.memory_space<hbm>>) dst(%arg7 : memref<80xi32, #tpu.memory_space<vmem>>)
      %dma_wait3A_226 = tpu.memref_slice %arg4[%mul3A_2] : memref<320000xi32, #tpu.memory_space<hbm>> -> memref<80xi32, #tpu.memory_space<hbm>>
      %dma_wait3A_227 = tpu.memref_slice %arg4[%mul3A_2] : memref<320000xi32, #tpu.memory_space<hbm>> -> memref<80xi32, #tpu.memory_space<hbm>>
      tpu.wait_dma2 semaphore(%arg20 : memref<!tpu.dma_semaphore, #tpu.memory_space<semaphore_mem>>) src(%dma_wait3A_227 : memref<80xi32, #tpu.memory_space<hbm>>) dst(%arg11 : memref<80xi32, #tpu.memory_space<vmem>>)
      %dma_start3A_228 = arith.constant 0 : i32
      %dma_start3A_229 = arith.constant 0 : i32
      %dma_start3A_230 = tpu.memref_slice %arg2[%dma_start3A_228, %dma_start3A_229] : memref<10000x128xf32, #tpu.memory_space<hbm>> -> memref<10000x128xf32, #tpu.memory_space<hbm>>
      tpu.enqueue_indirect_dma source(%dma_start3A_230 : memref<10000x128xf32, #tpu.memory_space<hbm>>) target(%arg15 : memref<80x128xf32, #tpu.memory_space<vmem>>) offsets(%arg7 : memref<80xi32, #tpu.memory_space<vmem>>) semaphore(%arg18 : memref<!tpu.dma_semaphore, #tpu.memory_space<semaphore_mem>>)
      %dma_wait3A_231 = arith.constant 0 : i32
      %dma_wait3A_232 = arith.constant 0 : i32
      %dma_wait3A_233 = tpu.memref_slice %arg2[%dma_wait3A_231, %dma_wait3A_232] : memref<10000x128xf32, #tpu.memory_space<hbm>> -> memref<10000x128xf32, #tpu.memory_space<hbm>>
      tpu.wait_indirect_dma semaphore(%arg19 : memref<!tpu.dma_semaphore, #tpu.memory_space<semaphore_mem>>) src(%dma_wait3A_233 : memref<10000x128xf32, #tpu.memory_space<hbm>>) dst(%arg16 : memref<80x128xf32, #tpu.memory_space<vmem>>)
      "tpu.region"() ({
        %run_scoped3A = tpu.sem_alloc : memref<!tpu.dma_semaphore, #tpu.memory_space<semaphore_mem>>
        %dma_start3A_251 = arith.constant 0 : i32
        %dma_start3A_252 = arith.constant 0 : i32
        %dma_start3A_253 = tpu.memref_slice %arg17[%dma_start3A_251, %dma_start3A_252] : memref<10240x128xf32, #tpu.memory_space<vmem_shared>> -> memref<10240x128xf32, #tpu.memory_space<vmem_shared>>
        tpu.enqueue_indirect_dma source(%arg16 : memref<80x128xf32, #tpu.memory_space<vmem>>) target(%dma_start3A_253 : memref<10240x128xf32, #tpu.memory_space<vmem_shared>>) offsets(%arg14 : memref<80xi32, #tpu.memory_space<vmem>>) semaphore(%run_scoped3A : memref<!tpu.dma_semaphore, #tpu.memory_space<semaphore_mem>>) {add = true}
        %dma_wait3A_254 = arith.constant 0 : i32
        %dma_wait3A_255 = arith.constant 0 : i32
        %dma_wait3A_256 = tpu.memref_slice %arg17[%dma_wait3A_254, %dma_wait3A_255] : memref<10240x128xf32, #tpu.memory_space<vmem_shared>> -> memref<10240x128xf32, #tpu.memory_space<vmem_shared>>
        tpu.wait_indirect_dma semaphore(%run_scoped3A : memref<!tpu.dma_semaphore, #tpu.memory_space<semaphore_mem>>) src(%arg16 : memref<80x128xf32, #tpu.memory_space<vmem>>) dst(%dma_wait3A_256 : memref<10240x128xf32, #tpu.memory_space<vmem_shared>>)
        tpu.yield
      }) : () -> ()
      %mul3A_234 = arith.constant 80 : i32
      %mul3A_235 = arith.muli %min3A_170, %mul3A_234 : i32
      %add3A_236 = arith.addi %mul3A_2, %mul3A_235 : i32
      %dma_start3A_237 = tpu.memref_slice %arg3[%add3A_236] : memref<320000xi32, #tpu.memory_space<hbm>> -> memref<80xi32, #tpu.memory_space<hbm>>
      %dma_start3A_238 = tpu.memref_slice %arg3[%add3A_236] : memref<320000xi32, #tpu.memory_space<hbm>> -> memref<80xi32, #tpu.memory_space<hbm>>
      tpu.enqueue_dma source(%dma_start3A_238 : memref<80xi32, #tpu.memory_space<hbm>>) target(%arg10 : memref<80xi32, #tpu.memory_space<vmem>>) target_semaphore(%arg23 : memref<!tpu.dma_semaphore, #tpu.memory_space<semaphore_mem>>)
      %mul3A_239 = arith.constant 80 : i32
      %mul3A_240 = arith.muli %min3A_170, %mul3A_239 : i32
      %add3A_241 = arith.addi %mul3A_2, %mul3A_240 : i32
      %dma_start3A_242 = tpu.memref_slice %arg4[%add3A_241] : memref<320000xi32, #tpu.memory_space<hbm>> -> memref<80xi32, #tpu.memory_space<hbm>>
      %dma_start3A_243 = tpu.memref_slice %arg4[%add3A_241] : memref<320000xi32, #tpu.memory_space<hbm>> -> memref<80xi32, #tpu.memory_space<hbm>>
      tpu.enqueue_dma source(%dma_start3A_243 : memref<80xi32, #tpu.memory_space<hbm>>) target(%arg14 : memref<80xi32, #tpu.memory_space<vmem>>) target_semaphore(%arg23 : memref<!tpu.dma_semaphore, #tpu.memory_space<semaphore_mem>>)
      %dma_wait3A_244 = tpu.memref_slice %arg3[%mul3A_2] : memref<320000xi32, #tpu.memory_space<hbm>> -> memref<80xi32, #tpu.memory_space<hbm>>
      %dma_wait3A_245 = tpu.memref_slice %arg3[%mul3A_2] : memref<320000xi32, #tpu.memory_space<hbm>> -> memref<80xi32, #tpu.memory_space<hbm>>
      tpu.wait_dma2 semaphore(%arg21 : memref<!tpu.dma_semaphore, #tpu.memory_space<semaphore_mem>>) src(%dma_wait3A_245 : memref<80xi32, #tpu.memory_space<hbm>>) dst(%arg8 : memref<80xi32, #tpu.memory_space<vmem>>)
      %dma_wait3A_246 = tpu.memref_slice %arg4[%mul3A_2] : memref<320000xi32, #tpu.memory_space<hbm>> -> memref<80xi32, #tpu.memory_space<hbm>>
      %dma_wait3A_247 = tpu.memref_slice %arg4[%mul3A_2] : memref<320000xi32, #tpu.memory_space<hbm>> -> memref<80xi32, #tpu.memory_space<hbm>>
      tpu.wait_dma2 semaphore(%arg21 : memref<!tpu.dma_semaphore, #tpu.memory_space<semaphore_mem>>) src(%dma_wait3A_247 : memref<80xi32, #tpu.memory_space<hbm>>) dst(%arg12 : memref<80xi32, #tpu.memory_space<vmem>>)
      %dma_start3A_248 = arith.constant 0 : i32
      %dma_start3A_249 = arith.constant 0 : i32
      %dma_start3A_250 = tpu.memref_slice %arg2[%dma_start3A_248, %dma_start3A_249] : memref<10000x128xf32, #tpu.memory_space<hbm>> -> memref<10000x128xf32, #tpu.memory_space<hbm>>
      tpu.enqueue_indirect_dma source(%dma_start3A_250 : memref<10000x128xf32, #tpu.memory_space<hbm>>) target(%arg16 : memref<80x128xf32, #tpu.memory_space<vmem>>) offsets(%arg8 : memref<80xi32, #tpu.memory_space<vmem>>) semaphore(%arg19 : memref<!tpu.dma_semaphore, #tpu.memory_space<semaphore_mem>>)
    }
    %scan3A_68 = arith.constant 31 : i32
    %dma_wait3A = arith.constant 0 : i32
    %dma_wait3A_69 = arith.constant 0 : i32
    %dma_wait3A_70 = tpu.memref_slice %arg2[%dma_wait3A, %dma_wait3A_69] : memref<10000x128xf32, #tpu.memory_space<hbm>> -> memref<10000x128xf32, #tpu.memory_space<hbm>>
    tpu.wait_indirect_dma semaphore(%arg18 : memref<!tpu.dma_semaphore, #tpu.memory_space<semaphore_mem>>) src(%dma_wait3A_70 : memref<10000x128xf32, #tpu.memory_space<hbm>>) dst(%arg15 : memref<80x128xf32, #tpu.memory_space<vmem>>)
    "tpu.region"() ({
      %run_scoped3A = tpu.sem_alloc : memref<!tpu.dma_semaphore, #tpu.memory_space<semaphore_mem>>
      %dma_start3A_147 = arith.constant 0 : i32
      %dma_start3A_148 = arith.constant 0 : i32
      %dma_start3A_149 = tpu.memref_slice %arg17[%dma_start3A_147, %dma_start3A_148] : memref<10240x128xf32, #tpu.memory_space<vmem_shared>> -> memref<10240x128xf32, #tpu.memory_space<vmem_shared>>
      tpu.enqueue_indirect_dma source(%arg15 : memref<80x128xf32, #tpu.memory_space<vmem>>) target(%dma_start3A_149 : memref<10240x128xf32, #tpu.memory_space<vmem_shared>>) offsets(%arg11 : memref<80xi32, #tpu.memory_space<vmem>>) semaphore(%run_scoped3A : memref<!tpu.dma_semaphore, #tpu.memory_space<semaphore_mem>>) {add = true}
      %dma_wait3A_150 = arith.constant 0 : i32
      %dma_wait3A_151 = arith.constant 0 : i32
      %dma_wait3A_152 = tpu.memref_slice %arg17[%dma_wait3A_150, %dma_wait3A_151] : memref<10240x128xf32, #tpu.memory_space<vmem_shared>> -> memref<10240x128xf32, #tpu.memory_space<vmem_shared>>
      tpu.wait_indirect_dma semaphore(%run_scoped3A : memref<!tpu.dma_semaphore, #tpu.memory_space<semaphore_mem>>) src(%arg15 : memref<80x128xf32, #tpu.memory_space<vmem>>) dst(%dma_wait3A_152 : memref<10240x128xf32, #tpu.memory_space<vmem_shared>>)
      tpu.yield
    }) : () -> ()
    %dma_wait3A_71 = arith.constant 0 : i32
    %dma_wait3A_72 = arith.constant 0 : i32
    %dma_wait3A_73 = tpu.memref_slice %arg2[%dma_wait3A_71, %dma_wait3A_72] : memref<10000x128xf32, #tpu.memory_space<hbm>> -> memref<10000x128xf32, #tpu.memory_space<hbm>>
    tpu.wait_indirect_dma semaphore(%arg19 : memref<!tpu.dma_semaphore, #tpu.memory_space<semaphore_mem>>) src(%dma_wait3A_73 : memref<10000x128xf32, #tpu.memory_space<hbm>>) dst(%arg16 : memref<80x128xf32, #tpu.memory_space<vmem>>)
    %dma_wait3A_74 = tpu.memref_slice %arg3[%mul3A_2] : memref<320000xi32, #tpu.memory_space<hbm>> -> memref<80xi32, #tpu.memory_space<hbm>>
    %dma_wait3A_75 = tpu.memref_slice %arg3[%mul3A_2] : memref<320000xi32, #tpu.memory_space<hbm>> -> memref<80xi32, #tpu.memory_space<hbm>>
    tpu.wait_dma2 semaphore(%arg22 : memref<!tpu.dma_semaphore, #tpu.memory_space<semaphore_mem>>) src(%dma_wait3A_75 : memref<80xi32, #tpu.memory_space<hbm>>) dst(%arg9 : memref<80xi32, #tpu.memory_space<vmem>>)
    %dma_wait3A_76 = tpu.memref_slice %arg4[%mul3A_2] : memref<320000xi32, #tpu.memory_space<hbm>> -> memref<80xi32, #tpu.memory_space<hbm>>
    %dma_wait3A_77 = tpu.memref_slice %arg4[%mul3A_2] : memref<320000xi32, #tpu.memory_space<hbm>> -> memref<80xi32, #tpu.memory_space<hbm>>
    tpu.wait_dma2 semaphore(%arg22 : memref<!tpu.dma_semaphore, #tpu.memory_space<semaphore_mem>>) src(%dma_wait3A_77 : memref<80xi32, #tpu.memory_space<hbm>>) dst(%arg13 : memref<80xi32, #tpu.memory_space<vmem>>)
    %dma_wait3A_78 = tpu.memref_slice %arg3[%mul3A_2] : memref<320000xi32, #tpu.memory_space<hbm>> -> memref<80xi32, #tpu.memory_space<hbm>>
    %dma_wait3A_79 = tpu.memref_slice %arg3[%mul3A_2] : memref<320000xi32, #tpu.memory_space<hbm>> -> memref<80xi32, #tpu.memory_space<hbm>>
    tpu.wait_dma2 semaphore(%arg23 : memref<!tpu.dma_semaphore, #tpu.memory_space<semaphore_mem>>) src(%dma_wait3A_79 : memref<80xi32, #tpu.memory_space<hbm>>) dst(%arg10 : memref<80xi32, #tpu.memory_space<vmem>>)
    %dma_wait3A_80 = tpu.memref_slice %arg4[%mul3A_2] : memref<320000xi32, #tpu.memory_space<hbm>> -> memref<80xi32, #tpu.memory_space<hbm>>
    %dma_wait3A_81 = tpu.memref_slice %arg4[%mul3A_2] : memref<320000xi32, #tpu.memory_space<hbm>> -> memref<80xi32, #tpu.memory_space<hbm>>
    tpu.wait_dma2 semaphore(%arg23 : memref<!tpu.dma_semaphore, #tpu.memory_space<semaphore_mem>>) src(%dma_wait3A_81 : memref<80xi32, #tpu.memory_space<hbm>>) dst(%arg14 : memref<80xi32, #tpu.memory_space<vmem>>)
    %barrier3A_82 = arith.constant 0 : index
    tpu.barrier barrier_id(%barrier3A_82)
    %mul3A_83 = arith.constant 640 : i32
    %mul3A_84 = arith.muli %arg1, %mul3A_83 : i32
    %add3A_85 = arith.constant 0 : i32
    %add3A_86 = arith.addi %mul3A_84, %add3A_85 : i32
    "tpu.region"() ({
      %run_scoped3A = tpu.sem_alloc : memref<!tpu.dma_semaphore, #tpu.memory_space<semaphore_mem>>
      %dma_start3A_147 = arith.constant 0 : i32
      %dma_start3A_148 = tpu.memref_slice %arg17[%add3A_86, %dma_start3A_147] : memref<10240x128xf32, #tpu.memory_space<vmem_shared>> -> memref<80x128xf32, #tpu.memory_space<vmem_shared>>
      %dma_start3A_149 = arith.constant 0 : i32
      %dma_start3A_150 = tpu.memref_slice %arg17[%add3A_86, %dma_start3A_149] : memref<10240x128xf32, #tpu.memory_space<vmem_shared>> -> memref<80x128xf32, #tpu.memory_space<vmem_shared>>
      tpu.enqueue_dma source(%dma_start3A_150 : memref<80x128xf32, #tpu.memory_space<vmem_shared>>) target(%arg15 : memref<80x128xf32, #tpu.memory_space<vmem>>) target_semaphore(%run_scoped3A : memref<!tpu.dma_semaphore, #tpu.memory_space<semaphore_mem>>)
      %dma_wait3A_151 = arith.constant 0 : i32
      %dma_wait3A_152 = tpu.memref_slice %arg17[%add3A_86, %dma_wait3A_151] : memref<10240x128xf32, #tpu.memory_space<vmem_shared>> -> memref<80x128xf32, #tpu.memory_space<vmem_shared>>
      %dma_wait3A_153 = arith.constant 0 : i32
      %dma_wait3A_154 = tpu.memref_slice %arg17[%add3A_86, %dma_wait3A_153] : memref<10240x128xf32, #tpu.memory_space<vmem_shared>> -> memref<80x128xf32, #tpu.memory_space<vmem_shared>>
      tpu.wait_dma2 semaphore(%run_scoped3A : memref<!tpu.dma_semaphore, #tpu.memory_space<semaphore_mem>>) src(%dma_wait3A_154 : memref<80x128xf32, #tpu.memory_space<vmem_shared>>) dst(%arg15 : memref<80x128xf32, #tpu.memory_space<vmem>>)
      tpu.yield
    }) : () -> ()
    %mul3A_87 = arith.constant 640 : i32
    %mul3A_88 = arith.muli %arg1, %mul3A_87 : i32
    %add3A_89 = arith.constant 0 : i32
    %add3A_90 = arith.addi %mul3A_88, %add3A_89 : i32
    "tpu.region"() ({
      %run_scoped3A = tpu.sem_alloc : memref<!tpu.dma_semaphore, #tpu.memory_space<semaphore_mem>>
      %dma_start3A_147 = arith.constant 0 : i32
      %dma_start3A_148 = tpu.memref_slice %arg6[%arg0, %add3A_90, %dma_start3A_147] : memref<2x10240x128xf32, #tpu.memory_space<hbm>> -> memref<1x80x128xf32, #tpu.memory_space<hbm>>
      %dma_start3A_149 = tpu.memref_squeeze %dma_start3A_148 : memref<1x80x128xf32, #tpu.memory_space<hbm>> -> memref<80x128xf32, #tpu.memory_space<hbm>>
      %dma_start3A_150 = arith.constant 0 : i32
      %dma_start3A_151 = tpu.memref_slice %arg6[%arg0, %add3A_90, %dma_start3A_150] : memref<2x10240x128xf32, #tpu.memory_space<hbm>> -> memref<1x80x128xf32, #tpu.memory_space<hbm>>
      %dma_start3A_152 = tpu.memref_squeeze %dma_start3A_151 : memref<1x80x128xf32, #tpu.memory_space<hbm>> -> memref<80x128xf32, #tpu.memory_space<hbm>>
      tpu.enqueue_dma source(%arg15 : memref<80x128xf32, #tpu.memory_space<vmem>>) target(%dma_start3A_152 : memref<80x128xf32, #tpu.memory_space<hbm>>) target_semaphore(%run_scoped3A : memref<!tpu.dma_semaphore, #tpu.memory_space<semaphore_mem>>)
      %dma_wait3A_153 = arith.constant 0 : i32
      %dma_wait3A_154 = tpu.memref_slice %arg6[%arg0, %add3A_90, %dma_wait3A_153] : memref<2x10240x128xf32, #tpu.memory_space<hbm>> -> memref<1x80x128xf32, #tpu.memory_space<hbm>>
      %dma_wait3A_155 = tpu.memref_squeeze %dma_wait3A_154 : memref<1x80x128xf32, #tpu.memory_space<hbm>> -> memref<80x128xf32, #tpu.memory_space<hbm>>
      %dma_wait3A_156 = arith.constant 0 : i32
      %dma_wait3A_157 = tpu.memref_slice %arg6[%arg0, %add3A_90, %dma_wait3A_156] : memref<2x10240x128xf32, #tpu.memory_space<hbm>> -> memref<1x80x128xf32, #tpu.memory_space<hbm>>
      %dma_wait3A_158 = tpu.memref_squeeze %dma_wait3A_157 : memref<1x80x128xf32, #tpu.memory_space<hbm>> -> memref<80x128xf32, #tpu.memory_space<hbm>>
      tpu.wait_dma2 semaphore(%run_scoped3A : memref<!tpu.dma_semaphore, #tpu.memory_space<semaphore_mem>>) src(%arg15 : memref<80x128xf32, #tpu.memory_space<vmem>>) dst(%dma_wait3A_158 : memref<80x128xf32, #tpu.memory_space<hbm>>)
      tpu.yield
    }) : () -> ()
    %mul3A_91 = arith.constant 640 : i32
    %mul3A_92 = arith.muli %arg1, %mul3A_91 : i32
    %add3A_93 = arith.constant 80 : i32
    %add3A_94 = arith.addi %mul3A_92, %add3A_93 : i32
    "tpu.region"() ({
      %run_scoped3A = tpu.sem_alloc : memref<!tpu.dma_semaphore, #tpu.memory_space<semaphore_mem>>
      %dma_start3A_147 = arith.constant 0 : i32
      %dma_start3A_148 = tpu.memref_slice %arg17[%add3A_94, %dma_start3A_147] : memref<10240x128xf32, #tpu.memory_space<vmem_shared>> -> memref<80x128xf32, #tpu.memory_space<vmem_shared>>
      %dma_start3A_149 = arith.constant 0 : i32
      %dma_start3A_150 = tpu.memref_slice %arg17[%add3A_94, %dma_start3A_149] : memref<10240x128xf32, #tpu.memory_space<vmem_shared>> -> memref<80x128xf32, #tpu.memory_space<vmem_shared>>
      tpu.enqueue_dma source(%dma_start3A_150 : memref<80x128xf32, #tpu.memory_space<vmem_shared>>) target(%arg15 : memref<80x128xf32, #tpu.memory_space<vmem>>) target_semaphore(%run_scoped3A : memref<!tpu.dma_semaphore, #tpu.memory_space<semaphore_mem>>)
      %dma_wait3A_151 = arith.constant 0 : i32
      %dma_wait3A_152 = tpu.memref_slice %arg17[%add3A_94, %dma_wait3A_151] : memref<10240x128xf32, #tpu.memory_space<vmem_shared>> -> memref<80x128xf32, #tpu.memory_space<vmem_shared>>
      %dma_wait3A_153 = arith.constant 0 : i32
      %dma_wait3A_154 = tpu.memref_slice %arg17[%add3A_94, %dma_wait3A_153] : memref<10240x128xf32, #tpu.memory_space<vmem_shared>> -> memref<80x128xf32, #tpu.memory_space<vmem_shared>>
      tpu.wait_dma2 semaphore(%run_scoped3A : memref<!tpu.dma_semaphore, #tpu.memory_space<semaphore_mem>>) src(%dma_wait3A_154 : memref<80x128xf32, #tpu.memory_space<vmem_shared>>) dst(%arg15 : memref<80x128xf32, #tpu.memory_space<vmem>>)
      tpu.yield
    }) : () -> ()
    %mul3A_95 = arith.constant 640 : i32
    %mul3A_96 = arith.muli %arg1, %mul3A_95 : i32
    %add3A_97 = arith.constant 80 : i32
    %add3A_98 = arith.addi %mul3A_96, %add3A_97 : i32
    "tpu.region"() ({
      %run_scoped3A = tpu.sem_alloc : memref<!tpu.dma_semaphore, #tpu.memory_space<semaphore_mem>>
      %dma_start3A_147 = arith.constant 0 : i32
      %dma_start3A_148 = tpu.memref_slice %arg6[%arg0, %add3A_98, %dma_start3A_147] : memref<2x10240x128xf32, #tpu.memory_space<hbm>> -> memref<1x80x128xf32, #tpu.memory_space<hbm>>
      %dma_start3A_149 = tpu.memref_squeeze %dma_start3A_148 : memref<1x80x128xf32, #tpu.memory_space<hbm>> -> memref<80x128xf32, #tpu.memory_space<hbm>>
      %dma_start3A_150 = arith.constant 0 : i32
      %dma_start3A_151 = tpu.memref_slice %arg6[%arg0, %add3A_98, %dma_start3A_150] : memref<2x10240x128xf32, #tpu.memory_space<hbm>> -> memref<1x80x128xf32, #tpu.memory_space<hbm>>
      %dma_start3A_152 = tpu.memref_squeeze %dma_start3A_151 : memref<1x80x128xf32, #tpu.memory_space<hbm>> -> memref<80x128xf32, #tpu.memory_space<hbm>>
      tpu.enqueue_dma source(%arg15 : memref<80x128xf32, #tpu.memory_space<vmem>>) target(%dma_start3A_152 : memref<80x128xf32, #tpu.memory_space<hbm>>) target_semaphore(%run_scoped3A : memref<!tpu.dma_semaphore, #tpu.memory_space<semaphore_mem>>)
      %dma_wait3A_153 = arith.constant 0 : i32
      %dma_wait3A_154 = tpu.memref_slice %arg6[%arg0, %add3A_98, %dma_wait3A_153] : memref<2x10240x128xf32, #tpu.memory_space<hbm>> -> memref<1x80x128xf32, #tpu.memory_space<hbm>>
      %dma_wait3A_155 = tpu.memref_squeeze %dma_wait3A_154 : memref<1x80x128xf32, #tpu.memory_space<hbm>> -> memref<80x128xf32, #tpu.memory_space<hbm>>
      %dma_wait3A_156 = arith.constant 0 : i32
      %dma_wait3A_157 = tpu.memref_slice %arg6[%arg0, %add3A_98, %dma_wait3A_156] : memref<2x10240x128xf32, #tpu.memory_space<hbm>> -> memref<1x80x128xf32, #tpu.memory_space<hbm>>
      %dma_wait3A_158 = tpu.memref_squeeze %dma_wait3A_157 : memref<1x80x128xf32, #tpu.memory_space<hbm>> -> memref<80x128xf32, #tpu.memory_space<hbm>>
      tpu.wait_dma2 semaphore(%run_scoped3A : memref<!tpu.dma_semaphore, #tpu.memory_space<semaphore_mem>>) src(%arg15 : memref<80x128xf32, #tpu.memory_space<vmem>>) dst(%dma_wait3A_158 : memref<80x128xf32, #tpu.memory_space<hbm>>)
      tpu.yield
    }) : () -> ()
    %mul3A_99 = arith.constant 640 : i32
    %mul3A_100 = arith.muli %arg1, %mul3A_99 : i32
    %add3A_101 = arith.constant 160 : i32
    %add3A_102 = arith.addi %mul3A_100, %add3A_101 : i32
    "tpu.region"() ({
      %run_scoped3A = tpu.sem_alloc : memref<!tpu.dma_semaphore, #tpu.memory_space<semaphore_mem>>
      %dma_start3A_147 = arith.constant 0 : i32
      %dma_start3A_148 = tpu.memref_slice %arg17[%add3A_102, %dma_start3A_147] : memref<10240x128xf32, #tpu.memory_space<vmem_shared>> -> memref<80x128xf32, #tpu.memory_space<vmem_shared>>
      %dma_start3A_149 = arith.constant 0 : i32
      %dma_start3A_150 = tpu.memref_slice %arg17[%add3A_102, %dma_start3A_149] : memref<10240x128xf32, #tpu.memory_space<vmem_shared>> -> memref<80x128xf32, #tpu.memory_space<vmem_shared>>
      tpu.enqueue_dma source(%dma_start3A_150 : memref<80x128xf32, #tpu.memory_space<vmem_shared>>) target(%arg15 : memref<80x128xf32, #tpu.memory_space<vmem>>) target_semaphore(%run_scoped3A : memref<!tpu.dma_semaphore, #tpu.memory_space<semaphore_mem>>)
      %dma_wait3A_151 = arith.constant 0 : i32
      %dma_wait3A_152 = tpu.memref_slice %arg17[%add3A_102, %dma_wait3A_151] : memref<10240x128xf32, #tpu.memory_space<vmem_shared>> -> memref<80x128xf32, #tpu.memory_space<vmem_shared>>
      %dma_wait3A_153 = arith.constant 0 : i32
      %dma_wait3A_154 = tpu.memref_slice %arg17[%add3A_102, %dma_wait3A_153] : memref<10240x128xf32, #tpu.memory_space<vmem_shared>> -> memref<80x128xf32, #tpu.memory_space<vmem_shared>>
      tpu.wait_dma2 semaphore(%run_scoped3A : memref<!tpu.dma_semaphore, #tpu.memory_space<semaphore_mem>>) src(%dma_wait3A_154 : memref<80x128xf32, #tpu.memory_space<vmem_shared>>) dst(%arg15 : memref<80x128xf32, #tpu.memory_space<vmem>>)
      tpu.yield
    }) : () -> ()
    %mul3A_103 = arith.constant 640 : i32
    %mul3A_104 = arith.muli %arg1, %mul3A_103 : i32
    %add3A_105 = arith.constant 160 : i32
    %add3A_106 = arith.addi %mul3A_104, %add3A_105 : i32
    "tpu.region"() ({
      %run_scoped3A = tpu.sem_alloc : memref<!tpu.dma_semaphore, #tpu.memory_space<semaphore_mem>>
      %dma_start3A_147 = arith.constant 0 : i32
      %dma_start3A_148 = tpu.memref_slice %arg6[%arg0, %add3A_106, %dma_start3A_147] : memref<2x10240x128xf32, #tpu.memory_space<hbm>> -> memref<1x80x128xf32, #tpu.memory_space<hbm>>
      %dma_start3A_149 = tpu.memref_squeeze %dma_start3A_148 : memref<1x80x128xf32, #tpu.memory_space<hbm>> -> memref<80x128xf32, #tpu.memory_space<hbm>>
      %dma_start3A_150 = arith.constant 0 : i32
      %dma_start3A_151 = tpu.memref_slice %arg6[%arg0, %add3A_106, %dma_start3A_150] : memref<2x10240x128xf32, #tpu.memory_space<hbm>> -> memref<1x80x128xf32, #tpu.memory_space<hbm>>
      %dma_start3A_152 = tpu.memref_squeeze %dma_start3A_151 : memref<1x80x128xf32, #tpu.memory_space<hbm>> -> memref<80x128xf32, #tpu.memory_space<hbm>>
      tpu.enqueue_dma source(%arg15 : memref<80x128xf32, #tpu.memory_space<vmem>>) target(%dma_start3A_152 : memref<80x128xf32, #tpu.memory_space<hbm>>) target_semaphore(%run_scoped3A : memref<!tpu.dma_semaphore, #tpu.memory_space<semaphore_mem>>)
      %dma_wait3A_153 = arith.constant 0 : i32
      %dma_wait3A_154 = tpu.memref_slice %arg6[%arg0, %add3A_106, %dma_wait3A_153] : memref<2x10240x128xf32, #tpu.memory_space<hbm>> -> memref<1x80x128xf32, #tpu.memory_space<hbm>>
      %dma_wait3A_155 = tpu.memref_squeeze %dma_wait3A_154 : memref<1x80x128xf32, #tpu.memory_space<hbm>> -> memref<80x128xf32, #tpu.memory_space<hbm>>
      %dma_wait3A_156 = arith.constant 0 : i32
      %dma_wait3A_157 = tpu.memref_slice %arg6[%arg0, %add3A_106, %dma_wait3A_156] : memref<2x10240x128xf32, #tpu.memory_space<hbm>> -> memref<1x80x128xf32, #tpu.memory_space<hbm>>
      %dma_wait3A_158 = tpu.memref_squeeze %dma_wait3A_157 : memref<1x80x128xf32, #tpu.memory_space<hbm>> -> memref<80x128xf32, #tpu.memory_space<hbm>>
      tpu.wait_dma2 semaphore(%run_scoped3A : memref<!tpu.dma_semaphore, #tpu.memory_space<semaphore_mem>>) src(%arg15 : memref<80x128xf32, #tpu.memory_space<vmem>>) dst(%dma_wait3A_158 : memref<80x128xf32, #tpu.memory_space<hbm>>)
      tpu.yield
    }) : () -> ()
    %mul3A_107 = arith.constant 640 : i32
    %mul3A_108 = arith.muli %arg1, %mul3A_107 : i32
    %add3A_109 = arith.constant 240 : i32
    %add3A_110 = arith.addi %mul3A_108, %add3A_109 : i32
    "tpu.region"() ({
      %run_scoped3A = tpu.sem_alloc : memref<!tpu.dma_semaphore, #tpu.memory_space<semaphore_mem>>
      %dma_start3A_147 = arith.constant 0 : i32
      %dma_start3A_148 = tpu.memref_slice %arg17[%add3A_110, %dma_start3A_147] : memref<10240x128xf32, #tpu.memory_space<vmem_shared>> -> memref<80x128xf32, #tpu.memory_space<vmem_shared>>
      %dma_start3A_149 = arith.constant 0 : i32
      %dma_start3A_150 = tpu.memref_slice %arg17[%add3A_110, %dma_start3A_149] : memref<10240x128xf32, #tpu.memory_space<vmem_shared>> -> memref<80x128xf32, #tpu.memory_space<vmem_shared>>
      tpu.enqueue_dma source(%dma_start3A_150 : memref<80x128xf32, #tpu.memory_space<vmem_shared>>) target(%arg15 : memref<80x128xf32, #tpu.memory_space<vmem>>) target_semaphore(%run_scoped3A : memref<!tpu.dma_semaphore, #tpu.memory_space<semaphore_mem>>)
      %dma_wait3A_151 = arith.constant 0 : i32
      %dma_wait3A_152 = tpu.memref_slice %arg17[%add3A_110, %dma_wait3A_151] : memref<10240x128xf32, #tpu.memory_space<vmem_shared>> -> memref<80x128xf32, #tpu.memory_space<vmem_shared>>
      %dma_wait3A_153 = arith.constant 0 : i32
      %dma_wait3A_154 = tpu.memref_slice %arg17[%add3A_110, %dma_wait3A_153] : memref<10240x128xf32, #tpu.memory_space<vmem_shared>> -> memref<80x128xf32, #tpu.memory_space<vmem_shared>>
      tpu.wait_dma2 semaphore(%run_scoped3A : memref<!tpu.dma_semaphore, #tpu.memory_space<semaphore_mem>>) src(%dma_wait3A_154 : memref<80x128xf32, #tpu.memory_space<vmem_shared>>) dst(%arg15 : memref<80x128xf32, #tpu.memory_space<vmem>>)
      tpu.yield
    }) : () -> ()
    %mul3A_111 = arith.constant 640 : i32
    %mul3A_112 = arith.muli %arg1, %mul3A_111 : i32
    %add3A_113 = arith.constant 240 : i32
    %add3A_114 = arith.addi %mul3A_112, %add3A_113 : i32
    "tpu.region"() ({
      %run_scoped3A = tpu.sem_alloc : memref<!tpu.dma_semaphore, #tpu.memory_space<semaphore_mem>>
      %dma_start3A_147 = arith.constant 0 : i32
      %dma_start3A_148 = tpu.memref_slice %arg6[%arg0, %add3A_114, %dma_start3A_147] : memref<2x10240x128xf32, #tpu.memory_space<hbm>> -> memref<1x80x128xf32, #tpu.memory_space<hbm>>
      %dma_start3A_149 = tpu.memref_squeeze %dma_start3A_148 : memref<1x80x128xf32, #tpu.memory_space<hbm>> -> memref<80x128xf32, #tpu.memory_space<hbm>>
      %dma_start3A_150 = arith.constant 0 : i32
      %dma_start3A_151 = tpu.memref_slice %arg6[%arg0, %add3A_114, %dma_start3A_150] : memref<2x10240x128xf32, #tpu.memory_space<hbm>> -> memref<1x80x128xf32, #tpu.memory_space<hbm>>
      %dma_start3A_152 = tpu.memref_squeeze %dma_start3A_151 : memref<1x80x128xf32, #tpu.memory_space<hbm>> -> memref<80x128xf32, #tpu.memory_space<hbm>>
      tpu.enqueue_dma source(%arg15 : memref<80x128xf32, #tpu.memory_space<vmem>>) target(%dma_start3A_152 : memref<80x128xf32, #tpu.memory_space<hbm>>) target_semaphore(%run_scoped3A : memref<!tpu.dma_semaphore, #tpu.memory_space<semaphore_mem>>)
      %dma_wait3A_153 = arith.constant 0 : i32
      %dma_wait3A_154 = tpu.memref_slice %arg6[%arg0, %add3A_114, %dma_wait3A_153] : memref<2x10240x128xf32, #tpu.memory_space<hbm>> -> memref<1x80x128xf32, #tpu.memory_space<hbm>>
      %dma_wait3A_155 = tpu.memref_squeeze %dma_wait3A_154 : memref<1x80x128xf32, #tpu.memory_space<hbm>> -> memref<80x128xf32, #tpu.memory_space<hbm>>
      %dma_wait3A_156 = arith.constant 0 : i32
      %dma_wait3A_157 = tpu.memref_slice %arg6[%arg0, %add3A_114, %dma_wait3A_156] : memref<2x10240x128xf32, #tpu.memory_space<hbm>> -> memref<1x80x128xf32, #tpu.memory_space<hbm>>
      %dma_wait3A_158 = tpu.memref_squeeze %dma_wait3A_157 : memref<1x80x128xf32, #tpu.memory_space<hbm>> -> memref<80x128xf32, #tpu.memory_space<hbm>>
      tpu.wait_dma2 semaphore(%run_scoped3A : memref<!tpu.dma_semaphore, #tpu.memory_space<semaphore_mem>>) src(%arg15 : memref<80x128xf32, #tpu.memory_space<vmem>>) dst(%dma_wait3A_158 : memref<80x128xf32, #tpu.memory_space<hbm>>)
      tpu.yield
    }) : () -> ()
    %mul3A_115 = arith.constant 640 : i32
    %mul3A_116 = arith.muli %arg1, %mul3A_115 : i32
    %add3A_117 = arith.constant 320 : i32
    %add3A_118 = arith.addi %mul3A_116, %add3A_117 : i32
    "tpu.region"() ({
      %run_scoped3A = tpu.sem_alloc : memref<!tpu.dma_semaphore, #tpu.memory_space<semaphore_mem>>
      %dma_start3A_147 = arith.constant 0 : i32
      %dma_start3A_148 = tpu.memref_slice %arg17[%add3A_118, %dma_start3A_147] : memref<10240x128xf32, #tpu.memory_space<vmem_shared>> -> memref<80x128xf32, #tpu.memory_space<vmem_shared>>
      %dma_start3A_149 = arith.constant 0 : i32
      %dma_start3A_150 = tpu.memref_slice %arg17[%add3A_118, %dma_start3A_149] : memref<10240x128xf32, #tpu.memory_space<vmem_shared>> -> memref<80x128xf32, #tpu.memory_space<vmem_shared>>
      tpu.enqueue_dma source(%dma_start3A_150 : memref<80x128xf32, #tpu.memory_space<vmem_shared>>) target(%arg15 : memref<80x128xf32, #tpu.memory_space<vmem>>) target_semaphore(%run_scoped3A : memref<!tpu.dma_semaphore, #tpu.memory_space<semaphore_mem>>)
      %dma_wait3A_151 = arith.constant 0 : i32
      %dma_wait3A_152 = tpu.memref_slice %arg17[%add3A_118, %dma_wait3A_151] : memref<10240x128xf32, #tpu.memory_space<vmem_shared>> -> memref<80x128xf32, #tpu.memory_space<vmem_shared>>
      %dma_wait3A_153 = arith.constant 0 : i32
      %dma_wait3A_154 = tpu.memref_slice %arg17[%add3A_118, %dma_wait3A_153] : memref<10240x128xf32, #tpu.memory_space<vmem_shared>> -> memref<80x128xf32, #tpu.memory_space<vmem_shared>>
      tpu.wait_dma2 semaphore(%run_scoped3A : memref<!tpu.dma_semaphore, #tpu.memory_space<semaphore_mem>>) src(%dma_wait3A_154 : memref<80x128xf32, #tpu.memory_space<vmem_shared>>) dst(%arg15 : memref<80x128xf32, #tpu.memory_space<vmem>>)
      tpu.yield
    }) : () -> ()
    %mul3A_119 = arith.constant 640 : i32
    %mul3A_120 = arith.muli %arg1, %mul3A_119 : i32
    %add3A_121 = arith.constant 320 : i32
    %add3A_122 = arith.addi %mul3A_120, %add3A_121 : i32
    "tpu.region"() ({
      %run_scoped3A = tpu.sem_alloc : memref<!tpu.dma_semaphore, #tpu.memory_space<semaphore_mem>>
      %dma_start3A_147 = arith.constant 0 : i32
      %dma_start3A_148 = tpu.memref_slice %arg6[%arg0, %add3A_122, %dma_start3A_147] : memref<2x10240x128xf32, #tpu.memory_space<hbm>> -> memref<1x80x128xf32, #tpu.memory_space<hbm>>
      %dma_start3A_149 = tpu.memref_squeeze %dma_start3A_148 : memref<1x80x128xf32, #tpu.memory_space<hbm>> -> memref<80x128xf32, #tpu.memory_space<hbm>>
      %dma_start3A_150 = arith.constant 0 : i32
      %dma_start3A_151 = tpu.memref_slice %arg6[%arg0, %add3A_122, %dma_start3A_150] : memref<2x10240x128xf32, #tpu.memory_space<hbm>> -> memref<1x80x128xf32, #tpu.memory_space<hbm>>
      %dma_start3A_152 = tpu.memref_squeeze %dma_start3A_151 : memref<1x80x128xf32, #tpu.memory_space<hbm>> -> memref<80x128xf32, #tpu.memory_space<hbm>>
      tpu.enqueue_dma source(%arg15 : memref<80x128xf32, #tpu.memory_space<vmem>>) target(%dma_start3A_152 : memref<80x128xf32, #tpu.memory_space<hbm>>) target_semaphore(%run_scoped3A : memref<!tpu.dma_semaphore, #tpu.memory_space<semaphore_mem>>)
      %dma_wait3A_153 = arith.constant 0 : i32
      %dma_wait3A_154 = tpu.memref_slice %arg6[%arg0, %add3A_122, %dma_wait3A_153] : memref<2x10240x128xf32, #tpu.memory_space<hbm>> -> memref<1x80x128xf32, #tpu.memory_space<hbm>>
      %dma_wait3A_155 = tpu.memref_squeeze %dma_wait3A_154 : memref<1x80x128xf32, #tpu.memory_space<hbm>> -> memref<80x128xf32, #tpu.memory_space<hbm>>
      %dma_wait3A_156 = arith.constant 0 : i32
      %dma_wait3A_157 = tpu.memref_slice %arg6[%arg0, %add3A_122, %dma_wait3A_156] : memref<2x10240x128xf32, #tpu.memory_space<hbm>> -> memref<1x80x128xf32, #tpu.memory_space<hbm>>
      %dma_wait3A_158 = tpu.memref_squeeze %dma_wait3A_157 : memref<1x80x128xf32, #tpu.memory_space<hbm>> -> memref<80x128xf32, #tpu.memory_space<hbm>>
      tpu.wait_dma2 semaphore(%run_scoped3A : memref<!tpu.dma_semaphore, #tpu.memory_space<semaphore_mem>>) src(%arg15 : memref<80x128xf32, #tpu.memory_space<vmem>>) dst(%dma_wait3A_158 : memref<80x128xf32, #tpu.memory_space<hbm>>)
      tpu.yield
    }) : () -> ()
    %mul3A_123 = arith.constant 640 : i32
    %mul3A_124 = arith.muli %arg1, %mul3A_123 : i32
    %add3A_125 = arith.constant 400 : i32
    %add3A_126 = arith.addi %mul3A_124, %add3A_125 : i32
    "tpu.region"() ({
      %run_scoped3A = tpu.sem_alloc : memref<!tpu.dma_semaphore, #tpu.memory_space<semaphore_mem>>
      %dma_start3A_147 = arith.constant 0 : i32
      %dma_start3A_148 = tpu.memref_slice %arg17[%add3A_126, %dma_start3A_147] : memref<10240x128xf32, #tpu.memory_space<vmem_shared>> -> memref<80x128xf32, #tpu.memory_space<vmem_shared>>
      %dma_start3A_149 = arith.constant 0 : i32
      %dma_start3A_150 = tpu.memref_slice %arg17[%add3A_126, %dma_start3A_149] : memref<10240x128xf32, #tpu.memory_space<vmem_shared>> -> memref<80x128xf32, #tpu.memory_space<vmem_shared>>
      tpu.enqueue_dma source(%dma_start3A_150 : memref<80x128xf32, #tpu.memory_space<vmem_shared>>) target(%arg15 : memref<80x128xf32, #tpu.memory_space<vmem>>) target_semaphore(%run_scoped3A : memref<!tpu.dma_semaphore, #tpu.memory_space<semaphore_mem>>)
      %dma_wait3A_151 = arith.constant 0 : i32
      %dma_wait3A_152 = tpu.memref_slice %arg17[%add3A_126, %dma_wait3A_151] : memref<10240x128xf32, #tpu.memory_space<vmem_shared>> -> memref<80x128xf32, #tpu.memory_space<vmem_shared>>
      %dma_wait3A_153 = arith.constant 0 : i32
      %dma_wait3A_154 = tpu.memref_slice %arg17[%add3A_126, %dma_wait3A_153] : memref<10240x128xf32, #tpu.memory_space<vmem_shared>> -> memref<80x128xf32, #tpu.memory_space<vmem_shared>>
      tpu.wait_dma2 semaphore(%run_scoped3A : memref<!tpu.dma_semaphore, #tpu.memory_space<semaphore_mem>>) src(%dma_wait3A_154 : memref<80x128xf32, #tpu.memory_space<vmem_shared>>) dst(%arg15 : memref<80x128xf32, #tpu.memory_space<vmem>>)
      tpu.yield
    }) : () -> ()
    %mul3A_127 = arith.constant 640 : i32
    %mul3A_128 = arith.muli %arg1, %mul3A_127 : i32
    %add3A_129 = arith.constant 400 : i32
    %add3A_130 = arith.addi %mul3A_128, %add3A_129 : i32
    "tpu.region"() ({
      %run_scoped3A = tpu.sem_alloc : memref<!tpu.dma_semaphore, #tpu.memory_space<semaphore_mem>>
      %dma_start3A_147 = arith.constant 0 : i32
      %dma_start3A_148 = tpu.memref_slice %arg6[%arg0, %add3A_130, %dma_start3A_147] : memref<2x10240x128xf32, #tpu.memory_space<hbm>> -> memref<1x80x128xf32, #tpu.memory_space<hbm>>
      %dma_start3A_149 = tpu.memref_squeeze %dma_start3A_148 : memref<1x80x128xf32, #tpu.memory_space<hbm>> -> memref<80x128xf32, #tpu.memory_space<hbm>>
      %dma_start3A_150 = arith.constant 0 : i32
      %dma_start3A_151 = tpu.memref_slice %arg6[%arg0, %add3A_130, %dma_start3A_150] : memref<2x10240x128xf32, #tpu.memory_space<hbm>> -> memref<1x80x128xf32, #tpu.memory_space<hbm>>
      %dma_start3A_152 = tpu.memref_squeeze %dma_start3A_151 : memref<1x80x128xf32, #tpu.memory_space<hbm>> -> memref<80x128xf32, #tpu.memory_space<hbm>>
      tpu.enqueue_dma source(%arg15 : memref<80x128xf32, #tpu.memory_space<vmem>>) target(%dma_start3A_152 : memref<80x128xf32, #tpu.memory_space<hbm>>) target_semaphore(%run_scoped3A : memref<!tpu.dma_semaphore, #tpu.memory_space<semaphore_mem>>)
      %dma_wait3A_153 = arith.constant 0 : i32
      %dma_wait3A_154 = tpu.memref_slice %arg6[%arg0, %add3A_130, %dma_wait3A_153] : memref<2x10240x128xf32, #tpu.memory_space<hbm>> -> memref<1x80x128xf32, #tpu.memory_space<hbm>>
      %dma_wait3A_155 = tpu.memref_squeeze %dma_wait3A_154 : memref<1x80x128xf32, #tpu.memory_space<hbm>> -> memref<80x128xf32, #tpu.memory_space<hbm>>
      %dma_wait3A_156 = arith.constant 0 : i32
      %dma_wait3A_157 = tpu.memref_slice %arg6[%arg0, %add3A_130, %dma_wait3A_156] : memref<2x10240x128xf32, #tpu.memory_space<hbm>> -> memref<1x80x128xf32, #tpu.memory_space<hbm>>
      %dma_wait3A_158 = tpu.memref_squeeze %dma_wait3A_157 : memref<1x80x128xf32, #tpu.memory_space<hbm>> -> memref<80x128xf32, #tpu.memory_space<hbm>>
      tpu.wait_dma2 semaphore(%run_scoped3A : memref<!tpu.dma_semaphore, #tpu.memory_space<semaphore_mem>>) src(%arg15 : memref<80x128xf32, #tpu.memory_space<vmem>>) dst(%dma_wait3A_158 : memref<80x128xf32, #tpu.memory_space<hbm>>)
      tpu.yield
    }) : () -> ()
    %mul3A_131 = arith.constant 640 : i32
    %mul3A_132 = arith.muli %arg1, %mul3A_131 : i32
    %add3A_133 = arith.constant 480 : i32
    %add3A_134 = arith.addi %mul3A_132, %add3A_133 : i32
    "tpu.region"() ({
      %run_scoped3A = tpu.sem_alloc : memref<!tpu.dma_semaphore, #tpu.memory_space<semaphore_mem>>
      %dma_start3A_147 = arith.constant 0 : i32
      %dma_start3A_148 = tpu.memref_slice %arg17[%add3A_134, %dma_start3A_147] : memref<10240x128xf32, #tpu.memory_space<vmem_shared>> -> memref<80x128xf32, #tpu.memory_space<vmem_shared>>
      %dma_start3A_149 = arith.constant 0 : i32
      %dma_start3A_150 = tpu.memref_slice %arg17[%add3A_134, %dma_start3A_149] : memref<10240x128xf32, #tpu.memory_space<vmem_shared>> -> memref<80x128xf32, #tpu.memory_space<vmem_shared>>
      tpu.enqueue_dma source(%dma_start3A_150 : memref<80x128xf32, #tpu.memory_space<vmem_shared>>) target(%arg15 : memref<80x128xf32, #tpu.memory_space<vmem>>) target_semaphore(%run_scoped3A : memref<!tpu.dma_semaphore, #tpu.memory_space<semaphore_mem>>)
      %dma_wait3A_151 = arith.constant 0 : i32
      %dma_wait3A_152 = tpu.memref_slice %arg17[%add3A_134, %dma_wait3A_151] : memref<10240x128xf32, #tpu.memory_space<vmem_shared>> -> memref<80x128xf32, #tpu.memory_space<vmem_shared>>
      %dma_wait3A_153 = arith.constant 0 : i32
      %dma_wait3A_154 = tpu.memref_slice %arg17[%add3A_134, %dma_wait3A_153] : memref<10240x128xf32, #tpu.memory_space<vmem_shared>> -> memref<80x128xf32, #tpu.memory_space<vmem_shared>>
      tpu.wait_dma2 semaphore(%run_scoped3A : memref<!tpu.dma_semaphore, #tpu.memory_space<semaphore_mem>>) src(%dma_wait3A_154 : memref<80x128xf32, #tpu.memory_space<vmem_shared>>) dst(%arg15 : memref<80x128xf32, #tpu.memory_space<vmem>>)
      tpu.yield
    }) : () -> ()
    %mul3A_135 = arith.constant 640 : i32
    %mul3A_136 = arith.muli %arg1, %mul3A_135 : i32
    %add3A_137 = arith.constant 480 : i32
    %add3A_138 = arith.addi %mul3A_136, %add3A_137 : i32
    "tpu.region"() ({
      %run_scoped3A = tpu.sem_alloc : memref<!tpu.dma_semaphore, #tpu.memory_space<semaphore_mem>>
      %dma_start3A_147 = arith.constant 0 : i32
      %dma_start3A_148 = tpu.memref_slice %arg6[%arg0, %add3A_138, %dma_start3A_147] : memref<2x10240x128xf32, #tpu.memory_space<hbm>> -> memref<1x80x128xf32, #tpu.memory_space<hbm>>
      %dma_start3A_149 = tpu.memref_squeeze %dma_start3A_148 : memref<1x80x128xf32, #tpu.memory_space<hbm>> -> memref<80x128xf32, #tpu.memory_space<hbm>>
      %dma_start3A_150 = arith.constant 0 : i32
      %dma_start3A_151 = tpu.memref_slice %arg6[%arg0, %add3A_138, %dma_start3A_150] : memref<2x10240x128xf32, #tpu.memory_space<hbm>> -> memref<1x80x128xf32, #tpu.memory_space<hbm>>
      %dma_start3A_152 = tpu.memref_squeeze %dma_start3A_151 : memref<1x80x128xf32, #tpu.memory_space<hbm>> -> memref<80x128xf32, #tpu.memory_space<hbm>>
      tpu.enqueue_dma source(%arg15 : memref<80x128xf32, #tpu.memory_space<vmem>>) target(%dma_start3A_152 : memref<80x128xf32, #tpu.memory_space<hbm>>) target_semaphore(%run_scoped3A : memref<!tpu.dma_semaphore, #tpu.memory_space<semaphore_mem>>)
      %dma_wait3A_153 = arith.constant 0 : i32
      %dma_wait3A_154 = tpu.memref_slice %arg6[%arg0, %add3A_138, %dma_wait3A_153] : memref<2x10240x128xf32, #tpu.memory_space<hbm>> -> memref<1x80x128xf32, #tpu.memory_space<hbm>>
      %dma_wait3A_155 = tpu.memref_squeeze %dma_wait3A_154 : memref<1x80x128xf32, #tpu.memory_space<hbm>> -> memref<80x128xf32, #tpu.memory_space<hbm>>
      %dma_wait3A_156 = arith.constant 0 : i32
      %dma_wait3A_157 = tpu.memref_slice %arg6[%arg0, %add3A_138, %dma_wait3A_156] : memref<2x10240x128xf32, #tpu.memory_space<hbm>> -> memref<1x80x128xf32, #tpu.memory_space<hbm>>
      %dma_wait3A_158 = tpu.memref_squeeze %dma_wait3A_157 : memref<1x80x128xf32, #tpu.memory_space<hbm>> -> memref<80x128xf32, #tpu.memory_space<hbm>>
      tpu.wait_dma2 semaphore(%run_scoped3A : memref<!tpu.dma_semaphore, #tpu.memory_space<semaphore_mem>>) src(%arg15 : memref<80x128xf32, #tpu.memory_space<vmem>>) dst(%dma_wait3A_158 : memref<80x128xf32, #tpu.memory_space<hbm>>)
      tpu.yield
    }) : () -> ()
    %mul3A_139 = arith.constant 640 : i32
    %mul3A_140 = arith.muli %arg1, %mul3A_139 : i32
    %add3A_141 = arith.constant 560 : i32
    %add3A_142 = arith.addi %mul3A_140, %add3A_141 : i32
    "tpu.region"() ({
      %run_scoped3A = tpu.sem_alloc : memref<!tpu.dma_semaphore, #tpu.memory_space<semaphore_mem>>
      %dma_start3A_147 = arith.constant 0 : i32
      %dma_start3A_148 = tpu.memref_slice %arg17[%add3A_142, %dma_start3A_147] : memref<10240x128xf32, #tpu.memory_space<vmem_shared>> -> memref<80x128xf32, #tpu.memory_space<vmem_shared>>
      %dma_start3A_149 = arith.constant 0 : i32
      %dma_start3A_150 = tpu.memref_slice %arg17[%add3A_142, %dma_start3A_149] : memref<10240x128xf32, #tpu.memory_space<vmem_shared>> -> memref<80x128xf32, #tpu.memory_space<vmem_shared>>
      tpu.enqueue_dma source(%dma_start3A_150 : memref<80x128xf32, #tpu.memory_space<vmem_shared>>) target(%arg15 : memref<80x128xf32, #tpu.memory_space<vmem>>) target_semaphore(%run_scoped3A : memref<!tpu.dma_semaphore, #tpu.memory_space<semaphore_mem>>)
      %dma_wait3A_151 = arith.constant 0 : i32
      %dma_wait3A_152 = tpu.memref_slice %arg17[%add3A_142, %dma_wait3A_151] : memref<10240x128xf32, #tpu.memory_space<vmem_shared>> -> memref<80x128xf32, #tpu.memory_space<vmem_shared>>
      %dma_wait3A_153 = arith.constant 0 : i32
      %dma_wait3A_154 = tpu.memref_slice %arg17[%add3A_142, %dma_wait3A_153] : memref<10240x128xf32, #tpu.memory_space<vmem_shared>> -> memref<80x128xf32, #tpu.memory_space<vmem_shared>>
      tpu.wait_dma2 semaphore(%run_scoped3A : memref<!tpu.dma_semaphore, #tpu.memory_space<semaphore_mem>>) src(%dma_wait3A_154 : memref<80x128xf32, #tpu.memory_space<vmem_shared>>) dst(%arg15 : memref<80x128xf32, #tpu.memory_space<vmem>>)
      tpu.yield
    }) : () -> ()
    %mul3A_143 = arith.constant 640 : i32
    %mul3A_144 = arith.muli %arg1, %mul3A_143 : i32
    %add3A_145 = arith.constant 560 : i32
    %add3A_146 = arith.addi %mul3A_144, %add3A_145 : i32
    "tpu.region"() ({
      %run_scoped3A = tpu.sem_alloc : memref<!tpu.dma_semaphore, #tpu.memory_space<semaphore_mem>>
      %dma_start3A_147 = arith.constant 0 : i32
      %dma_start3A_148 = tpu.memref_slice %arg6[%arg0, %add3A_146, %dma_start3A_147] : memref<2x10240x128xf32, #tpu.memory_space<hbm>> -> memref<1x80x128xf32, #tpu.memory_space<hbm>>
      %dma_start3A_149 = tpu.memref_squeeze %dma_start3A_148 : memref<1x80x128xf32, #tpu.memory_space<hbm>> -> memref<80x128xf32, #tpu.memory_space<hbm>>
      %dma_start3A_150 = arith.constant 0 : i32
      %dma_start3A_151 = tpu.memref_slice %arg6[%arg0, %add3A_146, %dma_start3A_150] : memref<2x10240x128xf32, #tpu.memory_space<hbm>> -> memref<1x80x128xf32, #tpu.memory_space<hbm>>
      %dma_start3A_152 = tpu.memref_squeeze %dma_start3A_151 : memref<1x80x128xf32, #tpu.memory_space<hbm>> -> memref<80x128xf32, #tpu.memory_space<hbm>>
      tpu.enqueue_dma source(%arg15 : memref<80x128xf32, #tpu.memory_space<vmem>>) target(%dma_start3A_152 : memref<80x128xf32, #tpu.memory_space<hbm>>) target_semaphore(%run_scoped3A : memref<!tpu.dma_semaphore, #tpu.memory_space<semaphore_mem>>)
      %dma_wait3A_153 = arith.constant 0 : i32
      %dma_wait3A_154 = tpu.memref_slice %arg6[%arg0, %add3A_146, %dma_wait3A_153] : memref<2x10240x128xf32, #tpu.memory_space<hbm>> -> memref<1x80x128xf32, #tpu.memory_space<hbm>>
      %dma_wait3A_155 = tpu.memref_squeeze %dma_wait3A_154 : memref<1x80x128xf32, #tpu.memory_space<hbm>> -> memref<80x128xf32, #tpu.memory_space<hbm>>
      %dma_wait3A_156 = arith.constant 0 : i32
      %dma_wait3A_157 = tpu.memref_slice %arg6[%arg0, %add3A_146, %dma_wait3A_156] : memref<2x10240x128xf32, #tpu.memory_space<hbm>> -> memref<1x80x128xf32, #tpu.memory_space<hbm>>
      %dma_wait3A_158 = tpu.memref_squeeze %dma_wait3A_157 : memref<1x80x128xf32, #tpu.memory_space<hbm>> -> memref<80x128xf32, #tpu.memory_space<hbm>>
      tpu.wait_dma2 semaphore(%run_scoped3A : memref<!tpu.dma_semaphore, #tpu.memory_space<semaphore_mem>>) src(%arg15 : memref<80x128xf32, #tpu.memory_space<vmem>>) dst(%dma_wait3A_158 : memref<80x128xf32, #tpu.memory_space<hbm>>)
      tpu.yield
    }) : () -> ()
    return
  }
}

#map = affine_map<(d0, d1) -> (0, 0)>
#map1 = affine_map<(d0, d1) -> (0)>
module attributes {stable_mosaic.version = 14 : i64} {
  func.func @k(%arg0: i32, %arg1: i32, %arg2: memref<10000x128xf32, #tpu.memory_space<hbm>>, %arg3: memref<16384xi32, #tpu.memory_space<hbm>>, %arg4: memref<16384xi32, #tpu.memory_space<hbm>>, %arg5: memref<16384x128xf32, #tpu.memory_space<hbm>>, %arg6: memref<16384x128xf32, #tpu.memory_space<hbm>>, %arg7: memref<128xi32, #tpu.memory_space<vmem>>, %arg8: memref<128xi32, #tpu.memory_space<vmem>>, %arg9: memref<128xi32, #tpu.memory_space<vmem>>, %arg10: memref<128xi32, #tpu.memory_space<vmem>>, %arg11: memref<128xi32, #tpu.memory_space<vmem>>, %arg12: memref<128xi32, #tpu.memory_space<vmem>>, %arg13: memref<128xi32, #tpu.memory_space<vmem>>, %arg14: memref<128xi32, #tpu.memory_space<vmem>>, %arg15: memref<128x128xf32, #tpu.memory_space<vmem>>, %arg16: memref<128x128xf32, #tpu.memory_space<vmem>>, %arg17: memref<128x128xf32, #tpu.memory_space<vmem>>, %arg18: memref<128x128xf32, #tpu.memory_space<vmem>>, %arg19: memref<!tpu.dma_semaphore, #tpu.memory_space<semaphore_mem>>, %arg20: memref<!tpu.dma_semaphore, #tpu.memory_space<semaphore_mem>>) attributes {dimension_semantics = [#tpu.dimension_semantics<core_parallel>, #tpu.dimension_semantics<subcore_parallel>], iteration_bounds = array<i64: 2, 16>, scalar_prefetch = 0 : i64, scratch_operands = 14 : i64, tpu.core_type = #tpu.core_type<sc_vector_subcore>, window_params = [{transform_indices = #map}, {transform_indices = #map1}, {transform_indices = #map1}, {transform_indices = #map}, {transform_indices = #map}]} {
    %mul3A = arith.constant 16 : i32
    %mul3A_0 = arith.muli %arg0, %mul3A : i32
    %add3A = arith.addi %mul3A_0, %arg1 : i32
    %mul3A_1 = arith.constant 512 : i32
    %mul3A_2 = arith.muli %add3A, %mul3A_1 : i32
    %add3A_3 = arith.constant 0 : i32
    %add3A_4 = arith.addi %mul3A_2, %add3A_3 : i32
    "tpu.region"() ({
      %run_scoped3A = tpu.sem_alloc : memref<!tpu.dma_semaphore, #tpu.memory_space<semaphore_mem>>
      %dma_start3A_111 = tpu.memref_slice %arg3[%add3A_4] : memref<16384xi32, #tpu.memory_space<hbm>> -> memref<128xi32, #tpu.memory_space<hbm>>
      %dma_start3A_112 = tpu.memref_slice %arg3[%add3A_4] : memref<16384xi32, #tpu.memory_space<hbm>> -> memref<128xi32, #tpu.memory_space<hbm>>
      tpu.enqueue_dma source(%dma_start3A_112 : memref<128xi32, #tpu.memory_space<hbm>>) target(%arg7 : memref<128xi32, #tpu.memory_space<vmem>>) target_semaphore(%run_scoped3A : memref<!tpu.dma_semaphore, #tpu.memory_space<semaphore_mem>>)
      %dma_wait3A_113 = tpu.memref_slice %arg3[%add3A_4] : memref<16384xi32, #tpu.memory_space<hbm>> -> memref<128xi32, #tpu.memory_space<hbm>>
      %dma_wait3A_114 = tpu.memref_slice %arg3[%add3A_4] : memref<16384xi32, #tpu.memory_space<hbm>> -> memref<128xi32, #tpu.memory_space<hbm>>
      tpu.wait_dma2 semaphore(%run_scoped3A : memref<!tpu.dma_semaphore, #tpu.memory_space<semaphore_mem>>) src(%dma_wait3A_114 : memref<128xi32, #tpu.memory_space<hbm>>) dst(%arg7 : memref<128xi32, #tpu.memory_space<vmem>>)
      tpu.yield
    }) : () -> ()
    %mul3A_5 = arith.constant 512 : i32
    %mul3A_6 = arith.muli %add3A, %mul3A_5 : i32
    %add3A_7 = arith.constant 0 : i32
    %add3A_8 = arith.addi %mul3A_6, %add3A_7 : i32
    "tpu.region"() ({
      %run_scoped3A = tpu.sem_alloc : memref<!tpu.dma_semaphore, #tpu.memory_space<semaphore_mem>>
      %dma_start3A_111 = tpu.memref_slice %arg4[%add3A_8] : memref<16384xi32, #tpu.memory_space<hbm>> -> memref<128xi32, #tpu.memory_space<hbm>>
      %dma_start3A_112 = tpu.memref_slice %arg4[%add3A_8] : memref<16384xi32, #tpu.memory_space<hbm>> -> memref<128xi32, #tpu.memory_space<hbm>>
      tpu.enqueue_dma source(%dma_start3A_112 : memref<128xi32, #tpu.memory_space<hbm>>) target(%arg11 : memref<128xi32, #tpu.memory_space<vmem>>) target_semaphore(%run_scoped3A : memref<!tpu.dma_semaphore, #tpu.memory_space<semaphore_mem>>)
      %dma_wait3A_113 = tpu.memref_slice %arg4[%add3A_8] : memref<16384xi32, #tpu.memory_space<hbm>> -> memref<128xi32, #tpu.memory_space<hbm>>
      %dma_wait3A_114 = tpu.memref_slice %arg4[%add3A_8] : memref<16384xi32, #tpu.memory_space<hbm>> -> memref<128xi32, #tpu.memory_space<hbm>>
      tpu.wait_dma2 semaphore(%run_scoped3A : memref<!tpu.dma_semaphore, #tpu.memory_space<semaphore_mem>>) src(%dma_wait3A_114 : memref<128xi32, #tpu.memory_space<hbm>>) dst(%arg11 : memref<128xi32, #tpu.memory_space<vmem>>)
      tpu.yield
    }) : () -> ()
    %mul3A_9 = arith.constant 512 : i32
    %mul3A_10 = arith.muli %add3A, %mul3A_9 : i32
    %add3A_11 = arith.constant 128 : i32
    %add3A_12 = arith.addi %mul3A_10, %add3A_11 : i32
    "tpu.region"() ({
      %run_scoped3A = tpu.sem_alloc : memref<!tpu.dma_semaphore, #tpu.memory_space<semaphore_mem>>
      %dma_start3A_111 = tpu.memref_slice %arg3[%add3A_12] : memref<16384xi32, #tpu.memory_space<hbm>> -> memref<128xi32, #tpu.memory_space<hbm>>
      %dma_start3A_112 = tpu.memref_slice %arg3[%add3A_12] : memref<16384xi32, #tpu.memory_space<hbm>> -> memref<128xi32, #tpu.memory_space<hbm>>
      tpu.enqueue_dma source(%dma_start3A_112 : memref<128xi32, #tpu.memory_space<hbm>>) target(%arg8 : memref<128xi32, #tpu.memory_space<vmem>>) target_semaphore(%run_scoped3A : memref<!tpu.dma_semaphore, #tpu.memory_space<semaphore_mem>>)
      %dma_wait3A_113 = tpu.memref_slice %arg3[%add3A_12] : memref<16384xi32, #tpu.memory_space<hbm>> -> memref<128xi32, #tpu.memory_space<hbm>>
      %dma_wait3A_114 = tpu.memref_slice %arg3[%add3A_12] : memref<16384xi32, #tpu.memory_space<hbm>> -> memref<128xi32, #tpu.memory_space<hbm>>
      tpu.wait_dma2 semaphore(%run_scoped3A : memref<!tpu.dma_semaphore, #tpu.memory_space<semaphore_mem>>) src(%dma_wait3A_114 : memref<128xi32, #tpu.memory_space<hbm>>) dst(%arg8 : memref<128xi32, #tpu.memory_space<vmem>>)
      tpu.yield
    }) : () -> ()
    %mul3A_13 = arith.constant 512 : i32
    %mul3A_14 = arith.muli %add3A, %mul3A_13 : i32
    %add3A_15 = arith.constant 128 : i32
    %add3A_16 = arith.addi %mul3A_14, %add3A_15 : i32
    "tpu.region"() ({
      %run_scoped3A = tpu.sem_alloc : memref<!tpu.dma_semaphore, #tpu.memory_space<semaphore_mem>>
      %dma_start3A_111 = tpu.memref_slice %arg4[%add3A_16] : memref<16384xi32, #tpu.memory_space<hbm>> -> memref<128xi32, #tpu.memory_space<hbm>>
      %dma_start3A_112 = tpu.memref_slice %arg4[%add3A_16] : memref<16384xi32, #tpu.memory_space<hbm>> -> memref<128xi32, #tpu.memory_space<hbm>>
      tpu.enqueue_dma source(%dma_start3A_112 : memref<128xi32, #tpu.memory_space<hbm>>) target(%arg12 : memref<128xi32, #tpu.memory_space<vmem>>) target_semaphore(%run_scoped3A : memref<!tpu.dma_semaphore, #tpu.memory_space<semaphore_mem>>)
      %dma_wait3A_113 = tpu.memref_slice %arg4[%add3A_16] : memref<16384xi32, #tpu.memory_space<hbm>> -> memref<128xi32, #tpu.memory_space<hbm>>
      %dma_wait3A_114 = tpu.memref_slice %arg4[%add3A_16] : memref<16384xi32, #tpu.memory_space<hbm>> -> memref<128xi32, #tpu.memory_space<hbm>>
      tpu.wait_dma2 semaphore(%run_scoped3A : memref<!tpu.dma_semaphore, #tpu.memory_space<semaphore_mem>>) src(%dma_wait3A_114 : memref<128xi32, #tpu.memory_space<hbm>>) dst(%arg12 : memref<128xi32, #tpu.memory_space<vmem>>)
      tpu.yield
    }) : () -> ()
    %mul3A_17 = arith.constant 512 : i32
    %mul3A_18 = arith.muli %add3A, %mul3A_17 : i32
    %add3A_19 = arith.constant 256 : i32
    %add3A_20 = arith.addi %mul3A_18, %add3A_19 : i32
    "tpu.region"() ({
      %run_scoped3A = tpu.sem_alloc : memref<!tpu.dma_semaphore, #tpu.memory_space<semaphore_mem>>
      %dma_start3A_111 = tpu.memref_slice %arg3[%add3A_20] : memref<16384xi32, #tpu.memory_space<hbm>> -> memref<128xi32, #tpu.memory_space<hbm>>
      %dma_start3A_112 = tpu.memref_slice %arg3[%add3A_20] : memref<16384xi32, #tpu.memory_space<hbm>> -> memref<128xi32, #tpu.memory_space<hbm>>
      tpu.enqueue_dma source(%dma_start3A_112 : memref<128xi32, #tpu.memory_space<hbm>>) target(%arg9 : memref<128xi32, #tpu.memory_space<vmem>>) target_semaphore(%run_scoped3A : memref<!tpu.dma_semaphore, #tpu.memory_space<semaphore_mem>>)
      %dma_wait3A_113 = tpu.memref_slice %arg3[%add3A_20] : memref<16384xi32, #tpu.memory_space<hbm>> -> memref<128xi32, #tpu.memory_space<hbm>>
      %dma_wait3A_114 = tpu.memref_slice %arg3[%add3A_20] : memref<16384xi32, #tpu.memory_space<hbm>> -> memref<128xi32, #tpu.memory_space<hbm>>
      tpu.wait_dma2 semaphore(%run_scoped3A : memref<!tpu.dma_semaphore, #tpu.memory_space<semaphore_mem>>) src(%dma_wait3A_114 : memref<128xi32, #tpu.memory_space<hbm>>) dst(%arg9 : memref<128xi32, #tpu.memory_space<vmem>>)
      tpu.yield
    }) : () -> ()
    %mul3A_21 = arith.constant 512 : i32
    %mul3A_22 = arith.muli %add3A, %mul3A_21 : i32
    %add3A_23 = arith.constant 256 : i32
    %add3A_24 = arith.addi %mul3A_22, %add3A_23 : i32
    "tpu.region"() ({
      %run_scoped3A = tpu.sem_alloc : memref<!tpu.dma_semaphore, #tpu.memory_space<semaphore_mem>>
      %dma_start3A_111 = tpu.memref_slice %arg4[%add3A_24] : memref<16384xi32, #tpu.memory_space<hbm>> -> memref<128xi32, #tpu.memory_space<hbm>>
      %dma_start3A_112 = tpu.memref_slice %arg4[%add3A_24] : memref<16384xi32, #tpu.memory_space<hbm>> -> memref<128xi32, #tpu.memory_space<hbm>>
      tpu.enqueue_dma source(%dma_start3A_112 : memref<128xi32, #tpu.memory_space<hbm>>) target(%arg13 : memref<128xi32, #tpu.memory_space<vmem>>) target_semaphore(%run_scoped3A : memref<!tpu.dma_semaphore, #tpu.memory_space<semaphore_mem>>)
      %dma_wait3A_113 = tpu.memref_slice %arg4[%add3A_24] : memref<16384xi32, #tpu.memory_space<hbm>> -> memref<128xi32, #tpu.memory_space<hbm>>
      %dma_wait3A_114 = tpu.memref_slice %arg4[%add3A_24] : memref<16384xi32, #tpu.memory_space<hbm>> -> memref<128xi32, #tpu.memory_space<hbm>>
      tpu.wait_dma2 semaphore(%run_scoped3A : memref<!tpu.dma_semaphore, #tpu.memory_space<semaphore_mem>>) src(%dma_wait3A_114 : memref<128xi32, #tpu.memory_space<hbm>>) dst(%arg13 : memref<128xi32, #tpu.memory_space<vmem>>)
      tpu.yield
    }) : () -> ()
    %mul3A_25 = arith.constant 512 : i32
    %mul3A_26 = arith.muli %add3A, %mul3A_25 : i32
    %add3A_27 = arith.constant 384 : i32
    %add3A_28 = arith.addi %mul3A_26, %add3A_27 : i32
    "tpu.region"() ({
      %run_scoped3A = tpu.sem_alloc : memref<!tpu.dma_semaphore, #tpu.memory_space<semaphore_mem>>
      %dma_start3A_111 = tpu.memref_slice %arg3[%add3A_28] : memref<16384xi32, #tpu.memory_space<hbm>> -> memref<128xi32, #tpu.memory_space<hbm>>
      %dma_start3A_112 = tpu.memref_slice %arg3[%add3A_28] : memref<16384xi32, #tpu.memory_space<hbm>> -> memref<128xi32, #tpu.memory_space<hbm>>
      tpu.enqueue_dma source(%dma_start3A_112 : memref<128xi32, #tpu.memory_space<hbm>>) target(%arg10 : memref<128xi32, #tpu.memory_space<vmem>>) target_semaphore(%run_scoped3A : memref<!tpu.dma_semaphore, #tpu.memory_space<semaphore_mem>>)
      %dma_wait3A_113 = tpu.memref_slice %arg3[%add3A_28] : memref<16384xi32, #tpu.memory_space<hbm>> -> memref<128xi32, #tpu.memory_space<hbm>>
      %dma_wait3A_114 = tpu.memref_slice %arg3[%add3A_28] : memref<16384xi32, #tpu.memory_space<hbm>> -> memref<128xi32, #tpu.memory_space<hbm>>
      tpu.wait_dma2 semaphore(%run_scoped3A : memref<!tpu.dma_semaphore, #tpu.memory_space<semaphore_mem>>) src(%dma_wait3A_114 : memref<128xi32, #tpu.memory_space<hbm>>) dst(%arg10 : memref<128xi32, #tpu.memory_space<vmem>>)
      tpu.yield
    }) : () -> ()
    %mul3A_29 = arith.constant 512 : i32
    %mul3A_30 = arith.muli %add3A, %mul3A_29 : i32
    %add3A_31 = arith.constant 384 : i32
    %add3A_32 = arith.addi %mul3A_30, %add3A_31 : i32
    "tpu.region"() ({
      %run_scoped3A = tpu.sem_alloc : memref<!tpu.dma_semaphore, #tpu.memory_space<semaphore_mem>>
      %dma_start3A_111 = tpu.memref_slice %arg4[%add3A_32] : memref<16384xi32, #tpu.memory_space<hbm>> -> memref<128xi32, #tpu.memory_space<hbm>>
      %dma_start3A_112 = tpu.memref_slice %arg4[%add3A_32] : memref<16384xi32, #tpu.memory_space<hbm>> -> memref<128xi32, #tpu.memory_space<hbm>>
      tpu.enqueue_dma source(%dma_start3A_112 : memref<128xi32, #tpu.memory_space<hbm>>) target(%arg14 : memref<128xi32, #tpu.memory_space<vmem>>) target_semaphore(%run_scoped3A : memref<!tpu.dma_semaphore, #tpu.memory_space<semaphore_mem>>)
      %dma_wait3A_113 = tpu.memref_slice %arg4[%add3A_32] : memref<16384xi32, #tpu.memory_space<hbm>> -> memref<128xi32, #tpu.memory_space<hbm>>
      %dma_wait3A_114 = tpu.memref_slice %arg4[%add3A_32] : memref<16384xi32, #tpu.memory_space<hbm>> -> memref<128xi32, #tpu.memory_space<hbm>>
      tpu.wait_dma2 semaphore(%run_scoped3A : memref<!tpu.dma_semaphore, #tpu.memory_space<semaphore_mem>>) src(%dma_wait3A_114 : memref<128xi32, #tpu.memory_space<hbm>>) dst(%arg14 : memref<128xi32, #tpu.memory_space<vmem>>)
      tpu.yield
    }) : () -> ()
    %dma_start3A = arith.constant 0 : i32
    %dma_start3A_33 = arith.constant 0 : i32
    %dma_start3A_34 = tpu.memref_slice %arg2[%dma_start3A, %dma_start3A_33] : memref<10000x128xf32, #tpu.memory_space<hbm>> -> memref<10000x128xf32, #tpu.memory_space<hbm>>
    tpu.enqueue_indirect_dma source(%dma_start3A_34 : memref<10000x128xf32, #tpu.memory_space<hbm>>) target(%arg15 : memref<128x128xf32, #tpu.memory_space<vmem>>) offsets(%arg7 : memref<128xi32, #tpu.memory_space<vmem>>) semaphore(%arg19 : memref<!tpu.dma_semaphore, #tpu.memory_space<semaphore_mem>>)
    %dma_start3A_35 = arith.constant 0 : i32
    %dma_start3A_36 = arith.constant 0 : i32
    %dma_start3A_37 = tpu.memref_slice %arg2[%dma_start3A_35, %dma_start3A_36] : memref<10000x128xf32, #tpu.memory_space<hbm>> -> memref<10000x128xf32, #tpu.memory_space<hbm>>
    tpu.enqueue_indirect_dma source(%dma_start3A_37 : memref<10000x128xf32, #tpu.memory_space<hbm>>) target(%arg16 : memref<128x128xf32, #tpu.memory_space<vmem>>) offsets(%arg8 : memref<128xi32, #tpu.memory_space<vmem>>) semaphore(%arg19 : memref<!tpu.dma_semaphore, #tpu.memory_space<semaphore_mem>>)
    %dma_start3A_38 = arith.constant 0 : i32
    %dma_start3A_39 = arith.constant 0 : i32
    %dma_start3A_40 = tpu.memref_slice %arg2[%dma_start3A_38, %dma_start3A_39] : memref<10000x128xf32, #tpu.memory_space<hbm>> -> memref<10000x128xf32, #tpu.memory_space<hbm>>
    tpu.enqueue_indirect_dma source(%dma_start3A_40 : memref<10000x128xf32, #tpu.memory_space<hbm>>) target(%arg17 : memref<128x128xf32, #tpu.memory_space<vmem>>) offsets(%arg11 : memref<128xi32, #tpu.memory_space<vmem>>) semaphore(%arg20 : memref<!tpu.dma_semaphore, #tpu.memory_space<semaphore_mem>>)
    %dma_start3A_41 = arith.constant 0 : i32
    %dma_start3A_42 = arith.constant 0 : i32
    %dma_start3A_43 = tpu.memref_slice %arg2[%dma_start3A_41, %dma_start3A_42] : memref<10000x128xf32, #tpu.memory_space<hbm>> -> memref<10000x128xf32, #tpu.memory_space<hbm>>
    tpu.enqueue_indirect_dma source(%dma_start3A_43 : memref<10000x128xf32, #tpu.memory_space<hbm>>) target(%arg18 : memref<128x128xf32, #tpu.memory_space<vmem>>) offsets(%arg12 : memref<128xi32, #tpu.memory_space<vmem>>) semaphore(%arg20 : memref<!tpu.dma_semaphore, #tpu.memory_space<semaphore_mem>>)
    %dma_wait3A = arith.constant 0 : i32
    %dma_wait3A_44 = arith.constant 0 : i32
    %dma_wait3A_45 = tpu.memref_slice %arg2[%dma_wait3A, %dma_wait3A_44] : memref<10000x128xf32, #tpu.memory_space<hbm>> -> memref<10000x128xf32, #tpu.memory_space<hbm>>
    tpu.wait_indirect_dma semaphore(%arg19 : memref<!tpu.dma_semaphore, #tpu.memory_space<semaphore_mem>>) src(%dma_wait3A_45 : memref<10000x128xf32, #tpu.memory_space<hbm>>) dst(%arg15 : memref<128x128xf32, #tpu.memory_space<vmem>>)
    %mul3A_46 = arith.constant 512 : i32
    %mul3A_47 = arith.muli %add3A, %mul3A_46 : i32
    %add3A_48 = arith.constant 0 : i32
    %add3A_49 = arith.addi %mul3A_47, %add3A_48 : i32
    "tpu.region"() ({
      %run_scoped3A = tpu.sem_alloc : memref<!tpu.dma_semaphore, #tpu.memory_space<semaphore_mem>>
      %dma_start3A_111 = arith.constant 0 : i32
      %dma_start3A_112 = tpu.memref_slice %arg5[%add3A_49, %dma_start3A_111] : memref<16384x128xf32, #tpu.memory_space<hbm>> -> memref<128x128xf32, #tpu.memory_space<hbm>>
      %dma_start3A_113 = arith.constant 0 : i32
      %dma_start3A_114 = tpu.memref_slice %arg5[%add3A_49, %dma_start3A_113] : memref<16384x128xf32, #tpu.memory_space<hbm>> -> memref<128x128xf32, #tpu.memory_space<hbm>>
      tpu.enqueue_dma source(%arg15 : memref<128x128xf32, #tpu.memory_space<vmem>>) target(%dma_start3A_114 : memref<128x128xf32, #tpu.memory_space<hbm>>) target_semaphore(%run_scoped3A : memref<!tpu.dma_semaphore, #tpu.memory_space<semaphore_mem>>)
      %dma_wait3A_115 = arith.constant 0 : i32
      %dma_wait3A_116 = tpu.memref_slice %arg5[%add3A_49, %dma_wait3A_115] : memref<16384x128xf32, #tpu.memory_space<hbm>> -> memref<128x128xf32, #tpu.memory_space<hbm>>
      %dma_wait3A_117 = arith.constant 0 : i32
      %dma_wait3A_118 = tpu.memref_slice %arg5[%add3A_49, %dma_wait3A_117] : memref<16384x128xf32, #tpu.memory_space<hbm>> -> memref<128x128xf32, #tpu.memory_space<hbm>>
      tpu.wait_dma2 semaphore(%run_scoped3A : memref<!tpu.dma_semaphore, #tpu.memory_space<semaphore_mem>>) src(%arg15 : memref<128x128xf32, #tpu.memory_space<vmem>>) dst(%dma_wait3A_118 : memref<128x128xf32, #tpu.memory_space<hbm>>)
      tpu.yield
    }) : () -> ()
    %dma_start3A_50 = arith.constant 0 : i32
    %dma_start3A_51 = arith.constant 0 : i32
    %dma_start3A_52 = tpu.memref_slice %arg2[%dma_start3A_50, %dma_start3A_51] : memref<10000x128xf32, #tpu.memory_space<hbm>> -> memref<10000x128xf32, #tpu.memory_space<hbm>>
    tpu.enqueue_indirect_dma source(%dma_start3A_52 : memref<10000x128xf32, #tpu.memory_space<hbm>>) target(%arg15 : memref<128x128xf32, #tpu.memory_space<vmem>>) offsets(%arg9 : memref<128xi32, #tpu.memory_space<vmem>>) semaphore(%arg19 : memref<!tpu.dma_semaphore, #tpu.memory_space<semaphore_mem>>)
    %dma_wait3A_53 = arith.constant 0 : i32
    %dma_wait3A_54 = arith.constant 0 : i32
    %dma_wait3A_55 = tpu.memref_slice %arg2[%dma_wait3A_53, %dma_wait3A_54] : memref<10000x128xf32, #tpu.memory_space<hbm>> -> memref<10000x128xf32, #tpu.memory_space<hbm>>
    tpu.wait_indirect_dma semaphore(%arg20 : memref<!tpu.dma_semaphore, #tpu.memory_space<semaphore_mem>>) src(%dma_wait3A_55 : memref<10000x128xf32, #tpu.memory_space<hbm>>) dst(%arg17 : memref<128x128xf32, #tpu.memory_space<vmem>>)
    %mul3A_56 = arith.constant 512 : i32
    %mul3A_57 = arith.muli %add3A, %mul3A_56 : i32
    %add3A_58 = arith.constant 0 : i32
    %add3A_59 = arith.addi %mul3A_57, %add3A_58 : i32
    "tpu.region"() ({
      %run_scoped3A = tpu.sem_alloc : memref<!tpu.dma_semaphore, #tpu.memory_space<semaphore_mem>>
      %dma_start3A_111 = arith.constant 0 : i32
      %dma_start3A_112 = tpu.memref_slice %arg6[%add3A_59, %dma_start3A_111] : memref<16384x128xf32, #tpu.memory_space<hbm>> -> memref<128x128xf32, #tpu.memory_space<hbm>>
      %dma_start3A_113 = arith.constant 0 : i32
      %dma_start3A_114 = tpu.memref_slice %arg6[%add3A_59, %dma_start3A_113] : memref<16384x128xf32, #tpu.memory_space<hbm>> -> memref<128x128xf32, #tpu.memory_space<hbm>>
      tpu.enqueue_dma source(%arg17 : memref<128x128xf32, #tpu.memory_space<vmem>>) target(%dma_start3A_114 : memref<128x128xf32, #tpu.memory_space<hbm>>) target_semaphore(%run_scoped3A : memref<!tpu.dma_semaphore, #tpu.memory_space<semaphore_mem>>)
      %dma_wait3A_115 = arith.constant 0 : i32
      %dma_wait3A_116 = tpu.memref_slice %arg6[%add3A_59, %dma_wait3A_115] : memref<16384x128xf32, #tpu.memory_space<hbm>> -> memref<128x128xf32, #tpu.memory_space<hbm>>
      %dma_wait3A_117 = arith.constant 0 : i32
      %dma_wait3A_118 = tpu.memref_slice %arg6[%add3A_59, %dma_wait3A_117] : memref<16384x128xf32, #tpu.memory_space<hbm>> -> memref<128x128xf32, #tpu.memory_space<hbm>>
      tpu.wait_dma2 semaphore(%run_scoped3A : memref<!tpu.dma_semaphore, #tpu.memory_space<semaphore_mem>>) src(%arg17 : memref<128x128xf32, #tpu.memory_space<vmem>>) dst(%dma_wait3A_118 : memref<128x128xf32, #tpu.memory_space<hbm>>)
      tpu.yield
    }) : () -> ()
    %dma_start3A_60 = arith.constant 0 : i32
    %dma_start3A_61 = arith.constant 0 : i32
    %dma_start3A_62 = tpu.memref_slice %arg2[%dma_start3A_60, %dma_start3A_61] : memref<10000x128xf32, #tpu.memory_space<hbm>> -> memref<10000x128xf32, #tpu.memory_space<hbm>>
    tpu.enqueue_indirect_dma source(%dma_start3A_62 : memref<10000x128xf32, #tpu.memory_space<hbm>>) target(%arg17 : memref<128x128xf32, #tpu.memory_space<vmem>>) offsets(%arg13 : memref<128xi32, #tpu.memory_space<vmem>>) semaphore(%arg20 : memref<!tpu.dma_semaphore, #tpu.memory_space<semaphore_mem>>)
    %dma_wait3A_63 = arith.constant 0 : i32
    %dma_wait3A_64 = arith.constant 0 : i32
    %dma_wait3A_65 = tpu.memref_slice %arg2[%dma_wait3A_63, %dma_wait3A_64] : memref<10000x128xf32, #tpu.memory_space<hbm>> -> memref<10000x128xf32, #tpu.memory_space<hbm>>
    tpu.wait_indirect_dma semaphore(%arg19 : memref<!tpu.dma_semaphore, #tpu.memory_space<semaphore_mem>>) src(%dma_wait3A_65 : memref<10000x128xf32, #tpu.memory_space<hbm>>) dst(%arg16 : memref<128x128xf32, #tpu.memory_space<vmem>>)
    %mul3A_66 = arith.constant 512 : i32
    %mul3A_67 = arith.muli %add3A, %mul3A_66 : i32
    %add3A_68 = arith.constant 128 : i32
    %add3A_69 = arith.addi %mul3A_67, %add3A_68 : i32
    "tpu.region"() ({
      %run_scoped3A = tpu.sem_alloc : memref<!tpu.dma_semaphore, #tpu.memory_space<semaphore_mem>>
      %dma_start3A_111 = arith.constant 0 : i32
      %dma_start3A_112 = tpu.memref_slice %arg5[%add3A_69, %dma_start3A_111] : memref<16384x128xf32, #tpu.memory_space<hbm>> -> memref<128x128xf32, #tpu.memory_space<hbm>>
      %dma_start3A_113 = arith.constant 0 : i32
      %dma_start3A_114 = tpu.memref_slice %arg5[%add3A_69, %dma_start3A_113] : memref<16384x128xf32, #tpu.memory_space<hbm>> -> memref<128x128xf32, #tpu.memory_space<hbm>>
      tpu.enqueue_dma source(%arg16 : memref<128x128xf32, #tpu.memory_space<vmem>>) target(%dma_start3A_114 : memref<128x128xf32, #tpu.memory_space<hbm>>) target_semaphore(%run_scoped3A : memref<!tpu.dma_semaphore, #tpu.memory_space<semaphore_mem>>)
      %dma_wait3A_115 = arith.constant 0 : i32
      %dma_wait3A_116 = tpu.memref_slice %arg5[%add3A_69, %dma_wait3A_115] : memref<16384x128xf32, #tpu.memory_space<hbm>> -> memref<128x128xf32, #tpu.memory_space<hbm>>
      %dma_wait3A_117 = arith.constant 0 : i32
      %dma_wait3A_118 = tpu.memref_slice %arg5[%add3A_69, %dma_wait3A_117] : memref<16384x128xf32, #tpu.memory_space<hbm>> -> memref<128x128xf32, #tpu.memory_space<hbm>>
      tpu.wait_dma2 semaphore(%run_scoped3A : memref<!tpu.dma_semaphore, #tpu.memory_space<semaphore_mem>>) src(%arg16 : memref<128x128xf32, #tpu.memory_space<vmem>>) dst(%dma_wait3A_118 : memref<128x128xf32, #tpu.memory_space<hbm>>)
      tpu.yield
    }) : () -> ()
    %dma_start3A_70 = arith.constant 0 : i32
    %dma_start3A_71 = arith.constant 0 : i32
    %dma_start3A_72 = tpu.memref_slice %arg2[%dma_start3A_70, %dma_start3A_71] : memref<10000x128xf32, #tpu.memory_space<hbm>> -> memref<10000x128xf32, #tpu.memory_space<hbm>>
    tpu.enqueue_indirect_dma source(%dma_start3A_72 : memref<10000x128xf32, #tpu.memory_space<hbm>>) target(%arg16 : memref<128x128xf32, #tpu.memory_space<vmem>>) offsets(%arg10 : memref<128xi32, #tpu.memory_space<vmem>>) semaphore(%arg19 : memref<!tpu.dma_semaphore, #tpu.memory_space<semaphore_mem>>)
    %dma_wait3A_73 = arith.constant 0 : i32
    %dma_wait3A_74 = arith.constant 0 : i32
    %dma_wait3A_75 = tpu.memref_slice %arg2[%dma_wait3A_73, %dma_wait3A_74] : memref<10000x128xf32, #tpu.memory_space<hbm>> -> memref<10000x128xf32, #tpu.memory_space<hbm>>
    tpu.wait_indirect_dma semaphore(%arg20 : memref<!tpu.dma_semaphore, #tpu.memory_space<semaphore_mem>>) src(%dma_wait3A_75 : memref<10000x128xf32, #tpu.memory_space<hbm>>) dst(%arg18 : memref<128x128xf32, #tpu.memory_space<vmem>>)
    %mul3A_76 = arith.constant 512 : i32
    %mul3A_77 = arith.muli %add3A, %mul3A_76 : i32
    %add3A_78 = arith.constant 128 : i32
    %add3A_79 = arith.addi %mul3A_77, %add3A_78 : i32
    "tpu.region"() ({
      %run_scoped3A = tpu.sem_alloc : memref<!tpu.dma_semaphore, #tpu.memory_space<semaphore_mem>>
      %dma_start3A_111 = arith.constant 0 : i32
      %dma_start3A_112 = tpu.memref_slice %arg6[%add3A_79, %dma_start3A_111] : memref<16384x128xf32, #tpu.memory_space<hbm>> -> memref<128x128xf32, #tpu.memory_space<hbm>>
      %dma_start3A_113 = arith.constant 0 : i32
      %dma_start3A_114 = tpu.memref_slice %arg6[%add3A_79, %dma_start3A_113] : memref<16384x128xf32, #tpu.memory_space<hbm>> -> memref<128x128xf32, #tpu.memory_space<hbm>>
      tpu.enqueue_dma source(%arg18 : memref<128x128xf32, #tpu.memory_space<vmem>>) target(%dma_start3A_114 : memref<128x128xf32, #tpu.memory_space<hbm>>) target_semaphore(%run_scoped3A : memref<!tpu.dma_semaphore, #tpu.memory_space<semaphore_mem>>)
      %dma_wait3A_115 = arith.constant 0 : i32
      %dma_wait3A_116 = tpu.memref_slice %arg6[%add3A_79, %dma_wait3A_115] : memref<16384x128xf32, #tpu.memory_space<hbm>> -> memref<128x128xf32, #tpu.memory_space<hbm>>
      %dma_wait3A_117 = arith.constant 0 : i32
      %dma_wait3A_118 = tpu.memref_slice %arg6[%add3A_79, %dma_wait3A_117] : memref<16384x128xf32, #tpu.memory_space<hbm>> -> memref<128x128xf32, #tpu.memory_space<hbm>>
      tpu.wait_dma2 semaphore(%run_scoped3A : memref<!tpu.dma_semaphore, #tpu.memory_space<semaphore_mem>>) src(%arg18 : memref<128x128xf32, #tpu.memory_space<vmem>>) dst(%dma_wait3A_118 : memref<128x128xf32, #tpu.memory_space<hbm>>)
      tpu.yield
    }) : () -> ()
    %dma_start3A_80 = arith.constant 0 : i32
    %dma_start3A_81 = arith.constant 0 : i32
    %dma_start3A_82 = tpu.memref_slice %arg2[%dma_start3A_80, %dma_start3A_81] : memref<10000x128xf32, #tpu.memory_space<hbm>> -> memref<10000x128xf32, #tpu.memory_space<hbm>>
    tpu.enqueue_indirect_dma source(%dma_start3A_82 : memref<10000x128xf32, #tpu.memory_space<hbm>>) target(%arg18 : memref<128x128xf32, #tpu.memory_space<vmem>>) offsets(%arg14 : memref<128xi32, #tpu.memory_space<vmem>>) semaphore(%arg20 : memref<!tpu.dma_semaphore, #tpu.memory_space<semaphore_mem>>)
    %dma_wait3A_83 = arith.constant 0 : i32
    %dma_wait3A_84 = arith.constant 0 : i32
    %dma_wait3A_85 = tpu.memref_slice %arg2[%dma_wait3A_83, %dma_wait3A_84] : memref<10000x128xf32, #tpu.memory_space<hbm>> -> memref<10000x128xf32, #tpu.memory_space<hbm>>
    tpu.wait_indirect_dma semaphore(%arg19 : memref<!tpu.dma_semaphore, #tpu.memory_space<semaphore_mem>>) src(%dma_wait3A_85 : memref<10000x128xf32, #tpu.memory_space<hbm>>) dst(%arg15 : memref<128x128xf32, #tpu.memory_space<vmem>>)
    %mul3A_86 = arith.constant 512 : i32
    %mul3A_87 = arith.muli %add3A, %mul3A_86 : i32
    %add3A_88 = arith.constant 256 : i32
    %add3A_89 = arith.addi %mul3A_87, %add3A_88 : i32
    "tpu.region"() ({
      %run_scoped3A = tpu.sem_alloc : memref<!tpu.dma_semaphore, #tpu.memory_space<semaphore_mem>>
      %dma_start3A_111 = arith.constant 0 : i32
      %dma_start3A_112 = tpu.memref_slice %arg5[%add3A_89, %dma_start3A_111] : memref<16384x128xf32, #tpu.memory_space<hbm>> -> memref<128x128xf32, #tpu.memory_space<hbm>>
      %dma_start3A_113 = arith.constant 0 : i32
      %dma_start3A_114 = tpu.memref_slice %arg5[%add3A_89, %dma_start3A_113] : memref<16384x128xf32, #tpu.memory_space<hbm>> -> memref<128x128xf32, #tpu.memory_space<hbm>>
      tpu.enqueue_dma source(%arg15 : memref<128x128xf32, #tpu.memory_space<vmem>>) target(%dma_start3A_114 : memref<128x128xf32, #tpu.memory_space<hbm>>) target_semaphore(%run_scoped3A : memref<!tpu.dma_semaphore, #tpu.memory_space<semaphore_mem>>)
      %dma_wait3A_115 = arith.constant 0 : i32
      %dma_wait3A_116 = tpu.memref_slice %arg5[%add3A_89, %dma_wait3A_115] : memref<16384x128xf32, #tpu.memory_space<hbm>> -> memref<128x128xf32, #tpu.memory_space<hbm>>
      %dma_wait3A_117 = arith.constant 0 : i32
      %dma_wait3A_118 = tpu.memref_slice %arg5[%add3A_89, %dma_wait3A_117] : memref<16384x128xf32, #tpu.memory_space<hbm>> -> memref<128x128xf32, #tpu.memory_space<hbm>>
      tpu.wait_dma2 semaphore(%run_scoped3A : memref<!tpu.dma_semaphore, #tpu.memory_space<semaphore_mem>>) src(%arg15 : memref<128x128xf32, #tpu.memory_space<vmem>>) dst(%dma_wait3A_118 : memref<128x128xf32, #tpu.memory_space<hbm>>)
      tpu.yield
    }) : () -> ()
    %dma_wait3A_90 = arith.constant 0 : i32
    %dma_wait3A_91 = arith.constant 0 : i32
    %dma_wait3A_92 = tpu.memref_slice %arg2[%dma_wait3A_90, %dma_wait3A_91] : memref<10000x128xf32, #tpu.memory_space<hbm>> -> memref<10000x128xf32, #tpu.memory_space<hbm>>
    tpu.wait_indirect_dma semaphore(%arg20 : memref<!tpu.dma_semaphore, #tpu.memory_space<semaphore_mem>>) src(%dma_wait3A_92 : memref<10000x128xf32, #tpu.memory_space<hbm>>) dst(%arg17 : memref<128x128xf32, #tpu.memory_space<vmem>>)
    %mul3A_93 = arith.constant 512 : i32
    %mul3A_94 = arith.muli %add3A, %mul3A_93 : i32
    %add3A_95 = arith.constant 256 : i32
    %add3A_96 = arith.addi %mul3A_94, %add3A_95 : i32
    "tpu.region"() ({
      %run_scoped3A = tpu.sem_alloc : memref<!tpu.dma_semaphore, #tpu.memory_space<semaphore_mem>>
      %dma_start3A_111 = arith.constant 0 : i32
      %dma_start3A_112 = tpu.memref_slice %arg6[%add3A_96, %dma_start3A_111] : memref<16384x128xf32, #tpu.memory_space<hbm>> -> memref<128x128xf32, #tpu.memory_space<hbm>>
      %dma_start3A_113 = arith.constant 0 : i32
      %dma_start3A_114 = tpu.memref_slice %arg6[%add3A_96, %dma_start3A_113] : memref<16384x128xf32, #tpu.memory_space<hbm>> -> memref<128x128xf32, #tpu.memory_space<hbm>>
      tpu.enqueue_dma source(%arg17 : memref<128x128xf32, #tpu.memory_space<vmem>>) target(%dma_start3A_114 : memref<128x128xf32, #tpu.memory_space<hbm>>) target_semaphore(%run_scoped3A : memref<!tpu.dma_semaphore, #tpu.memory_space<semaphore_mem>>)
      %dma_wait3A_115 = arith.constant 0 : i32
      %dma_wait3A_116 = tpu.memref_slice %arg6[%add3A_96, %dma_wait3A_115] : memref<16384x128xf32, #tpu.memory_space<hbm>> -> memref<128x128xf32, #tpu.memory_space<hbm>>
      %dma_wait3A_117 = arith.constant 0 : i32
      %dma_wait3A_118 = tpu.memref_slice %arg6[%add3A_96, %dma_wait3A_117] : memref<16384x128xf32, #tpu.memory_space<hbm>> -> memref<128x128xf32, #tpu.memory_space<hbm>>
      tpu.wait_dma2 semaphore(%run_scoped3A : memref<!tpu.dma_semaphore, #tpu.memory_space<semaphore_mem>>) src(%arg17 : memref<128x128xf32, #tpu.memory_space<vmem>>) dst(%dma_wait3A_118 : memref<128x128xf32, #tpu.memory_space<hbm>>)
      tpu.yield
    }) : () -> ()
    %dma_wait3A_97 = arith.constant 0 : i32
    %dma_wait3A_98 = arith.constant 0 : i32
    %dma_wait3A_99 = tpu.memref_slice %arg2[%dma_wait3A_97, %dma_wait3A_98] : memref<10000x128xf32, #tpu.memory_space<hbm>> -> memref<10000x128xf32, #tpu.memory_space<hbm>>
    tpu.wait_indirect_dma semaphore(%arg19 : memref<!tpu.dma_semaphore, #tpu.memory_space<semaphore_mem>>) src(%dma_wait3A_99 : memref<10000x128xf32, #tpu.memory_space<hbm>>) dst(%arg16 : memref<128x128xf32, #tpu.memory_space<vmem>>)
    %mul3A_100 = arith.constant 512 : i32
    %mul3A_101 = arith.muli %add3A, %mul3A_100 : i32
    %add3A_102 = arith.constant 384 : i32
    %add3A_103 = arith.addi %mul3A_101, %add3A_102 : i32
    "tpu.region"() ({
      %run_scoped3A = tpu.sem_alloc : memref<!tpu.dma_semaphore, #tpu.memory_space<semaphore_mem>>
      %dma_start3A_111 = arith.constant 0 : i32
      %dma_start3A_112 = tpu.memref_slice %arg5[%add3A_103, %dma_start3A_111] : memref<16384x128xf32, #tpu.memory_space<hbm>> -> memref<128x128xf32, #tpu.memory_space<hbm>>
      %dma_start3A_113 = arith.constant 0 : i32
      %dma_start3A_114 = tpu.memref_slice %arg5[%add3A_103, %dma_start3A_113] : memref<16384x128xf32, #tpu.memory_space<hbm>> -> memref<128x128xf32, #tpu.memory_space<hbm>>
      tpu.enqueue_dma source(%arg16 : memref<128x128xf32, #tpu.memory_space<vmem>>) target(%dma_start3A_114 : memref<128x128xf32, #tpu.memory_space<hbm>>) target_semaphore(%run_scoped3A : memref<!tpu.dma_semaphore, #tpu.memory_space<semaphore_mem>>)
      %dma_wait3A_115 = arith.constant 0 : i32
      %dma_wait3A_116 = tpu.memref_slice %arg5[%add3A_103, %dma_wait3A_115] : memref<16384x128xf32, #tpu.memory_space<hbm>> -> memref<128x128xf32, #tpu.memory_space<hbm>>
      %dma_wait3A_117 = arith.constant 0 : i32
      %dma_wait3A_118 = tpu.memref_slice %arg5[%add3A_103, %dma_wait3A_117] : memref<16384x128xf32, #tpu.memory_space<hbm>> -> memref<128x128xf32, #tpu.memory_space<hbm>>
      tpu.wait_dma2 semaphore(%run_scoped3A : memref<!tpu.dma_semaphore, #tpu.memory_space<semaphore_mem>>) src(%arg16 : memref<128x128xf32, #tpu.memory_space<vmem>>) dst(%dma_wait3A_118 : memref<128x128xf32, #tpu.memory_space<hbm>>)
      tpu.yield
    }) : () -> ()
    %dma_wait3A_104 = arith.constant 0 : i32
    %dma_wait3A_105 = arith.constant 0 : i32
    %dma_wait3A_106 = tpu.memref_slice %arg2[%dma_wait3A_104, %dma_wait3A_105] : memref<10000x128xf32, #tpu.memory_space<hbm>> -> memref<10000x128xf32, #tpu.memory_space<hbm>>
    tpu.wait_indirect_dma semaphore(%arg20 : memref<!tpu.dma_semaphore, #tpu.memory_space<semaphore_mem>>) src(%dma_wait3A_106 : memref<10000x128xf32, #tpu.memory_space<hbm>>) dst(%arg18 : memref<128x128xf32, #tpu.memory_space<vmem>>)
    %mul3A_107 = arith.constant 512 : i32
    %mul3A_108 = arith.muli %add3A, %mul3A_107 : i32
    %add3A_109 = arith.constant 384 : i32
    %add3A_110 = arith.addi %mul3A_108, %add3A_109 : i32
    "tpu.region"() ({
      %run_scoped3A = tpu.sem_alloc : memref<!tpu.dma_semaphore, #tpu.memory_space<semaphore_mem>>
      %dma_start3A_111 = arith.constant 0 : i32
      %dma_start3A_112 = tpu.memref_slice %arg6[%add3A_110, %dma_start3A_111] : memref<16384x128xf32, #tpu.memory_space<hbm>> -> memref<128x128xf32, #tpu.memory_space<hbm>>
      %dma_start3A_113 = arith.constant 0 : i32
      %dma_start3A_114 = tpu.memref_slice %arg6[%add3A_110, %dma_start3A_113] : memref<16384x128xf32, #tpu.memory_space<hbm>> -> memref<128x128xf32, #tpu.memory_space<hbm>>
      tpu.enqueue_dma source(%arg18 : memref<128x128xf32, #tpu.memory_space<vmem>>) target(%dma_start3A_114 : memref<128x128xf32, #tpu.memory_space<hbm>>) target_semaphore(%run_scoped3A : memref<!tpu.dma_semaphore, #tpu.memory_space<semaphore_mem>>)
      %dma_wait3A_115 = arith.constant 0 : i32
      %dma_wait3A_116 = tpu.memref_slice %arg6[%add3A_110, %dma_wait3A_115] : memref<16384x128xf32, #tpu.memory_space<hbm>> -> memref<128x128xf32, #tpu.memory_space<hbm>>
      %dma_wait3A_117 = arith.constant 0 : i32
      %dma_wait3A_118 = tpu.memref_slice %arg6[%add3A_110, %dma_wait3A_117] : memref<16384x128xf32, #tpu.memory_space<hbm>> -> memref<128x128xf32, #tpu.memory_space<hbm>>
      tpu.wait_dma2 semaphore(%run_scoped3A : memref<!tpu.dma_semaphore, #tpu.memory_space<semaphore_mem>>) src(%arg18 : memref<128x128xf32, #tpu.memory_space<vmem>>) dst(%dma_wait3A_118 : memref<128x128xf32, #tpu.memory_space<hbm>>)
      tpu.yield
    }) : () -> ()
    return
  }
}

#map = affine_map<(d0, d1) -> (0, 0)>
#map1 = affine_map<(d0, d1) -> (0)>
#map2 = affine_map<(d0, d1) -> (0, 0, 0)>
module attributes {stable_mosaic.version = 14 : i64} {
  func.func @k(%arg0: i32, %arg1: i32, %arg2: memref<10000x128xf32, #tpu.memory_space<hbm>>, %arg3: memref<320000xi32, #tpu.memory_space<hbm>>, %arg4: memref<320000xi32, #tpu.memory_space<hbm>>, %arg5: memref<80x128xf32, #tpu.memory_space<hbm>>, %arg6: memref<2x10240x128xf32, #tpu.memory_space<hbm>>, %arg7: memref<80xi32, #tpu.memory_space<vmem>>, %arg8: memref<80xi32, #tpu.memory_space<vmem>>, %arg9: memref<80xi32, #tpu.memory_space<vmem>>, %arg10: memref<80xi32, #tpu.memory_space<vmem>>, %arg11: memref<80xi32, #tpu.memory_space<vmem>>, %arg12: memref<80xi32, #tpu.memory_space<vmem>>, %arg13: memref<80xi32, #tpu.memory_space<vmem>>, %arg14: memref<80xi32, #tpu.memory_space<vmem>>, %arg15: memref<80x128xf32, #tpu.memory_space<vmem>>, %arg16: memref<80x128xf32, #tpu.memory_space<vmem>>, %arg17: memref<10240x128xf32, #tpu.memory_space<vmem_shared>>, %arg18: memref<!tpu.dma_semaphore, #tpu.memory_space<semaphore_mem>>, %arg19: memref<!tpu.dma_semaphore, #tpu.memory_space<semaphore_mem>>, %arg20: memref<!tpu.dma_semaphore, #tpu.memory_space<semaphore_mem>>, %arg21: memref<!tpu.dma_semaphore, #tpu.memory_space<semaphore_mem>>, %arg22: memref<!tpu.dma_semaphore, #tpu.memory_space<semaphore_mem>>, %arg23: memref<!tpu.dma_semaphore, #tpu.memory_space<semaphore_mem>>) attributes {dimension_semantics = [#tpu.dimension_semantics<core_parallel>, #tpu.dimension_semantics<subcore_parallel>], iteration_bounds = array<i64: 2, 16>, scalar_prefetch = 0 : i64, scratch_operands = 17 : i64, tpu.core_type = #tpu.core_type<sc_vector_subcore>, window_params = [{transform_indices = #map}, {transform_indices = #map1}, {transform_indices = #map1}, {transform_indices = #map}, {transform_indices = #map2}]} {
    %mul3A = arith.constant 16 : i32
    %mul3A_0 = arith.muli %arg0, %mul3A : i32
    %add3A = arith.addi %mul3A_0, %arg1 : i32
    %mul3A_1 = arith.constant 10000 : i32
    %mul3A_2 = arith.muli %add3A, %mul3A_1 : i32
    "tpu.region"() ({
      %run_scoped3A = tpu.sem_alloc : memref<!tpu.dma_semaphore, #tpu.memory_space<semaphore_mem>>
      tpu.enqueue_dma source(%arg5 : memref<80x128xf32, #tpu.memory_space<hbm>>) target(%arg15 : memref<80x128xf32, #tpu.memory_space<vmem>>) target_semaphore(%run_scoped3A : memref<!tpu.dma_semaphore, #tpu.memory_space<semaphore_mem>>)
      tpu.wait_dma2 semaphore(%run_scoped3A : memref<!tpu.dma_semaphore, #tpu.memory_space<semaphore_mem>>) src(%arg5 : memref<80x128xf32, #tpu.memory_space<hbm>>) dst(%arg15 : memref<80x128xf32, #tpu.memory_space<vmem>>)
      tpu.yield
    }) : () -> ()
    %mul3A_3 = arith.constant 640 : i32
    %mul3A_4 = arith.muli %arg1, %mul3A_3 : i32
    %add3A_5 = arith.constant 0 : i32
    %add3A_6 = arith.addi %mul3A_4, %add3A_5 : i32
    "tpu.region"() ({
      %run_scoped3A = tpu.sem_alloc : memref<!tpu.dma_semaphore, #tpu.memory_space<semaphore_mem>>
      %dma_start3A_147 = arith.constant 0 : i32
      %dma_start3A_148 = tpu.memref_slice %arg17[%add3A_6, %dma_start3A_147] : memref<10240x128xf32, #tpu.memory_space<vmem_shared>> -> memref<80x128xf32, #tpu.memory_space<vmem_shared>>
      %dma_start3A_149 = arith.constant 0 : i32
      %dma_start3A_150 = tpu.memref_slice %arg17[%add3A_6, %dma_start3A_149] : memref<10240x128xf32, #tpu.memory_space<vmem_shared>> -> memref<80x128xf32, #tpu.memory_space<vmem_shared>>
      tpu.enqueue_dma source(%arg15 : memref<80x128xf32, #tpu.memory_space<vmem>>) target(%dma_start3A_150 : memref<80x128xf32, #tpu.memory_space<vmem_shared>>) target_semaphore(%run_scoped3A : memref<!tpu.dma_semaphore, #tpu.memory_space<semaphore_mem>>)
      %dma_wait3A_151 = arith.constant 0 : i32
      %dma_wait3A_152 = tpu.memref_slice %arg17[%add3A_6, %dma_wait3A_151] : memref<10240x128xf32, #tpu.memory_space<vmem_shared>> -> memref<80x128xf32, #tpu.memory_space<vmem_shared>>
      %dma_wait3A_153 = arith.constant 0 : i32
      %dma_wait3A_154 = tpu.memref_slice %arg17[%add3A_6, %dma_wait3A_153] : memref<10240x128xf32, #tpu.memory_space<vmem_shared>> -> memref<80x128xf32, #tpu.memory_space<vmem_shared>>
      tpu.wait_dma2 semaphore(%run_scoped3A : memref<!tpu.dma_semaphore, #tpu.memory_space<semaphore_mem>>) src(%arg15 : memref<80x128xf32, #tpu.memory_space<vmem>>) dst(%dma_wait3A_154 : memref<80x128xf32, #tpu.memory_space<vmem_shared>>)
      tpu.yield
    }) : () -> ()
    %mul3A_7 = arith.constant 640 : i32
    %mul3A_8 = arith.muli %arg1, %mul3A_7 : i32
    %add3A_9 = arith.constant 80 : i32
    %add3A_10 = arith.addi %mul3A_8, %add3A_9 : i32
    "tpu.region"() ({
      %run_scoped3A = tpu.sem_alloc : memref<!tpu.dma_semaphore, #tpu.memory_space<semaphore_mem>>
      %dma_start3A_147 = arith.constant 0 : i32
      %dma_start3A_148 = tpu.memref_slice %arg17[%add3A_10, %dma_start3A_147] : memref<10240x128xf32, #tpu.memory_space<vmem_shared>> -> memref<80x128xf32, #tpu.memory_space<vmem_shared>>
      %dma_start3A_149 = arith.constant 0 : i32
      %dma_start3A_150 = tpu.memref_slice %arg17[%add3A_10, %dma_start3A_149] : memref<10240x128xf32, #tpu.memory_space<vmem_shared>> -> memref<80x128xf32, #tpu.memory_space<vmem_shared>>
      tpu.enqueue_dma source(%arg15 : memref<80x128xf32, #tpu.memory_space<vmem>>) target(%dma_start3A_150 : memref<80x128xf32, #tpu.memory_space<vmem_shared>>) target_semaphore(%run_scoped3A : memref<!tpu.dma_semaphore, #tpu.memory_space<semaphore_mem>>)
      %dma_wait3A_151 = arith.constant 0 : i32
      %dma_wait3A_152 = tpu.memref_slice %arg17[%add3A_10, %dma_wait3A_151] : memref<10240x128xf32, #tpu.memory_space<vmem_shared>> -> memref<80x128xf32, #tpu.memory_space<vmem_shared>>
      %dma_wait3A_153 = arith.constant 0 : i32
      %dma_wait3A_154 = tpu.memref_slice %arg17[%add3A_10, %dma_wait3A_153] : memref<10240x128xf32, #tpu.memory_space<vmem_shared>> -> memref<80x128xf32, #tpu.memory_space<vmem_shared>>
      tpu.wait_dma2 semaphore(%run_scoped3A : memref<!tpu.dma_semaphore, #tpu.memory_space<semaphore_mem>>) src(%arg15 : memref<80x128xf32, #tpu.memory_space<vmem>>) dst(%dma_wait3A_154 : memref<80x128xf32, #tpu.memory_space<vmem_shared>>)
      tpu.yield
    }) : () -> ()
    %mul3A_11 = arith.constant 640 : i32
    %mul3A_12 = arith.muli %arg1, %mul3A_11 : i32
    %add3A_13 = arith.constant 160 : i32
    %add3A_14 = arith.addi %mul3A_12, %add3A_13 : i32
    "tpu.region"() ({
      %run_scoped3A = tpu.sem_alloc : memref<!tpu.dma_semaphore, #tpu.memory_space<semaphore_mem>>
      %dma_start3A_147 = arith.constant 0 : i32
      %dma_start3A_148 = tpu.memref_slice %arg17[%add3A_14, %dma_start3A_147] : memref<10240x128xf32, #tpu.memory_space<vmem_shared>> -> memref<80x128xf32, #tpu.memory_space<vmem_shared>>
      %dma_start3A_149 = arith.constant 0 : i32
      %dma_start3A_150 = tpu.memref_slice %arg17[%add3A_14, %dma_start3A_149] : memref<10240x128xf32, #tpu.memory_space<vmem_shared>> -> memref<80x128xf32, #tpu.memory_space<vmem_shared>>
      tpu.enqueue_dma source(%arg15 : memref<80x128xf32, #tpu.memory_space<vmem>>) target(%dma_start3A_150 : memref<80x128xf32, #tpu.memory_space<vmem_shared>>) target_semaphore(%run_scoped3A : memref<!tpu.dma_semaphore, #tpu.memory_space<semaphore_mem>>)
      %dma_wait3A_151 = arith.constant 0 : i32
      %dma_wait3A_152 = tpu.memref_slice %arg17[%add3A_14, %dma_wait3A_151] : memref<10240x128xf32, #tpu.memory_space<vmem_shared>> -> memref<80x128xf32, #tpu.memory_space<vmem_shared>>
      %dma_wait3A_153 = arith.constant 0 : i32
      %dma_wait3A_154 = tpu.memref_slice %arg17[%add3A_14, %dma_wait3A_153] : memref<10240x128xf32, #tpu.memory_space<vmem_shared>> -> memref<80x128xf32, #tpu.memory_space<vmem_shared>>
      tpu.wait_dma2 semaphore(%run_scoped3A : memref<!tpu.dma_semaphore, #tpu.memory_space<semaphore_mem>>) src(%arg15 : memref<80x128xf32, #tpu.memory_space<vmem>>) dst(%dma_wait3A_154 : memref<80x128xf32, #tpu.memory_space<vmem_shared>>)
      tpu.yield
    }) : () -> ()
    %mul3A_15 = arith.constant 640 : i32
    %mul3A_16 = arith.muli %arg1, %mul3A_15 : i32
    %add3A_17 = arith.constant 240 : i32
    %add3A_18 = arith.addi %mul3A_16, %add3A_17 : i32
    "tpu.region"() ({
      %run_scoped3A = tpu.sem_alloc : memref<!tpu.dma_semaphore, #tpu.memory_space<semaphore_mem>>
      %dma_start3A_147 = arith.constant 0 : i32
      %dma_start3A_148 = tpu.memref_slice %arg17[%add3A_18, %dma_start3A_147] : memref<10240x128xf32, #tpu.memory_space<vmem_shared>> -> memref<80x128xf32, #tpu.memory_space<vmem_shared>>
      %dma_start3A_149 = arith.constant 0 : i32
      %dma_start3A_150 = tpu.memref_slice %arg17[%add3A_18, %dma_start3A_149] : memref<10240x128xf32, #tpu.memory_space<vmem_shared>> -> memref<80x128xf32, #tpu.memory_space<vmem_shared>>
      tpu.enqueue_dma source(%arg15 : memref<80x128xf32, #tpu.memory_space<vmem>>) target(%dma_start3A_150 : memref<80x128xf32, #tpu.memory_space<vmem_shared>>) target_semaphore(%run_scoped3A : memref<!tpu.dma_semaphore, #tpu.memory_space<semaphore_mem>>)
      %dma_wait3A_151 = arith.constant 0 : i32
      %dma_wait3A_152 = tpu.memref_slice %arg17[%add3A_18, %dma_wait3A_151] : memref<10240x128xf32, #tpu.memory_space<vmem_shared>> -> memref<80x128xf32, #tpu.memory_space<vmem_shared>>
      %dma_wait3A_153 = arith.constant 0 : i32
      %dma_wait3A_154 = tpu.memref_slice %arg17[%add3A_18, %dma_wait3A_153] : memref<10240x128xf32, #tpu.memory_space<vmem_shared>> -> memref<80x128xf32, #tpu.memory_space<vmem_shared>>
      tpu.wait_dma2 semaphore(%run_scoped3A : memref<!tpu.dma_semaphore, #tpu.memory_space<semaphore_mem>>) src(%arg15 : memref<80x128xf32, #tpu.memory_space<vmem>>) dst(%dma_wait3A_154 : memref<80x128xf32, #tpu.memory_space<vmem_shared>>)
      tpu.yield
    }) : () -> ()
    %mul3A_19 = arith.constant 640 : i32
    %mul3A_20 = arith.muli %arg1, %mul3A_19 : i32
    %add3A_21 = arith.constant 320 : i32
    %add3A_22 = arith.addi %mul3A_20, %add3A_21 : i32
    "tpu.region"() ({
      %run_scoped3A = tpu.sem_alloc : memref<!tpu.dma_semaphore, #tpu.memory_space<semaphore_mem>>
      %dma_start3A_147 = arith.constant 0 : i32
      %dma_start3A_148 = tpu.memref_slice %arg17[%add3A_22, %dma_start3A_147] : memref<10240x128xf32, #tpu.memory_space<vmem_shared>> -> memref<80x128xf32, #tpu.memory_space<vmem_shared>>
      %dma_start3A_149 = arith.constant 0 : i32
      %dma_start3A_150 = tpu.memref_slice %arg17[%add3A_22, %dma_start3A_149] : memref<10240x128xf32, #tpu.memory_space<vmem_shared>> -> memref<80x128xf32, #tpu.memory_space<vmem_shared>>
      tpu.enqueue_dma source(%arg15 : memref<80x128xf32, #tpu.memory_space<vmem>>) target(%dma_start3A_150 : memref<80x128xf32, #tpu.memory_space<vmem_shared>>) target_semaphore(%run_scoped3A : memref<!tpu.dma_semaphore, #tpu.memory_space<semaphore_mem>>)
      %dma_wait3A_151 = arith.constant 0 : i32
      %dma_wait3A_152 = tpu.memref_slice %arg17[%add3A_22, %dma_wait3A_151] : memref<10240x128xf32, #tpu.memory_space<vmem_shared>> -> memref<80x128xf32, #tpu.memory_space<vmem_shared>>
      %dma_wait3A_153 = arith.constant 0 : i32
      %dma_wait3A_154 = tpu.memref_slice %arg17[%add3A_22, %dma_wait3A_153] : memref<10240x128xf32, #tpu.memory_space<vmem_shared>> -> memref<80x128xf32, #tpu.memory_space<vmem_shared>>
      tpu.wait_dma2 semaphore(%run_scoped3A : memref<!tpu.dma_semaphore, #tpu.memory_space<semaphore_mem>>) src(%arg15 : memref<80x128xf32, #tpu.memory_space<vmem>>) dst(%dma_wait3A_154 : memref<80x128xf32, #tpu.memory_space<vmem_shared>>)
      tpu.yield
    }) : () -> ()
    %mul3A_23 = arith.constant 640 : i32
    %mul3A_24 = arith.muli %arg1, %mul3A_23 : i32
    %add3A_25 = arith.constant 400 : i32
    %add3A_26 = arith.addi %mul3A_24, %add3A_25 : i32
    "tpu.region"() ({
      %run_scoped3A = tpu.sem_alloc : memref<!tpu.dma_semaphore, #tpu.memory_space<semaphore_mem>>
      %dma_start3A_147 = arith.constant 0 : i32
      %dma_start3A_148 = tpu.memref_slice %arg17[%add3A_26, %dma_start3A_147] : memref<10240x128xf32, #tpu.memory_space<vmem_shared>> -> memref<80x128xf32, #tpu.memory_space<vmem_shared>>
      %dma_start3A_149 = arith.constant 0 : i32
      %dma_start3A_150 = tpu.memref_slice %arg17[%add3A_26, %dma_start3A_149] : memref<10240x128xf32, #tpu.memory_space<vmem_shared>> -> memref<80x128xf32, #tpu.memory_space<vmem_shared>>
      tpu.enqueue_dma source(%arg15 : memref<80x128xf32, #tpu.memory_space<vmem>>) target(%dma_start3A_150 : memref<80x128xf32, #tpu.memory_space<vmem_shared>>) target_semaphore(%run_scoped3A : memref<!tpu.dma_semaphore, #tpu.memory_space<semaphore_mem>>)
      %dma_wait3A_151 = arith.constant 0 : i32
      %dma_wait3A_152 = tpu.memref_slice %arg17[%add3A_26, %dma_wait3A_151] : memref<10240x128xf32, #tpu.memory_space<vmem_shared>> -> memref<80x128xf32, #tpu.memory_space<vmem_shared>>
      %dma_wait3A_153 = arith.constant 0 : i32
      %dma_wait3A_154 = tpu.memref_slice %arg17[%add3A_26, %dma_wait3A_153] : memref<10240x128xf32, #tpu.memory_space<vmem_shared>> -> memref<80x128xf32, #tpu.memory_space<vmem_shared>>
      tpu.wait_dma2 semaphore(%run_scoped3A : memref<!tpu.dma_semaphore, #tpu.memory_space<semaphore_mem>>) src(%arg15 : memref<80x128xf32, #tpu.memory_space<vmem>>) dst(%dma_wait3A_154 : memref<80x128xf32, #tpu.memory_space<vmem_shared>>)
      tpu.yield
    }) : () -> ()
    %mul3A_27 = arith.constant 640 : i32
    %mul3A_28 = arith.muli %arg1, %mul3A_27 : i32
    %add3A_29 = arith.constant 480 : i32
    %add3A_30 = arith.addi %mul3A_28, %add3A_29 : i32
    "tpu.region"() ({
      %run_scoped3A = tpu.sem_alloc : memref<!tpu.dma_semaphore, #tpu.memory_space<semaphore_mem>>
      %dma_start3A_147 = arith.constant 0 : i32
      %dma_start3A_148 = tpu.memref_slice %arg17[%add3A_30, %dma_start3A_147] : memref<10240x128xf32, #tpu.memory_space<vmem_shared>> -> memref<80x128xf32, #tpu.memory_space<vmem_shared>>
      %dma_start3A_149 = arith.constant 0 : i32
      %dma_start3A_150 = tpu.memref_slice %arg17[%add3A_30, %dma_start3A_149] : memref<10240x128xf32, #tpu.memory_space<vmem_shared>> -> memref<80x128xf32, #tpu.memory_space<vmem_shared>>
      tpu.enqueue_dma source(%arg15 : memref<80x128xf32, #tpu.memory_space<vmem>>) target(%dma_start3A_150 : memref<80x128xf32, #tpu.memory_space<vmem_shared>>) target_semaphore(%run_scoped3A : memref<!tpu.dma_semaphore, #tpu.memory_space<semaphore_mem>>)
      %dma_wait3A_151 = arith.constant 0 : i32
      %dma_wait3A_152 = tpu.memref_slice %arg17[%add3A_30, %dma_wait3A_151] : memref<10240x128xf32, #tpu.memory_space<vmem_shared>> -> memref<80x128xf32, #tpu.memory_space<vmem_shared>>
      %dma_wait3A_153 = arith.constant 0 : i32
      %dma_wait3A_154 = tpu.memref_slice %arg17[%add3A_30, %dma_wait3A_153] : memref<10240x128xf32, #tpu.memory_space<vmem_shared>> -> memref<80x128xf32, #tpu.memory_space<vmem_shared>>
      tpu.wait_dma2 semaphore(%run_scoped3A : memref<!tpu.dma_semaphore, #tpu.memory_space<semaphore_mem>>) src(%arg15 : memref<80x128xf32, #tpu.memory_space<vmem>>) dst(%dma_wait3A_154 : memref<80x128xf32, #tpu.memory_space<vmem_shared>>)
      tpu.yield
    }) : () -> ()
    %mul3A_31 = arith.constant 640 : i32
    %mul3A_32 = arith.muli %arg1, %mul3A_31 : i32
    %add3A_33 = arith.constant 560 : i32
    %add3A_34 = arith.addi %mul3A_32, %add3A_33 : i32
    "tpu.region"() ({
      %run_scoped3A = tpu.sem_alloc : memref<!tpu.dma_semaphore, #tpu.memory_space<semaphore_mem>>
      %dma_start3A_147 = arith.constant 0 : i32
      %dma_start3A_148 = tpu.memref_slice %arg17[%add3A_34, %dma_start3A_147] : memref<10240x128xf32, #tpu.memory_space<vmem_shared>> -> memref<80x128xf32, #tpu.memory_space<vmem_shared>>
      %dma_start3A_149 = arith.constant 0 : i32
      %dma_start3A_150 = tpu.memref_slice %arg17[%add3A_34, %dma_start3A_149] : memref<10240x128xf32, #tpu.memory_space<vmem_shared>> -> memref<80x128xf32, #tpu.memory_space<vmem_shared>>
      tpu.enqueue_dma source(%arg15 : memref<80x128xf32, #tpu.memory_space<vmem>>) target(%dma_start3A_150 : memref<80x128xf32, #tpu.memory_space<vmem_shared>>) target_semaphore(%run_scoped3A : memref<!tpu.dma_semaphore, #tpu.memory_space<semaphore_mem>>)
      %dma_wait3A_151 = arith.constant 0 : i32
      %dma_wait3A_152 = tpu.memref_slice %arg17[%add3A_34, %dma_wait3A_151] : memref<10240x128xf32, #tpu.memory_space<vmem_shared>> -> memref<80x128xf32, #tpu.memory_space<vmem_shared>>
      %dma_wait3A_153 = arith.constant 0 : i32
      %dma_wait3A_154 = tpu.memref_slice %arg17[%add3A_34, %dma_wait3A_153] : memref<10240x128xf32, #tpu.memory_space<vmem_shared>> -> memref<80x128xf32, #tpu.memory_space<vmem_shared>>
      tpu.wait_dma2 semaphore(%run_scoped3A : memref<!tpu.dma_semaphore, #tpu.memory_space<semaphore_mem>>) src(%arg15 : memref<80x128xf32, #tpu.memory_space<vmem>>) dst(%dma_wait3A_154 : memref<80x128xf32, #tpu.memory_space<vmem_shared>>)
      tpu.yield
    }) : () -> ()
    %barrier3A = arith.constant 0 : index
    tpu.barrier barrier_id(%barrier3A)
    %add3A_35 = arith.constant 0 : i32
    %add3A_36 = arith.addi %mul3A_2, %add3A_35 : i32
    "tpu.region"() ({
      %run_scoped3A = tpu.sem_alloc : memref<!tpu.dma_semaphore, #tpu.memory_space<semaphore_mem>>
      %dma_start3A_147 = tpu.memref_slice %arg3[%add3A_36] : memref<320000xi32, #tpu.memory_space<hbm>> -> memref<80xi32, #tpu.memory_space<hbm>>
      %dma_start3A_148 = tpu.memref_slice %arg3[%add3A_36] : memref<320000xi32, #tpu.memory_space<hbm>> -> memref<80xi32, #tpu.memory_space<hbm>>
      tpu.enqueue_dma source(%dma_start3A_148 : memref<80xi32, #tpu.memory_space<hbm>>) target(%arg7 : memref<80xi32, #tpu.memory_space<vmem>>) target_semaphore(%run_scoped3A : memref<!tpu.dma_semaphore, #tpu.memory_space<semaphore_mem>>)
      %dma_wait3A_149 = tpu.memref_slice %arg3[%add3A_36] : memref<320000xi32, #tpu.memory_space<hbm>> -> memref<80xi32, #tpu.memory_space<hbm>>
      %dma_wait3A_150 = tpu.memref_slice %arg3[%add3A_36] : memref<320000xi32, #tpu.memory_space<hbm>> -> memref<80xi32, #tpu.memory_space<hbm>>
      tpu.wait_dma2 semaphore(%run_scoped3A : memref<!tpu.dma_semaphore, #tpu.memory_space<semaphore_mem>>) src(%dma_wait3A_150 : memref<80xi32, #tpu.memory_space<hbm>>) dst(%arg7 : memref<80xi32, #tpu.memory_space<vmem>>)
      tpu.yield
    }) : () -> ()
    %add3A_37 = arith.constant 0 : i32
    %add3A_38 = arith.addi %mul3A_2, %add3A_37 : i32
    "tpu.region"() ({
      %run_scoped3A = tpu.sem_alloc : memref<!tpu.dma_semaphore, #tpu.memory_space<semaphore_mem>>
      %dma_start3A_147 = tpu.memref_slice %arg4[%add3A_38] : memref<320000xi32, #tpu.memory_space<hbm>> -> memref<80xi32, #tpu.memory_space<hbm>>
      %dma_start3A_148 = tpu.memref_slice %arg4[%add3A_38] : memref<320000xi32, #tpu.memory_space<hbm>> -> memref<80xi32, #tpu.memory_space<hbm>>
      tpu.enqueue_dma source(%dma_start3A_148 : memref<80xi32, #tpu.memory_space<hbm>>) target(%arg11 : memref<80xi32, #tpu.memory_space<vmem>>) target_semaphore(%run_scoped3A : memref<!tpu.dma_semaphore, #tpu.memory_space<semaphore_mem>>)
      %dma_wait3A_149 = tpu.memref_slice %arg4[%add3A_38] : memref<320000xi32, #tpu.memory_space<hbm>> -> memref<80xi32, #tpu.memory_space<hbm>>
      %dma_wait3A_150 = tpu.memref_slice %arg4[%add3A_38] : memref<320000xi32, #tpu.memory_space<hbm>> -> memref<80xi32, #tpu.memory_space<hbm>>
      tpu.wait_dma2 semaphore(%run_scoped3A : memref<!tpu.dma_semaphore, #tpu.memory_space<semaphore_mem>>) src(%dma_wait3A_150 : memref<80xi32, #tpu.memory_space<hbm>>) dst(%arg11 : memref<80xi32, #tpu.memory_space<vmem>>)
      tpu.yield
    }) : () -> ()
    %add3A_39 = arith.constant 80 : i32
    %add3A_40 = arith.addi %mul3A_2, %add3A_39 : i32
    "tpu.region"() ({
      %run_scoped3A = tpu.sem_alloc : memref<!tpu.dma_semaphore, #tpu.memory_space<semaphore_mem>>
      %dma_start3A_147 = tpu.memref_slice %arg3[%add3A_40] : memref<320000xi32, #tpu.memory_space<hbm>> -> memref<80xi32, #tpu.memory_space<hbm>>
      %dma_start3A_148 = tpu.memref_slice %arg3[%add3A_40] : memref<320000xi32, #tpu.memory_space<hbm>> -> memref<80xi32, #tpu.memory_space<hbm>>
      tpu.enqueue_dma source(%dma_start3A_148 : memref<80xi32, #tpu.memory_space<hbm>>) target(%arg8 : memref<80xi32, #tpu.memory_space<vmem>>) target_semaphore(%run_scoped3A : memref<!tpu.dma_semaphore, #tpu.memory_space<semaphore_mem>>)
      %dma_wait3A_149 = tpu.memref_slice %arg3[%add3A_40] : memref<320000xi32, #tpu.memory_space<hbm>> -> memref<80xi32, #tpu.memory_space<hbm>>
      %dma_wait3A_150 = tpu.memref_slice %arg3[%add3A_40] : memref<320000xi32, #tpu.memory_space<hbm>> -> memref<80xi32, #tpu.memory_space<hbm>>
      tpu.wait_dma2 semaphore(%run_scoped3A : memref<!tpu.dma_semaphore, #tpu.memory_space<semaphore_mem>>) src(%dma_wait3A_150 : memref<80xi32, #tpu.memory_space<hbm>>) dst(%arg8 : memref<80xi32, #tpu.memory_space<vmem>>)
      tpu.yield
    }) : () -> ()
    %add3A_41 = arith.constant 80 : i32
    %add3A_42 = arith.addi %mul3A_2, %add3A_41 : i32
    "tpu.region"() ({
      %run_scoped3A = tpu.sem_alloc : memref<!tpu.dma_semaphore, #tpu.memory_space<semaphore_mem>>
      %dma_start3A_147 = tpu.memref_slice %arg4[%add3A_42] : memref<320000xi32, #tpu.memory_space<hbm>> -> memref<80xi32, #tpu.memory_space<hbm>>
      %dma_start3A_148 = tpu.memref_slice %arg4[%add3A_42] : memref<320000xi32, #tpu.memory_space<hbm>> -> memref<80xi32, #tpu.memory_space<hbm>>
      tpu.enqueue_dma source(%dma_start3A_148 : memref<80xi32, #tpu.memory_space<hbm>>) target(%arg12 : memref<80xi32, #tpu.memory_space<vmem>>) target_semaphore(%run_scoped3A : memref<!tpu.dma_semaphore, #tpu.memory_space<semaphore_mem>>)
      %dma_wait3A_149 = tpu.memref_slice %arg4[%add3A_42] : memref<320000xi32, #tpu.memory_space<hbm>> -> memref<80xi32, #tpu.memory_space<hbm>>
      %dma_wait3A_150 = tpu.memref_slice %arg4[%add3A_42] : memref<320000xi32, #tpu.memory_space<hbm>> -> memref<80xi32, #tpu.memory_space<hbm>>
      tpu.wait_dma2 semaphore(%run_scoped3A : memref<!tpu.dma_semaphore, #tpu.memory_space<semaphore_mem>>) src(%dma_wait3A_150 : memref<80xi32, #tpu.memory_space<hbm>>) dst(%arg12 : memref<80xi32, #tpu.memory_space<vmem>>)
      tpu.yield
    }) : () -> ()
    %add3A_43 = arith.constant 160 : i32
    %add3A_44 = arith.addi %mul3A_2, %add3A_43 : i32
    %dma_start3A = tpu.memref_slice %arg3[%add3A_44] : memref<320000xi32, #tpu.memory_space<hbm>> -> memref<80xi32, #tpu.memory_space<hbm>>
    %dma_start3A_45 = tpu.memref_slice %arg3[%add3A_44] : memref<320000xi32, #tpu.memory_space<hbm>> -> memref<80xi32, #tpu.memory_space<hbm>>
    tpu.enqueue_dma source(%dma_start3A_45 : memref<80xi32, #tpu.memory_space<hbm>>) target(%arg9 : memref<80xi32, #tpu.memory_space<vmem>>) target_semaphore(%arg22 : memref<!tpu.dma_semaphore, #tpu.memory_space<semaphore_mem>>)
    %add3A_46 = arith.constant 160 : i32
    %add3A_47 = arith.addi %mul3A_2, %add3A_46 : i32
    %dma_start3A_48 = tpu.memref_slice %arg4[%add3A_47] : memref<320000xi32, #tpu.memory_space<hbm>> -> memref<80xi32, #tpu.memory_space<hbm>>
    %dma_start3A_49 = tpu.memref_slice %arg4[%add3A_47] : memref<320000xi32, #tpu.memory_space<hbm>> -> memref<80xi32, #tpu.memory_space<hbm>>
    tpu.enqueue_dma source(%dma_start3A_49 : memref<80xi32, #tpu.memory_space<hbm>>) target(%arg13 : memref<80xi32, #tpu.memory_space<vmem>>) target_semaphore(%arg22 : memref<!tpu.dma_semaphore, #tpu.memory_space<semaphore_mem>>)
    %add3A_50 = arith.constant 240 : i32
    %add3A_51 = arith.addi %mul3A_2, %add3A_50 : i32
    %dma_start3A_52 = tpu.memref_slice %arg3[%add3A_51] : memref<320000xi32, #tpu.memory_space<hbm>> -> memref<80xi32, #tpu.memory_space<hbm>>
    %dma_start3A_53 = tpu.memref_slice %arg3[%add3A_51] : memref<320000xi32, #tpu.memory_space<hbm>> -> memref<80xi32, #tpu.memory_space<hbm>>
    tpu.enqueue_dma source(%dma_start3A_53 : memref<80xi32, #tpu.memory_space<hbm>>) target(%arg10 : memref<80xi32, #tpu.memory_space<vmem>>) target_semaphore(%arg23 : memref<!tpu.dma_semaphore, #tpu.memory_space<semaphore_mem>>)
    %add3A_54 = arith.constant 240 : i32
    %add3A_55 = arith.addi %mul3A_2, %add3A_54 : i32
    %dma_start3A_56 = tpu.memref_slice %arg4[%add3A_55] : memref<320000xi32, #tpu.memory_space<hbm>> -> memref<80xi32, #tpu.memory_space<hbm>>
    %dma_start3A_57 = tpu.memref_slice %arg4[%add3A_55] : memref<320000xi32, #tpu.memory_space<hbm>> -> memref<80xi32, #tpu.memory_space<hbm>>
    tpu.enqueue_dma source(%dma_start3A_57 : memref<80xi32, #tpu.memory_space<hbm>>) target(%arg14 : memref<80xi32, #tpu.memory_space<vmem>>) target_semaphore(%arg23 : memref<!tpu.dma_semaphore, #tpu.memory_space<semaphore_mem>>)
    %dma_start3A_58 = arith.constant 0 : i32
    %dma_start3A_59 = arith.constant 0 : i32
    %dma_start3A_60 = tpu.memref_slice %arg2[%dma_start3A_58, %dma_start3A_59] : memref<10000x128xf32, #tpu.memory_space<hbm>> -> memref<10000x128xf32, #tpu.memory_space<hbm>>
    tpu.enqueue_indirect_dma source(%dma_start3A_60 : memref<10000x128xf32, #tpu.memory_space<hbm>>) target(%arg15 : memref<80x128xf32, #tpu.memory_space<vmem>>) offsets(%arg7 : memref<80xi32, #tpu.memory_space<vmem>>) semaphore(%arg18 : memref<!tpu.dma_semaphore, #tpu.memory_space<semaphore_mem>>)
    %dma_start3A_61 = arith.constant 0 : i32
    %dma_start3A_62 = arith.constant 0 : i32
    %dma_start3A_63 = tpu.memref_slice %arg2[%dma_start3A_61, %dma_start3A_62] : memref<10000x128xf32, #tpu.memory_space<hbm>> -> memref<10000x128xf32, #tpu.memory_space<hbm>>
    tpu.enqueue_indirect_dma source(%dma_start3A_63 : memref<10000x128xf32, #tpu.memory_space<hbm>>) target(%arg16 : memref<80x128xf32, #tpu.memory_space<vmem>>) offsets(%arg8 : memref<80xi32, #tpu.memory_space<vmem>>) semaphore(%arg19 : memref<!tpu.dma_semaphore, #tpu.memory_space<semaphore_mem>>)
    %scan3A = arith.constant 0 : i32
    %scan3A_64 = arith.constant 0 : i32
    %scan3A_65 = arith.constant 31 : i32
    %scan3A_66 = arith.addi %scan3A_64, %scan3A_65 : i32
    %scan3A_67 = arith.constant 1 : i32
    scf.for %scan3A_147 = %scan3A_64 to %scan3A_66 step %scan3A_67  : i32 {
      %mul3A_148 = arith.constant 4 : i32
      %mul3A_149 = arith.muli %mul3A_148, %scan3A_147 : i32
      %add3A_150 = arith.constant 4 : i32
      %add3A_151 = arith.addi %mul3A_149, %add3A_150 : i32
      %min3A = arith.constant 124 : i32
      %min3A_152 = arith.minsi %add3A_151, %min3A : i32
      %mul3A_153 = arith.constant 4 : i32
      %mul3A_154 = arith.muli %mul3A_153, %scan3A_147 : i32
      %add3A_155 = arith.constant 5 : i32
      %add3A_156 = arith.addi %mul3A_154, %add3A_155 : i32
      %min3A_157 = arith.constant 124 : i32
      %min3A_158 = arith.minsi %add3A_156, %min3A_157 : i32
      %mul3A_159 = arith.constant 4 : i32
      %mul3A_160 = arith.muli %mul3A_159, %scan3A_147 : i32
      %add3A_161 = arith.constant 6 : i32
      %add3A_162 = arith.addi %mul3A_160, %add3A_161 : i32
      %min3A_163 = arith.constant 124 : i32
      %min3A_164 = arith.minsi %add3A_162, %min3A_163 : i32
      %mul3A_165 = arith.constant 4 : i32
      %mul3A_166 = arith.muli %mul3A_165, %scan3A_147 : i32
      %add3A_167 = arith.constant 7 : i32
      %add3A_168 = arith.addi %mul3A_166, %add3A_167 : i32
      %min3A_169 = arith.constant 124 : i32
      %min3A_170 = arith.minsi %add3A_168, %min3A_169 : i32
      %dma_wait3A_171 = arith.constant 0 : i32
      %dma_wait3A_172 = arith.constant 0 : i32
      %dma_wait3A_173 = tpu.memref_slice %arg2[%dma_wait3A_171, %dma_wait3A_172] : memref<10000x128xf32, #tpu.memory_space<hbm>> -> memref<10000x128xf32, #tpu.memory_space<hbm>>
      tpu.wait_indirect_dma semaphore(%arg18 : memref<!tpu.dma_semaphore, #tpu.memory_space<semaphore_mem>>) src(%dma_wait3A_173 : memref<10000x128xf32, #tpu.memory_space<hbm>>) dst(%arg15 : memref<80x128xf32, #tpu.memory_space<vmem>>)
      "tpu.region"() ({
        %run_scoped3A = tpu.sem_alloc : memref<!tpu.dma_semaphore, #tpu.memory_space<semaphore_mem>>
        %dma_start3A_251 = arith.constant 0 : i32
        %dma_start3A_252 = arith.constant 0 : i32
        %dma_start3A_253 = tpu.memref_slice %arg17[%dma_start3A_251, %dma_start3A_252] : memref<10240x128xf32, #tpu.memory_space<vmem_shared>> -> memref<10240x128xf32, #tpu.memory_space<vmem_shared>>
        tpu.enqueue_indirect_dma source(%arg15 : memref<80x128xf32, #tpu.memory_space<vmem>>) target(%dma_start3A_253 : memref<10240x128xf32, #tpu.memory_space<vmem_shared>>) offsets(%arg11 : memref<80xi32, #tpu.memory_space<vmem>>) semaphore(%run_scoped3A : memref<!tpu.dma_semaphore, #tpu.memory_space<semaphore_mem>>) {add = true}
        %dma_wait3A_254 = arith.constant 0 : i32
        %dma_wait3A_255 = arith.constant 0 : i32
        %dma_wait3A_256 = tpu.memref_slice %arg17[%dma_wait3A_254, %dma_wait3A_255] : memref<10240x128xf32, #tpu.memory_space<vmem_shared>> -> memref<10240x128xf32, #tpu.memory_space<vmem_shared>>
        tpu.wait_indirect_dma semaphore(%run_scoped3A : memref<!tpu.dma_semaphore, #tpu.memory_space<semaphore_mem>>) src(%arg15 : memref<80x128xf32, #tpu.memory_space<vmem>>) dst(%dma_wait3A_256 : memref<10240x128xf32, #tpu.memory_space<vmem_shared>>)
        tpu.yield
      }) : () -> ()
      %mul3A_174 = arith.constant 80 : i32
      %mul3A_175 = arith.muli %min3A_152, %mul3A_174 : i32
      %add3A_176 = arith.addi %mul3A_2, %mul3A_175 : i32
      %dma_start3A_177 = tpu.memref_slice %arg3[%add3A_176] : memref<320000xi32, #tpu.memory_space<hbm>> -> memref<80xi32, #tpu.memory_space<hbm>>
      %dma_start3A_178 = tpu.memref_slice %arg3[%add3A_176] : memref<320000xi32, #tpu.memory_space<hbm>> -> memref<80xi32, #tpu.memory_space<hbm>>
      tpu.enqueue_dma source(%dma_start3A_178 : memref<80xi32, #tpu.memory_space<hbm>>) target(%arg7 : memref<80xi32, #tpu.memory_space<vmem>>) target_semaphore(%arg20 : memref<!tpu.dma_semaphore, #tpu.memory_space<semaphore_mem>>)
      %mul3A_179 = arith.constant 80 : i32
      %mul3A_180 = arith.muli %min3A_152, %mul3A_179 : i32
      %add3A_181 = arith.addi %mul3A_2, %mul3A_180 : i32
      %dma_start3A_182 = tpu.memref_slice %arg4[%add3A_181] : memref<320000xi32, #tpu.memory_space<hbm>> -> memref<80xi32, #tpu.memory_space<hbm>>
      %dma_start3A_183 = tpu.memref_slice %arg4[%add3A_181] : memref<320000xi32, #tpu.memory_space<hbm>> -> memref<80xi32, #tpu.memory_space<hbm>>
      tpu.enqueue_dma source(%dma_start3A_183 : memref<80xi32, #tpu.memory_space<hbm>>) target(%arg11 : memref<80xi32, #tpu.memory_space<vmem>>) target_semaphore(%arg20 : memref<!tpu.dma_semaphore, #tpu.memory_space<semaphore_mem>>)
      %dma_wait3A_184 = tpu.memref_slice %arg3[%mul3A_2] : memref<320000xi32, #tpu.memory_space<hbm>> -> memref<80xi32, #tpu.memory_space<hbm>>
      %dma_wait3A_185 = tpu.memref_slice %arg3[%mul3A_2] : memref<320000xi32, #tpu.memory_space<hbm>> -> memref<80xi32, #tpu.memory_space<hbm>>
      tpu.wait_dma2 semaphore(%arg22 : memref<!tpu.dma_semaphore, #tpu.memory_space<semaphore_mem>>) src(%dma_wait3A_185 : memref<80xi32, #tpu.memory_space<hbm>>) dst(%arg9 : memref<80xi32, #tpu.memory_space<vmem>>)
      %dma_wait3A_186 = tpu.memref_slice %arg4[%mul3A_2] : memref<320000xi32, #tpu.memory_space<hbm>> -> memref<80xi32, #tpu.memory_space<hbm>>
      %dma_wait3A_187 = tpu.memref_slice %arg4[%mul3A_2] : memref<320000xi32, #tpu.memory_space<hbm>> -> memref<80xi32, #tpu.memory_space<hbm>>
      tpu.wait_dma2 semaphore(%arg22 : memref<!tpu.dma_semaphore, #tpu.memory_space<semaphore_mem>>) src(%dma_wait3A_187 : memref<80xi32, #tpu.memory_space<hbm>>) dst(%arg13 : memref<80xi32, #tpu.memory_space<vmem>>)
      %dma_start3A_188 = arith.constant 0 : i32
      %dma_start3A_189 = arith.constant 0 : i32
      %dma_start3A_190 = tpu.memref_slice %arg2[%dma_start3A_188, %dma_start3A_189] : memref<10000x128xf32, #tpu.memory_space<hbm>> -> memref<10000x128xf32, #tpu.memory_space<hbm>>
      tpu.enqueue_indirect_dma source(%dma_start3A_190 : memref<10000x128xf32, #tpu.memory_space<hbm>>) target(%arg15 : memref<80x128xf32, #tpu.memory_space<vmem>>) offsets(%arg9 : memref<80xi32, #tpu.memory_space<vmem>>) semaphore(%arg18 : memref<!tpu.dma_semaphore, #tpu.memory_space<semaphore_mem>>)
      %dma_wait3A_191 = arith.constant 0 : i32
      %dma_wait3A_192 = arith.constant 0 : i32
      %dma_wait3A_193 = tpu.memref_slice %arg2[%dma_wait3A_191, %dma_wait3A_192] : memref<10000x128xf32, #tpu.memory_space<hbm>> -> memref<10000x128xf32, #tpu.memory_space<hbm>>
      tpu.wait_indirect_dma semaphore(%arg19 : memref<!tpu.dma_semaphore, #tpu.memory_space<semaphore_mem>>) src(%dma_wait3A_193 : memref<10000x128xf32, #tpu.memory_space<hbm>>) dst(%arg16 : memref<80x128xf32, #tpu.memory_space<vmem>>)
      "tpu.region"() ({
        %run_scoped3A = tpu.sem_alloc : memref<!tpu.dma_semaphore, #tpu.memory_space<semaphore_mem>>
        %dma_start3A_251 = arith.constant 0 : i32
        %dma_start3A_252 = arith.constant 0 : i32
        %dma_start3A_253 = tpu.memref_slice %arg17[%dma_start3A_251, %dma_start3A_252] : memref<10240x128xf32, #tpu.memory_space<vmem_shared>> -> memref<10240x128xf32, #tpu.memory_space<vmem_shared>>
        tpu.enqueue_indirect_dma source(%arg16 : memref<80x128xf32, #tpu.memory_space<vmem>>) target(%dma_start3A_253 : memref<10240x128xf32, #tpu.memory_space<vmem_shared>>) offsets(%arg12 : memref<80xi32, #tpu.memory_space<vmem>>) semaphore(%run_scoped3A : memref<!tpu.dma_semaphore, #tpu.memory_space<semaphore_mem>>) {add = true}
        %dma_wait3A_254 = arith.constant 0 : i32
        %dma_wait3A_255 = arith.constant 0 : i32
        %dma_wait3A_256 = tpu.memref_slice %arg17[%dma_wait3A_254, %dma_wait3A_255] : memref<10240x128xf32, #tpu.memory_space<vmem_shared>> -> memref<10240x128xf32, #tpu.memory_space<vmem_shared>>
        tpu.wait_indirect_dma semaphore(%run_scoped3A : memref<!tpu.dma_semaphore, #tpu.memory_space<semaphore_mem>>) src(%arg16 : memref<80x128xf32, #tpu.memory_space<vmem>>) dst(%dma_wait3A_256 : memref<10240x128xf32, #tpu.memory_space<vmem_shared>>)
        tpu.yield
      }) : () -> ()
      %mul3A_194 = arith.constant 80 : i32
      %mul3A_195 = arith.muli %min3A_158, %mul3A_194 : i32
      %add3A_196 = arith.addi %mul3A_2, %mul3A_195 : i32
      %dma_start3A_197 = tpu.memref_slice %arg3[%add3A_196] : memref<320000xi32, #tpu.memory_space<hbm>> -> memref<80xi32, #tpu.memory_space<hbm>>
      %dma_start3A_198 = tpu.memref_slice %arg3[%add3A_196] : memref<320000xi32, #tpu.memory_space<hbm>> -> memref<80xi32, #tpu.memory_space<hbm>>
      tpu.enqueue_dma source(%dma_start3A_198 : memref<80xi32, #tpu.memory_space<hbm>>) target(%arg8 : memref<80xi32, #tpu.memory_space<vmem>>) target_semaphore(%arg21 : memref<!tpu.dma_semaphore, #tpu.memory_space<semaphore_mem>>)
      %mul3A_199 = arith.constant 80 : i32
      %mul3A_200 = arith.muli %min3A_158, %mul3A_199 : i32
      %add3A_201 = arith.addi %mul3A_2, %mul3A_200 : i32
      %dma_start3A_202 = tpu.memref_slice %arg4[%add3A_201] : memref<320000xi32, #tpu.memory_space<hbm>> -> memref<80xi32, #tpu.memory_space<hbm>>
      %dma_start3A_203 = tpu.memref_slice %arg4[%add3A_201] : memref<320000xi32, #tpu.memory_space<hbm>> -> memref<80xi32, #tpu.memory_space<hbm>>
      tpu.enqueue_dma source(%dma_start3A_203 : memref<80xi32, #tpu.memory_space<hbm>>) target(%arg12 : memref<80xi32, #tpu.memory_space<vmem>>) target_semaphore(%arg21 : memref<!tpu.dma_semaphore, #tpu.memory_space<semaphore_mem>>)
      %dma_wait3A_204 = tpu.memref_slice %arg3[%mul3A_2] : memref<320000xi32, #tpu.memory_space<hbm>> -> memref<80xi32, #tpu.memory_space<hbm>>
      %dma_wait3A_205 = tpu.memref_slice %arg3[%mul3A_2] : memref<320000xi32, #tpu.memory_space<hbm>> -> memref<80xi32, #tpu.memory_space<hbm>>
      tpu.wait_dma2 semaphore(%arg23 : memref<!tpu.dma_semaphore, #tpu.memory_space<semaphore_mem>>) src(%dma_wait3A_205 : memref<80xi32, #tpu.memory_space<hbm>>) dst(%arg10 : memref<80xi32, #tpu.memory_space<vmem>>)
      %dma_wait3A_206 = tpu.memref_slice %arg4[%mul3A_2] : memref<320000xi32, #tpu.memory_space<hbm>> -> memref<80xi32, #tpu.memory_space<hbm>>
      %dma_wait3A_207 = tpu.memref_slice %arg4[%mul3A_2] : memref<320000xi32, #tpu.memory_space<hbm>> -> memref<80xi32, #tpu.memory_space<hbm>>
      tpu.wait_dma2 semaphore(%arg23 : memref<!tpu.dma_semaphore, #tpu.memory_space<semaphore_mem>>) src(%dma_wait3A_207 : memref<80xi32, #tpu.memory_space<hbm>>) dst(%arg14 : memref<80xi32, #tpu.memory_space<vmem>>)
      %dma_start3A_208 = arith.constant 0 : i32
      %dma_start3A_209 = arith.constant 0 : i32
      %dma_start3A_210 = tpu.memref_slice %arg2[%dma_start3A_208, %dma_start3A_209] : memref<10000x128xf32, #tpu.memory_space<hbm>> -> memref<10000x128xf32, #tpu.memory_space<hbm>>
      tpu.enqueue_indirect_dma source(%dma_start3A_210 : memref<10000x128xf32, #tpu.memory_space<hbm>>) target(%arg16 : memref<80x128xf32, #tpu.memory_space<vmem>>) offsets(%arg10 : memref<80xi32, #tpu.memory_space<vmem>>) semaphore(%arg19 : memref<!tpu.dma_semaphore, #tpu.memory_space<semaphore_mem>>)
      %dma_wait3A_211 = arith.constant 0 : i32
      %dma_wait3A_212 = arith.constant 0 : i32
      %dma_wait3A_213 = tpu.memref_slice %arg2[%dma_wait3A_211, %dma_wait3A_212] : memref<10000x128xf32, #tpu.memory_space<hbm>> -> memref<10000x128xf32, #tpu.memory_space<hbm>>
      tpu.wait_indirect_dma semaphore(%arg18 : memref<!tpu.dma_semaphore, #tpu.memory_space<semaphore_mem>>) src(%dma_wait3A_213 : memref<10000x128xf32, #tpu.memory_space<hbm>>) dst(%arg15 : memref<80x128xf32, #tpu.memory_space<vmem>>)
      "tpu.region"() ({
        %run_scoped3A = tpu.sem_alloc : memref<!tpu.dma_semaphore, #tpu.memory_space<semaphore_mem>>
        %dma_start3A_251 = arith.constant 0 : i32
        %dma_start3A_252 = arith.constant 0 : i32
        %dma_start3A_253 = tpu.memref_slice %arg17[%dma_start3A_251, %dma_start3A_252] : memref<10240x128xf32, #tpu.memory_space<vmem_shared>> -> memref<10240x128xf32, #tpu.memory_space<vmem_shared>>
        tpu.enqueue_indirect_dma source(%arg15 : memref<80x128xf32, #tpu.memory_space<vmem>>) target(%dma_start3A_253 : memref<10240x128xf32, #tpu.memory_space<vmem_shared>>) offsets(%arg13 : memref<80xi32, #tpu.memory_space<vmem>>) semaphore(%run_scoped3A : memref<!tpu.dma_semaphore, #tpu.memory_space<semaphore_mem>>) {add = true}
        %dma_wait3A_254 = arith.constant 0 : i32
        %dma_wait3A_255 = arith.constant 0 : i32
        %dma_wait3A_256 = tpu.memref_slice %arg17[%dma_wait3A_254, %dma_wait3A_255] : memref<10240x128xf32, #tpu.memory_space<vmem_shared>> -> memref<10240x128xf32, #tpu.memory_space<vmem_shared>>
        tpu.wait_indirect_dma semaphore(%run_scoped3A : memref<!tpu.dma_semaphore, #tpu.memory_space<semaphore_mem>>) src(%arg15 : memref<80x128xf32, #tpu.memory_space<vmem>>) dst(%dma_wait3A_256 : memref<10240x128xf32, #tpu.memory_space<vmem_shared>>)
        tpu.yield
      }) : () -> ()
      %mul3A_214 = arith.constant 80 : i32
      %mul3A_215 = arith.muli %min3A_164, %mul3A_214 : i32
      %add3A_216 = arith.addi %mul3A_2, %mul3A_215 : i32
      %dma_start3A_217 = tpu.memref_slice %arg3[%add3A_216] : memref<320000xi32, #tpu.memory_space<hbm>> -> memref<80xi32, #tpu.memory_space<hbm>>
      %dma_start3A_218 = tpu.memref_slice %arg3[%add3A_216] : memref<320000xi32, #tpu.memory_space<hbm>> -> memref<80xi32, #tpu.memory_space<hbm>>
      tpu.enqueue_dma source(%dma_start3A_218 : memref<80xi32, #tpu.memory_space<hbm>>) target(%arg9 : memref<80xi32, #tpu.memory_space<vmem>>) target_semaphore(%arg22 : memref<!tpu.dma_semaphore, #tpu.memory_space<semaphore_mem>>)
      %mul3A_219 = arith.constant 80 : i32
      %mul3A_220 = arith.muli %min3A_164, %mul3A_219 : i32
      %add3A_221 = arith.addi %mul3A_2, %mul3A_220 : i32
      %dma_start3A_222 = tpu.memref_slice %arg4[%add3A_221] : memref<320000xi32, #tpu.memory_space<hbm>> -> memref<80xi32, #tpu.memory_space<hbm>>
      %dma_start3A_223 = tpu.memref_slice %arg4[%add3A_221] : memref<320000xi32, #tpu.memory_space<hbm>> -> memref<80xi32, #tpu.memory_space<hbm>>
      tpu.enqueue_dma source(%dma_start3A_223 : memref<80xi32, #tpu.memory_space<hbm>>) target(%arg13 : memref<80xi32, #tpu.memory_space<vmem>>) target_semaphore(%arg22 : memref<!tpu.dma_semaphore, #tpu.memory_space<semaphore_mem>>)
      %dma_wait3A_224 = tpu.memref_slice %arg3[%mul3A_2] : memref<320000xi32, #tpu.memory_space<hbm>> -> memref<80xi32, #tpu.memory_space<hbm>>
      %dma_wait3A_225 = tpu.memref_slice %arg3[%mul3A_2] : memref<320000xi32, #tpu.memory_space<hbm>> -> memref<80xi32, #tpu.memory_space<hbm>>
      tpu.wait_dma2 semaphore(%arg20 : memref<!tpu.dma_semaphore, #tpu.memory_space<semaphore_mem>>) src(%dma_wait3A_225 : memref<80xi32, #tpu.memory_space<hbm>>) dst(%arg7 : memref<80xi32, #tpu.memory_space<vmem>>)
      %dma_wait3A_226 = tpu.memref_slice %arg4[%mul3A_2] : memref<320000xi32, #tpu.memory_space<hbm>> -> memref<80xi32, #tpu.memory_space<hbm>>
      %dma_wait3A_227 = tpu.memref_slice %arg4[%mul3A_2] : memref<320000xi32, #tpu.memory_space<hbm>> -> memref<80xi32, #tpu.memory_space<hbm>>
      tpu.wait_dma2 semaphore(%arg20 : memref<!tpu.dma_semaphore, #tpu.memory_space<semaphore_mem>>) src(%dma_wait3A_227 : memref<80xi32, #tpu.memory_space<hbm>>) dst(%arg11 : memref<80xi32, #tpu.memory_space<vmem>>)
      %dma_start3A_228 = arith.constant 0 : i32
      %dma_start3A_229 = arith.constant 0 : i32
      %dma_start3A_230 = tpu.memref_slice %arg2[%dma_start3A_228, %dma_start3A_229] : memref<10000x128xf32, #tpu.memory_space<hbm>> -> memref<10000x128xf32, #tpu.memory_space<hbm>>
      tpu.enqueue_indirect_dma source(%dma_start3A_230 : memref<10000x128xf32, #tpu.memory_space<hbm>>) target(%arg15 : memref<80x128xf32, #tpu.memory_space<vmem>>) offsets(%arg7 : memref<80xi32, #tpu.memory_space<vmem>>) semaphore(%arg18 : memref<!tpu.dma_semaphore, #tpu.memory_space<semaphore_mem>>)
      %dma_wait3A_231 = arith.constant 0 : i32
      %dma_wait3A_232 = arith.constant 0 : i32
      %dma_wait3A_233 = tpu.memref_slice %arg2[%dma_wait3A_231, %dma_wait3A_232] : memref<10000x128xf32, #tpu.memory_space<hbm>> -> memref<10000x128xf32, #tpu.memory_space<hbm>>
      tpu.wait_indirect_dma semaphore(%arg19 : memref<!tpu.dma_semaphore, #tpu.memory_space<semaphore_mem>>) src(%dma_wait3A_233 : memref<10000x128xf32, #tpu.memory_space<hbm>>) dst(%arg16 : memref<80x128xf32, #tpu.memory_space<vmem>>)
      "tpu.region"() ({
        %run_scoped3A = tpu.sem_alloc : memref<!tpu.dma_semaphore, #tpu.memory_space<semaphore_mem>>
        %dma_start3A_251 = arith.constant 0 : i32
        %dma_start3A_252 = arith.constant 0 : i32
        %dma_start3A_253 = tpu.memref_slice %arg17[%dma_start3A_251, %dma_start3A_252] : memref<10240x128xf32, #tpu.memory_space<vmem_shared>> -> memref<10240x128xf32, #tpu.memory_space<vmem_shared>>
        tpu.enqueue_indirect_dma source(%arg16 : memref<80x128xf32, #tpu.memory_space<vmem>>) target(%dma_start3A_253 : memref<10240x128xf32, #tpu.memory_space<vmem_shared>>) offsets(%arg14 : memref<80xi32, #tpu.memory_space<vmem>>) semaphore(%run_scoped3A : memref<!tpu.dma_semaphore, #tpu.memory_space<semaphore_mem>>) {add = true}
        %dma_wait3A_254 = arith.constant 0 : i32
        %dma_wait3A_255 = arith.constant 0 : i32
        %dma_wait3A_256 = tpu.memref_slice %arg17[%dma_wait3A_254, %dma_wait3A_255] : memref<10240x128xf32, #tpu.memory_space<vmem_shared>> -> memref<10240x128xf32, #tpu.memory_space<vmem_shared>>
        tpu.wait_indirect_dma semaphore(%run_scoped3A : memref<!tpu.dma_semaphore, #tpu.memory_space<semaphore_mem>>) src(%arg16 : memref<80x128xf32, #tpu.memory_space<vmem>>) dst(%dma_wait3A_256 : memref<10240x128xf32, #tpu.memory_space<vmem_shared>>)
        tpu.yield
      }) : () -> ()
      %mul3A_234 = arith.constant 80 : i32
      %mul3A_235 = arith.muli %min3A_170, %mul3A_234 : i32
      %add3A_236 = arith.addi %mul3A_2, %mul3A_235 : i32
      %dma_start3A_237 = tpu.memref_slice %arg3[%add3A_236] : memref<320000xi32, #tpu.memory_space<hbm>> -> memref<80xi32, #tpu.memory_space<hbm>>
      %dma_start3A_238 = tpu.memref_slice %arg3[%add3A_236] : memref<320000xi32, #tpu.memory_space<hbm>> -> memref<80xi32, #tpu.memory_space<hbm>>
      tpu.enqueue_dma source(%dma_start3A_238 : memref<80xi32, #tpu.memory_space<hbm>>) target(%arg10 : memref<80xi32, #tpu.memory_space<vmem>>) target_semaphore(%arg23 : memref<!tpu.dma_semaphore, #tpu.memory_space<semaphore_mem>>)
      %mul3A_239 = arith.constant 80 : i32
      %mul3A_240 = arith.muli %min3A_170, %mul3A_239 : i32
      %add3A_241 = arith.addi %mul3A_2, %mul3A_240 : i32
      %dma_start3A_242 = tpu.memref_slice %arg4[%add3A_241] : memref<320000xi32, #tpu.memory_space<hbm>> -> memref<80xi32, #tpu.memory_space<hbm>>
      %dma_start3A_243 = tpu.memref_slice %arg4[%add3A_241] : memref<320000xi32, #tpu.memory_space<hbm>> -> memref<80xi32, #tpu.memory_space<hbm>>
      tpu.enqueue_dma source(%dma_start3A_243 : memref<80xi32, #tpu.memory_space<hbm>>) target(%arg14 : memref<80xi32, #tpu.memory_space<vmem>>) target_semaphore(%arg23 : memref<!tpu.dma_semaphore, #tpu.memory_space<semaphore_mem>>)
      %dma_wait3A_244 = tpu.memref_slice %arg3[%mul3A_2] : memref<320000xi32, #tpu.memory_space<hbm>> -> memref<80xi32, #tpu.memory_space<hbm>>
      %dma_wait3A_245 = tpu.memref_slice %arg3[%mul3A_2] : memref<320000xi32, #tpu.memory_space<hbm>> -> memref<80xi32, #tpu.memory_space<hbm>>
      tpu.wait_dma2 semaphore(%arg21 : memref<!tpu.dma_semaphore, #tpu.memory_space<semaphore_mem>>) src(%dma_wait3A_245 : memref<80xi32, #tpu.memory_space<hbm>>) dst(%arg8 : memref<80xi32, #tpu.memory_space<vmem>>)
      %dma_wait3A_246 = tpu.memref_slice %arg4[%mul3A_2] : memref<320000xi32, #tpu.memory_space<hbm>> -> memref<80xi32, #tpu.memory_space<hbm>>
      %dma_wait3A_247 = tpu.memref_slice %arg4[%mul3A_2] : memref<320000xi32, #tpu.memory_space<hbm>> -> memref<80xi32, #tpu.memory_space<hbm>>
      tpu.wait_dma2 semaphore(%arg21 : memref<!tpu.dma_semaphore, #tpu.memory_space<semaphore_mem>>) src(%dma_wait3A_247 : memref<80xi32, #tpu.memory_space<hbm>>) dst(%arg12 : memref<80xi32, #tpu.memory_space<vmem>>)
      %dma_start3A_248 = arith.constant 0 : i32
      %dma_start3A_249 = arith.constant 0 : i32
      %dma_start3A_250 = tpu.memref_slice %arg2[%dma_start3A_248, %dma_start3A_249] : memref<10000x128xf32, #tpu.memory_space<hbm>> -> memref<10000x128xf32, #tpu.memory_space<hbm>>
      tpu.enqueue_indirect_dma source(%dma_start3A_250 : memref<10000x128xf32, #tpu.memory_space<hbm>>) target(%arg16 : memref<80x128xf32, #tpu.memory_space<vmem>>) offsets(%arg8 : memref<80xi32, #tpu.memory_space<vmem>>) semaphore(%arg19 : memref<!tpu.dma_semaphore, #tpu.memory_space<semaphore_mem>>)
    }
    %scan3A_68 = arith.constant 31 : i32
    %dma_wait3A = arith.constant 0 : i32
    %dma_wait3A_69 = arith.constant 0 : i32
    %dma_wait3A_70 = tpu.memref_slice %arg2[%dma_wait3A, %dma_wait3A_69] : memref<10000x128xf32, #tpu.memory_space<hbm>> -> memref<10000x128xf32, #tpu.memory_space<hbm>>
    tpu.wait_indirect_dma semaphore(%arg18 : memref<!tpu.dma_semaphore, #tpu.memory_space<semaphore_mem>>) src(%dma_wait3A_70 : memref<10000x128xf32, #tpu.memory_space<hbm>>) dst(%arg15 : memref<80x128xf32, #tpu.memory_space<vmem>>)
    "tpu.region"() ({
      %run_scoped3A = tpu.sem_alloc : memref<!tpu.dma_semaphore, #tpu.memory_space<semaphore_mem>>
      %dma_start3A_147 = arith.constant 0 : i32
      %dma_start3A_148 = arith.constant 0 : i32
      %dma_start3A_149 = tpu.memref_slice %arg17[%dma_start3A_147, %dma_start3A_148] : memref<10240x128xf32, #tpu.memory_space<vmem_shared>> -> memref<10240x128xf32, #tpu.memory_space<vmem_shared>>
      tpu.enqueue_indirect_dma source(%arg15 : memref<80x128xf32, #tpu.memory_space<vmem>>) target(%dma_start3A_149 : memref<10240x128xf32, #tpu.memory_space<vmem_shared>>) offsets(%arg11 : memref<80xi32, #tpu.memory_space<vmem>>) semaphore(%run_scoped3A : memref<!tpu.dma_semaphore, #tpu.memory_space<semaphore_mem>>) {add = true}
      %dma_wait3A_150 = arith.constant 0 : i32
      %dma_wait3A_151 = arith.constant 0 : i32
      %dma_wait3A_152 = tpu.memref_slice %arg17[%dma_wait3A_150, %dma_wait3A_151] : memref<10240x128xf32, #tpu.memory_space<vmem_shared>> -> memref<10240x128xf32, #tpu.memory_space<vmem_shared>>
      tpu.wait_indirect_dma semaphore(%run_scoped3A : memref<!tpu.dma_semaphore, #tpu.memory_space<semaphore_mem>>) src(%arg15 : memref<80x128xf32, #tpu.memory_space<vmem>>) dst(%dma_wait3A_152 : memref<10240x128xf32, #tpu.memory_space<vmem_shared>>)
      tpu.yield
    }) : () -> ()
    %dma_wait3A_71 = arith.constant 0 : i32
    %dma_wait3A_72 = arith.constant 0 : i32
    %dma_wait3A_73 = tpu.memref_slice %arg2[%dma_wait3A_71, %dma_wait3A_72] : memref<10000x128xf32, #tpu.memory_space<hbm>> -> memref<10000x128xf32, #tpu.memory_space<hbm>>
    tpu.wait_indirect_dma semaphore(%arg19 : memref<!tpu.dma_semaphore, #tpu.memory_space<semaphore_mem>>) src(%dma_wait3A_73 : memref<10000x128xf32, #tpu.memory_space<hbm>>) dst(%arg16 : memref<80x128xf32, #tpu.memory_space<vmem>>)
    %dma_wait3A_74 = tpu.memref_slice %arg3[%mul3A_2] : memref<320000xi32, #tpu.memory_space<hbm>> -> memref<80xi32, #tpu.memory_space<hbm>>
    %dma_wait3A_75 = tpu.memref_slice %arg3[%mul3A_2] : memref<320000xi32, #tpu.memory_space<hbm>> -> memref<80xi32, #tpu.memory_space<hbm>>
    tpu.wait_dma2 semaphore(%arg22 : memref<!tpu.dma_semaphore, #tpu.memory_space<semaphore_mem>>) src(%dma_wait3A_75 : memref<80xi32, #tpu.memory_space<hbm>>) dst(%arg9 : memref<80xi32, #tpu.memory_space<vmem>>)
    %dma_wait3A_76 = tpu.memref_slice %arg4[%mul3A_2] : memref<320000xi32, #tpu.memory_space<hbm>> -> memref<80xi32, #tpu.memory_space<hbm>>
    %dma_wait3A_77 = tpu.memref_slice %arg4[%mul3A_2] : memref<320000xi32, #tpu.memory_space<hbm>> -> memref<80xi32, #tpu.memory_space<hbm>>
    tpu.wait_dma2 semaphore(%arg22 : memref<!tpu.dma_semaphore, #tpu.memory_space<semaphore_mem>>) src(%dma_wait3A_77 : memref<80xi32, #tpu.memory_space<hbm>>) dst(%arg13 : memref<80xi32, #tpu.memory_space<vmem>>)
    %dma_wait3A_78 = tpu.memref_slice %arg3[%mul3A_2] : memref<320000xi32, #tpu.memory_space<hbm>> -> memref<80xi32, #tpu.memory_space<hbm>>
    %dma_wait3A_79 = tpu.memref_slice %arg3[%mul3A_2] : memref<320000xi32, #tpu.memory_space<hbm>> -> memref<80xi32, #tpu.memory_space<hbm>>
    tpu.wait_dma2 semaphore(%arg23 : memref<!tpu.dma_semaphore, #tpu.memory_space<semaphore_mem>>) src(%dma_wait3A_79 : memref<80xi32, #tpu.memory_space<hbm>>) dst(%arg10 : memref<80xi32, #tpu.memory_space<vmem>>)
    %dma_wait3A_80 = tpu.memref_slice %arg4[%mul3A_2] : memref<320000xi32, #tpu.memory_space<hbm>> -> memref<80xi32, #tpu.memory_space<hbm>>
    %dma_wait3A_81 = tpu.memref_slice %arg4[%mul3A_2] : memref<320000xi32, #tpu.memory_space<hbm>> -> memref<80xi32, #tpu.memory_space<hbm>>
    tpu.wait_dma2 semaphore(%arg23 : memref<!tpu.dma_semaphore, #tpu.memory_space<semaphore_mem>>) src(%dma_wait3A_81 : memref<80xi32, #tpu.memory_space<hbm>>) dst(%arg14 : memref<80xi32, #tpu.memory_space<vmem>>)
    %barrier3A_82 = arith.constant 0 : index
    tpu.barrier barrier_id(%barrier3A_82)
    %mul3A_83 = arith.constant 640 : i32
    %mul3A_84 = arith.muli %arg1, %mul3A_83 : i32
    %add3A_85 = arith.constant 0 : i32
    %add3A_86 = arith.addi %mul3A_84, %add3A_85 : i32
    "tpu.region"() ({
      %run_scoped3A = tpu.sem_alloc : memref<!tpu.dma_semaphore, #tpu.memory_space<semaphore_mem>>
      %dma_start3A_147 = arith.constant 0 : i32
      %dma_start3A_148 = tpu.memref_slice %arg17[%add3A_86, %dma_start3A_147] : memref<10240x128xf32, #tpu.memory_space<vmem_shared>> -> memref<80x128xf32, #tpu.memory_space<vmem_shared>>
      %dma_start3A_149 = arith.constant 0 : i32
      %dma_start3A_150 = tpu.memref_slice %arg17[%add3A_86, %dma_start3A_149] : memref<10240x128xf32, #tpu.memory_space<vmem_shared>> -> memref<80x128xf32, #tpu.memory_space<vmem_shared>>
      tpu.enqueue_dma source(%dma_start3A_150 : memref<80x128xf32, #tpu.memory_space<vmem_shared>>) target(%arg15 : memref<80x128xf32, #tpu.memory_space<vmem>>) target_semaphore(%run_scoped3A : memref<!tpu.dma_semaphore, #tpu.memory_space<semaphore_mem>>)
      %dma_wait3A_151 = arith.constant 0 : i32
      %dma_wait3A_152 = tpu.memref_slice %arg17[%add3A_86, %dma_wait3A_151] : memref<10240x128xf32, #tpu.memory_space<vmem_shared>> -> memref<80x128xf32, #tpu.memory_space<vmem_shared>>
      %dma_wait3A_153 = arith.constant 0 : i32
      %dma_wait3A_154 = tpu.memref_slice %arg17[%add3A_86, %dma_wait3A_153] : memref<10240x128xf32, #tpu.memory_space<vmem_shared>> -> memref<80x128xf32, #tpu.memory_space<vmem_shared>>
      tpu.wait_dma2 semaphore(%run_scoped3A : memref<!tpu.dma_semaphore, #tpu.memory_space<semaphore_mem>>) src(%dma_wait3A_154 : memref<80x128xf32, #tpu.memory_space<vmem_shared>>) dst(%arg15 : memref<80x128xf32, #tpu.memory_space<vmem>>)
      tpu.yield
    }) : () -> ()
    %mul3A_87 = arith.constant 640 : i32
    %mul3A_88 = arith.muli %arg1, %mul3A_87 : i32
    %add3A_89 = arith.constant 0 : i32
    %add3A_90 = arith.addi %mul3A_88, %add3A_89 : i32
    "tpu.region"() ({
      %run_scoped3A = tpu.sem_alloc : memref<!tpu.dma_semaphore, #tpu.memory_space<semaphore_mem>>
      %dma_start3A_147 = arith.constant 0 : i32
      %dma_start3A_148 = tpu.memref_slice %arg6[%arg0, %add3A_90, %dma_start3A_147] : memref<2x10240x128xf32, #tpu.memory_space<hbm>> -> memref<1x80x128xf32, #tpu.memory_space<hbm>>
      %dma_start3A_149 = tpu.memref_squeeze %dma_start3A_148 : memref<1x80x128xf32, #tpu.memory_space<hbm>> -> memref<80x128xf32, #tpu.memory_space<hbm>>
      %dma_start3A_150 = arith.constant 0 : i32
      %dma_start3A_151 = tpu.memref_slice %arg6[%arg0, %add3A_90, %dma_start3A_150] : memref<2x10240x128xf32, #tpu.memory_space<hbm>> -> memref<1x80x128xf32, #tpu.memory_space<hbm>>
      %dma_start3A_152 = tpu.memref_squeeze %dma_start3A_151 : memref<1x80x128xf32, #tpu.memory_space<hbm>> -> memref<80x128xf32, #tpu.memory_space<hbm>>
      tpu.enqueue_dma source(%arg15 : memref<80x128xf32, #tpu.memory_space<vmem>>) target(%dma_start3A_152 : memref<80x128xf32, #tpu.memory_space<hbm>>) target_semaphore(%run_scoped3A : memref<!tpu.dma_semaphore, #tpu.memory_space<semaphore_mem>>)
      %dma_wait3A_153 = arith.constant 0 : i32
      %dma_wait3A_154 = tpu.memref_slice %arg6[%arg0, %add3A_90, %dma_wait3A_153] : memref<2x10240x128xf32, #tpu.memory_space<hbm>> -> memref<1x80x128xf32, #tpu.memory_space<hbm>>
      %dma_wait3A_155 = tpu.memref_squeeze %dma_wait3A_154 : memref<1x80x128xf32, #tpu.memory_space<hbm>> -> memref<80x128xf32, #tpu.memory_space<hbm>>
      %dma_wait3A_156 = arith.constant 0 : i32
      %dma_wait3A_157 = tpu.memref_slice %arg6[%arg0, %add3A_90, %dma_wait3A_156] : memref<2x10240x128xf32, #tpu.memory_space<hbm>> -> memref<1x80x128xf32, #tpu.memory_space<hbm>>
      %dma_wait3A_158 = tpu.memref_squeeze %dma_wait3A_157 : memref<1x80x128xf32, #tpu.memory_space<hbm>> -> memref<80x128xf32, #tpu.memory_space<hbm>>
      tpu.wait_dma2 semaphore(%run_scoped3A : memref<!tpu.dma_semaphore, #tpu.memory_space<semaphore_mem>>) src(%arg15 : memref<80x128xf32, #tpu.memory_space<vmem>>) dst(%dma_wait3A_158 : memref<80x128xf32, #tpu.memory_space<hbm>>)
      tpu.yield
    }) : () -> ()
    %mul3A_91 = arith.constant 640 : i32
    %mul3A_92 = arith.muli %arg1, %mul3A_91 : i32
    %add3A_93 = arith.constant 80 : i32
    %add3A_94 = arith.addi %mul3A_92, %add3A_93 : i32
    "tpu.region"() ({
      %run_scoped3A = tpu.sem_alloc : memref<!tpu.dma_semaphore, #tpu.memory_space<semaphore_mem>>
      %dma_start3A_147 = arith.constant 0 : i32
      %dma_start3A_148 = tpu.memref_slice %arg17[%add3A_94, %dma_start3A_147] : memref<10240x128xf32, #tpu.memory_space<vmem_shared>> -> memref<80x128xf32, #tpu.memory_space<vmem_shared>>
      %dma_start3A_149 = arith.constant 0 : i32
      %dma_start3A_150 = tpu.memref_slice %arg17[%add3A_94, %dma_start3A_149] : memref<10240x128xf32, #tpu.memory_space<vmem_shared>> -> memref<80x128xf32, #tpu.memory_space<vmem_shared>>
      tpu.enqueue_dma source(%dma_start3A_150 : memref<80x128xf32, #tpu.memory_space<vmem_shared>>) target(%arg15 : memref<80x128xf32, #tpu.memory_space<vmem>>) target_semaphore(%run_scoped3A : memref<!tpu.dma_semaphore, #tpu.memory_space<semaphore_mem>>)
      %dma_wait3A_151 = arith.constant 0 : i32
      %dma_wait3A_152 = tpu.memref_slice %arg17[%add3A_94, %dma_wait3A_151] : memref<10240x128xf32, #tpu.memory_space<vmem_shared>> -> memref<80x128xf32, #tpu.memory_space<vmem_shared>>
      %dma_wait3A_153 = arith.constant 0 : i32
      %dma_wait3A_154 = tpu.memref_slice %arg17[%add3A_94, %dma_wait3A_153] : memref<10240x128xf32, #tpu.memory_space<vmem_shared>> -> memref<80x128xf32, #tpu.memory_space<vmem_shared>>
      tpu.wait_dma2 semaphore(%run_scoped3A : memref<!tpu.dma_semaphore, #tpu.memory_space<semaphore_mem>>) src(%dma_wait3A_154 : memref<80x128xf32, #tpu.memory_space<vmem_shared>>) dst(%arg15 : memref<80x128xf32, #tpu.memory_space<vmem>>)
      tpu.yield
    }) : () -> ()
    %mul3A_95 = arith.constant 640 : i32
    %mul3A_96 = arith.muli %arg1, %mul3A_95 : i32
    %add3A_97 = arith.constant 80 : i32
    %add3A_98 = arith.addi %mul3A_96, %add3A_97 : i32
    "tpu.region"() ({
      %run_scoped3A = tpu.sem_alloc : memref<!tpu.dma_semaphore, #tpu.memory_space<semaphore_mem>>
      %dma_start3A_147 = arith.constant 0 : i32
      %dma_start3A_148 = tpu.memref_slice %arg6[%arg0, %add3A_98, %dma_start3A_147] : memref<2x10240x128xf32, #tpu.memory_space<hbm>> -> memref<1x80x128xf32, #tpu.memory_space<hbm>>
      %dma_start3A_149 = tpu.memref_squeeze %dma_start3A_148 : memref<1x80x128xf32, #tpu.memory_space<hbm>> -> memref<80x128xf32, #tpu.memory_space<hbm>>
      %dma_start3A_150 = arith.constant 0 : i32
      %dma_start3A_151 = tpu.memref_slice %arg6[%arg0, %add3A_98, %dma_start3A_150] : memref<2x10240x128xf32, #tpu.memory_space<hbm>> -> memref<1x80x128xf32, #tpu.memory_space<hbm>>
      %dma_start3A_152 = tpu.memref_squeeze %dma_start3A_151 : memref<1x80x128xf32, #tpu.memory_space<hbm>> -> memref<80x128xf32, #tpu.memory_space<hbm>>
      tpu.enqueue_dma source(%arg15 : memref<80x128xf32, #tpu.memory_space<vmem>>) target(%dma_start3A_152 : memref<80x128xf32, #tpu.memory_space<hbm>>) target_semaphore(%run_scoped3A : memref<!tpu.dma_semaphore, #tpu.memory_space<semaphore_mem>>)
      %dma_wait3A_153 = arith.constant 0 : i32
      %dma_wait3A_154 = tpu.memref_slice %arg6[%arg0, %add3A_98, %dma_wait3A_153] : memref<2x10240x128xf32, #tpu.memory_space<hbm>> -> memref<1x80x128xf32, #tpu.memory_space<hbm>>
      %dma_wait3A_155 = tpu.memref_squeeze %dma_wait3A_154 : memref<1x80x128xf32, #tpu.memory_space<hbm>> -> memref<80x128xf32, #tpu.memory_space<hbm>>
      %dma_wait3A_156 = arith.constant 0 : i32
      %dma_wait3A_157 = tpu.memref_slice %arg6[%arg0, %add3A_98, %dma_wait3A_156] : memref<2x10240x128xf32, #tpu.memory_space<hbm>> -> memref<1x80x128xf32, #tpu.memory_space<hbm>>
      %dma_wait3A_158 = tpu.memref_squeeze %dma_wait3A_157 : memref<1x80x128xf32, #tpu.memory_space<hbm>> -> memref<80x128xf32, #tpu.memory_space<hbm>>
      tpu.wait_dma2 semaphore(%run_scoped3A : memref<!tpu.dma_semaphore, #tpu.memory_space<semaphore_mem>>) src(%arg15 : memref<80x128xf32, #tpu.memory_space<vmem>>) dst(%dma_wait3A_158 : memref<80x128xf32, #tpu.memory_space<hbm>>)
      tpu.yield
    }) : () -> ()
    %mul3A_99 = arith.constant 640 : i32
    %mul3A_100 = arith.muli %arg1, %mul3A_99 : i32
    %add3A_101 = arith.constant 160 : i32
    %add3A_102 = arith.addi %mul3A_100, %add3A_101 : i32
    "tpu.region"() ({
      %run_scoped3A = tpu.sem_alloc : memref<!tpu.dma_semaphore, #tpu.memory_space<semaphore_mem>>
      %dma_start3A_147 = arith.constant 0 : i32
      %dma_start3A_148 = tpu.memref_slice %arg17[%add3A_102, %dma_start3A_147] : memref<10240x128xf32, #tpu.memory_space<vmem_shared>> -> memref<80x128xf32, #tpu.memory_space<vmem_shared>>
      %dma_start3A_149 = arith.constant 0 : i32
      %dma_start3A_150 = tpu.memref_slice %arg17[%add3A_102, %dma_start3A_149] : memref<10240x128xf32, #tpu.memory_space<vmem_shared>> -> memref<80x128xf32, #tpu.memory_space<vmem_shared>>
      tpu.enqueue_dma source(%dma_start3A_150 : memref<80x128xf32, #tpu.memory_space<vmem_shared>>) target(%arg15 : memref<80x128xf32, #tpu.memory_space<vmem>>) target_semaphore(%run_scoped3A : memref<!tpu.dma_semaphore, #tpu.memory_space<semaphore_mem>>)
      %dma_wait3A_151 = arith.constant 0 : i32
      %dma_wait3A_152 = tpu.memref_slice %arg17[%add3A_102, %dma_wait3A_151] : memref<10240x128xf32, #tpu.memory_space<vmem_shared>> -> memref<80x128xf32, #tpu.memory_space<vmem_shared>>
      %dma_wait3A_153 = arith.constant 0 : i32
      %dma_wait3A_154 = tpu.memref_slice %arg17[%add3A_102, %dma_wait3A_153] : memref<10240x128xf32, #tpu.memory_space<vmem_shared>> -> memref<80x128xf32, #tpu.memory_space<vmem_shared>>
      tpu.wait_dma2 semaphore(%run_scoped3A : memref<!tpu.dma_semaphore, #tpu.memory_space<semaphore_mem>>) src(%dma_wait3A_154 : memref<80x128xf32, #tpu.memory_space<vmem_shared>>) dst(%arg15 : memref<80x128xf32, #tpu.memory_space<vmem>>)
      tpu.yield
    }) : () -> ()
    %mul3A_103 = arith.constant 640 : i32
    %mul3A_104 = arith.muli %arg1, %mul3A_103 : i32
    %add3A_105 = arith.constant 160 : i32
    %add3A_106 = arith.addi %mul3A_104, %add3A_105 : i32
    "tpu.region"() ({
      %run_scoped3A = tpu.sem_alloc : memref<!tpu.dma_semaphore, #tpu.memory_space<semaphore_mem>>
      %dma_start3A_147 = arith.constant 0 : i32
      %dma_start3A_148 = tpu.memref_slice %arg6[%arg0, %add3A_106, %dma_start3A_147] : memref<2x10240x128xf32, #tpu.memory_space<hbm>> -> memref<1x80x128xf32, #tpu.memory_space<hbm>>
      %dma_start3A_149 = tpu.memref_squeeze %dma_start3A_148 : memref<1x80x128xf32, #tpu.memory_space<hbm>> -> memref<80x128xf32, #tpu.memory_space<hbm>>
      %dma_start3A_150 = arith.constant 0 : i32
      %dma_start3A_151 = tpu.memref_slice %arg6[%arg0, %add3A_106, %dma_start3A_150] : memref<2x10240x128xf32, #tpu.memory_space<hbm>> -> memref<1x80x128xf32, #tpu.memory_space<hbm>>
      %dma_start3A_152 = tpu.memref_squeeze %dma_start3A_151 : memref<1x80x128xf32, #tpu.memory_space<hbm>> -> memref<80x128xf32, #tpu.memory_space<hbm>>
      tpu.enqueue_dma source(%arg15 : memref<80x128xf32, #tpu.memory_space<vmem>>) target(%dma_start3A_152 : memref<80x128xf32, #tpu.memory_space<hbm>>) target_semaphore(%run_scoped3A : memref<!tpu.dma_semaphore, #tpu.memory_space<semaphore_mem>>)
      %dma_wait3A_153 = arith.constant 0 : i32
      %dma_wait3A_154 = tpu.memref_slice %arg6[%arg0, %add3A_106, %dma_wait3A_153] : memref<2x10240x128xf32, #tpu.memory_space<hbm>> -> memref<1x80x128xf32, #tpu.memory_space<hbm>>
      %dma_wait3A_155 = tpu.memref_squeeze %dma_wait3A_154 : memref<1x80x128xf32, #tpu.memory_space<hbm>> -> memref<80x128xf32, #tpu.memory_space<hbm>>
      %dma_wait3A_156 = arith.constant 0 : i32
      %dma_wait3A_157 = tpu.memref_slice %arg6[%arg0, %add3A_106, %dma_wait3A_156] : memref<2x10240x128xf32, #tpu.memory_space<hbm>> -> memref<1x80x128xf32, #tpu.memory_space<hbm>>
      %dma_wait3A_158 = tpu.memref_squeeze %dma_wait3A_157 : memref<1x80x128xf32, #tpu.memory_space<hbm>> -> memref<80x128xf32, #tpu.memory_space<hbm>>
      tpu.wait_dma2 semaphore(%run_scoped3A : memref<!tpu.dma_semaphore, #tpu.memory_space<semaphore_mem>>) src(%arg15 : memref<80x128xf32, #tpu.memory_space<vmem>>) dst(%dma_wait3A_158 : memref<80x128xf32, #tpu.memory_space<hbm>>)
      tpu.yield
    }) : () -> ()
    %mul3A_107 = arith.constant 640 : i32
    %mul3A_108 = arith.muli %arg1, %mul3A_107 : i32
    %add3A_109 = arith.constant 240 : i32
    %add3A_110 = arith.addi %mul3A_108, %add3A_109 : i32
    "tpu.region"() ({
      %run_scoped3A = tpu.sem_alloc : memref<!tpu.dma_semaphore, #tpu.memory_space<semaphore_mem>>
      %dma_start3A_147 = arith.constant 0 : i32
      %dma_start3A_148 = tpu.memref_slice %arg17[%add3A_110, %dma_start3A_147] : memref<10240x128xf32, #tpu.memory_space<vmem_shared>> -> memref<80x128xf32, #tpu.memory_space<vmem_shared>>
      %dma_start3A_149 = arith.constant 0 : i32
      %dma_start3A_150 = tpu.memref_slice %arg17[%add3A_110, %dma_start3A_149] : memref<10240x128xf32, #tpu.memory_space<vmem_shared>> -> memref<80x128xf32, #tpu.memory_space<vmem_shared>>
      tpu.enqueue_dma source(%dma_start3A_150 : memref<80x128xf32, #tpu.memory_space<vmem_shared>>) target(%arg15 : memref<80x128xf32, #tpu.memory_space<vmem>>) target_semaphore(%run_scoped3A : memref<!tpu.dma_semaphore, #tpu.memory_space<semaphore_mem>>)
      %dma_wait3A_151 = arith.constant 0 : i32
      %dma_wait3A_152 = tpu.memref_slice %arg17[%add3A_110, %dma_wait3A_151] : memref<10240x128xf32, #tpu.memory_space<vmem_shared>> -> memref<80x128xf32, #tpu.memory_space<vmem_shared>>
      %dma_wait3A_153 = arith.constant 0 : i32
      %dma_wait3A_154 = tpu.memref_slice %arg17[%add3A_110, %dma_wait3A_153] : memref<10240x128xf32, #tpu.memory_space<vmem_shared>> -> memref<80x128xf32, #tpu.memory_space<vmem_shared>>
      tpu.wait_dma2 semaphore(%run_scoped3A : memref<!tpu.dma_semaphore, #tpu.memory_space<semaphore_mem>>) src(%dma_wait3A_154 : memref<80x128xf32, #tpu.memory_space<vmem_shared>>) dst(%arg15 : memref<80x128xf32, #tpu.memory_space<vmem>>)
      tpu.yield
    }) : () -> ()
    %mul3A_111 = arith.constant 640 : i32
    %mul3A_112 = arith.muli %arg1, %mul3A_111 : i32
    %add3A_113 = arith.constant 240 : i32
    %add3A_114 = arith.addi %mul3A_112, %add3A_113 : i32
    "tpu.region"() ({
      %run_scoped3A = tpu.sem_alloc : memref<!tpu.dma_semaphore, #tpu.memory_space<semaphore_mem>>
      %dma_start3A_147 = arith.constant 0 : i32
      %dma_start3A_148 = tpu.memref_slice %arg6[%arg0, %add3A_114, %dma_start3A_147] : memref<2x10240x128xf32, #tpu.memory_space<hbm>> -> memref<1x80x128xf32, #tpu.memory_space<hbm>>
      %dma_start3A_149 = tpu.memref_squeeze %dma_start3A_148 : memref<1x80x128xf32, #tpu.memory_space<hbm>> -> memref<80x128xf32, #tpu.memory_space<hbm>>
      %dma_start3A_150 = arith.constant 0 : i32
      %dma_start3A_151 = tpu.memref_slice %arg6[%arg0, %add3A_114, %dma_start3A_150] : memref<2x10240x128xf32, #tpu.memory_space<hbm>> -> memref<1x80x128xf32, #tpu.memory_space<hbm>>
      %dma_start3A_152 = tpu.memref_squeeze %dma_start3A_151 : memref<1x80x128xf32, #tpu.memory_space<hbm>> -> memref<80x128xf32, #tpu.memory_space<hbm>>
      tpu.enqueue_dma source(%arg15 : memref<80x128xf32, #tpu.memory_space<vmem>>) target(%dma_start3A_152 : memref<80x128xf32, #tpu.memory_space<hbm>>) target_semaphore(%run_scoped3A : memref<!tpu.dma_semaphore, #tpu.memory_space<semaphore_mem>>)
      %dma_wait3A_153 = arith.constant 0 : i32
      %dma_wait3A_154 = tpu.memref_slice %arg6[%arg0, %add3A_114, %dma_wait3A_153] : memref<2x10240x128xf32, #tpu.memory_space<hbm>> -> memref<1x80x128xf32, #tpu.memory_space<hbm>>
      %dma_wait3A_155 = tpu.memref_squeeze %dma_wait3A_154 : memref<1x80x128xf32, #tpu.memory_space<hbm>> -> memref<80x128xf32, #tpu.memory_space<hbm>>
      %dma_wait3A_156 = arith.constant 0 : i32
      %dma_wait3A_157 = tpu.memref_slice %arg6[%arg0, %add3A_114, %dma_wait3A_156] : memref<2x10240x128xf32, #tpu.memory_space<hbm>> -> memref<1x80x128xf32, #tpu.memory_space<hbm>>
      %dma_wait3A_158 = tpu.memref_squeeze %dma_wait3A_157 : memref<1x80x128xf32, #tpu.memory_space<hbm>> -> memref<80x128xf32, #tpu.memory_space<hbm>>
      tpu.wait_dma2 semaphore(%run_scoped3A : memref<!tpu.dma_semaphore, #tpu.memory_space<semaphore_mem>>) src(%arg15 : memref<80x128xf32, #tpu.memory_space<vmem>>) dst(%dma_wait3A_158 : memref<80x128xf32, #tpu.memory_space<hbm>>)
      tpu.yield
    }) : () -> ()
    %mul3A_115 = arith.constant 640 : i32
    %mul3A_116 = arith.muli %arg1, %mul3A_115 : i32
    %add3A_117 = arith.constant 320 : i32
    %add3A_118 = arith.addi %mul3A_116, %add3A_117 : i32
    "tpu.region"() ({
      %run_scoped3A = tpu.sem_alloc : memref<!tpu.dma_semaphore, #tpu.memory_space<semaphore_mem>>
      %dma_start3A_147 = arith.constant 0 : i32
      %dma_start3A_148 = tpu.memref_slice %arg17[%add3A_118, %dma_start3A_147] : memref<10240x128xf32, #tpu.memory_space<vmem_shared>> -> memref<80x128xf32, #tpu.memory_space<vmem_shared>>
      %dma_start3A_149 = arith.constant 0 : i32
      %dma_start3A_150 = tpu.memref_slice %arg17[%add3A_118, %dma_start3A_149] : memref<10240x128xf32, #tpu.memory_space<vmem_shared>> -> memref<80x128xf32, #tpu.memory_space<vmem_shared>>
      tpu.enqueue_dma source(%dma_start3A_150 : memref<80x128xf32, #tpu.memory_space<vmem_shared>>) target(%arg15 : memref<80x128xf32, #tpu.memory_space<vmem>>) target_semaphore(%run_scoped3A : memref<!tpu.dma_semaphore, #tpu.memory_space<semaphore_mem>>)
      %dma_wait3A_151 = arith.constant 0 : i32
      %dma_wait3A_152 = tpu.memref_slice %arg17[%add3A_118, %dma_wait3A_151] : memref<10240x128xf32, #tpu.memory_space<vmem_shared>> -> memref<80x128xf32, #tpu.memory_space<vmem_shared>>
      %dma_wait3A_153 = arith.constant 0 : i32
      %dma_wait3A_154 = tpu.memref_slice %arg17[%add3A_118, %dma_wait3A_153] : memref<10240x128xf32, #tpu.memory_space<vmem_shared>> -> memref<80x128xf32, #tpu.memory_space<vmem_shared>>
      tpu.wait_dma2 semaphore(%run_scoped3A : memref<!tpu.dma_semaphore, #tpu.memory_space<semaphore_mem>>) src(%dma_wait3A_154 : memref<80x128xf32, #tpu.memory_space<vmem_shared>>) dst(%arg15 : memref<80x128xf32, #tpu.memory_space<vmem>>)
      tpu.yield
    }) : () -> ()
    %mul3A_119 = arith.constant 640 : i32
    %mul3A_120 = arith.muli %arg1, %mul3A_119 : i32
    %add3A_121 = arith.constant 320 : i32
    %add3A_122 = arith.addi %mul3A_120, %add3A_121 : i32
    "tpu.region"() ({
      %run_scoped3A = tpu.sem_alloc : memref<!tpu.dma_semaphore, #tpu.memory_space<semaphore_mem>>
      %dma_start3A_147 = arith.constant 0 : i32
      %dma_start3A_148 = tpu.memref_slice %arg6[%arg0, %add3A_122, %dma_start3A_147] : memref<2x10240x128xf32, #tpu.memory_space<hbm>> -> memref<1x80x128xf32, #tpu.memory_space<hbm>>
      %dma_start3A_149 = tpu.memref_squeeze %dma_start3A_148 : memref<1x80x128xf32, #tpu.memory_space<hbm>> -> memref<80x128xf32, #tpu.memory_space<hbm>>
      %dma_start3A_150 = arith.constant 0 : i32
      %dma_start3A_151 = tpu.memref_slice %arg6[%arg0, %add3A_122, %dma_start3A_150] : memref<2x10240x128xf32, #tpu.memory_space<hbm>> -> memref<1x80x128xf32, #tpu.memory_space<hbm>>
      %dma_start3A_152 = tpu.memref_squeeze %dma_start3A_151 : memref<1x80x128xf32, #tpu.memory_space<hbm>> -> memref<80x128xf32, #tpu.memory_space<hbm>>
      tpu.enqueue_dma source(%arg15 : memref<80x128xf32, #tpu.memory_space<vmem>>) target(%dma_start3A_152 : memref<80x128xf32, #tpu.memory_space<hbm>>) target_semaphore(%run_scoped3A : memref<!tpu.dma_semaphore, #tpu.memory_space<semaphore_mem>>)
      %dma_wait3A_153 = arith.constant 0 : i32
      %dma_wait3A_154 = tpu.memref_slice %arg6[%arg0, %add3A_122, %dma_wait3A_153] : memref<2x10240x128xf32, #tpu.memory_space<hbm>> -> memref<1x80x128xf32, #tpu.memory_space<hbm>>
      %dma_wait3A_155 = tpu.memref_squeeze %dma_wait3A_154 : memref<1x80x128xf32, #tpu.memory_space<hbm>> -> memref<80x128xf32, #tpu.memory_space<hbm>>
      %dma_wait3A_156 = arith.constant 0 : i32
      %dma_wait3A_157 = tpu.memref_slice %arg6[%arg0, %add3A_122, %dma_wait3A_156] : memref<2x10240x128xf32, #tpu.memory_space<hbm>> -> memref<1x80x128xf32, #tpu.memory_space<hbm>>
      %dma_wait3A_158 = tpu.memref_squeeze %dma_wait3A_157 : memref<1x80x128xf32, #tpu.memory_space<hbm>> -> memref<80x128xf32, #tpu.memory_space<hbm>>
      tpu.wait_dma2 semaphore(%run_scoped3A : memref<!tpu.dma_semaphore, #tpu.memory_space<semaphore_mem>>) src(%arg15 : memref<80x128xf32, #tpu.memory_space<vmem>>) dst(%dma_wait3A_158 : memref<80x128xf32, #tpu.memory_space<hbm>>)
      tpu.yield
    }) : () -> ()
    %mul3A_123 = arith.constant 640 : i32
    %mul3A_124 = arith.muli %arg1, %mul3A_123 : i32
    %add3A_125 = arith.constant 400 : i32
    %add3A_126 = arith.addi %mul3A_124, %add3A_125 : i32
    "tpu.region"() ({
      %run_scoped3A = tpu.sem_alloc : memref<!tpu.dma_semaphore, #tpu.memory_space<semaphore_mem>>
      %dma_start3A_147 = arith.constant 0 : i32
      %dma_start3A_148 = tpu.memref_slice %arg17[%add3A_126, %dma_start3A_147] : memref<10240x128xf32, #tpu.memory_space<vmem_shared>> -> memref<80x128xf32, #tpu.memory_space<vmem_shared>>
      %dma_start3A_149 = arith.constant 0 : i32
      %dma_start3A_150 = tpu.memref_slice %arg17[%add3A_126, %dma_start3A_149] : memref<10240x128xf32, #tpu.memory_space<vmem_shared>> -> memref<80x128xf32, #tpu.memory_space<vmem_shared>>
      tpu.enqueue_dma source(%dma_start3A_150 : memref<80x128xf32, #tpu.memory_space<vmem_shared>>) target(%arg15 : memref<80x128xf32, #tpu.memory_space<vmem>>) target_semaphore(%run_scoped3A : memref<!tpu.dma_semaphore, #tpu.memory_space<semaphore_mem>>)
      %dma_wait3A_151 = arith.constant 0 : i32
      %dma_wait3A_152 = tpu.memref_slice %arg17[%add3A_126, %dma_wait3A_151] : memref<10240x128xf32, #tpu.memory_space<vmem_shared>> -> memref<80x128xf32, #tpu.memory_space<vmem_shared>>
      %dma_wait3A_153 = arith.constant 0 : i32
      %dma_wait3A_154 = tpu.memref_slice %arg17[%add3A_126, %dma_wait3A_153] : memref<10240x128xf32, #tpu.memory_space<vmem_shared>> -> memref<80x128xf32, #tpu.memory_space<vmem_shared>>
      tpu.wait_dma2 semaphore(%run_scoped3A : memref<!tpu.dma_semaphore, #tpu.memory_space<semaphore_mem>>) src(%dma_wait3A_154 : memref<80x128xf32, #tpu.memory_space<vmem_shared>>) dst(%arg15 : memref<80x128xf32, #tpu.memory_space<vmem>>)
      tpu.yield
    }) : () -> ()
    %mul3A_127 = arith.constant 640 : i32
    %mul3A_128 = arith.muli %arg1, %mul3A_127 : i32
    %add3A_129 = arith.constant 400 : i32
    %add3A_130 = arith.addi %mul3A_128, %add3A_129 : i32
    "tpu.region"() ({
      %run_scoped3A = tpu.sem_alloc : memref<!tpu.dma_semaphore, #tpu.memory_space<semaphore_mem>>
      %dma_start3A_147 = arith.constant 0 : i32
      %dma_start3A_148 = tpu.memref_slice %arg6[%arg0, %add3A_130, %dma_start3A_147] : memref<2x10240x128xf32, #tpu.memory_space<hbm>> -> memref<1x80x128xf32, #tpu.memory_space<hbm>>
      %dma_start3A_149 = tpu.memref_squeeze %dma_start3A_148 : memref<1x80x128xf32, #tpu.memory_space<hbm>> -> memref<80x128xf32, #tpu.memory_space<hbm>>
      %dma_start3A_150 = arith.constant 0 : i32
      %dma_start3A_151 = tpu.memref_slice %arg6[%arg0, %add3A_130, %dma_start3A_150] : memref<2x10240x128xf32, #tpu.memory_space<hbm>> -> memref<1x80x128xf32, #tpu.memory_space<hbm>>
      %dma_start3A_152 = tpu.memref_squeeze %dma_start3A_151 : memref<1x80x128xf32, #tpu.memory_space<hbm>> -> memref<80x128xf32, #tpu.memory_space<hbm>>
      tpu.enqueue_dma source(%arg15 : memref<80x128xf32, #tpu.memory_space<vmem>>) target(%dma_start3A_152 : memref<80x128xf32, #tpu.memory_space<hbm>>) target_semaphore(%run_scoped3A : memref<!tpu.dma_semaphore, #tpu.memory_space<semaphore_mem>>)
      %dma_wait3A_153 = arith.constant 0 : i32
      %dma_wait3A_154 = tpu.memref_slice %arg6[%arg0, %add3A_130, %dma_wait3A_153] : memref<2x10240x128xf32, #tpu.memory_space<hbm>> -> memref<1x80x128xf32, #tpu.memory_space<hbm>>
      %dma_wait3A_155 = tpu.memref_squeeze %dma_wait3A_154 : memref<1x80x128xf32, #tpu.memory_space<hbm>> -> memref<80x128xf32, #tpu.memory_space<hbm>>
      %dma_wait3A_156 = arith.constant 0 : i32
      %dma_wait3A_157 = tpu.memref_slice %arg6[%arg0, %add3A_130, %dma_wait3A_156] : memref<2x10240x128xf32, #tpu.memory_space<hbm>> -> memref<1x80x128xf32, #tpu.memory_space<hbm>>
      %dma_wait3A_158 = tpu.memref_squeeze %dma_wait3A_157 : memref<1x80x128xf32, #tpu.memory_space<hbm>> -> memref<80x128xf32, #tpu.memory_space<hbm>>
      tpu.wait_dma2 semaphore(%run_scoped3A : memref<!tpu.dma_semaphore, #tpu.memory_space<semaphore_mem>>) src(%arg15 : memref<80x128xf32, #tpu.memory_space<vmem>>) dst(%dma_wait3A_158 : memref<80x128xf32, #tpu.memory_space<hbm>>)
      tpu.yield
    }) : () -> ()
    %mul3A_131 = arith.constant 640 : i32
    %mul3A_132 = arith.muli %arg1, %mul3A_131 : i32
    %add3A_133 = arith.constant 480 : i32
    %add3A_134 = arith.addi %mul3A_132, %add3A_133 : i32
    "tpu.region"() ({
      %run_scoped3A = tpu.sem_alloc : memref<!tpu.dma_semaphore, #tpu.memory_space<semaphore_mem>>
      %dma_start3A_147 = arith.constant 0 : i32
      %dma_start3A_148 = tpu.memref_slice %arg17[%add3A_134, %dma_start3A_147] : memref<10240x128xf32, #tpu.memory_space<vmem_shared>> -> memref<80x128xf32, #tpu.memory_space<vmem_shared>>
      %dma_start3A_149 = arith.constant 0 : i32
      %dma_start3A_150 = tpu.memref_slice %arg17[%add3A_134, %dma_start3A_149] : memref<10240x128xf32, #tpu.memory_space<vmem_shared>> -> memref<80x128xf32, #tpu.memory_space<vmem_shared>>
      tpu.enqueue_dma source(%dma_start3A_150 : memref<80x128xf32, #tpu.memory_space<vmem_shared>>) target(%arg15 : memref<80x128xf32, #tpu.memory_space<vmem>>) target_semaphore(%run_scoped3A : memref<!tpu.dma_semaphore, #tpu.memory_space<semaphore_mem>>)
      %dma_wait3A_151 = arith.constant 0 : i32
      %dma_wait3A_152 = tpu.memref_slice %arg17[%add3A_134, %dma_wait3A_151] : memref<10240x128xf32, #tpu.memory_space<vmem_shared>> -> memref<80x128xf32, #tpu.memory_space<vmem_shared>>
      %dma_wait3A_153 = arith.constant 0 : i32
      %dma_wait3A_154 = tpu.memref_slice %arg17[%add3A_134, %dma_wait3A_153] : memref<10240x128xf32, #tpu.memory_space<vmem_shared>> -> memref<80x128xf32, #tpu.memory_space<vmem_shared>>
      tpu.wait_dma2 semaphore(%run_scoped3A : memref<!tpu.dma_semaphore, #tpu.memory_space<semaphore_mem>>) src(%dma_wait3A_154 : memref<80x128xf32, #tpu.memory_space<vmem_shared>>) dst(%arg15 : memref<80x128xf32, #tpu.memory_space<vmem>>)
      tpu.yield
    }) : () -> ()
    %mul3A_135 = arith.constant 640 : i32
    %mul3A_136 = arith.muli %arg1, %mul3A_135 : i32
    %add3A_137 = arith.constant 480 : i32
    %add3A_138 = arith.addi %mul3A_136, %add3A_137 : i32
    "tpu.region"() ({
      %run_scoped3A = tpu.sem_alloc : memref<!tpu.dma_semaphore, #tpu.memory_space<semaphore_mem>>
      %dma_start3A_147 = arith.constant 0 : i32
      %dma_start3A_148 = tpu.memref_slice %arg6[%arg0, %add3A_138, %dma_start3A_147] : memref<2x10240x128xf32, #tpu.memory_space<hbm>> -> memref<1x80x128xf32, #tpu.memory_space<hbm>>
      %dma_start3A_149 = tpu.memref_squeeze %dma_start3A_148 : memref<1x80x128xf32, #tpu.memory_space<hbm>> -> memref<80x128xf32, #tpu.memory_space<hbm>>
      %dma_start3A_150 = arith.constant 0 : i32
      %dma_start3A_151 = tpu.memref_slice %arg6[%arg0, %add3A_138, %dma_start3A_150] : memref<2x10240x128xf32, #tpu.memory_space<hbm>> -> memref<1x80x128xf32, #tpu.memory_space<hbm>>
      %dma_start3A_152 = tpu.memref_squeeze %dma_start3A_151 : memref<1x80x128xf32, #tpu.memory_space<hbm>> -> memref<80x128xf32, #tpu.memory_space<hbm>>
      tpu.enqueue_dma source(%arg15 : memref<80x128xf32, #tpu.memory_space<vmem>>) target(%dma_start3A_152 : memref<80x128xf32, #tpu.memory_space<hbm>>) target_semaphore(%run_scoped3A : memref<!tpu.dma_semaphore, #tpu.memory_space<semaphore_mem>>)
      %dma_wait3A_153 = arith.constant 0 : i32
      %dma_wait3A_154 = tpu.memref_slice %arg6[%arg0, %add3A_138, %dma_wait3A_153] : memref<2x10240x128xf32, #tpu.memory_space<hbm>> -> memref<1x80x128xf32, #tpu.memory_space<hbm>>
      %dma_wait3A_155 = tpu.memref_squeeze %dma_wait3A_154 : memref<1x80x128xf32, #tpu.memory_space<hbm>> -> memref<80x128xf32, #tpu.memory_space<hbm>>
      %dma_wait3A_156 = arith.constant 0 : i32
      %dma_wait3A_157 = tpu.memref_slice %arg6[%arg0, %add3A_138, %dma_wait3A_156] : memref<2x10240x128xf32, #tpu.memory_space<hbm>> -> memref<1x80x128xf32, #tpu.memory_space<hbm>>
      %dma_wait3A_158 = tpu.memref_squeeze %dma_wait3A_157 : memref<1x80x128xf32, #tpu.memory_space<hbm>> -> memref<80x128xf32, #tpu.memory_space<hbm>>
      tpu.wait_dma2 semaphore(%run_scoped3A : memref<!tpu.dma_semaphore, #tpu.memory_space<semaphore_mem>>) src(%arg15 : memref<80x128xf32, #tpu.memory_space<vmem>>) dst(%dma_wait3A_158 : memref<80x128xf32, #tpu.memory_space<hbm>>)
      tpu.yield
    }) : () -> ()
    %mul3A_139 = arith.constant 640 : i32
    %mul3A_140 = arith.muli %arg1, %mul3A_139 : i32
    %add3A_141 = arith.constant 560 : i32
    %add3A_142 = arith.addi %mul3A_140, %add3A_141 : i32
    "tpu.region"() ({
      %run_scoped3A = tpu.sem_alloc : memref<!tpu.dma_semaphore, #tpu.memory_space<semaphore_mem>>
      %dma_start3A_147 = arith.constant 0 : i32
      %dma_start3A_148 = tpu.memref_slice %arg17[%add3A_142, %dma_start3A_147] : memref<10240x128xf32, #tpu.memory_space<vmem_shared>> -> memref<80x128xf32, #tpu.memory_space<vmem_shared>>
      %dma_start3A_149 = arith.constant 0 : i32
      %dma_start3A_150 = tpu.memref_slice %arg17[%add3A_142, %dma_start3A_149] : memref<10240x128xf32, #tpu.memory_space<vmem_shared>> -> memref<80x128xf32, #tpu.memory_space<vmem_shared>>
      tpu.enqueue_dma source(%dma_start3A_150 : memref<80x128xf32, #tpu.memory_space<vmem_shared>>) target(%arg15 : memref<80x128xf32, #tpu.memory_space<vmem>>) target_semaphore(%run_scoped3A : memref<!tpu.dma_semaphore, #tpu.memory_space<semaphore_mem>>)
      %dma_wait3A_151 = arith.constant 0 : i32
      %dma_wait3A_152 = tpu.memref_slice %arg17[%add3A_142, %dma_wait3A_151] : memref<10240x128xf32, #tpu.memory_space<vmem_shared>> -> memref<80x128xf32, #tpu.memory_space<vmem_shared>>
      %dma_wait3A_153 = arith.constant 0 : i32
      %dma_wait3A_154 = tpu.memref_slice %arg17[%add3A_142, %dma_wait3A_153] : memref<10240x128xf32, #tpu.memory_space<vmem_shared>> -> memref<80x128xf32, #tpu.memory_space<vmem_shared>>
      tpu.wait_dma2 semaphore(%run_scoped3A : memref<!tpu.dma_semaphore, #tpu.memory_space<semaphore_mem>>) src(%dma_wait3A_154 : memref<80x128xf32, #tpu.memory_space<vmem_shared>>) dst(%arg15 : memref<80x128xf32, #tpu.memory_space<vmem>>)
      tpu.yield
    }) : () -> ()
    %mul3A_143 = arith.constant 640 : i32
    %mul3A_144 = arith.muli %arg1, %mul3A_143 : i32
    %add3A_145 = arith.constant 560 : i32
    %add3A_146 = arith.addi %mul3A_144, %add3A_145 : i32
    "tpu.region"() ({
      %run_scoped3A = tpu.sem_alloc : memref<!tpu.dma_semaphore, #tpu.memory_space<semaphore_mem>>
      %dma_start3A_147 = arith.constant 0 : i32
      %dma_start3A_148 = tpu.memref_slice %arg6[%arg0, %add3A_146, %dma_start3A_147] : memref<2x10240x128xf32, #tpu.memory_space<hbm>> -> memref<1x80x128xf32, #tpu.memory_space<hbm>>
      %dma_start3A_149 = tpu.memref_squeeze %dma_start3A_148 : memref<1x80x128xf32, #tpu.memory_space<hbm>> -> memref<80x128xf32, #tpu.memory_space<hbm>>
      %dma_start3A_150 = arith.constant 0 : i32
      %dma_start3A_151 = tpu.memref_slice %arg6[%arg0, %add3A_146, %dma_start3A_150] : memref<2x10240x128xf32, #tpu.memory_space<hbm>> -> memref<1x80x128xf32, #tpu.memory_space<hbm>>
      %dma_start3A_152 = tpu.memref_squeeze %dma_start3A_151 : memref<1x80x128xf32, #tpu.memory_space<hbm>> -> memref<80x128xf32, #tpu.memory_space<hbm>>
      tpu.enqueue_dma source(%arg15 : memref<80x128xf32, #tpu.memory_space<vmem>>) target(%dma_start3A_152 : memref<80x128xf32, #tpu.memory_space<hbm>>) target_semaphore(%run_scoped3A : memref<!tpu.dma_semaphore, #tpu.memory_space<semaphore_mem>>)
      %dma_wait3A_153 = arith.constant 0 : i32
      %dma_wait3A_154 = tpu.memref_slice %arg6[%arg0, %add3A_146, %dma_wait3A_153] : memref<2x10240x128xf32, #tpu.memory_space<hbm>> -> memref<1x80x128xf32, #tpu.memory_space<hbm>>
      %dma_wait3A_155 = tpu.memref_squeeze %dma_wait3A_154 : memref<1x80x128xf32, #tpu.memory_space<hbm>> -> memref<80x128xf32, #tpu.memory_space<hbm>>
      %dma_wait3A_156 = arith.constant 0 : i32
      %dma_wait3A_157 = tpu.memref_slice %arg6[%arg0, %add3A_146, %dma_wait3A_156] : memref<2x10240x128xf32, #tpu.memory_space<hbm>> -> memref<1x80x128xf32, #tpu.memory_space<hbm>>
      %dma_wait3A_158 = tpu.memref_squeeze %dma_wait3A_157 : memref<1x80x128xf32, #tpu.memory_space<hbm>> -> memref<80x128xf32, #tpu.memory_space<hbm>>
      tpu.wait_dma2 semaphore(%run_scoped3A : memref<!tpu.dma_semaphore, #tpu.memory_space<semaphore_mem>>) src(%arg15 : memref<80x128xf32, #tpu.memory_space<vmem>>) dst(%dma_wait3A_158 : memref<80x128xf32, #tpu.memory_space<hbm>>)
      tpu.yield
    }) : () -> ()
    return
  }
}

#map = affine_map<(d0, d1) -> (0)>
#map1 = affine_map<(d0, d1) -> (0, 0)>
#map2 = affine_map<(d0, d1) -> (0, 0, 0)>
module attributes {stable_mosaic.version = 14 : i64} {
  func.func @k(%arg0: i32, %arg1: i32, %arg2: memref<320000xi32, #tpu.memory_space<hbm>>, %arg3: memref<80x128xf32, #tpu.memory_space<hbm>>, %arg4: memref<80x128xf32, #tpu.memory_space<hbm>>, %arg5: memref<2x10240x128xf32, #tpu.memory_space<hbm>>, %arg6: memref<80xi32, #tpu.memory_space<vmem>>, %arg7: memref<80xi32, #tpu.memory_space<vmem>>, %arg8: memref<80x128xf32, #tpu.memory_space<vmem>>, %arg9: memref<10240x128xf32, #tpu.memory_space<vmem_shared>>, %arg10: memref<!tpu.dma_semaphore, #tpu.memory_space<semaphore_mem>>) attributes {dimension_semantics = [#tpu.dimension_semantics<core_parallel>, #tpu.dimension_semantics<subcore_parallel>], iteration_bounds = array<i64: 2, 16>, scalar_prefetch = 0 : i64, scratch_operands = 5 : i64, tpu.core_type = #tpu.core_type<sc_vector_subcore>, window_params = [{transform_indices = #map}, {transform_indices = #map1}, {transform_indices = #map1}, {transform_indices = #map2}]} {
    %mul3A = arith.constant 16 : i32
    %mul3A_0 = arith.muli %arg0, %mul3A : i32
    %add3A = arith.addi %mul3A_0, %arg1 : i32
    %mul3A_1 = arith.constant 10000 : i32
    %mul3A_2 = arith.muli %add3A, %mul3A_1 : i32
    "tpu.region"() ({
      %run_scoped3A = tpu.sem_alloc : memref<!tpu.dma_semaphore, #tpu.memory_space<semaphore_mem>>
      tpu.enqueue_dma source(%arg4 : memref<80x128xf32, #tpu.memory_space<hbm>>) target(%arg8 : memref<80x128xf32, #tpu.memory_space<vmem>>) target_semaphore(%run_scoped3A : memref<!tpu.dma_semaphore, #tpu.memory_space<semaphore_mem>>)
      tpu.wait_dma2 semaphore(%run_scoped3A : memref<!tpu.dma_semaphore, #tpu.memory_space<semaphore_mem>>) src(%arg4 : memref<80x128xf32, #tpu.memory_space<hbm>>) dst(%arg8 : memref<80x128xf32, #tpu.memory_space<vmem>>)
      tpu.yield
    }) : () -> ()
    %mul3A_3 = arith.constant 640 : i32
    %mul3A_4 = arith.muli %arg1, %mul3A_3 : i32
    %add3A_5 = arith.constant 0 : i32
    %add3A_6 = arith.addi %mul3A_4, %add3A_5 : i32
    "tpu.region"() ({
      %run_scoped3A = tpu.sem_alloc : memref<!tpu.dma_semaphore, #tpu.memory_space<semaphore_mem>>
      %dma_start3A = arith.constant 0 : i32
      %dma_start3A_105 = tpu.memref_slice %arg9[%add3A_6, %dma_start3A] : memref<10240x128xf32, #tpu.memory_space<vmem_shared>> -> memref<80x128xf32, #tpu.memory_space<vmem_shared>>
      %dma_start3A_106 = arith.constant 0 : i32
      %dma_start3A_107 = tpu.memref_slice %arg9[%add3A_6, %dma_start3A_106] : memref<10240x128xf32, #tpu.memory_space<vmem_shared>> -> memref<80x128xf32, #tpu.memory_space<vmem_shared>>
      tpu.enqueue_dma source(%arg8 : memref<80x128xf32, #tpu.memory_space<vmem>>) target(%dma_start3A_107 : memref<80x128xf32, #tpu.memory_space<vmem_shared>>) target_semaphore(%run_scoped3A : memref<!tpu.dma_semaphore, #tpu.memory_space<semaphore_mem>>)
      %dma_wait3A = arith.constant 0 : i32
      %dma_wait3A_108 = tpu.memref_slice %arg9[%add3A_6, %dma_wait3A] : memref<10240x128xf32, #tpu.memory_space<vmem_shared>> -> memref<80x128xf32, #tpu.memory_space<vmem_shared>>
      %dma_wait3A_109 = arith.constant 0 : i32
      %dma_wait3A_110 = tpu.memref_slice %arg9[%add3A_6, %dma_wait3A_109] : memref<10240x128xf32, #tpu.memory_space<vmem_shared>> -> memref<80x128xf32, #tpu.memory_space<vmem_shared>>
      tpu.wait_dma2 semaphore(%run_scoped3A : memref<!tpu.dma_semaphore, #tpu.memory_space<semaphore_mem>>) src(%arg8 : memref<80x128xf32, #tpu.memory_space<vmem>>) dst(%dma_wait3A_110 : memref<80x128xf32, #tpu.memory_space<vmem_shared>>)
      tpu.yield
    }) : () -> ()
    %mul3A_7 = arith.constant 640 : i32
    %mul3A_8 = arith.muli %arg1, %mul3A_7 : i32
    %add3A_9 = arith.constant 80 : i32
    %add3A_10 = arith.addi %mul3A_8, %add3A_9 : i32
    "tpu.region"() ({
      %run_scoped3A = tpu.sem_alloc : memref<!tpu.dma_semaphore, #tpu.memory_space<semaphore_mem>>
      %dma_start3A = arith.constant 0 : i32
      %dma_start3A_105 = tpu.memref_slice %arg9[%add3A_10, %dma_start3A] : memref<10240x128xf32, #tpu.memory_space<vmem_shared>> -> memref<80x128xf32, #tpu.memory_space<vmem_shared>>
      %dma_start3A_106 = arith.constant 0 : i32
      %dma_start3A_107 = tpu.memref_slice %arg9[%add3A_10, %dma_start3A_106] : memref<10240x128xf32, #tpu.memory_space<vmem_shared>> -> memref<80x128xf32, #tpu.memory_space<vmem_shared>>
      tpu.enqueue_dma source(%arg8 : memref<80x128xf32, #tpu.memory_space<vmem>>) target(%dma_start3A_107 : memref<80x128xf32, #tpu.memory_space<vmem_shared>>) target_semaphore(%run_scoped3A : memref<!tpu.dma_semaphore, #tpu.memory_space<semaphore_mem>>)
      %dma_wait3A = arith.constant 0 : i32
      %dma_wait3A_108 = tpu.memref_slice %arg9[%add3A_10, %dma_wait3A] : memref<10240x128xf32, #tpu.memory_space<vmem_shared>> -> memref<80x128xf32, #tpu.memory_space<vmem_shared>>
      %dma_wait3A_109 = arith.constant 0 : i32
      %dma_wait3A_110 = tpu.memref_slice %arg9[%add3A_10, %dma_wait3A_109] : memref<10240x128xf32, #tpu.memory_space<vmem_shared>> -> memref<80x128xf32, #tpu.memory_space<vmem_shared>>
      tpu.wait_dma2 semaphore(%run_scoped3A : memref<!tpu.dma_semaphore, #tpu.memory_space<semaphore_mem>>) src(%arg8 : memref<80x128xf32, #tpu.memory_space<vmem>>) dst(%dma_wait3A_110 : memref<80x128xf32, #tpu.memory_space<vmem_shared>>)
      tpu.yield
    }) : () -> ()
    %mul3A_11 = arith.constant 640 : i32
    %mul3A_12 = arith.muli %arg1, %mul3A_11 : i32
    %add3A_13 = arith.constant 160 : i32
    %add3A_14 = arith.addi %mul3A_12, %add3A_13 : i32
    "tpu.region"() ({
      %run_scoped3A = tpu.sem_alloc : memref<!tpu.dma_semaphore, #tpu.memory_space<semaphore_mem>>
      %dma_start3A = arith.constant 0 : i32
      %dma_start3A_105 = tpu.memref_slice %arg9[%add3A_14, %dma_start3A] : memref<10240x128xf32, #tpu.memory_space<vmem_shared>> -> memref<80x128xf32, #tpu.memory_space<vmem_shared>>
      %dma_start3A_106 = arith.constant 0 : i32
      %dma_start3A_107 = tpu.memref_slice %arg9[%add3A_14, %dma_start3A_106] : memref<10240x128xf32, #tpu.memory_space<vmem_shared>> -> memref<80x128xf32, #tpu.memory_space<vmem_shared>>
      tpu.enqueue_dma source(%arg8 : memref<80x128xf32, #tpu.memory_space<vmem>>) target(%dma_start3A_107 : memref<80x128xf32, #tpu.memory_space<vmem_shared>>) target_semaphore(%run_scoped3A : memref<!tpu.dma_semaphore, #tpu.memory_space<semaphore_mem>>)
      %dma_wait3A = arith.constant 0 : i32
      %dma_wait3A_108 = tpu.memref_slice %arg9[%add3A_14, %dma_wait3A] : memref<10240x128xf32, #tpu.memory_space<vmem_shared>> -> memref<80x128xf32, #tpu.memory_space<vmem_shared>>
      %dma_wait3A_109 = arith.constant 0 : i32
      %dma_wait3A_110 = tpu.memref_slice %arg9[%add3A_14, %dma_wait3A_109] : memref<10240x128xf32, #tpu.memory_space<vmem_shared>> -> memref<80x128xf32, #tpu.memory_space<vmem_shared>>
      tpu.wait_dma2 semaphore(%run_scoped3A : memref<!tpu.dma_semaphore, #tpu.memory_space<semaphore_mem>>) src(%arg8 : memref<80x128xf32, #tpu.memory_space<vmem>>) dst(%dma_wait3A_110 : memref<80x128xf32, #tpu.memory_space<vmem_shared>>)
      tpu.yield
    }) : () -> ()
    %mul3A_15 = arith.constant 640 : i32
    %mul3A_16 = arith.muli %arg1, %mul3A_15 : i32
    %add3A_17 = arith.constant 240 : i32
    %add3A_18 = arith.addi %mul3A_16, %add3A_17 : i32
    "tpu.region"() ({
      %run_scoped3A = tpu.sem_alloc : memref<!tpu.dma_semaphore, #tpu.memory_space<semaphore_mem>>
      %dma_start3A = arith.constant 0 : i32
      %dma_start3A_105 = tpu.memref_slice %arg9[%add3A_18, %dma_start3A] : memref<10240x128xf32, #tpu.memory_space<vmem_shared>> -> memref<80x128xf32, #tpu.memory_space<vmem_shared>>
      %dma_start3A_106 = arith.constant 0 : i32
      %dma_start3A_107 = tpu.memref_slice %arg9[%add3A_18, %dma_start3A_106] : memref<10240x128xf32, #tpu.memory_space<vmem_shared>> -> memref<80x128xf32, #tpu.memory_space<vmem_shared>>
      tpu.enqueue_dma source(%arg8 : memref<80x128xf32, #tpu.memory_space<vmem>>) target(%dma_start3A_107 : memref<80x128xf32, #tpu.memory_space<vmem_shared>>) target_semaphore(%run_scoped3A : memref<!tpu.dma_semaphore, #tpu.memory_space<semaphore_mem>>)
      %dma_wait3A = arith.constant 0 : i32
      %dma_wait3A_108 = tpu.memref_slice %arg9[%add3A_18, %dma_wait3A] : memref<10240x128xf32, #tpu.memory_space<vmem_shared>> -> memref<80x128xf32, #tpu.memory_space<vmem_shared>>
      %dma_wait3A_109 = arith.constant 0 : i32
      %dma_wait3A_110 = tpu.memref_slice %arg9[%add3A_18, %dma_wait3A_109] : memref<10240x128xf32, #tpu.memory_space<vmem_shared>> -> memref<80x128xf32, #tpu.memory_space<vmem_shared>>
      tpu.wait_dma2 semaphore(%run_scoped3A : memref<!tpu.dma_semaphore, #tpu.memory_space<semaphore_mem>>) src(%arg8 : memref<80x128xf32, #tpu.memory_space<vmem>>) dst(%dma_wait3A_110 : memref<80x128xf32, #tpu.memory_space<vmem_shared>>)
      tpu.yield
    }) : () -> ()
    %mul3A_19 = arith.constant 640 : i32
    %mul3A_20 = arith.muli %arg1, %mul3A_19 : i32
    %add3A_21 = arith.constant 320 : i32
    %add3A_22 = arith.addi %mul3A_20, %add3A_21 : i32
    "tpu.region"() ({
      %run_scoped3A = tpu.sem_alloc : memref<!tpu.dma_semaphore, #tpu.memory_space<semaphore_mem>>
      %dma_start3A = arith.constant 0 : i32
      %dma_start3A_105 = tpu.memref_slice %arg9[%add3A_22, %dma_start3A] : memref<10240x128xf32, #tpu.memory_space<vmem_shared>> -> memref<80x128xf32, #tpu.memory_space<vmem_shared>>
      %dma_start3A_106 = arith.constant 0 : i32
      %dma_start3A_107 = tpu.memref_slice %arg9[%add3A_22, %dma_start3A_106] : memref<10240x128xf32, #tpu.memory_space<vmem_shared>> -> memref<80x128xf32, #tpu.memory_space<vmem_shared>>
      tpu.enqueue_dma source(%arg8 : memref<80x128xf32, #tpu.memory_space<vmem>>) target(%dma_start3A_107 : memref<80x128xf32, #tpu.memory_space<vmem_shared>>) target_semaphore(%run_scoped3A : memref<!tpu.dma_semaphore, #tpu.memory_space<semaphore_mem>>)
      %dma_wait3A = arith.constant 0 : i32
      %dma_wait3A_108 = tpu.memref_slice %arg9[%add3A_22, %dma_wait3A] : memref<10240x128xf32, #tpu.memory_space<vmem_shared>> -> memref<80x128xf32, #tpu.memory_space<vmem_shared>>
      %dma_wait3A_109 = arith.constant 0 : i32
      %dma_wait3A_110 = tpu.memref_slice %arg9[%add3A_22, %dma_wait3A_109] : memref<10240x128xf32, #tpu.memory_space<vmem_shared>> -> memref<80x128xf32, #tpu.memory_space<vmem_shared>>
      tpu.wait_dma2 semaphore(%run_scoped3A : memref<!tpu.dma_semaphore, #tpu.memory_space<semaphore_mem>>) src(%arg8 : memref<80x128xf32, #tpu.memory_space<vmem>>) dst(%dma_wait3A_110 : memref<80x128xf32, #tpu.memory_space<vmem_shared>>)
      tpu.yield
    }) : () -> ()
    %mul3A_23 = arith.constant 640 : i32
    %mul3A_24 = arith.muli %arg1, %mul3A_23 : i32
    %add3A_25 = arith.constant 400 : i32
    %add3A_26 = arith.addi %mul3A_24, %add3A_25 : i32
    "tpu.region"() ({
      %run_scoped3A = tpu.sem_alloc : memref<!tpu.dma_semaphore, #tpu.memory_space<semaphore_mem>>
      %dma_start3A = arith.constant 0 : i32
      %dma_start3A_105 = tpu.memref_slice %arg9[%add3A_26, %dma_start3A] : memref<10240x128xf32, #tpu.memory_space<vmem_shared>> -> memref<80x128xf32, #tpu.memory_space<vmem_shared>>
      %dma_start3A_106 = arith.constant 0 : i32
      %dma_start3A_107 = tpu.memref_slice %arg9[%add3A_26, %dma_start3A_106] : memref<10240x128xf32, #tpu.memory_space<vmem_shared>> -> memref<80x128xf32, #tpu.memory_space<vmem_shared>>
      tpu.enqueue_dma source(%arg8 : memref<80x128xf32, #tpu.memory_space<vmem>>) target(%dma_start3A_107 : memref<80x128xf32, #tpu.memory_space<vmem_shared>>) target_semaphore(%run_scoped3A : memref<!tpu.dma_semaphore, #tpu.memory_space<semaphore_mem>>)
      %dma_wait3A = arith.constant 0 : i32
      %dma_wait3A_108 = tpu.memref_slice %arg9[%add3A_26, %dma_wait3A] : memref<10240x128xf32, #tpu.memory_space<vmem_shared>> -> memref<80x128xf32, #tpu.memory_space<vmem_shared>>
      %dma_wait3A_109 = arith.constant 0 : i32
      %dma_wait3A_110 = tpu.memref_slice %arg9[%add3A_26, %dma_wait3A_109] : memref<10240x128xf32, #tpu.memory_space<vmem_shared>> -> memref<80x128xf32, #tpu.memory_space<vmem_shared>>
      tpu.wait_dma2 semaphore(%run_scoped3A : memref<!tpu.dma_semaphore, #tpu.memory_space<semaphore_mem>>) src(%arg8 : memref<80x128xf32, #tpu.memory_space<vmem>>) dst(%dma_wait3A_110 : memref<80x128xf32, #tpu.memory_space<vmem_shared>>)
      tpu.yield
    }) : () -> ()
    %mul3A_27 = arith.constant 640 : i32
    %mul3A_28 = arith.muli %arg1, %mul3A_27 : i32
    %add3A_29 = arith.constant 480 : i32
    %add3A_30 = arith.addi %mul3A_28, %add3A_29 : i32
    "tpu.region"() ({
      %run_scoped3A = tpu.sem_alloc : memref<!tpu.dma_semaphore, #tpu.memory_space<semaphore_mem>>
      %dma_start3A = arith.constant 0 : i32
      %dma_start3A_105 = tpu.memref_slice %arg9[%add3A_30, %dma_start3A] : memref<10240x128xf32, #tpu.memory_space<vmem_shared>> -> memref<80x128xf32, #tpu.memory_space<vmem_shared>>
      %dma_start3A_106 = arith.constant 0 : i32
      %dma_start3A_107 = tpu.memref_slice %arg9[%add3A_30, %dma_start3A_106] : memref<10240x128xf32, #tpu.memory_space<vmem_shared>> -> memref<80x128xf32, #tpu.memory_space<vmem_shared>>
      tpu.enqueue_dma source(%arg8 : memref<80x128xf32, #tpu.memory_space<vmem>>) target(%dma_start3A_107 : memref<80x128xf32, #tpu.memory_space<vmem_shared>>) target_semaphore(%run_scoped3A : memref<!tpu.dma_semaphore, #tpu.memory_space<semaphore_mem>>)
      %dma_wait3A = arith.constant 0 : i32
      %dma_wait3A_108 = tpu.memref_slice %arg9[%add3A_30, %dma_wait3A] : memref<10240x128xf32, #tpu.memory_space<vmem_shared>> -> memref<80x128xf32, #tpu.memory_space<vmem_shared>>
      %dma_wait3A_109 = arith.constant 0 : i32
      %dma_wait3A_110 = tpu.memref_slice %arg9[%add3A_30, %dma_wait3A_109] : memref<10240x128xf32, #tpu.memory_space<vmem_shared>> -> memref<80x128xf32, #tpu.memory_space<vmem_shared>>
      tpu.wait_dma2 semaphore(%run_scoped3A : memref<!tpu.dma_semaphore, #tpu.memory_space<semaphore_mem>>) src(%arg8 : memref<80x128xf32, #tpu.memory_space<vmem>>) dst(%dma_wait3A_110 : memref<80x128xf32, #tpu.memory_space<vmem_shared>>)
      tpu.yield
    }) : () -> ()
    %mul3A_31 = arith.constant 640 : i32
    %mul3A_32 = arith.muli %arg1, %mul3A_31 : i32
    %add3A_33 = arith.constant 560 : i32
    %add3A_34 = arith.addi %mul3A_32, %add3A_33 : i32
    "tpu.region"() ({
      %run_scoped3A = tpu.sem_alloc : memref<!tpu.dma_semaphore, #tpu.memory_space<semaphore_mem>>
      %dma_start3A = arith.constant 0 : i32
      %dma_start3A_105 = tpu.memref_slice %arg9[%add3A_34, %dma_start3A] : memref<10240x128xf32, #tpu.memory_space<vmem_shared>> -> memref<80x128xf32, #tpu.memory_space<vmem_shared>>
      %dma_start3A_106 = arith.constant 0 : i32
      %dma_start3A_107 = tpu.memref_slice %arg9[%add3A_34, %dma_start3A_106] : memref<10240x128xf32, #tpu.memory_space<vmem_shared>> -> memref<80x128xf32, #tpu.memory_space<vmem_shared>>
      tpu.enqueue_dma source(%arg8 : memref<80x128xf32, #tpu.memory_space<vmem>>) target(%dma_start3A_107 : memref<80x128xf32, #tpu.memory_space<vmem_shared>>) target_semaphore(%run_scoped3A : memref<!tpu.dma_semaphore, #tpu.memory_space<semaphore_mem>>)
      %dma_wait3A = arith.constant 0 : i32
      %dma_wait3A_108 = tpu.memref_slice %arg9[%add3A_34, %dma_wait3A] : memref<10240x128xf32, #tpu.memory_space<vmem_shared>> -> memref<80x128xf32, #tpu.memory_space<vmem_shared>>
      %dma_wait3A_109 = arith.constant 0 : i32
      %dma_wait3A_110 = tpu.memref_slice %arg9[%add3A_34, %dma_wait3A_109] : memref<10240x128xf32, #tpu.memory_space<vmem_shared>> -> memref<80x128xf32, #tpu.memory_space<vmem_shared>>
      tpu.wait_dma2 semaphore(%run_scoped3A : memref<!tpu.dma_semaphore, #tpu.memory_space<semaphore_mem>>) src(%arg8 : memref<80x128xf32, #tpu.memory_space<vmem>>) dst(%dma_wait3A_110 : memref<80x128xf32, #tpu.memory_space<vmem_shared>>)
      tpu.yield
    }) : () -> ()
    "tpu.region"() ({
      %run_scoped3A = tpu.sem_alloc : memref<!tpu.dma_semaphore, #tpu.memory_space<semaphore_mem>>
      tpu.enqueue_dma source(%arg3 : memref<80x128xf32, #tpu.memory_space<hbm>>) target(%arg8 : memref<80x128xf32, #tpu.memory_space<vmem>>) target_semaphore(%run_scoped3A : memref<!tpu.dma_semaphore, #tpu.memory_space<semaphore_mem>>)
      tpu.wait_dma2 semaphore(%run_scoped3A : memref<!tpu.dma_semaphore, #tpu.memory_space<semaphore_mem>>) src(%arg3 : memref<80x128xf32, #tpu.memory_space<hbm>>) dst(%arg8 : memref<80x128xf32, #tpu.memory_space<vmem>>)
      tpu.yield
    }) : () -> ()
    %barrier3A = arith.constant 0 : index
    tpu.barrier barrier_id(%barrier3A)
    "tpu.region"() ({
      %run_scoped3A = tpu.sem_alloc : memref<!tpu.dma_semaphore, #tpu.memory_space<semaphore_mem>>
      %dma_start3A = tpu.memref_slice %arg2[%mul3A_2] : memref<320000xi32, #tpu.memory_space<hbm>> -> memref<80xi32, #tpu.memory_space<hbm>>
      %dma_start3A_105 = tpu.memref_slice %arg2[%mul3A_2] : memref<320000xi32, #tpu.memory_space<hbm>> -> memref<80xi32, #tpu.memory_space<hbm>>
      tpu.enqueue_dma source(%dma_start3A_105 : memref<80xi32, #tpu.memory_space<hbm>>) target(%arg6 : memref<80xi32, #tpu.memory_space<vmem>>) target_semaphore(%run_scoped3A : memref<!tpu.dma_semaphore, #tpu.memory_space<semaphore_mem>>)
      %dma_wait3A = tpu.memref_slice %arg2[%mul3A_2] : memref<320000xi32, #tpu.memory_space<hbm>> -> memref<80xi32, #tpu.memory_space<hbm>>
      %dma_wait3A_106 = tpu.memref_slice %arg2[%mul3A_2] : memref<320000xi32, #tpu.memory_space<hbm>> -> memref<80xi32, #tpu.memory_space<hbm>>
      tpu.wait_dma2 semaphore(%run_scoped3A : memref<!tpu.dma_semaphore, #tpu.memory_space<semaphore_mem>>) src(%dma_wait3A_106 : memref<80xi32, #tpu.memory_space<hbm>>) dst(%arg6 : memref<80xi32, #tpu.memory_space<vmem>>)
      tpu.yield
    }) : () -> ()
    %scan3A = arith.constant 0 : i32
    %scan3A_35 = arith.constant 0 : i32
    %scan3A_36 = arith.constant 62 : i32
    %scan3A_37 = arith.addi %scan3A_35, %scan3A_36 : i32
    %scan3A_38 = arith.constant 1 : i32
    scf.for %scan3A_105 = %scan3A_35 to %scan3A_37 step %scan3A_38  : i32 {
      %mul3A_106 = arith.constant 2 : i32
      %mul3A_107 = arith.muli %mul3A_106, %scan3A_105 : i32
      %add3A_108 = arith.constant 1 : i32
      %add3A_109 = arith.addi %mul3A_107, %add3A_108 : i32
      %mul3A_110 = arith.constant 2 : i32
      %mul3A_111 = arith.muli %mul3A_110, %scan3A_105 : i32
      %add3A_112 = arith.constant 2 : i32
      %add3A_113 = arith.addi %mul3A_111, %add3A_112 : i32
      %min3A = arith.constant 124 : i32
      %min3A_114 = arith.minsi %add3A_113, %min3A : i32
      %mul3A_115 = arith.constant 80 : i32
      %mul3A_116 = arith.muli %add3A_109, %mul3A_115 : i32
      %add3A_117 = arith.addi %mul3A_2, %mul3A_116 : i32
      %dma_start3A = tpu.memref_slice %arg2[%add3A_117] : memref<320000xi32, #tpu.memory_space<hbm>> -> memref<80xi32, #tpu.memory_space<hbm>>
      %dma_start3A_118 = tpu.memref_slice %arg2[%add3A_117] : memref<320000xi32, #tpu.memory_space<hbm>> -> memref<80xi32, #tpu.memory_space<hbm>>
      tpu.enqueue_dma source(%dma_start3A_118 : memref<80xi32, #tpu.memory_space<hbm>>) target(%arg7 : memref<80xi32, #tpu.memory_space<vmem>>) target_semaphore(%arg10 : memref<!tpu.dma_semaphore, #tpu.memory_space<semaphore_mem>>)
      "tpu.region"() ({
        %run_scoped3A = tpu.sem_alloc : memref<!tpu.dma_semaphore, #tpu.memory_space<semaphore_mem>>
        %dma_start3A_127 = arith.constant 0 : i32
        %dma_start3A_128 = arith.constant 0 : i32
        %dma_start3A_129 = tpu.memref_slice %arg9[%dma_start3A_127, %dma_start3A_128] : memref<10240x128xf32, #tpu.memory_space<vmem_shared>> -> memref<10240x128xf32, #tpu.memory_space<vmem_shared>>
        tpu.enqueue_indirect_dma source(%arg8 : memref<80x128xf32, #tpu.memory_space<vmem>>) target(%dma_start3A_129 : memref<10240x128xf32, #tpu.memory_space<vmem_shared>>) offsets(%arg6 : memref<80xi32, #tpu.memory_space<vmem>>) semaphore(%run_scoped3A : memref<!tpu.dma_semaphore, #tpu.memory_space<semaphore_mem>>) {add = true}
        %dma_wait3A_130 = arith.constant 0 : i32
        %dma_wait3A_131 = arith.constant 0 : i32
        %dma_wait3A_132 = tpu.memref_slice %arg9[%dma_wait3A_130, %dma_wait3A_131] : memref<10240x128xf32, #tpu.memory_space<vmem_shared>> -> memref<10240x128xf32, #tpu.memory_space<vmem_shared>>
        tpu.wait_indirect_dma semaphore(%run_scoped3A : memref<!tpu.dma_semaphore, #tpu.memory_space<semaphore_mem>>) src(%arg8 : memref<80x128xf32, #tpu.memory_space<vmem>>) dst(%dma_wait3A_132 : memref<10240x128xf32, #tpu.memory_space<vmem_shared>>)
        tpu.yield
      }) : () -> ()
      %dma_wait3A = tpu.memref_slice %arg2[%mul3A_2] : memref<320000xi32, #tpu.memory_space<hbm>> -> memref<80xi32, #tpu.memory_space<hbm>>
      %dma_wait3A_119 = tpu.memref_slice %arg2[%mul3A_2] : memref<320000xi32, #tpu.memory_space<hbm>> -> memref<80xi32, #tpu.memory_space<hbm>>
      tpu.wait_dma2 semaphore(%arg10 : memref<!tpu.dma_semaphore, #tpu.memory_space<semaphore_mem>>) src(%dma_wait3A_119 : memref<80xi32, #tpu.memory_space<hbm>>) dst(%arg7 : memref<80xi32, #tpu.memory_space<vmem>>)
      %mul3A_120 = arith.constant 80 : i32
      %mul3A_121 = arith.muli %min3A_114, %mul3A_120 : i32
      %add3A_122 = arith.addi %mul3A_2, %mul3A_121 : i32
      %dma_start3A_123 = tpu.memref_slice %arg2[%add3A_122] : memref<320000xi32, #tpu.memory_space<hbm>> -> memref<80xi32, #tpu.memory_space<hbm>>
      %dma_start3A_124 = tpu.memref_slice %arg2[%add3A_122] : memref<320000xi32, #tpu.memory_space<hbm>> -> memref<80xi32, #tpu.memory_space<hbm>>
      tpu.enqueue_dma source(%dma_start3A_124 : memref<80xi32, #tpu.memory_space<hbm>>) target(%arg6 : memref<80xi32, #tpu.memory_space<vmem>>) target_semaphore(%arg10 : memref<!tpu.dma_semaphore, #tpu.memory_space<semaphore_mem>>)
      "tpu.region"() ({
        %run_scoped3A = tpu.sem_alloc : memref<!tpu.dma_semaphore, #tpu.memory_space<semaphore_mem>>
        %dma_start3A_127 = arith.constant 0 : i32
        %dma_start3A_128 = arith.constant 0 : i32
        %dma_start3A_129 = tpu.memref_slice %arg9[%dma_start3A_127, %dma_start3A_128] : memref<10240x128xf32, #tpu.memory_space<vmem_shared>> -> memref<10240x128xf32, #tpu.memory_space<vmem_shared>>
        tpu.enqueue_indirect_dma source(%arg8 : memref<80x128xf32, #tpu.memory_space<vmem>>) target(%dma_start3A_129 : memref<10240x128xf32, #tpu.memory_space<vmem_shared>>) offsets(%arg7 : memref<80xi32, #tpu.memory_space<vmem>>) semaphore(%run_scoped3A : memref<!tpu.dma_semaphore, #tpu.memory_space<semaphore_mem>>) {add = true}
        %dma_wait3A_130 = arith.constant 0 : i32
        %dma_wait3A_131 = arith.constant 0 : i32
        %dma_wait3A_132 = tpu.memref_slice %arg9[%dma_wait3A_130, %dma_wait3A_131] : memref<10240x128xf32, #tpu.memory_space<vmem_shared>> -> memref<10240x128xf32, #tpu.memory_space<vmem_shared>>
        tpu.wait_indirect_dma semaphore(%run_scoped3A : memref<!tpu.dma_semaphore, #tpu.memory_space<semaphore_mem>>) src(%arg8 : memref<80x128xf32, #tpu.memory_space<vmem>>) dst(%dma_wait3A_132 : memref<10240x128xf32, #tpu.memory_space<vmem_shared>>)
        tpu.yield
      }) : () -> ()
      %dma_wait3A_125 = tpu.memref_slice %arg2[%mul3A_2] : memref<320000xi32, #tpu.memory_space<hbm>> -> memref<80xi32, #tpu.memory_space<hbm>>
      %dma_wait3A_126 = tpu.memref_slice %arg2[%mul3A_2] : memref<320000xi32, #tpu.memory_space<hbm>> -> memref<80xi32, #tpu.memory_space<hbm>>
      tpu.wait_dma2 semaphore(%arg10 : memref<!tpu.dma_semaphore, #tpu.memory_space<semaphore_mem>>) src(%dma_wait3A_126 : memref<80xi32, #tpu.memory_space<hbm>>) dst(%arg6 : memref<80xi32, #tpu.memory_space<vmem>>)
    }
    %scan3A_39 = arith.constant 62 : i32
    "tpu.region"() ({
      %run_scoped3A = tpu.sem_alloc : memref<!tpu.dma_semaphore, #tpu.memory_space<semaphore_mem>>
      %dma_start3A = arith.constant 0 : i32
      %dma_start3A_105 = arith.constant 0 : i32
      %dma_start3A_106 = tpu.memref_slice %arg9[%dma_start3A, %dma_start3A_105] : memref<10240x128xf32, #tpu.memory_space<vmem_shared>> -> memref<10240x128xf32, #tpu.memory_space<vmem_shared>>
      tpu.enqueue_indirect_dma source(%arg8 : memref<80x128xf32, #tpu.memory_space<vmem>>) target(%dma_start3A_106 : memref<10240x128xf32, #tpu.memory_space<vmem_shared>>) offsets(%arg6 : memref<80xi32, #tpu.memory_space<vmem>>) semaphore(%run_scoped3A : memref<!tpu.dma_semaphore, #tpu.memory_space<semaphore_mem>>) {add = true}
      %dma_wait3A = arith.constant 0 : i32
      %dma_wait3A_107 = arith.constant 0 : i32
      %dma_wait3A_108 = tpu.memref_slice %arg9[%dma_wait3A, %dma_wait3A_107] : memref<10240x128xf32, #tpu.memory_space<vmem_shared>> -> memref<10240x128xf32, #tpu.memory_space<vmem_shared>>
      tpu.wait_indirect_dma semaphore(%run_scoped3A : memref<!tpu.dma_semaphore, #tpu.memory_space<semaphore_mem>>) src(%arg8 : memref<80x128xf32, #tpu.memory_space<vmem>>) dst(%dma_wait3A_108 : memref<10240x128xf32, #tpu.memory_space<vmem_shared>>)
      tpu.yield
    }) : () -> ()
    %barrier3A_40 = arith.constant 0 : index
    tpu.barrier barrier_id(%barrier3A_40)
    %mul3A_41 = arith.constant 640 : i32
    %mul3A_42 = arith.muli %arg1, %mul3A_41 : i32
    %add3A_43 = arith.constant 0 : i32
    %add3A_44 = arith.addi %mul3A_42, %add3A_43 : i32
    "tpu.region"() ({
      %run_scoped3A = tpu.sem_alloc : memref<!tpu.dma_semaphore, #tpu.memory_space<semaphore_mem>>
      %dma_start3A = arith.constant 0 : i32
      %dma_start3A_105 = tpu.memref_slice %arg9[%add3A_44, %dma_start3A] : memref<10240x128xf32, #tpu.memory_space<vmem_shared>> -> memref<80x128xf32, #tpu.memory_space<vmem_shared>>
      %dma_start3A_106 = arith.constant 0 : i32
      %dma_start3A_107 = tpu.memref_slice %arg9[%add3A_44, %dma_start3A_106] : memref<10240x128xf32, #tpu.memory_space<vmem_shared>> -> memref<80x128xf32, #tpu.memory_space<vmem_shared>>
      tpu.enqueue_dma source(%dma_start3A_107 : memref<80x128xf32, #tpu.memory_space<vmem_shared>>) target(%arg8 : memref<80x128xf32, #tpu.memory_space<vmem>>) target_semaphore(%run_scoped3A : memref<!tpu.dma_semaphore, #tpu.memory_space<semaphore_mem>>)
      %dma_wait3A = arith.constant 0 : i32
      %dma_wait3A_108 = tpu.memref_slice %arg9[%add3A_44, %dma_wait3A] : memref<10240x128xf32, #tpu.memory_space<vmem_shared>> -> memref<80x128xf32, #tpu.memory_space<vmem_shared>>
      %dma_wait3A_109 = arith.constant 0 : i32
      %dma_wait3A_110 = tpu.memref_slice %arg9[%add3A_44, %dma_wait3A_109] : memref<10240x128xf32, #tpu.memory_space<vmem_shared>> -> memref<80x128xf32, #tpu.memory_space<vmem_shared>>
      tpu.wait_dma2 semaphore(%run_scoped3A : memref<!tpu.dma_semaphore, #tpu.memory_space<semaphore_mem>>) src(%dma_wait3A_110 : memref<80x128xf32, #tpu.memory_space<vmem_shared>>) dst(%arg8 : memref<80x128xf32, #tpu.memory_space<vmem>>)
      tpu.yield
    }) : () -> ()
    %mul3A_45 = arith.constant 640 : i32
    %mul3A_46 = arith.muli %arg1, %mul3A_45 : i32
    %add3A_47 = arith.constant 0 : i32
    %add3A_48 = arith.addi %mul3A_46, %add3A_47 : i32
    "tpu.region"() ({
      %run_scoped3A = tpu.sem_alloc : memref<!tpu.dma_semaphore, #tpu.memory_space<semaphore_mem>>
      %dma_start3A = arith.constant 0 : i32
      %dma_start3A_105 = tpu.memref_slice %arg5[%arg0, %add3A_48, %dma_start3A] : memref<2x10240x128xf32, #tpu.memory_space<hbm>> -> memref<1x80x128xf32, #tpu.memory_space<hbm>>
      %dma_start3A_106 = tpu.memref_squeeze %dma_start3A_105 : memref<1x80x128xf32, #tpu.memory_space<hbm>> -> memref<80x128xf32, #tpu.memory_space<hbm>>
      %dma_start3A_107 = arith.constant 0 : i32
      %dma_start3A_108 = tpu.memref_slice %arg5[%arg0, %add3A_48, %dma_start3A_107] : memref<2x10240x128xf32, #tpu.memory_space<hbm>> -> memref<1x80x128xf32, #tpu.memory_space<hbm>>
      %dma_start3A_109 = tpu.memref_squeeze %dma_start3A_108 : memref<1x80x128xf32, #tpu.memory_space<hbm>> -> memref<80x128xf32, #tpu.memory_space<hbm>>
      tpu.enqueue_dma source(%arg8 : memref<80x128xf32, #tpu.memory_space<vmem>>) target(%dma_start3A_109 : memref<80x128xf32, #tpu.memory_space<hbm>>) target_semaphore(%run_scoped3A : memref<!tpu.dma_semaphore, #tpu.memory_space<semaphore_mem>>)
      %dma_wait3A = arith.constant 0 : i32
      %dma_wait3A_110 = tpu.memref_slice %arg5[%arg0, %add3A_48, %dma_wait3A] : memref<2x10240x128xf32, #tpu.memory_space<hbm>> -> memref<1x80x128xf32, #tpu.memory_space<hbm>>
      %dma_wait3A_111 = tpu.memref_squeeze %dma_wait3A_110 : memref<1x80x128xf32, #tpu.memory_space<hbm>> -> memref<80x128xf32, #tpu.memory_space<hbm>>
      %dma_wait3A_112 = arith.constant 0 : i32
      %dma_wait3A_113 = tpu.memref_slice %arg5[%arg0, %add3A_48, %dma_wait3A_112] : memref<2x10240x128xf32, #tpu.memory_space<hbm>> -> memref<1x80x128xf32, #tpu.memory_space<hbm>>
      %dma_wait3A_114 = tpu.memref_squeeze %dma_wait3A_113 : memref<1x80x128xf32, #tpu.memory_space<hbm>> -> memref<80x128xf32, #tpu.memory_space<hbm>>
      tpu.wait_dma2 semaphore(%run_scoped3A : memref<!tpu.dma_semaphore, #tpu.memory_space<semaphore_mem>>) src(%arg8 : memref<80x128xf32, #tpu.memory_space<vmem>>) dst(%dma_wait3A_114 : memref<80x128xf32, #tpu.memory_space<hbm>>)
      tpu.yield
    }) : () -> ()
    %mul3A_49 = arith.constant 640 : i32
    %mul3A_50 = arith.muli %arg1, %mul3A_49 : i32
    %add3A_51 = arith.constant 80 : i32
    %add3A_52 = arith.addi %mul3A_50, %add3A_51 : i32
    "tpu.region"() ({
      %run_scoped3A = tpu.sem_alloc : memref<!tpu.dma_semaphore, #tpu.memory_space<semaphore_mem>>
      %dma_start3A = arith.constant 0 : i32
      %dma_start3A_105 = tpu.memref_slice %arg9[%add3A_52, %dma_start3A] : memref<10240x128xf32, #tpu.memory_space<vmem_shared>> -> memref<80x128xf32, #tpu.memory_space<vmem_shared>>
      %dma_start3A_106 = arith.constant 0 : i32
      %dma_start3A_107 = tpu.memref_slice %arg9[%add3A_52, %dma_start3A_106] : memref<10240x128xf32, #tpu.memory_space<vmem_shared>> -> memref<80x128xf32, #tpu.memory_space<vmem_shared>>
      tpu.enqueue_dma source(%dma_start3A_107 : memref<80x128xf32, #tpu.memory_space<vmem_shared>>) target(%arg8 : memref<80x128xf32, #tpu.memory_space<vmem>>) target_semaphore(%run_scoped3A : memref<!tpu.dma_semaphore, #tpu.memory_space<semaphore_mem>>)
      %dma_wait3A = arith.constant 0 : i32
      %dma_wait3A_108 = tpu.memref_slice %arg9[%add3A_52, %dma_wait3A] : memref<10240x128xf32, #tpu.memory_space<vmem_shared>> -> memref<80x128xf32, #tpu.memory_space<vmem_shared>>
      %dma_wait3A_109 = arith.constant 0 : i32
      %dma_wait3A_110 = tpu.memref_slice %arg9[%add3A_52, %dma_wait3A_109] : memref<10240x128xf32, #tpu.memory_space<vmem_shared>> -> memref<80x128xf32, #tpu.memory_space<vmem_shared>>
      tpu.wait_dma2 semaphore(%run_scoped3A : memref<!tpu.dma_semaphore, #tpu.memory_space<semaphore_mem>>) src(%dma_wait3A_110 : memref<80x128xf32, #tpu.memory_space<vmem_shared>>) dst(%arg8 : memref<80x128xf32, #tpu.memory_space<vmem>>)
      tpu.yield
    }) : () -> ()
    %mul3A_53 = arith.constant 640 : i32
    %mul3A_54 = arith.muli %arg1, %mul3A_53 : i32
    %add3A_55 = arith.constant 80 : i32
    %add3A_56 = arith.addi %mul3A_54, %add3A_55 : i32
    "tpu.region"() ({
      %run_scoped3A = tpu.sem_alloc : memref<!tpu.dma_semaphore, #tpu.memory_space<semaphore_mem>>
      %dma_start3A = arith.constant 0 : i32
      %dma_start3A_105 = tpu.memref_slice %arg5[%arg0, %add3A_56, %dma_start3A] : memref<2x10240x128xf32, #tpu.memory_space<hbm>> -> memref<1x80x128xf32, #tpu.memory_space<hbm>>
      %dma_start3A_106 = tpu.memref_squeeze %dma_start3A_105 : memref<1x80x128xf32, #tpu.memory_space<hbm>> -> memref<80x128xf32, #tpu.memory_space<hbm>>
      %dma_start3A_107 = arith.constant 0 : i32
      %dma_start3A_108 = tpu.memref_slice %arg5[%arg0, %add3A_56, %dma_start3A_107] : memref<2x10240x128xf32, #tpu.memory_space<hbm>> -> memref<1x80x128xf32, #tpu.memory_space<hbm>>
      %dma_start3A_109 = tpu.memref_squeeze %dma_start3A_108 : memref<1x80x128xf32, #tpu.memory_space<hbm>> -> memref<80x128xf32, #tpu.memory_space<hbm>>
      tpu.enqueue_dma source(%arg8 : memref<80x128xf32, #tpu.memory_space<vmem>>) target(%dma_start3A_109 : memref<80x128xf32, #tpu.memory_space<hbm>>) target_semaphore(%run_scoped3A : memref<!tpu.dma_semaphore, #tpu.memory_space<semaphore_mem>>)
      %dma_wait3A = arith.constant 0 : i32
      %dma_wait3A_110 = tpu.memref_slice %arg5[%arg0, %add3A_56, %dma_wait3A] : memref<2x10240x128xf32, #tpu.memory_space<hbm>> -> memref<1x80x128xf32, #tpu.memory_space<hbm>>
      %dma_wait3A_111 = tpu.memref_squeeze %dma_wait3A_110 : memref<1x80x128xf32, #tpu.memory_space<hbm>> -> memref<80x128xf32, #tpu.memory_space<hbm>>
      %dma_wait3A_112 = arith.constant 0 : i32
      %dma_wait3A_113 = tpu.memref_slice %arg5[%arg0, %add3A_56, %dma_wait3A_112] : memref<2x10240x128xf32, #tpu.memory_space<hbm>> -> memref<1x80x128xf32, #tpu.memory_space<hbm>>
      %dma_wait3A_114 = tpu.memref_squeeze %dma_wait3A_113 : memref<1x80x128xf32, #tpu.memory_space<hbm>> -> memref<80x128xf32, #tpu.memory_space<hbm>>
      tpu.wait_dma2 semaphore(%run_scoped3A : memref<!tpu.dma_semaphore, #tpu.memory_space<semaphore_mem>>) src(%arg8 : memref<80x128xf32, #tpu.memory_space<vmem>>) dst(%dma_wait3A_114 : memref<80x128xf32, #tpu.memory_space<hbm>>)
      tpu.yield
    }) : () -> ()
    %mul3A_57 = arith.constant 640 : i32
    %mul3A_58 = arith.muli %arg1, %mul3A_57 : i32
    %add3A_59 = arith.constant 160 : i32
    %add3A_60 = arith.addi %mul3A_58, %add3A_59 : i32
    "tpu.region"() ({
      %run_scoped3A = tpu.sem_alloc : memref<!tpu.dma_semaphore, #tpu.memory_space<semaphore_mem>>
      %dma_start3A = arith.constant 0 : i32
      %dma_start3A_105 = tpu.memref_slice %arg9[%add3A_60, %dma_start3A] : memref<10240x128xf32, #tpu.memory_space<vmem_shared>> -> memref<80x128xf32, #tpu.memory_space<vmem_shared>>
      %dma_start3A_106 = arith.constant 0 : i32
      %dma_start3A_107 = tpu.memref_slice %arg9[%add3A_60, %dma_start3A_106] : memref<10240x128xf32, #tpu.memory_space<vmem_shared>> -> memref<80x128xf32, #tpu.memory_space<vmem_shared>>
      tpu.enqueue_dma source(%dma_start3A_107 : memref<80x128xf32, #tpu.memory_space<vmem_shared>>) target(%arg8 : memref<80x128xf32, #tpu.memory_space<vmem>>) target_semaphore(%run_scoped3A : memref<!tpu.dma_semaphore, #tpu.memory_space<semaphore_mem>>)
      %dma_wait3A = arith.constant 0 : i32
      %dma_wait3A_108 = tpu.memref_slice %arg9[%add3A_60, %dma_wait3A] : memref<10240x128xf32, #tpu.memory_space<vmem_shared>> -> memref<80x128xf32, #tpu.memory_space<vmem_shared>>
      %dma_wait3A_109 = arith.constant 0 : i32
      %dma_wait3A_110 = tpu.memref_slice %arg9[%add3A_60, %dma_wait3A_109] : memref<10240x128xf32, #tpu.memory_space<vmem_shared>> -> memref<80x128xf32, #tpu.memory_space<vmem_shared>>
      tpu.wait_dma2 semaphore(%run_scoped3A : memref<!tpu.dma_semaphore, #tpu.memory_space<semaphore_mem>>) src(%dma_wait3A_110 : memref<80x128xf32, #tpu.memory_space<vmem_shared>>) dst(%arg8 : memref<80x128xf32, #tpu.memory_space<vmem>>)
      tpu.yield
    }) : () -> ()
    %mul3A_61 = arith.constant 640 : i32
    %mul3A_62 = arith.muli %arg1, %mul3A_61 : i32
    %add3A_63 = arith.constant 160 : i32
    %add3A_64 = arith.addi %mul3A_62, %add3A_63 : i32
    "tpu.region"() ({
      %run_scoped3A = tpu.sem_alloc : memref<!tpu.dma_semaphore, #tpu.memory_space<semaphore_mem>>
      %dma_start3A = arith.constant 0 : i32
      %dma_start3A_105 = tpu.memref_slice %arg5[%arg0, %add3A_64, %dma_start3A] : memref<2x10240x128xf32, #tpu.memory_space<hbm>> -> memref<1x80x128xf32, #tpu.memory_space<hbm>>
      %dma_start3A_106 = tpu.memref_squeeze %dma_start3A_105 : memref<1x80x128xf32, #tpu.memory_space<hbm>> -> memref<80x128xf32, #tpu.memory_space<hbm>>
      %dma_start3A_107 = arith.constant 0 : i32
      %dma_start3A_108 = tpu.memref_slice %arg5[%arg0, %add3A_64, %dma_start3A_107] : memref<2x10240x128xf32, #tpu.memory_space<hbm>> -> memref<1x80x128xf32, #tpu.memory_space<hbm>>
      %dma_start3A_109 = tpu.memref_squeeze %dma_start3A_108 : memref<1x80x128xf32, #tpu.memory_space<hbm>> -> memref<80x128xf32, #tpu.memory_space<hbm>>
      tpu.enqueue_dma source(%arg8 : memref<80x128xf32, #tpu.memory_space<vmem>>) target(%dma_start3A_109 : memref<80x128xf32, #tpu.memory_space<hbm>>) target_semaphore(%run_scoped3A : memref<!tpu.dma_semaphore, #tpu.memory_space<semaphore_mem>>)
      %dma_wait3A = arith.constant 0 : i32
      %dma_wait3A_110 = tpu.memref_slice %arg5[%arg0, %add3A_64, %dma_wait3A] : memref<2x10240x128xf32, #tpu.memory_space<hbm>> -> memref<1x80x128xf32, #tpu.memory_space<hbm>>
      %dma_wait3A_111 = tpu.memref_squeeze %dma_wait3A_110 : memref<1x80x128xf32, #tpu.memory_space<hbm>> -> memref<80x128xf32, #tpu.memory_space<hbm>>
      %dma_wait3A_112 = arith.constant 0 : i32
      %dma_wait3A_113 = tpu.memref_slice %arg5[%arg0, %add3A_64, %dma_wait3A_112] : memref<2x10240x128xf32, #tpu.memory_space<hbm>> -> memref<1x80x128xf32, #tpu.memory_space<hbm>>
      %dma_wait3A_114 = tpu.memref_squeeze %dma_wait3A_113 : memref<1x80x128xf32, #tpu.memory_space<hbm>> -> memref<80x128xf32, #tpu.memory_space<hbm>>
      tpu.wait_dma2 semaphore(%run_scoped3A : memref<!tpu.dma_semaphore, #tpu.memory_space<semaphore_mem>>) src(%arg8 : memref<80x128xf32, #tpu.memory_space<vmem>>) dst(%dma_wait3A_114 : memref<80x128xf32, #tpu.memory_space<hbm>>)
      tpu.yield
    }) : () -> ()
    %mul3A_65 = arith.constant 640 : i32
    %mul3A_66 = arith.muli %arg1, %mul3A_65 : i32
    %add3A_67 = arith.constant 240 : i32
    %add3A_68 = arith.addi %mul3A_66, %add3A_67 : i32
    "tpu.region"() ({
      %run_scoped3A = tpu.sem_alloc : memref<!tpu.dma_semaphore, #tpu.memory_space<semaphore_mem>>
      %dma_start3A = arith.constant 0 : i32
      %dma_start3A_105 = tpu.memref_slice %arg9[%add3A_68, %dma_start3A] : memref<10240x128xf32, #tpu.memory_space<vmem_shared>> -> memref<80x128xf32, #tpu.memory_space<vmem_shared>>
      %dma_start3A_106 = arith.constant 0 : i32
      %dma_start3A_107 = tpu.memref_slice %arg9[%add3A_68, %dma_start3A_106] : memref<10240x128xf32, #tpu.memory_space<vmem_shared>> -> memref<80x128xf32, #tpu.memory_space<vmem_shared>>
      tpu.enqueue_dma source(%dma_start3A_107 : memref<80x128xf32, #tpu.memory_space<vmem_shared>>) target(%arg8 : memref<80x128xf32, #tpu.memory_space<vmem>>) target_semaphore(%run_scoped3A : memref<!tpu.dma_semaphore, #tpu.memory_space<semaphore_mem>>)
      %dma_wait3A = arith.constant 0 : i32
      %dma_wait3A_108 = tpu.memref_slice %arg9[%add3A_68, %dma_wait3A] : memref<10240x128xf32, #tpu.memory_space<vmem_shared>> -> memref<80x128xf32, #tpu.memory_space<vmem_shared>>
      %dma_wait3A_109 = arith.constant 0 : i32
      %dma_wait3A_110 = tpu.memref_slice %arg9[%add3A_68, %dma_wait3A_109] : memref<10240x128xf32, #tpu.memory_space<vmem_shared>> -> memref<80x128xf32, #tpu.memory_space<vmem_shared>>
      tpu.wait_dma2 semaphore(%run_scoped3A : memref<!tpu.dma_semaphore, #tpu.memory_space<semaphore_mem>>) src(%dma_wait3A_110 : memref<80x128xf32, #tpu.memory_space<vmem_shared>>) dst(%arg8 : memref<80x128xf32, #tpu.memory_space<vmem>>)
      tpu.yield
    }) : () -> ()
    %mul3A_69 = arith.constant 640 : i32
    %mul3A_70 = arith.muli %arg1, %mul3A_69 : i32
    %add3A_71 = arith.constant 240 : i32
    %add3A_72 = arith.addi %mul3A_70, %add3A_71 : i32
    "tpu.region"() ({
      %run_scoped3A = tpu.sem_alloc : memref<!tpu.dma_semaphore, #tpu.memory_space<semaphore_mem>>
      %dma_start3A = arith.constant 0 : i32
      %dma_start3A_105 = tpu.memref_slice %arg5[%arg0, %add3A_72, %dma_start3A] : memref<2x10240x128xf32, #tpu.memory_space<hbm>> -> memref<1x80x128xf32, #tpu.memory_space<hbm>>
      %dma_start3A_106 = tpu.memref_squeeze %dma_start3A_105 : memref<1x80x128xf32, #tpu.memory_space<hbm>> -> memref<80x128xf32, #tpu.memory_space<hbm>>
      %dma_start3A_107 = arith.constant 0 : i32
      %dma_start3A_108 = tpu.memref_slice %arg5[%arg0, %add3A_72, %dma_start3A_107] : memref<2x10240x128xf32, #tpu.memory_space<hbm>> -> memref<1x80x128xf32, #tpu.memory_space<hbm>>
      %dma_start3A_109 = tpu.memref_squeeze %dma_start3A_108 : memref<1x80x128xf32, #tpu.memory_space<hbm>> -> memref<80x128xf32, #tpu.memory_space<hbm>>
      tpu.enqueue_dma source(%arg8 : memref<80x128xf32, #tpu.memory_space<vmem>>) target(%dma_start3A_109 : memref<80x128xf32, #tpu.memory_space<hbm>>) target_semaphore(%run_scoped3A : memref<!tpu.dma_semaphore, #tpu.memory_space<semaphore_mem>>)
      %dma_wait3A = arith.constant 0 : i32
      %dma_wait3A_110 = tpu.memref_slice %arg5[%arg0, %add3A_72, %dma_wait3A] : memref<2x10240x128xf32, #tpu.memory_space<hbm>> -> memref<1x80x128xf32, #tpu.memory_space<hbm>>
      %dma_wait3A_111 = tpu.memref_squeeze %dma_wait3A_110 : memref<1x80x128xf32, #tpu.memory_space<hbm>> -> memref<80x128xf32, #tpu.memory_space<hbm>>
      %dma_wait3A_112 = arith.constant 0 : i32
      %dma_wait3A_113 = tpu.memref_slice %arg5[%arg0, %add3A_72, %dma_wait3A_112] : memref<2x10240x128xf32, #tpu.memory_space<hbm>> -> memref<1x80x128xf32, #tpu.memory_space<hbm>>
      %dma_wait3A_114 = tpu.memref_squeeze %dma_wait3A_113 : memref<1x80x128xf32, #tpu.memory_space<hbm>> -> memref<80x128xf32, #tpu.memory_space<hbm>>
      tpu.wait_dma2 semaphore(%run_scoped3A : memref<!tpu.dma_semaphore, #tpu.memory_space<semaphore_mem>>) src(%arg8 : memref<80x128xf32, #tpu.memory_space<vmem>>) dst(%dma_wait3A_114 : memref<80x128xf32, #tpu.memory_space<hbm>>)
      tpu.yield
    }) : () -> ()
    %mul3A_73 = arith.constant 640 : i32
    %mul3A_74 = arith.muli %arg1, %mul3A_73 : i32
    %add3A_75 = arith.constant 320 : i32
    %add3A_76 = arith.addi %mul3A_74, %add3A_75 : i32
    "tpu.region"() ({
      %run_scoped3A = tpu.sem_alloc : memref<!tpu.dma_semaphore, #tpu.memory_space<semaphore_mem>>
      %dma_start3A = arith.constant 0 : i32
      %dma_start3A_105 = tpu.memref_slice %arg9[%add3A_76, %dma_start3A] : memref<10240x128xf32, #tpu.memory_space<vmem_shared>> -> memref<80x128xf32, #tpu.memory_space<vmem_shared>>
      %dma_start3A_106 = arith.constant 0 : i32
      %dma_start3A_107 = tpu.memref_slice %arg9[%add3A_76, %dma_start3A_106] : memref<10240x128xf32, #tpu.memory_space<vmem_shared>> -> memref<80x128xf32, #tpu.memory_space<vmem_shared>>
      tpu.enqueue_dma source(%dma_start3A_107 : memref<80x128xf32, #tpu.memory_space<vmem_shared>>) target(%arg8 : memref<80x128xf32, #tpu.memory_space<vmem>>) target_semaphore(%run_scoped3A : memref<!tpu.dma_semaphore, #tpu.memory_space<semaphore_mem>>)
      %dma_wait3A = arith.constant 0 : i32
      %dma_wait3A_108 = tpu.memref_slice %arg9[%add3A_76, %dma_wait3A] : memref<10240x128xf32, #tpu.memory_space<vmem_shared>> -> memref<80x128xf32, #tpu.memory_space<vmem_shared>>
      %dma_wait3A_109 = arith.constant 0 : i32
      %dma_wait3A_110 = tpu.memref_slice %arg9[%add3A_76, %dma_wait3A_109] : memref<10240x128xf32, #tpu.memory_space<vmem_shared>> -> memref<80x128xf32, #tpu.memory_space<vmem_shared>>
      tpu.wait_dma2 semaphore(%run_scoped3A : memref<!tpu.dma_semaphore, #tpu.memory_space<semaphore_mem>>) src(%dma_wait3A_110 : memref<80x128xf32, #tpu.memory_space<vmem_shared>>) dst(%arg8 : memref<80x128xf32, #tpu.memory_space<vmem>>)
      tpu.yield
    }) : () -> ()
    %mul3A_77 = arith.constant 640 : i32
    %mul3A_78 = arith.muli %arg1, %mul3A_77 : i32
    %add3A_79 = arith.constant 320 : i32
    %add3A_80 = arith.addi %mul3A_78, %add3A_79 : i32
    "tpu.region"() ({
      %run_scoped3A = tpu.sem_alloc : memref<!tpu.dma_semaphore, #tpu.memory_space<semaphore_mem>>
      %dma_start3A = arith.constant 0 : i32
      %dma_start3A_105 = tpu.memref_slice %arg5[%arg0, %add3A_80, %dma_start3A] : memref<2x10240x128xf32, #tpu.memory_space<hbm>> -> memref<1x80x128xf32, #tpu.memory_space<hbm>>
      %dma_start3A_106 = tpu.memref_squeeze %dma_start3A_105 : memref<1x80x128xf32, #tpu.memory_space<hbm>> -> memref<80x128xf32, #tpu.memory_space<hbm>>
      %dma_start3A_107 = arith.constant 0 : i32
      %dma_start3A_108 = tpu.memref_slice %arg5[%arg0, %add3A_80, %dma_start3A_107] : memref<2x10240x128xf32, #tpu.memory_space<hbm>> -> memref<1x80x128xf32, #tpu.memory_space<hbm>>
      %dma_start3A_109 = tpu.memref_squeeze %dma_start3A_108 : memref<1x80x128xf32, #tpu.memory_space<hbm>> -> memref<80x128xf32, #tpu.memory_space<hbm>>
      tpu.enqueue_dma source(%arg8 : memref<80x128xf32, #tpu.memory_space<vmem>>) target(%dma_start3A_109 : memref<80x128xf32, #tpu.memory_space<hbm>>) target_semaphore(%run_scoped3A : memref<!tpu.dma_semaphore, #tpu.memory_space<semaphore_mem>>)
      %dma_wait3A = arith.constant 0 : i32
      %dma_wait3A_110 = tpu.memref_slice %arg5[%arg0, %add3A_80, %dma_wait3A] : memref<2x10240x128xf32, #tpu.memory_space<hbm>> -> memref<1x80x128xf32, #tpu.memory_space<hbm>>
      %dma_wait3A_111 = tpu.memref_squeeze %dma_wait3A_110 : memref<1x80x128xf32, #tpu.memory_space<hbm>> -> memref<80x128xf32, #tpu.memory_space<hbm>>
      %dma_wait3A_112 = arith.constant 0 : i32
      %dma_wait3A_113 = tpu.memref_slice %arg5[%arg0, %add3A_80, %dma_wait3A_112] : memref<2x10240x128xf32, #tpu.memory_space<hbm>> -> memref<1x80x128xf32, #tpu.memory_space<hbm>>
      %dma_wait3A_114 = tpu.memref_squeeze %dma_wait3A_113 : memref<1x80x128xf32, #tpu.memory_space<hbm>> -> memref<80x128xf32, #tpu.memory_space<hbm>>
      tpu.wait_dma2 semaphore(%run_scoped3A : memref<!tpu.dma_semaphore, #tpu.memory_space<semaphore_mem>>) src(%arg8 : memref<80x128xf32, #tpu.memory_space<vmem>>) dst(%dma_wait3A_114 : memref<80x128xf32, #tpu.memory_space<hbm>>)
      tpu.yield
    }) : () -> ()
    %mul3A_81 = arith.constant 640 : i32
    %mul3A_82 = arith.muli %arg1, %mul3A_81 : i32
    %add3A_83 = arith.constant 400 : i32
    %add3A_84 = arith.addi %mul3A_82, %add3A_83 : i32
    "tpu.region"() ({
      %run_scoped3A = tpu.sem_alloc : memref<!tpu.dma_semaphore, #tpu.memory_space<semaphore_mem>>
      %dma_start3A = arith.constant 0 : i32
      %dma_start3A_105 = tpu.memref_slice %arg9[%add3A_84, %dma_start3A] : memref<10240x128xf32, #tpu.memory_space<vmem_shared>> -> memref<80x128xf32, #tpu.memory_space<vmem_shared>>
      %dma_start3A_106 = arith.constant 0 : i32
      %dma_start3A_107 = tpu.memref_slice %arg9[%add3A_84, %dma_start3A_106] : memref<10240x128xf32, #tpu.memory_space<vmem_shared>> -> memref<80x128xf32, #tpu.memory_space<vmem_shared>>
      tpu.enqueue_dma source(%dma_start3A_107 : memref<80x128xf32, #tpu.memory_space<vmem_shared>>) target(%arg8 : memref<80x128xf32, #tpu.memory_space<vmem>>) target_semaphore(%run_scoped3A : memref<!tpu.dma_semaphore, #tpu.memory_space<semaphore_mem>>)
      %dma_wait3A = arith.constant 0 : i32
      %dma_wait3A_108 = tpu.memref_slice %arg9[%add3A_84, %dma_wait3A] : memref<10240x128xf32, #tpu.memory_space<vmem_shared>> -> memref<80x128xf32, #tpu.memory_space<vmem_shared>>
      %dma_wait3A_109 = arith.constant 0 : i32
      %dma_wait3A_110 = tpu.memref_slice %arg9[%add3A_84, %dma_wait3A_109] : memref<10240x128xf32, #tpu.memory_space<vmem_shared>> -> memref<80x128xf32, #tpu.memory_space<vmem_shared>>
      tpu.wait_dma2 semaphore(%run_scoped3A : memref<!tpu.dma_semaphore, #tpu.memory_space<semaphore_mem>>) src(%dma_wait3A_110 : memref<80x128xf32, #tpu.memory_space<vmem_shared>>) dst(%arg8 : memref<80x128xf32, #tpu.memory_space<vmem>>)
      tpu.yield
    }) : () -> ()
    %mul3A_85 = arith.constant 640 : i32
    %mul3A_86 = arith.muli %arg1, %mul3A_85 : i32
    %add3A_87 = arith.constant 400 : i32
    %add3A_88 = arith.addi %mul3A_86, %add3A_87 : i32
    "tpu.region"() ({
      %run_scoped3A = tpu.sem_alloc : memref<!tpu.dma_semaphore, #tpu.memory_space<semaphore_mem>>
      %dma_start3A = arith.constant 0 : i32
      %dma_start3A_105 = tpu.memref_slice %arg5[%arg0, %add3A_88, %dma_start3A] : memref<2x10240x128xf32, #tpu.memory_space<hbm>> -> memref<1x80x128xf32, #tpu.memory_space<hbm>>
      %dma_start3A_106 = tpu.memref_squeeze %dma_start3A_105 : memref<1x80x128xf32, #tpu.memory_space<hbm>> -> memref<80x128xf32, #tpu.memory_space<hbm>>
      %dma_start3A_107 = arith.constant 0 : i32
      %dma_start3A_108 = tpu.memref_slice %arg5[%arg0, %add3A_88, %dma_start3A_107] : memref<2x10240x128xf32, #tpu.memory_space<hbm>> -> memref<1x80x128xf32, #tpu.memory_space<hbm>>
      %dma_start3A_109 = tpu.memref_squeeze %dma_start3A_108 : memref<1x80x128xf32, #tpu.memory_space<hbm>> -> memref<80x128xf32, #tpu.memory_space<hbm>>
      tpu.enqueue_dma source(%arg8 : memref<80x128xf32, #tpu.memory_space<vmem>>) target(%dma_start3A_109 : memref<80x128xf32, #tpu.memory_space<hbm>>) target_semaphore(%run_scoped3A : memref<!tpu.dma_semaphore, #tpu.memory_space<semaphore_mem>>)
      %dma_wait3A = arith.constant 0 : i32
      %dma_wait3A_110 = tpu.memref_slice %arg5[%arg0, %add3A_88, %dma_wait3A] : memref<2x10240x128xf32, #tpu.memory_space<hbm>> -> memref<1x80x128xf32, #tpu.memory_space<hbm>>
      %dma_wait3A_111 = tpu.memref_squeeze %dma_wait3A_110 : memref<1x80x128xf32, #tpu.memory_space<hbm>> -> memref<80x128xf32, #tpu.memory_space<hbm>>
      %dma_wait3A_112 = arith.constant 0 : i32
      %dma_wait3A_113 = tpu.memref_slice %arg5[%arg0, %add3A_88, %dma_wait3A_112] : memref<2x10240x128xf32, #tpu.memory_space<hbm>> -> memref<1x80x128xf32, #tpu.memory_space<hbm>>
      %dma_wait3A_114 = tpu.memref_squeeze %dma_wait3A_113 : memref<1x80x128xf32, #tpu.memory_space<hbm>> -> memref<80x128xf32, #tpu.memory_space<hbm>>
      tpu.wait_dma2 semaphore(%run_scoped3A : memref<!tpu.dma_semaphore, #tpu.memory_space<semaphore_mem>>) src(%arg8 : memref<80x128xf32, #tpu.memory_space<vmem>>) dst(%dma_wait3A_114 : memref<80x128xf32, #tpu.memory_space<hbm>>)
      tpu.yield
    }) : () -> ()
    %mul3A_89 = arith.constant 640 : i32
    %mul3A_90 = arith.muli %arg1, %mul3A_89 : i32
    %add3A_91 = arith.constant 480 : i32
    %add3A_92 = arith.addi %mul3A_90, %add3A_91 : i32
    "tpu.region"() ({
      %run_scoped3A = tpu.sem_alloc : memref<!tpu.dma_semaphore, #tpu.memory_space<semaphore_mem>>
      %dma_start3A = arith.constant 0 : i32
      %dma_start3A_105 = tpu.memref_slice %arg9[%add3A_92, %dma_start3A] : memref<10240x128xf32, #tpu.memory_space<vmem_shared>> -> memref<80x128xf32, #tpu.memory_space<vmem_shared>>
      %dma_start3A_106 = arith.constant 0 : i32
      %dma_start3A_107 = tpu.memref_slice %arg9[%add3A_92, %dma_start3A_106] : memref<10240x128xf32, #tpu.memory_space<vmem_shared>> -> memref<80x128xf32, #tpu.memory_space<vmem_shared>>
      tpu.enqueue_dma source(%dma_start3A_107 : memref<80x128xf32, #tpu.memory_space<vmem_shared>>) target(%arg8 : memref<80x128xf32, #tpu.memory_space<vmem>>) target_semaphore(%run_scoped3A : memref<!tpu.dma_semaphore, #tpu.memory_space<semaphore_mem>>)
      %dma_wait3A = arith.constant 0 : i32
      %dma_wait3A_108 = tpu.memref_slice %arg9[%add3A_92, %dma_wait3A] : memref<10240x128xf32, #tpu.memory_space<vmem_shared>> -> memref<80x128xf32, #tpu.memory_space<vmem_shared>>
      %dma_wait3A_109 = arith.constant 0 : i32
      %dma_wait3A_110 = tpu.memref_slice %arg9[%add3A_92, %dma_wait3A_109] : memref<10240x128xf32, #tpu.memory_space<vmem_shared>> -> memref<80x128xf32, #tpu.memory_space<vmem_shared>>
      tpu.wait_dma2 semaphore(%run_scoped3A : memref<!tpu.dma_semaphore, #tpu.memory_space<semaphore_mem>>) src(%dma_wait3A_110 : memref<80x128xf32, #tpu.memory_space<vmem_shared>>) dst(%arg8 : memref<80x128xf32, #tpu.memory_space<vmem>>)
      tpu.yield
    }) : () -> ()
    %mul3A_93 = arith.constant 640 : i32
    %mul3A_94 = arith.muli %arg1, %mul3A_93 : i32
    %add3A_95 = arith.constant 480 : i32
    %add3A_96 = arith.addi %mul3A_94, %add3A_95 : i32
    "tpu.region"() ({
      %run_scoped3A = tpu.sem_alloc : memref<!tpu.dma_semaphore, #tpu.memory_space<semaphore_mem>>
      %dma_start3A = arith.constant 0 : i32
      %dma_start3A_105 = tpu.memref_slice %arg5[%arg0, %add3A_96, %dma_start3A] : memref<2x10240x128xf32, #tpu.memory_space<hbm>> -> memref<1x80x128xf32, #tpu.memory_space<hbm>>
      %dma_start3A_106 = tpu.memref_squeeze %dma_start3A_105 : memref<1x80x128xf32, #tpu.memory_space<hbm>> -> memref<80x128xf32, #tpu.memory_space<hbm>>
      %dma_start3A_107 = arith.constant 0 : i32
      %dma_start3A_108 = tpu.memref_slice %arg5[%arg0, %add3A_96, %dma_start3A_107] : memref<2x10240x128xf32, #tpu.memory_space<hbm>> -> memref<1x80x128xf32, #tpu.memory_space<hbm>>
      %dma_start3A_109 = tpu.memref_squeeze %dma_start3A_108 : memref<1x80x128xf32, #tpu.memory_space<hbm>> -> memref<80x128xf32, #tpu.memory_space<hbm>>
      tpu.enqueue_dma source(%arg8 : memref<80x128xf32, #tpu.memory_space<vmem>>) target(%dma_start3A_109 : memref<80x128xf32, #tpu.memory_space<hbm>>) target_semaphore(%run_scoped3A : memref<!tpu.dma_semaphore, #tpu.memory_space<semaphore_mem>>)
      %dma_wait3A = arith.constant 0 : i32
      %dma_wait3A_110 = tpu.memref_slice %arg5[%arg0, %add3A_96, %dma_wait3A] : memref<2x10240x128xf32, #tpu.memory_space<hbm>> -> memref<1x80x128xf32, #tpu.memory_space<hbm>>
      %dma_wait3A_111 = tpu.memref_squeeze %dma_wait3A_110 : memref<1x80x128xf32, #tpu.memory_space<hbm>> -> memref<80x128xf32, #tpu.memory_space<hbm>>
      %dma_wait3A_112 = arith.constant 0 : i32
      %dma_wait3A_113 = tpu.memref_slice %arg5[%arg0, %add3A_96, %dma_wait3A_112] : memref<2x10240x128xf32, #tpu.memory_space<hbm>> -> memref<1x80x128xf32, #tpu.memory_space<hbm>>
      %dma_wait3A_114 = tpu.memref_squeeze %dma_wait3A_113 : memref<1x80x128xf32, #tpu.memory_space<hbm>> -> memref<80x128xf32, #tpu.memory_space<hbm>>
      tpu.wait_dma2 semaphore(%run_scoped3A : memref<!tpu.dma_semaphore, #tpu.memory_space<semaphore_mem>>) src(%arg8 : memref<80x128xf32, #tpu.memory_space<vmem>>) dst(%dma_wait3A_114 : memref<80x128xf32, #tpu.memory_space<hbm>>)
      tpu.yield
    }) : () -> ()
    %mul3A_97 = arith.constant 640 : i32
    %mul3A_98 = arith.muli %arg1, %mul3A_97 : i32
    %add3A_99 = arith.constant 560 : i32
    %add3A_100 = arith.addi %mul3A_98, %add3A_99 : i32
    "tpu.region"() ({
      %run_scoped3A = tpu.sem_alloc : memref<!tpu.dma_semaphore, #tpu.memory_space<semaphore_mem>>
      %dma_start3A = arith.constant 0 : i32
      %dma_start3A_105 = tpu.memref_slice %arg9[%add3A_100, %dma_start3A] : memref<10240x128xf32, #tpu.memory_space<vmem_shared>> -> memref<80x128xf32, #tpu.memory_space<vmem_shared>>
      %dma_start3A_106 = arith.constant 0 : i32
      %dma_start3A_107 = tpu.memref_slice %arg9[%add3A_100, %dma_start3A_106] : memref<10240x128xf32, #tpu.memory_space<vmem_shared>> -> memref<80x128xf32, #tpu.memory_space<vmem_shared>>
      tpu.enqueue_dma source(%dma_start3A_107 : memref<80x128xf32, #tpu.memory_space<vmem_shared>>) target(%arg8 : memref<80x128xf32, #tpu.memory_space<vmem>>) target_semaphore(%run_scoped3A : memref<!tpu.dma_semaphore, #tpu.memory_space<semaphore_mem>>)
      %dma_wait3A = arith.constant 0 : i32
      %dma_wait3A_108 = tpu.memref_slice %arg9[%add3A_100, %dma_wait3A] : memref<10240x128xf32, #tpu.memory_space<vmem_shared>> -> memref<80x128xf32, #tpu.memory_space<vmem_shared>>
      %dma_wait3A_109 = arith.constant 0 : i32
      %dma_wait3A_110 = tpu.memref_slice %arg9[%add3A_100, %dma_wait3A_109] : memref<10240x128xf32, #tpu.memory_space<vmem_shared>> -> memref<80x128xf32, #tpu.memory_space<vmem_shared>>
      tpu.wait_dma2 semaphore(%run_scoped3A : memref<!tpu.dma_semaphore, #tpu.memory_space<semaphore_mem>>) src(%dma_wait3A_110 : memref<80x128xf32, #tpu.memory_space<vmem_shared>>) dst(%arg8 : memref<80x128xf32, #tpu.memory_space<vmem>>)
      tpu.yield
    }) : () -> ()
    %mul3A_101 = arith.constant 640 : i32
    %mul3A_102 = arith.muli %arg1, %mul3A_101 : i32
    %add3A_103 = arith.constant 560 : i32
    %add3A_104 = arith.addi %mul3A_102, %add3A_103 : i32
    "tpu.region"() ({
      %run_scoped3A = tpu.sem_alloc : memref<!tpu.dma_semaphore, #tpu.memory_space<semaphore_mem>>
      %dma_start3A = arith.constant 0 : i32
      %dma_start3A_105 = tpu.memref_slice %arg5[%arg0, %add3A_104, %dma_start3A] : memref<2x10240x128xf32, #tpu.memory_space<hbm>> -> memref<1x80x128xf32, #tpu.memory_space<hbm>>
      %dma_start3A_106 = tpu.memref_squeeze %dma_start3A_105 : memref<1x80x128xf32, #tpu.memory_space<hbm>> -> memref<80x128xf32, #tpu.memory_space<hbm>>
      %dma_start3A_107 = arith.constant 0 : i32
      %dma_start3A_108 = tpu.memref_slice %arg5[%arg0, %add3A_104, %dma_start3A_107] : memref<2x10240x128xf32, #tpu.memory_space<hbm>> -> memref<1x80x128xf32, #tpu.memory_space<hbm>>
      %dma_start3A_109 = tpu.memref_squeeze %dma_start3A_108 : memref<1x80x128xf32, #tpu.memory_space<hbm>> -> memref<80x128xf32, #tpu.memory_space<hbm>>
      tpu.enqueue_dma source(%arg8 : memref<80x128xf32, #tpu.memory_space<vmem>>) target(%dma_start3A_109 : memref<80x128xf32, #tpu.memory_space<hbm>>) target_semaphore(%run_scoped3A : memref<!tpu.dma_semaphore, #tpu.memory_space<semaphore_mem>>)
      %dma_wait3A = arith.constant 0 : i32
      %dma_wait3A_110 = tpu.memref_slice %arg5[%arg0, %add3A_104, %dma_wait3A] : memref<2x10240x128xf32, #tpu.memory_space<hbm>> -> memref<1x80x128xf32, #tpu.memory_space<hbm>>
      %dma_wait3A_111 = tpu.memref_squeeze %dma_wait3A_110 : memref<1x80x128xf32, #tpu.memory_space<hbm>> -> memref<80x128xf32, #tpu.memory_space<hbm>>
      %dma_wait3A_112 = arith.constant 0 : i32
      %dma_wait3A_113 = tpu.memref_slice %arg5[%arg0, %add3A_104, %dma_wait3A_112] : memref<2x10240x128xf32, #tpu.memory_space<hbm>> -> memref<1x80x128xf32, #tpu.memory_space<hbm>>
      %dma_wait3A_114 = tpu.memref_squeeze %dma_wait3A_113 : memref<1x80x128xf32, #tpu.memory_space<hbm>> -> memref<80x128xf32, #tpu.memory_space<hbm>>
      tpu.wait_dma2 semaphore(%run_scoped3A : memref<!tpu.dma_semaphore, #tpu.memory_space<semaphore_mem>>) src(%arg8 : memref<80x128xf32, #tpu.memory_space<vmem>>) dst(%dma_wait3A_114 : memref<80x128xf32, #tpu.memory_space<hbm>>)
      tpu.yield
    }) : () -> ()
    return
  }
}

module attributes {stable_mosaic.version = 14 : i64} {
  func.func @body(%arg0: memref<10000x128xf32, #tpu.memory_space<vmem>>, %arg1: memref<128x128xf32, #tpu.memory_space<vmem>>, %arg2: memref<2x10240x128xf32, #tpu.memory_space<vmem>>, %arg3: memref<10000x128xf32, #tpu.memory_space<vmem>>, %arg4: memref<10000x1xf32, #tpu.memory_space<vmem>>) attributes {dimension_semantics = [], scalar_prefetch = 0 : i64, scratch_operands = 0 : i64, tpu.core_type = #tpu.core_type<tc>} {
    %get3A = arith.constant 0 : index
    %get3A_0 = arith.constant 0 : index
    %get3A_1 = arith.constant 0 : index
    %get3A_2 = vector.load %arg2[%get3A, %get3A_0, %get3A_1] : memref<2x10240x128xf32, #tpu.memory_space<vmem>>, vector<1x10000x1xf32>
    %get3A_3 = vector.shape_cast %get3A_2 : vector<1x10000x1xf32> to vector<10000x1xf32>
    %get3A_4 = arith.constant 1 : index
    %get3A_5 = arith.constant 0 : index
    %get3A_6 = arith.constant 0 : index
    %get3A_7 = vector.load %arg2[%get3A_4, %get3A_5, %get3A_6] : memref<2x10240x128xf32, #tpu.memory_space<vmem>>, vector<1x10000x1xf32>
    %get3A_8 = vector.shape_cast %get3A_7 : vector<1x10000x1xf32> to vector<10000x1xf32>
    %add3A = arith.addf %get3A_3, %get3A_8 : vector<10000x1xf32>
    %add3A_9 = arith.constant 1.000000e+00 : f32
    %add3A_10 = vector.broadcast %add3A_9 : f32 to vector<10000x1xf32>
    %add3A_11 = arith.addf %add3A, %add3A_10 : vector<10000x1xf32>
    %sqrt3A = math.sqrt %add3A_11 : vector<10000x1xf32>
    %div3A = arith.constant 1.000000e+00 : f32
    %div3A_12 = vector.broadcast %div3A : f32 to vector<10000x1xf32>
    %div3A_13 = arith.divf %div3A_12, %sqrt3A : vector<10000x1xf32>
    %get3A_14 = arith.constant 0 : index
    %get3A_15 = arith.constant 0 : index
    %get3A_16 = vector.load %arg0[%get3A_14, %get3A_15] : memref<10000x128xf32, #tpu.memory_space<vmem>>, vector<10000x128xf32>
    %get3A_17 = arith.constant 0 : index
    %get3A_18 = arith.constant 0 : index
    %get3A_19 = vector.load %arg1[%get3A_17, %get3A_18] : memref<128x128xf32, #tpu.memory_space<vmem>>, vector<128x128xf32>
    %dot_general3A = arith.constant dense<0.000000e+00> : vector<10000x128xf32>
    %dot_general3A_20 = tpu.matmul %get3A_16, %get3A_19, %dot_general3A {dimension_numbers = #tpu.dot_dimension_numbers<[1], [0], [0], [1], [0, 0, 1, 1], [], []>, transpose_lhs_hint = false} : vector<10000x128xf32>, vector<128x128xf32>, vector<10000x128xf32> -> vector<10000x128xf32>
    %mul3A = vector.broadcast %div3A_13 : vector<10000x1xf32> to vector<10000x128xf32>
    %mul3A_21 = arith.mulf %dot_general3A_20, %mul3A : vector<10000x128xf32>
    %swap3A = arith.constant 0 : index
    %swap3A_22 = arith.constant 0 : index
    %swap3A_23 = vector.load %arg3[%swap3A, %swap3A_22] : memref<10000x128xf32, #tpu.memory_space<vmem>>, vector<10000x128xf32>
    tpu.vector_store %arg3[%swap3A, %swap3A_22], %mul3A_21 {strides = array<i32>} : memref<10000x128xf32, #tpu.memory_space<vmem>>, vector<10000x128xf32>,
    %swap3A_24 = arith.constant 0 : index
    %swap3A_25 = arith.constant 0 : index
    %swap3A_26 = vector.load %arg4[%swap3A_24, %swap3A_25] : memref<10000x1xf32, #tpu.memory_space<vmem>>, vector<10000x1xf32>
    tpu.vector_store %arg4[%swap3A_24, %swap3A_25], %div3A_13 {strides = array<i32>} : memref<10000x1xf32, #tpu.memory_space<vmem>>, vector<10000x1xf32>,
    return
  }
}

module attributes {stable_mosaic.version = 14 : i64} {
  func.func @body(%arg0: memref<2x10240x128xf32, #tpu.memory_space<vmem>>, %arg1: memref<10000x128xf32, #tpu.memory_space<vmem>>, %arg2: memref<10000x1xf32, #tpu.memory_space<vmem>>, %arg3: memref<1x128xf32, #tpu.memory_space<vmem>>, %arg4: memref<128x128xf32, #tpu.memory_space<vmem>>, %arg5: memref<10000x128xf32, #tpu.memory_space<vmem>>) attributes {dimension_semantics = [], scalar_prefetch = 0 : i64, scratch_operands = 0 : i64, tpu.core_type = #tpu.core_type<tc>} {
    %get3A = arith.constant 0 : index
    %get3A_0 = arith.constant 0 : index
    %get3A_1 = arith.constant 0 : index
    %get3A_2 = vector.load %arg0[%get3A, %get3A_0, %get3A_1] : memref<2x10240x128xf32, #tpu.memory_space<vmem>>, vector<1x10000x128xf32>
    %get3A_3 = vector.shape_cast %get3A_2 : vector<1x10000x128xf32> to vector<10000x128xf32>
    %get3A_4 = arith.constant 1 : index
    %get3A_5 = arith.constant 0 : index
    %get3A_6 = arith.constant 0 : index
    %get3A_7 = vector.load %arg0[%get3A_4, %get3A_5, %get3A_6] : memref<2x10240x128xf32, #tpu.memory_space<vmem>>, vector<1x10000x128xf32>
    %get3A_8 = vector.shape_cast %get3A_7 : vector<1x10000x128xf32> to vector<10000x128xf32>
    %add3A = arith.addf %get3A_3, %get3A_8 : vector<10000x128xf32>
    %get3A_9 = arith.constant 0 : index
    %get3A_10 = arith.constant 0 : index
    %get3A_11 = vector.load %arg1[%get3A_9, %get3A_10] : memref<10000x128xf32, #tpu.memory_space<vmem>>, vector<10000x128xf32>
    %add3A_12 = arith.addf %add3A, %get3A_11 : vector<10000x128xf32>
    %get3A_13 = arith.constant 0 : index
    %get3A_14 = arith.constant 0 : index
    %get3A_15 = vector.load %arg2[%get3A_13, %get3A_14] : memref<10000x1xf32, #tpu.memory_space<vmem>>, vector<10000x1xf32>
    %mul3A = vector.broadcast %get3A_15 : vector<10000x1xf32> to vector<10000x128xf32>
    %mul3A_16 = arith.mulf %add3A_12, %mul3A : vector<10000x128xf32>
    %get3A_17 = arith.constant 0 : index
    %get3A_18 = arith.constant 0 : index
    %get3A_19 = vector.load %arg3[%get3A_17, %get3A_18] : memref<1x128xf32, #tpu.memory_space<vmem>>, vector<1x128xf32>
    %add3A_20 = vector.broadcast %get3A_19 : vector<1x128xf32> to vector<10000x128xf32>
    %add3A_21 = arith.addf %mul3A_16, %add3A_20 : vector<10000x128xf32>
    %max3A = arith.constant 0.000000e+00 : f32
    %max3A_22 = vector.broadcast %max3A : f32 to vector<10000x128xf32>
    %max3A_23 = arith.maximumf %add3A_21, %max3A_22 : vector<10000x128xf32>
    %get3A_24 = arith.constant 0 : index
    %get3A_25 = arith.constant 0 : index
    %get3A_26 = vector.load %arg4[%get3A_24, %get3A_25] : memref<128x128xf32, #tpu.memory_space<vmem>>, vector<128x128xf32>
    %dot_general3A = arith.constant dense<0.000000e+00> : vector<10000x128xf32>
    %dot_general3A_27 = tpu.matmul %max3A_23, %get3A_26, %dot_general3A {dimension_numbers = #tpu.dot_dimension_numbers<[1], [0], [0], [1], [0, 0, 1, 1], [], []>, transpose_lhs_hint = false} : vector<10000x128xf32>, vector<128x128xf32>, vector<10000x128xf32> -> vector<10000x128xf32>
    %get3A_28 = arith.constant 0 : index
    %get3A_29 = arith.constant 0 : index
    %get3A_30 = vector.load %arg2[%get3A_28, %get3A_29] : memref<10000x1xf32, #tpu.memory_space<vmem>>, vector<10000x1xf32>
    %mul3A_31 = vector.broadcast %get3A_30 : vector<10000x1xf32> to vector<10000x128xf32>
    %mul3A_32 = arith.mulf %dot_general3A_27, %mul3A_31 : vector<10000x128xf32>
    %swap3A = arith.constant 0 : index
    %swap3A_33 = arith.constant 0 : index
    %swap3A_34 = vector.load %arg5[%swap3A, %swap3A_33] : memref<10000x128xf32, #tpu.memory_space<vmem>>, vector<10000x128xf32>
    tpu.vector_store %arg5[%swap3A, %swap3A_33], %mul3A_32 {strides = array<i32>} : memref<10000x128xf32, #tpu.memory_space<vmem>>, vector<10000x128xf32>,
    return
  }
}

module attributes {stable_mosaic.version = 14 : i64} {
  func.func @body(%arg0: memref<2x10240x128xf32, #tpu.memory_space<vmem>>, %arg1: memref<10000x128xf32, #tpu.memory_space<vmem>>, %arg2: memref<10000x1xf32, #tpu.memory_space<vmem>>, %arg3: memref<1x128xf32, #tpu.memory_space<vmem>>, %arg4: memref<10000x128xf32, #tpu.memory_space<vmem>>) attributes {dimension_semantics = [], scalar_prefetch = 0 : i64, scratch_operands = 0 : i64, tpu.core_type = #tpu.core_type<tc>} {
    %get3A = arith.constant 0 : index
    %get3A_0 = arith.constant 0 : index
    %get3A_1 = arith.constant 0 : index
    %get3A_2 = vector.load %arg0[%get3A, %get3A_0, %get3A_1] : memref<2x10240x128xf32, #tpu.memory_space<vmem>>, vector<1x10000x128xf32>
    %get3A_3 = vector.shape_cast %get3A_2 : vector<1x10000x128xf32> to vector<10000x128xf32>
    %get3A_4 = arith.constant 1 : index
    %get3A_5 = arith.constant 0 : index
    %get3A_6 = arith.constant 0 : index
    %get3A_7 = vector.load %arg0[%get3A_4, %get3A_5, %get3A_6] : memref<2x10240x128xf32, #tpu.memory_space<vmem>>, vector<1x10000x128xf32>
    %get3A_8 = vector.shape_cast %get3A_7 : vector<1x10000x128xf32> to vector<10000x128xf32>
    %add3A = arith.addf %get3A_3, %get3A_8 : vector<10000x128xf32>
    %get3A_9 = arith.constant 0 : index
    %get3A_10 = arith.constant 0 : index
    %get3A_11 = vector.load %arg1[%get3A_9, %get3A_10] : memref<10000x128xf32, #tpu.memory_space<vmem>>, vector<10000x128xf32>
    %add3A_12 = arith.addf %add3A, %get3A_11 : vector<10000x128xf32>
    %get3A_13 = arith.constant 0 : index
    %get3A_14 = arith.constant 0 : index
    %get3A_15 = vector.load %arg2[%get3A_13, %get3A_14] : memref<10000x1xf32, #tpu.memory_space<vmem>>, vector<10000x1xf32>
    %mul3A = vector.broadcast %get3A_15 : vector<10000x1xf32> to vector<10000x128xf32>
    %mul3A_16 = arith.mulf %add3A_12, %mul3A : vector<10000x128xf32>
    %get3A_17 = arith.constant 0 : index
    %get3A_18 = arith.constant 0 : index
    %get3A_19 = vector.load %arg3[%get3A_17, %get3A_18] : memref<1x128xf32, #tpu.memory_space<vmem>>, vector<1x128xf32>
    %add3A_20 = vector.broadcast %get3A_19 : vector<1x128xf32> to vector<10000x128xf32>
    %add3A_21 = arith.addf %mul3A_16, %add3A_20 : vector<10000x128xf32>
    %swap3A = arith.constant 0 : index
    %swap3A_22 = arith.constant 0 : index
    %swap3A_23 = vector.load %arg4[%swap3A, %swap3A_22] : memref<10000x128xf32, #tpu.memory_space<vmem>>, vector<10000x128xf32>
    tpu.vector_store %arg4[%swap3A, %swap3A_22], %add3A_21 {strides = array<i32>} : memref<10000x128xf32, #tpu.memory_space<vmem>>, vector<10000x128xf32>,
    return
  }
}

module attributes {stable_mosaic.version = 14 : i64} {
  func.func @body(%arg0: memref<16384x128xf32, #tpu.memory_space<vmem>>, %arg1: memref<16384x128xf32, #tpu.memory_space<vmem>>, %arg2: memref<1x128xf32, #tpu.memory_space<vmem>>, %arg3: memref<1x128xf32, #tpu.memory_space<vmem>>, %arg4: memref<16384x1xf32, #tpu.memory_space<vmem>>) attributes {dimension_semantics = [], scalar_prefetch = 0 : i64, scratch_operands = 0 : i64, tpu.core_type = #tpu.core_type<tc>} {
    %get3A = arith.constant 0 : index
    %get3A_0 = arith.constant 0 : index
    %get3A_1 = vector.load %arg0[%get3A, %get3A_0] : memref<16384x128xf32, #tpu.memory_space<vmem>>, vector<16384x128xf32>
    %get3A_2 = arith.constant 0 : index
    %get3A_3 = arith.constant 0 : index
    %get3A_4 = vector.load %arg2[%get3A_2, %get3A_3] : memref<1x128xf32, #tpu.memory_space<vmem>>, vector<1x128xf32>
    %mul3A = vector.broadcast %get3A_4 : vector<1x128xf32> to vector<16384x128xf32>
    %mul3A_5 = arith.mulf %get3A_1, %mul3A : vector<16384x128xf32>
    %get3A_6 = arith.constant 0 : index
    %get3A_7 = arith.constant 0 : index
    %get3A_8 = vector.load %arg1[%get3A_6, %get3A_7] : memref<16384x128xf32, #tpu.memory_space<vmem>>, vector<16384x128xf32>
    %get3A_9 = arith.constant 0 : index
    %get3A_10 = arith.constant 0 : index
    %get3A_11 = vector.load %arg3[%get3A_9, %get3A_10] : memref<1x128xf32, #tpu.memory_space<vmem>>, vector<1x128xf32>
    %mul3A_12 = vector.broadcast %get3A_11 : vector<1x128xf32> to vector<16384x128xf32>
    %mul3A_13 = arith.mulf %get3A_8, %mul3A_12 : vector<16384x128xf32>
    %add3A = arith.addf %mul3A_5, %mul3A_13 : vector<16384x128xf32>
    %reduce_sum3A = arith.constant dense<0.000000e+00> : vector<16384xf32>
    %reduce_sum3A_14 = vector.multi_reduction <add>, %add3A, %reduce_sum3A [1] : vector<16384x128xf32> to vector<16384xf32>
    %broadcast_in_dim3A = vector.shape_cast %reduce_sum3A_14 : vector<16384xf32> to vector<16384x1xf32>
    %swap3A = arith.constant 0 : index
    %swap3A_15 = arith.constant 0 : index
    %swap3A_16 = vector.load %arg4[%swap3A, %swap3A_15] : memref<16384x1xf32, #tpu.memory_space<vmem>>, vector<16384x1xf32>
    tpu.vector_store %arg4[%swap3A, %swap3A_15], %broadcast_in_dim3A {strides = array<i32>} : memref<16384x1xf32, #tpu.memory_space<vmem>>, vector<16384x1xf32>,
    return
  }
}

</mosaic_0001>

<sc_bundles>
// kernel: kernel.10.cloned.1.call-start
scs
__scs_entry_jumppad:
0x0: {  	(pc) =	sbr.rel $0x88, $3  }
0x1: {  	(tag) =	ssettag $0x0;
	lr =	simm.s32 $0x1  }
0x2: {  	[smem:$0x3F96] =	sst lr;
	_ =	strace $0xD0000000  }
0x3: {  	_ = 	snop  }
0x4: {  	_ = 	snop  }
0x5: {  	_ = 	snop  }
0x6: {  	_ = 	snop  }
0x7: {  	_ = 	snop  }
__scs_overlays_trampoline_lowered:
0x8: {  	[smem:$0x3FA5] =	sst s0  }
0x9: {  	[smem:$0x3FA6] =	sst s1  }
0xa: {  	[smem:$0x3FA7] =	sst s2  }
0xb: {  	[smem:$0x3FA8] =	sst s3  }
0xc: {  	[smem:$0x3FA9] =	sst s4  }
0xd: {  	[smem:$0x3FAA] =	sst s5  }
0xe: {  	[smem:$0x3FAB] =	sst s6  }
0xf: {  	[smem:$0x3FAC] =	sst s7  }
0x10: {  	[smem:$0x3FAD] =	sst s8  }
0x11: {  	[smem:$0x3FAE] =	sst s9;
	s0 =	simm.s32 @!p0 $0x0  }
0x12: {  	s1 =	sld [smem:$0x3F94];
	s0 =	simm.s32 @p0 $0x1  }
0x13: {  	[smem:$0x3FAF] =	sst s0;
	s0 =	simm.s32 @!p1 $0x0  }
0x14: {  	s2 =	sld [smem:$0x3F93];
	s0 =	simm.s32 @p1 $0x1  }
0x15: {  	[smem:$0x3FB0] =	sst s0;
	s0 =	simm.s32 @!p2 $0x0  }
0x16: {  	s3 =	sld [smem:$0x3FDB];
	s0 =	simm.s32 @p2 $0x1  }
0x17: {  	s4 =	simm.s32 $0x1BF5;
	[smem:$0x3FB2] =	sst s0  }
0x18: {  	s0 =	sld [smem:$0x3F95];
	_ =	swait.ge [sflag:s4], $0x0  }
0x19: {  	s7 =	sld [smem:$0x3F96]  }
0x1a: {  	s8 =	sadd.s32 $0xFFFFE003, lr  }
0x1b: {  	s9 =	sadd.s32 $0xFFFFFEF7, lr;
	s5 =	simm.s32 $0xFFFFFFFF;
	p2 =	slt.u32 s8, $0xFFFFF086  }
0x1c: {  	p1 =	slt.u32 s9, $0xF7A;
	s5 =	simm.s32 @!p2 $0x0  }
0x1d: {  	s5 =	simm.s32 @p1 $0x1;
	p0 =	seq.s32 s7, s2  }
0x1e: {  	s7 =	smul.u32 @!p0 $0xF7A, s2;
	p2 =	seq.s32 @!p0 s5, $0x0  }
0x1f: {  	s9 =	smul.u32 $0xF7A, s1;
	s8 =	simm.s32 @!p0 $0x1BF5;
	p2 =	por !p2, p0  }
0x20: {  	[sflag:s8] =	ssyncset.s32 @!p0 $0xFFFFF086;
	s6 =	sadd.s32 @!p0 s3, s7;
	s7 =	simm.s32 @!p0 $0x108  }
0x21: {  	s3 =	sadd.s32 s3, s9;
	s6 =	sadd.s32 @!p0 $0x88, s6;
	s7 =	simm.s32 @p2 $0x1082  }
0x22: {  	[simem:s7], [sflag:s8] =	dma.local @!p0 [hbm:s6], $0xF7A  }
0x23: {  	s9 =	sor.u32 $0xD0000000, s2;
	s6 =	simm.s32 $0x108;
	_ =	swait.ge @!p0 [sflag:s8], $0x0  }
0x24: {  	s3 =	sadd.s32 $0x88, s3;
	s6 =	simm.s32 @!p1 $0x1082;
	[sflag:s4] =	ssyncset.s32 $0xFFFFF086  }
0x25: {  	[simem:s6], [sflag:s4] =	dma.local [hbm:s3], $0xF7A  }
0x26: {  	[smem:$0x3F96] =	sst s1;
	(tag) =	ssettag s2;
	_ =	strace s9  }
0x27: {  	s1 =	sld [smem:$0x3FA6]  }
0x28: {  	s2 =	sld [smem:$0x3FA7]  }
0x29: {  	s4 =	sld [smem:$0x3FA9]  }
0x2a: {  	p0 =	seq.s32 s5, $0x0;
	s5 =	sld [smem:$0x3FAA]  }
0x2b: {  	s6 =	sld [smem:$0x3FAB]  }
0x2c: {  	s7 =	sld [smem:$0x3FAC]  }
0x2d: {  	s3 =	simm.s32 $0x108;
	s8 =	sld [smem:$0x3FAD]  }
0x2e: {  	s3 =	simm.s32 @!p0 $0x1082;
	s9 =	sld [smem:$0x3FAE]  }
0x2f: {  	lr =	sadd.s32 s0, s3;
	s0 =	sld [smem:$0x3FA5]  }
0x30: {  	s3 =	sld [smem:$0x3FA8]  }
0x31: {  	[smem:$0x3FB1] =	sst s10  }
0x32: {  	s10 =	sld [smem:$0x3FAF];
	_ =	sdelay $0x3  }
0x33: {  	p0 =	seq.s32 s10, $0x1;
	s10 =	sld [smem:$0x3FB1];
	_ =	sdelay $0x3  }
0x34: {  	[smem:$0x3FB1] =	sst s10  }
0x35: {  	s10 =	sld [smem:$0x3FB0];
	_ =	sdelay $0x3  }
0x36: {  	p1 =	seq.s32 s10, $0x1;
	s10 =	sld [smem:$0x3FB1];
	_ =	sdelay $0x3  }
0x37: {  	[smem:$0x3FB1] =	sst s10  }
0x38: {  	s10 =	sld [smem:$0x3FB2]  }
0x39: {  	_ = 	snop;
	(pc) =	sbr.ind lr, $3  }
0x3a: {  	_ = 	snop  }
0x3b: {  	_ = 	snop  }
0x3c: {  	p2 =	seq.s32 s10, $0x1;
	s10 =	sld [smem:$0x3FB1]  }
0x3d: {  	_ =	shalt  }
0x3e: {  	_ =	shalt  }
0x3f: {  	_ =	shalt  }
0x40: {  	_ =	shalt  }
0x41: {  	_ =	shalt  }
0x42: {  	_ =	shalt  }
0x43: {  	_ =	shalt  }
0x44: {  	_ =	shalt  }
0x45: {  	_ =	shalt  }
0x46: {  	_ =	shalt  }
0x47: {  	_ =	shalt  }
0x48: {  	_ =	shalt  }
0x49: {  	_ =	shalt  }
0x4a: {  	_ =	shalt  }
0x4b: {  	_ =	shalt  }
0x4c: {  	_ =	shalt  }
0x4d: {  	_ =	shalt  }
0x4e: {  	_ =	shalt  }
0x4f: {  	_ =	shalt  }
0x50: {  	_ =	shalt  }
0x51: {  	_ =	shalt  }
0x52: {  	_ =	shalt  }
0x53: {  	_ =	shalt  }
0x54: {  	_ =	shalt  }
0x55: {  	_ =	shalt  }
0x56: {  	_ =	shalt  }
0x57: {  	_ =	shalt  }
0x58: {  	_ =	shalt  }
0x59: {  	_ =	shalt  }
0x5a: {  	_ =	shalt  }
0x5b: {  	_ =	shalt  }
0x5c: {  	_ =	shalt  }
0x5d: {  	_ =	shalt  }
0x5e: {  	_ =	shalt  }
0x5f: {  	_ =	shalt  }
0x60: {  	_ =	shalt  }
0x61: {  	_ =	shalt  }
0x62: {  	_ =	shalt  }
0x63: {  	_ =	shalt  }
0x64: {  	_ =	shalt  }
0x65: {  	_ =	shalt  }
0x66: {  	_ =	shalt  }
0x67: {  	_ =	shalt  }
0x68: {  	_ =	shalt  }
0x69: {  	_ =	shalt  }
0x6a: {  	_ =	shalt  }
0x6b: {  	_ =	shalt  }
0x6c: {  	_ =	shalt  }
0x6d: {  	_ =	shalt  }
0x6e: {  	_ =	shalt  }
0x6f: {  	_ =	shalt  }
0x70: {  	_ =	shalt  }
0x71: {  	_ =	shalt  }
0x72: {  	_ =	shalt  }
0x73: {  	_ =	shalt  }
0x74: {  	_ =	shalt  }
0x75: {  	_ =	shalt  }
0x76: {  	_ =	shalt  }
0x77: {  	_ =	shalt  }
0x78: {  	_ =	shalt  }
0x79: {  	_ =	shalt  }
0x7a: {  	_ =	shalt  }
0x7b: {  	_ =	shalt  }
0x7c: {  	_ =	shalt  }
0x7d: {  	_ =	shalt  }
0x7e: {  	_ =	shalt  }
0x7f: {  	_ =	shalt  }
0x80: {  	_ =	shalt  }
0x81: {  	_ =	shalt  }
0x82: {  	_ =	shalt  }
0x83: {  	_ =	shalt  }
0x84: {  	_ =	shalt  }
0x85: {  	_ =	shalt  }
0x86: {  	_ =	shalt  }
0x87: {  	_ =	shalt  }
.Lfunc_end0:
.L_simem_size_0:
called_computation_lowered:
.L_overlay_start_0:
0x88: {  	s2 =	sld [smem:$0x3FD9]  }
0x89: {  	s3 =	sld [smem:$0x3FFE];
	_ =	sdelay $0x1  }
0x8a: {  	s1 =	srdreg.scid  }
0x8b: {  	s0 =	sand.u32 $0x1, s1  }
0x8c: {  	s17 =	sshll.u32 s0, $0xA;
	s2 =	sadd.s32 s3, s2  }
0x8d: {  	s2 =	sadd.s32 s2, s17  }
0x8e: {  	[smem:$0x3FBD] =	sst s2  }
0x8f: {  	_ = 	snop  }
0x90: {  	s2 =	sld [smem:$0x3FD0];
	(tm) =	ssettm $0x1  }
0x91: {  	s18 =	sld [smem:$0x3FFB];
	_ =	sdelay $0x3  }
0x92: {  	_ =	strace s18  }
0x93: {  	s3 =	sld [smem:$0x3FFC];
	_ =	sdelay $0x3  }
0x94: {  	_ =	strace s3  }
0x95: {  	s3 =	sld [smem:$0x3FFD];
	_ =	sdelay $0x3  }
0x96: {  	_ =	strace s3  }
0x97: {  	_ =	strace $0x8FFFFFFF  }
0x98: {  	s19 =	sld [smem:$0x3FDB];
	_ =	sdelay $0x1  }
0x99: {  	s4 =	simm.s32 $_scs_section_size  }
0x9a: {  	s5 =	simm.s32 $_size__tile_overlayer_lowered;
	s6 =	simm.s32 $_tile_overlayer_lowered  }
0x9b: {  	s22 =	simm.s32 $0x1BFF;
	s21 =	sshll.u32 s6, $0x1;
	s3 =	sadd.s32 s4, s19  }
0x9c: {  	s7 =	simm.s32 $0x0;
	s20 =	sshll.u32 s5, $0x1;
	s5 =	sadd.s32 s21, s3  }
0x9d: {  	[timem:s7], [sflag:s22] =	dma.local [hbm:s5], s20  }
0x9e: {  	_ =	swait.ge [sflag:s22], s20  }
0x9f: {  	s4 =	ssub.s32 $0x0, s20;
	[sflag:s22] =	ssyncset.done $0x0  }
0xa0: {  	[sflag:s22] =	ssyncadd.s32 s4;
	_ =	sdelay $0x1  }
0xa1: {  	s23 =	simm.s32 $0x1B8B  }
0xa2: {  	_ =	swait.ge [sflag:s23], $0x1  }
0xa3: {  	[sflag:s23] =	ssyncset.done $0x0  }
0xa4: {  	s25 =	simm.s32 $0x1B8E;
	s24 =	sld [smem:$0x3FFE];
	[sflag:s23] =	ssyncadd.s32 $0xFFFFFFFF  }
0xa5: {  	s26 =	simm.s32 $execute0_lowered;
	[smem:$0x3FD2] =	sst s25  }
0xa6: {  	s5 =	sshll.u32 s26, $0x1;
	_ =	strace $0x80000046;
	[dreg:$0x1] =	wrdreg $0xFFFFFFFF  }
0xa7: {  	s28 =	simm.s32 $_size_execute0_lowered;
	s3 =	sadd.s32 s3, s5;
	[dreg:$0x0] =	wrdreg $0x0  }
0xa8: {  	s5 =	sshll.u32 s28, $0x1;
	[dreg:$0x2] =	wrdreg s3  }
0xa9: {  	[dreg:$0x3] =	wrdreg s5  }
0xaa: {  	[dreg:$0x4] =	wrdreg $0xC0  }
0xab: {  	_ =	task [dreg:s7], $0x5FFFF  }
0xac: {  	[dreg:$0x1] =	wrdreg $0xFFFFFFFF  }
0xad: {  	[dreg:$0x0] =	wrdreg $0x60  }
0xae: {  	[dreg:$0x2] =	wrdreg s24  }
0xaf: {  	[dreg:$0x3] =	wrdreg s2  }
0xb0: {  	[dreg:$0x4] =	wrdreg $0x29000  }
0xb1: {  	[dreg:$0x5] =	wrdreg $0x9  }
0xb2: {  	_ =	task.clear_ibuf [dreg:s7], $0x6FFFF;
	_ =	strace $0x90000046  }
0xb3: {  	s29 =	simm.s32 $0x9;
	_ =	strace $0x80000048  }
0xb4: {  	_ =	swait.ge [sflag:s29], $0x1  }
0xb5: {  	[sflag:s29] =	ssyncadd.s32 $0xFFFFFFFF  }
0xb6: {  	_ =	strace $0x90000048  }
0xb7: {  	_ =	sfence  }
0xb8: {  	s30 =	sld [smem:$0x0];
	_ =	sdelay $0x2  }
0xb9: {  	s31 =	sshll.u32 s1, $0xD;
	s1 =	sshrl.u32 s1, $0x2  }
0xba: {  	s3 =	sand.u32 $0x4000, s31;
	s1 =	sadd.s32 s1, s30  }
0xbb: {  	s0 =	sor.u32 s3, s0;
	s1 =	sshll.u32 s1, $0x11  }
0xbc: {  	s0 =	sor.u32 s1, s0  }
0xbd: {  	s0 =	sadd.s32 $0x8F2B, s0  }
0xbe: {  	[sflag:s0] =	ssyncadd.remote.s32 $0x1  }
0xbf: {  	_ =	sfence.sel $0xFFFF  }
0xc0: {  	[dreg:$0x0] =	wrdreg $0xFFFFFFFF;
	(pc) =	sbr.abs _section_cstart, $3  }
0xc1: {  	[dreg:$0x1] =	wrdreg $0xFFFFFFFF  }
0xc2: {  	_ =	task.clear_ibuf [dreg:s7], $0x2FFFF;
	_ =	strace $0x9FFFFFFF  }
0xc3: {  	(tm) =	ssettm $0x7FFFFFFF  }
tec
execute0_lowered:
.L_overlay_start_1:
0x0: {  	(tag) =	ssettag $0x1  }
0x1: {  	s0 =	rddreg [dreg:$0x0]  }
0x2: {  	s2 =	rddreg [dreg:$0x2]  }
0x3: {  	s1 =	srdreg.scid;
	s4 =	simm.s32 $0x0;
	s15 =	stileid.u32  }
0x4: {  	s28 =	simm.s32 $0x100;
	s29 =	simm.s32 $0x2;
	s30 =	simm.s32 $0x80  }
0x5: {  	s31 =	simm.s32 $0x50;
	s1 =	sand.u32 $0x1, s1;
	[smem:$0x7FF] =	sst s4  }
0x6: {  	s6 =	smul.u32 $0x14000, s15;
	s12 =	sadd.s32 $0x16800, s0;
	s3 =	ssub.s32 $0x2, s1  }
0x7: {  	_ =	strace $0x80000047;
	s11 =	smul.u32 $0x140000, s1;
	s5 =	sshrl.u32 s3, $0x1  }
0x8: {  	s16 =	sor.u32 $0x2800, s6;
	s17 =	sadd.s32 $0x5000, s6;
	s18 =	sadd.s32 $0x7800, s6  }
0x9: {  	s19 =	sadd.s32 $0xA000, s6;
	s20 =	sadd.s32 $0xC800, s6;
	s21 =	sadd.s32 $0xF000, s6  }
0xa: {  	s22 =	sadd.s32 $0x11800, s6;
	s3 =	ssub.s32 s3, s5;
	s5 =	sshll.u32 s1, $0x4  }
0xb: {  	s6 =	sadd.s32 s6, s11;
	s7 =	sadd.s32 s11, s16;
	s8 =	sadd.s32 s11, s17  }
0xc: {  	s24 =	sadd.s32 s11, s18;
	s25 =	sadd.s32 s11, s19;
	s9 =	sadd.s32 s11, s20  }
0xd: {  	s26 =	sadd.s32 s11, s21;
	s11 =	sadd.s32 s11, s22;
	s1 =	smul.u32 $0x27100, s1  }
0xe: {  	s16 =	sadd.s32 s16, s2;
	s17 =	sadd.s32 s17, s2;
	s18 =	sadd.s32 s18, s2  }
0xf: {  	s19 =	sadd.s32 s19, s2;
	s20 =	sadd.s32 s20, s2;
	s21 =	sadd.s32 s21, s2  }
0x10: {  	s22 =	sadd.s32 s22, s2;
	s6 =	sshrl.u32 s6, $0x3;
	s7 =	sshrl.u32 s7, $0x3  }
0x11: {  	s8 =	sshrl.u32 s8, $0x3;
	s10 =	sshrl.u32 s25, $0x3;
	s13 =	sshrl.u32 s9, $0x3  }
0x12: {  	s5 =	sor.u32 s15, s5;
	s6 =	sadd.s32 s12, s6;
	s14 =	sadd.s32 s12, s7  }
0x13: {  	s23 =	sadd.s32 s12, s8;
	s9 =	sadd.s32 s12, s10;
	s10 =	sadd.s32 s12, s13  }
0x14: {  	s7 =	sshrl.u32 s11, $0x3;
	s8 =	smul.u32 $0x50000, s15;
	[dreg:$0x4] =	wrdreg s6  }
0x15: {  	s13 =	sadd.s32 $0xC400, s0;
	[dreg:$0x5] =	wrdreg s14;
	s6 =	sshrl.u32 s24, $0x3  }
0x16: {  	[dreg:$0x6] =	wrdreg s23;
	s14 =	smul.u32 $0x2710, s15;
	s6 =	sadd.s32 s12, s6  }
0x17: {  	s23 =	smul.u32 $0x2710, s5;
	s24 =	sshrl.u32 s8, $0x2;
	[dreg:$0x7] =	wrdreg s6  }
0x18: {  	s6 =	sshrl.u32 s26, $0x3;
	s1 =	sadd.s32 s14, s1;
	s14 =	sadd.s32 $0x16200, s0  }
0x19: {  	s15 =	sadd.s32 s24, s2;
	s0 =	sshrl.u32 s23, $0x3;
	s24 =	smax.u32 s3, $0x1  }
0x1a: {  	s3 =	simm.s32 $0x0;
	s11 =	sadd.s32 s12, s6;
	s25 =	sadd.s32 $0x50, s1  }
0x1b: {  	s12 =	sadd.s32 s12, s7;
	s23 =	sadd.s32 s13, s0;
	s26 =	sshrl.u32 s25, $0x3  }
0x1c: {  	s0 =	simm.s32 $0x1;
	s25 =	sadd.s32 $0xA0, s1;
	s26 =	sadd.s32 s26, s13  }
.LBB2_1:
0x1d: {  	[tilespmem:s28], [sflag:$0x2] =	stream.linear.gather [hbm4b:s14+s4], $0x2800, $0x38;
	[tilespmem:$0x16900] =	vst v63  }
0x1e: {  	_ =	swait.ge [sflag:s29], $0x2800  }
0x1f: {  	[sflag:s29] =	ssyncset.done $0x0  }
0x20: {  	[sflag:s29] =	ssyncadd.s32 $0xFFFFD800  }
0x21: {  	[spmem:s15] =	stream.linear.scatter [tilespmem:s28], [sflag:$0x2], $0x2800, $0x38;
	[tilespmem:$0x16900] =	vst v63  }
0x22: {  	_ =	swait.ge [sflag:s29], $0x2800  }
0x23: {  	[sflag:s29] =	ssyncset.done $0x0  }
0x24: {  	[sflag:s29] =	ssyncadd.s32 $0xFFFFD800  }
0x25: {  	[spmem:s16] =	stream.linear.scatter [tilespmem:s28], [sflag:$0x2], $0x2800, $0x38;
	[tilespmem:$0x16900] =	vst v63  }
0x26: {  	_ =	swait.ge [sflag:s29], $0x2800  }
0x27: {  	[sflag:s29] =	ssyncset.done $0x0  }
0x28: {  	[sflag:s29] =	ssyncadd.s32 $0xFFFFD800  }
0x29: {  	[spmem:s17] =	stream.linear.scatter [tilespmem:s28], [sflag:$0x2], $0x2800, $0x38;
	[tilespmem:$0x16900] =	vst v63  }
0x2a: {  	_ =	swait.ge [sflag:s29], $0x2800  }
0x2b: {  	[sflag:s29] =	ssyncset.done $0x0  }
0x2c: {  	[sflag:s29] =	ssyncadd.s32 $0xFFFFD800  }
0x2d: {  	[spmem:s18] =	stream.linear.scatter [tilespmem:s28], [sflag:$0x2], $0x2800, $0x38;
	[tilespmem:$0x16900] =	vst v63  }
0x2e: {  	_ =	swait.ge [sflag:s29], $0x2800  }
0x2f: {  	[sflag:s29] =	ssyncset.done $0x0  }
0x30: {  	[sflag:s29] =	ssyncadd.s32 $0xFFFFD800  }
0x31: {  	[spmem:s19] =	stream.linear.scatter [tilespmem:s28], [sflag:$0x2], $0x2800, $0x38;
	[tilespmem:$0x16900] =	vst v63  }
0x32: {  	_ =	swait.ge [sflag:s29], $0x2800  }
0x33: {  	[sflag:s29] =	ssyncset.done $0x0  }
0x34: {  	[sflag:s29] =	ssyncadd.s32 $0xFFFFD800  }
0x35: {  	[spmem:s20] =	stream.linear.scatter [tilespmem:s28], [sflag:$0x2], $0x2800, $0x38;
	[tilespmem:$0x16900] =	vst v63  }
0x36: {  	_ =	swait.ge [sflag:s29], $0x2800  }
0x37: {  	[sflag:s29] =	ssyncset.done $0x0  }
0x38: {  	[sflag:s29] =	ssyncadd.s32 $0xFFFFD800  }
0x39: {  	[spmem:s21] =	stream.linear.scatter [tilespmem:s28], [sflag:$0x2], $0x2800, $0x38;
	[tilespmem:$0x16900] =	vst v63  }
0x3a: {  	_ =	swait.ge [sflag:s29], $0x2800  }
0x3b: {  	[sflag:s29] =	ssyncset.done $0x0  }
0x3c: {  	[sflag:s29] =	ssyncadd.s32 $0xFFFFD800  }
0x3d: {  	[spmem:s22] =	stream.linear.scatter [tilespmem:s28], [sflag:$0x2], $0x2800, $0x38;
	[tilespmem:$0x16900] =	vst v63  }
0x3e: {  	_ =	swait.ge [sflag:s29], $0x2800  }
0x3f: {  	[sflag:s29] =	ssyncset.done $0x0  }
0x40: {  	[sflag:s29] =	ssyncadd.s32 $0xFFFFD800  }
0x41: {  	s1 =	rddreg [dreg:$0x1]  }
0x42: {  	[tilespmem:s28], [sflag:$0x2] =	stream.linear.gather [hbm4b:s1+s4], $0x2800, $0x38;
	[tilespmem:$0x16900] =	vst v63  }
0x43: {  	_ =	swait.ge [sflag:s29], $0x2800  }
0x44: {  	[sflag:s29] =	ssyncset.done $0x0  }
0x45: {  	[sflag:s29] =	ssyncadd.s32 $0xFFFFD800  }
0x46: {  	[bflag:$0x0] =	sbarrier.arrive $0xFFFF  }
0x47: {  	[tilespmem:s4], [sflag:$0x2] =	stream.linear.gather [hbm4b:s23+s4], $0x50, $0x38;
	[tilespmem:$0x16900] =	vst v63  }
0x48: {  	_ =	swait.ge [sflag:s29], $0x50  }
0x49: {  	[sflag:s29] =	ssyncset.done $0x0  }
0x4a: {  	s7 =	sadd.s32 $0x0, s26;
	[sflag:s29] =	ssyncadd.s32 $0xFFFFFFB0  }
0x4b: {  	[tilespmem:s30], [sflag:$0x1] =	stream.linear.gather [hbm4b:s7+s4], $0x50, $0x38;
	[tilespmem:$0x16900] =	vst v63  }
0x4c: {  	_ = 	snop  }
0x4d: {  	[spmem:s2] =	stream.indirect.scatter.add.f32 [tilespmem:s28], [sflag:$0x2], $0x80, s4, s31, $0xb8;
	[tilespmem:$0x16900] =	vst v63  }
0x4e: {  	_ =	swait.ge [sflag:s29], $0x2800  }
0x4f: {  	[sflag:s29] =	ssyncset.done $0x0  }
0x50: {  	[sflag:s29] =	ssyncadd.s32 $0xFFFFD800  }
0x51: {  	_ =	swait.ge [sflag:s0], $0x50  }
0x52: {  	s8 =	sshrl.u32 s25, $0x3;
	[sflag:s0] =	ssyncset.done $0x0  }
0x53: {  	s1 =	sadd.s32 s13, s8;
	[sflag:s0] =	ssyncadd.s32 $0xFFFFFFB0  }
0x54: {  	[tilespmem:s4], [sflag:$0x1] =	stream.linear.gather [hbm4b:s1+s4], $0x50, $0x38;
	[tilespmem:$0x16900] =	vst v63  }
0x55: {  	_ = 	snop  }
0x56: {  	[spmem:s2] =	stream.indirect.scatter.add.f32 [tilespmem:s28], [sflag:$0x2], $0x80, s30, s31, $0xb8;
	[tilespmem:$0x16900] =	vst v63  }
0x57: {  	_ =	swait.ge [sflag:s29], $0x2800  }
0x58: {  	[sflag:s29] =	ssyncset.done $0x0  }
0x59: {  	[sflag:s29] =	ssyncadd.s32 $0xFFFFD800  }
0x5a: {  	s5 =	simm.s32 $0x14;
	_ =	swait.ge [sflag:s0], $0x50  }
0x5b: {  	s6 =	simm.s32 $0x28;
	s1 =	sadd.s32 $0xA0, s25;
	[sflag:s0] =	ssyncset.done $0x0  }
.LBB2_2:
0x5c: {  	s7 =	sadd.s32 s5, s26  }
0x5d: {  	[sflag:s0] =	ssyncadd.s32 $0xFFFFFFB0;
	s5 =	smov.u32 s6;
	s8 =	sadd.s32 $0x14, s6  }
0x5e: {  	[tilespmem:s30], [sflag:$0x1] =	stream.linear.gather [hbm4b:s7+s4], $0x50, $0x38;
	[tilespmem:$0x16900] =	vst v63  }
0x5f: {  	p0 =	sne.s32 s6, $0x4C4  }
0x60: {  	[spmem:s2] =	stream.indirect.scatter.add.f32 [tilespmem:s28], [sflag:$0x2], $0x80, s4, s31, $0xb8;
	[tilespmem:$0x16900] =	vst v63  }
0x61: {  	_ =	swait.ge [sflag:s29], $0x2800  }
0x62: {  	[sflag:s29] =	ssyncset.done $0x0  }
0x63: {  	[sflag:s29] =	ssyncadd.s32 $0xFFFFD800  }
0x64: {  	_ =	swait.ge [sflag:s0], $0x50  }
0x65: {  	s6 =	sshrl.u32 s1, $0x3;
	[sflag:s0] =	ssyncset.done $0x0  }
0x66: {  	s6 =	sadd.s32 s13, s6;
	[sflag:s0] =	ssyncadd.s32 $0xFFFFFFB0  }
0x67: {  	[tilespmem:s4], [sflag:$0x1] =	stream.linear.gather [hbm4b:s6+s4], $0x50, $0x38;
	[tilespmem:$0x16900] =	vst v63  }
0x68: {  	_ = 	snop  }
0x69: {  	[spmem:s2] =	stream.indirect.scatter.add.f32 [tilespmem:s28], [sflag:$0x2], $0x80, s30, s31, $0xb8;
	[tilespmem:$0x16900] =	vst v63  }
.Ltmp0:
0x6a: {  	_ =	swait.ge [sflag:s29], $0x2800;
	(pc) =	sbr.rel @p0 .LBB2_2-.Ltmp0, $4  }
0x6b: {  	[sflag:s29] =	ssyncset.done $0x0  }
0x6c: {  	[sflag:s29] =	ssyncadd.s32 $0xFFFFD800  }
0x6d: {  	_ =	swait.ge [sflag:s0], $0x50  }
0x6e: {  	s1 =	sadd.s32 $0xA0, s1;
	s6 =	smov.u32 s8;
	[sflag:s0] =	ssyncset.done $0x0  }
0x6f: {  	s5 =	sadd.s32 s5, s26;
	[sflag:s0] =	ssyncadd.s32 $0xFFFFFFB0  }
0x70: {  	[tilespmem:s30], [sflag:$0x1] =	stream.linear.gather [hbm4b:s5+s4], $0x50, $0x38;
	[tilespmem:$0x16900] =	vst v63  }
0x71: {  	_ = 	snop  }
0x72: {  	[spmem:s2] =	stream.indirect.scatter.add.f32 [tilespmem:s28], [sflag:$0x2], $0x80, s4, s31, $0xb8;
	[tilespmem:$0x16900] =	vst v63  }
0x73: {  	_ =	swait.ge [sflag:s29], $0x2800  }
0x74: {  	[sflag:s29] =	ssyncset.done $0x0  }
0x75: {  	[sflag:s29] =	ssyncadd.s32 $0xFFFFD800  }
0x76: {  	_ =	swait.ge [sflag:s0], $0x50  }
0x77: {  	s1 =	sshrl.u32 s1, $0x3;
	[sflag:s0] =	ssyncset.done $0x0  }
0x78: {  	s1 =	sadd.s32 s13, s1;
	[sflag:s0] =	ssyncadd.s32 $0xFFFFFFB0  }
0x79: {  	[tilespmem:s4], [sflag:$0x1] =	stream.linear.gather [hbm4b:s1+s4], $0x50, $0x38;
	[tilespmem:$0x16900] =	vst v63  }
0x7a: {  	_ = 	snop  }
0x7b: {  	[spmem:s2] =	stream.indirect.scatter.add.f32 [tilespmem:s28], [sflag:$0x2], $0x80, s30, s31, $0xb8;
	[tilespmem:$0x16900] =	vst v63  }
0x7c: {  	_ =	swait.ge [sflag:s29], $0x2800  }
0x7d: {  	[sflag:s29] =	ssyncset.done $0x0  }
0x7e: {  	[sflag:s29] =	ssyncadd.s32 $0xFFFFD800  }
0x7f: {  	_ =	swait.ge [sflag:s0], $0x50  }
0x80: {  	[sflag:s0] =	ssyncset.done $0x0  }
0x81: {  	[sflag:s0] =	ssyncadd.s32 $0xFFFFFFB0  }
0x82: {  	[spmem:s2] =	stream.indirect.scatter.add.f32 [tilespmem:s28], [sflag:$0x2], $0x80, s4, s31, $0xb8;
	[tilespmem:$0x16900] =	vst v63  }
0x83: {  	_ =	swait.ge [sflag:s29], $0x2800  }
0x84: {  	[sflag:s29] =	ssyncset.done $0x0  }
0x85: {  	[sflag:s29] =	ssyncadd.s32 $0xFFFFD800  }
0x86: {  	[bflag:$0x0] =	sbarrier.arrive $0xFFFF  }
0x87: {  	[tilespmem:s28], [sflag:$0x2] =	stream.linear.gather [spmem:s15], $0x2800, $0x38;
	[tilespmem:$0x16900] =	vst v63  }
0x88: {  	_ =	swait.ge [sflag:s29], $0x2800  }
0x89: {  	[sflag:s29] =	ssyncset.done $0x0  }
0x8a: {  	s5 =	rddreg [dreg:$0x4];
	[sflag:s29] =	ssyncadd.s32 $0xFFFFD800  }
0x8b: {  	[hbm4b:s5+s4] =	stream.linear.scatter [tilespmem:s28], [sflag:$0x2], $0x2800, $0x38;
	[tilespmem:$0x16900] =	vst v63  }
0x8c: {  	_ =	swait.ge [sflag:s29], $0x2800  }
0x8d: {  	[sflag:s29] =	ssyncset.done $0x0  }
0x8e: {  	[sflag:s29] =	ssyncadd.s32 $0xFFFFD800  }
0x8f: {  	[tilespmem:s28], [sflag:$0x2] =	stream.linear.gather [spmem:s16], $0x2800, $0x38;
	[tilespmem:$0x16900] =	vst v63  }
0x90: {  	_ =	swait.ge [sflag:s29], $0x2800  }
0x91: {  	[sflag:s29] =	ssyncset.done $0x0  }
0x92: {  	s6 =	rddreg [dreg:$0x5];
	[sflag:s29] =	ssyncadd.s32 $0xFFFFD800  }
0x93: {  	[hbm4b:s6+s4] =	stream.linear.scatter [tilespmem:s28], [sflag:$0x2], $0x2800, $0x38;
	[tilespmem:$0x16900] =	vst v63  }
0x94: {  	_ =	swait.ge [sflag:s29], $0x2800  }
0x95: {  	[sflag:s29] =	ssyncset.done $0x0  }
0x96: {  	[sflag:s29] =	ssyncadd.s32 $0xFFFFD800  }
0x97: {  	[tilespmem:s28], [sflag:$0x2] =	stream.linear.gather [spmem:s17], $0x2800, $0x38;
	[tilespmem:$0x16900] =	vst v63  }
0x98: {  	_ =	swait.ge [sflag:s29], $0x2800  }
0x99: {  	[sflag:s29] =	ssyncset.done $0x0  }
0x9a: {  	s7 =	rddreg [dreg:$0x6];
	[sflag:s29] =	ssyncadd.s32 $0xFFFFD800  }
0x9b: {  	[hbm4b:s7+s4] =	stream.linear.scatter [tilespmem:s28], [sflag:$0x2], $0x2800, $0x38;
	[tilespmem:$0x16900] =	vst v63  }
0x9c: {  	_ =	swait.ge [sflag:s29], $0x2800  }
0x9d: {  	[sflag:s29] =	ssyncset.done $0x0  }
0x9e: {  	[sflag:s29] =	ssyncadd.s32 $0xFFFFD800  }
0x9f: {  	[tilespmem:s28], [sflag:$0x2] =	stream.linear.gather [spmem:s18], $0x2800, $0x38;
	[tilespmem:$0x16900] =	vst v63  }
0xa0: {  	_ =	swait.ge [sflag:s29], $0x2800  }
0xa1: {  	[sflag:s29] =	ssyncset.done $0x0  }
0xa2: {  	s8 =	rddreg [dreg:$0x7];
	[sflag:s29] =	ssyncadd.s32 $0xFFFFD800  }
0xa3: {  	[hbm4b:s8+s4] =	stream.linear.scatter [tilespmem:s28], [sflag:$0x2], $0x2800, $0x38;
	[tilespmem:$0x16900] =	vst v63  }
0xa4: {  	_ =	swait.ge [sflag:s29], $0x2800  }
0xa5: {  	[sflag:s29] =	ssyncset.done $0x0  }
0xa6: {  	[sflag:s29] =	ssyncadd.s32 $0xFFFFD800  }
0xa7: {  	[tilespmem:s28], [sflag:$0x2] =	stream.linear.gather [spmem:s19], $0x2800, $0x38;
	[tilespmem:$0x16900] =	vst v63  }
0xa8: {  	_ =	swait.ge [sflag:s29], $0x2800  }
0xa9: {  	[sflag:s29] =	ssyncset.done $0x0  }
0xaa: {  	[sflag:s29] =	ssyncadd.s32 $0xFFFFD800  }
0xab: {  	[hbm4b:s9+s4] =	stream.linear.scatter [tilespmem:s28], [sflag:$0x2], $0x2800, $0x38;
	[tilespmem:$0x16900] =	vst v63  }
0xac: {  	_ =	swait.ge [sflag:s29], $0x2800  }
0xad: {  	[sflag:s29] =	ssyncset.done $0x0  }
0xae: {  	[sflag:s29] =	ssyncadd.s32 $0xFFFFD800  }
0xaf: {  	[tilespmem:s28], [sflag:$0x2] =	stream.linear.gather [spmem:s20], $0x2800, $0x38;
	[tilespmem:$0x16900] =	vst v63  }
0xb0: {  	_ =	swait.ge [sflag:s29], $0x2800  }
0xb1: {  	[sflag:s29] =	ssyncset.done $0x0  }
0xb2: {  	[sflag:s29] =	ssyncadd.s32 $0xFFFFD800  }
0xb3: {  	[hbm4b:s10+s4] =	stream.linear.scatter [tilespmem:s28], [sflag:$0x2], $0x2800, $0x38;
	[tilespmem:$0x16900] =	vst v63  }
0xb4: {  	_ =	swait.ge [sflag:s29], $0x2800  }
0xb5: {  	[sflag:s29] =	ssyncset.done $0x0  }
0xb6: {  	[sflag:s29] =	ssyncadd.s32 $0xFFFFD800  }
0xb7: {  	[tilespmem:s28], [sflag:$0x2] =	stream.linear.gather [spmem:s21], $0x2800, $0x38;
	[tilespmem:$0x16900] =	vst v63  }
0xb8: {  	_ =	swait.ge [sflag:s29], $0x2800  }
0xb9: {  	[sflag:s29] =	ssyncset.done $0x0  }
0xba: {  	[sflag:s29] =	ssyncadd.s32 $0xFFFFD800  }
0xbb: {  	[hbm4b:s11+s4] =	stream.linear.scatter [tilespmem:s28], [sflag:$0x2], $0x2800, $0x38;
	[tilespmem:$0x16900] =	vst v63  }
0xbc: {  	_ =	swait.ge [sflag:s29], $0x2800  }
0xbd: {  	[sflag:s29] =	ssyncset.done $0x0  }
0xbe: {  	[sflag:s29] =	ssyncadd.s32 $0xFFFFD800  }
0xbf: {  	[tilespmem:s28], [sflag:$0x2] =	stream.linear.gather [spmem:s22], $0x2800, $0x38;
	[tilespmem:$0x16900] =	vst v63  }
0xc0: {  	s3 =	sadd.s32 $0x1, s3;
	_ =	swait.ge [sflag:s29], $0x2800  }
0xc1: {  	p0 =	sne.s32 s3, s24;
	[sflag:s29] =	ssyncset.done $0x0  }
.Ltmp1:
0xc2: {  	[sflag:s29] =	ssyncadd.s32 $0xFFFFD800;
	(pc) =	sbr.rel @p0 .LBB2_1-.Ltmp1, $4  }
0xc3: {  	[hbm4b:s12+s4] =	stream.linear.scatter [tilespmem:s28], [sflag:$0x2], $0x2800, $0x38;
	[tilespmem:$0x16900] =	vst v63  }
0xc4: {  	_ =	swait.ge [sflag:s29], $0x2800  }
0xc5: {  	[sflag:s29] =	ssyncset.done $0x0  }
0xc6: {  	[sflag:s29] =	ssyncadd.s32 $0xFFFFD800  }
0xc7: {  	_ =	sfence.sel $0x180000  }
0xc8: {  	[bflag:$0x0] =	sbarrier.arrive $0xFFFF  }
0xc9: {  	_ =	strace $0x90000047  }
0xca: {  	s0 =	stileid.u32;
	[bflag:$0x2] =	sbarrier.arrive $0xFFFF  }
0xcb: {  	p0 =	sne.s32 s0, $0x0;
	s0 =	rddreg [dreg:$0x3]  }
0xcc: {  	s0 =	sadd.s32 @!p0 $0x100000, s0  }
0xcd: {  	[sflag:s0] =	ssyncadd.tile.s32 @!p0 $0x1;
	_ =	shalt  }
.Lfunc_end2:
_tile_overlayer_lowered:
.L_overlay_start_2:
0xce: {  	(tag) =	ssettag $0x2  }
0xcf: {  	s0 =	rddreg [dreg:$0x0];
	s2 =	stileid.u32  }
0xd0: {  	s1 =	rddreg [dreg:$0x1];
	p0 =	sne.s32 s2, $0x0  }
0xd1: {  	s3 =	rddreg [dreg:$0x2];
	[bflag:$0x3] =	sbarrier.arrive $0xFFFF;
	s2 =	simm.s32 @!p0 $0x1C02  }
0xd2: {  	[timem:s3], [sflag:s2] =	dma.local @!p0 [hbm:s0], s1  }
0xd3: {  	s0 =	simm.s32 @!p0 $0x2  }
0xd4: {  	_ =	swait.ge @!p0 [sflag:s0], s1  }
0xd5: {  	s1 =	ssub.s32 @!p0 $0x0, s1;
	[sflag:s0] =	ssyncset.done @!p0 $0x0  }
0xd6: {  	[sflag:s0] =	ssyncadd.s32 @!p0 s1  }
0xd7: {  	[bflag:$0x3] =	sbarrier.arrive $0xFFFF  }
0xd8: {  	_ =	shalt  }

// kernel: kernel.13.cloned.1.call-start
scs
__scs_entry_jumppad:
0x0: {  	(pc) =	sbr.rel $0x88, $3  }
0x1: {  	(tag) =	ssettag $0x0;
	lr =	simm.s32 $0x1  }
0x2: {  	[smem:$0x3F96] =	sst lr;
	_ =	strace $0xD0000000  }
0x3: {  	_ = 	snop  }
0x4: {  	_ = 	snop  }
0x5: {  	_ = 	snop  }
0x6: {  	_ = 	snop  }
0x7: {  	_ = 	snop  }
__scs_overlays_trampoline_lowered:
0x8: {  	[smem:$0x3FA5] =	sst s0  }
0x9: {  	[smem:$0x3FA6] =	sst s1  }
0xa: {  	[smem:$0x3FA7] =	sst s2  }
0xb: {  	[smem:$0x3FA8] =	sst s3  }
0xc: {  	[smem:$0x3FA9] =	sst s4  }
0xd: {  	[smem:$0x3FAA] =	sst s5  }
0xe: {  	[smem:$0x3FAB] =	sst s6  }
0xf: {  	[smem:$0x3FAC] =	sst s7  }
0x10: {  	[smem:$0x3FAD] =	sst s8  }
0x11: {  	[smem:$0x3FAE] =	sst s9;
	s0 =	simm.s32 @!p0 $0x0  }
0x12: {  	s1 =	sld [smem:$0x3F94];
	s0 =	simm.s32 @p0 $0x1  }
0x13: {  	[smem:$0x3FAF] =	sst s0;
	s0 =	simm.s32 @!p1 $0x0  }
0x14: {  	s2 =	sld [smem:$0x3F93];
	s0 =	simm.s32 @p1 $0x1  }
0x15: {  	[smem:$0x3FB0] =	sst s0;
	s0 =	simm.s32 @!p2 $0x0  }
0x16: {  	s3 =	sld [smem:$0x3FDB];
	s0 =	simm.s32 @p2 $0x1  }
0x17: {  	s4 =	simm.s32 $0x1BF5;
	[smem:$0x3FB2] =	sst s0  }
0x18: {  	s0 =	sld [smem:$0x3F95];
	_ =	swait.ge [sflag:s4], $0x0  }
0x19: {  	s7 =	sld [smem:$0x3F96]  }
0x1a: {  	s8 =	sadd.s32 $0xFFFFE003, lr  }
0x1b: {  	s9 =	sadd.s32 $0xFFFFFEF7, lr;
	s5 =	simm.s32 $0xFFFFFFFF;
	p2 =	slt.u32 s8, $0xFFFFF086  }
0x1c: {  	p1 =	slt.u32 s9, $0xF7A;
	s5 =	simm.s32 @!p2 $0x0  }
0x1d: {  	s5 =	simm.s32 @p1 $0x1;
	p0 =	seq.s32 s7, s2  }
0x1e: {  	s7 =	smul.u32 @!p0 $0xF7A, s2;
	p2 =	seq.s32 @!p0 s5, $0x0  }
0x1f: {  	s9 =	smul.u32 $0xF7A, s1;
	s8 =	simm.s32 @!p0 $0x1BF5;
	p2 =	por !p2, p0  }
0x20: {  	[sflag:s8] =	ssyncset.s32 @!p0 $0xFFFFF086;
	s6 =	sadd.s32 @!p0 s3, s7;
	s7 =	simm.s32 @!p0 $0x108  }
0x21: {  	s3 =	sadd.s32 s3, s9;
	s6 =	sadd.s32 @!p0 $0x88, s6;
	s7 =	simm.s32 @p2 $0x1082  }
0x22: {  	[simem:s7], [sflag:s8] =	dma.local @!p0 [hbm:s6], $0xF7A  }
0x23: {  	s9 =	sor.u32 $0xD0000000, s2;
	s6 =	simm.s32 $0x108;
	_ =	swait.ge @!p0 [sflag:s8], $0x0  }
0x24: {  	s3 =	sadd.s32 $0x88, s3;
	s6 =	simm.s32 @!p1 $0x1082;
	[sflag:s4] =	ssyncset.s32 $0xFFFFF086  }
0x25: {  	[simem:s6], [sflag:s4] =	dma.local [hbm:s3], $0xF7A  }
0x26: {  	[smem:$0x3F96] =	sst s1;
	(tag) =	ssettag s2;
	_ =	strace s9  }
0x27: {  	s1 =	sld [smem:$0x3FA6]  }
0x28: {  	s2 =	sld [smem:$0x3FA7]  }
0x29: {  	s4 =	sld [smem:$0x3FA9]  }
0x2a: {  	p0 =	seq.s32 s5, $0x0;
	s5 =	sld [smem:$0x3FAA]  }
0x2b: {  	s6 =	sld [smem:$0x3FAB]  }
0x2c: {  	s7 =	sld [smem:$0x3FAC]  }
0x2d: {  	s3 =	simm.s32 $0x108;
	s8 =	sld [smem:$0x3FAD]  }
0x2e: {  	s3 =	simm.s32 @!p0 $0x1082;
	s9 =	sld [smem:$0x3FAE]  }
0x2f: {  	lr =	sadd.s32 s0, s3;
	s0 =	sld [smem:$0x3FA5]  }
0x30: {  	s3 =	sld [smem:$0x3FA8]  }
0x31: {  	[smem:$0x3FB1] =	sst s10  }
0x32: {  	s10 =	sld [smem:$0x3FAF];
	_ =	sdelay $0x3  }
0x33: {  	p0 =	seq.s32 s10, $0x1;
	s10 =	sld [smem:$0x3FB1];
	_ =	sdelay $0x3  }
0x34: {  	[smem:$0x3FB1] =	sst s10  }
0x35: {  	s10 =	sld [smem:$0x3FB0];
	_ =	sdelay $0x3  }
0x36: {  	p1 =	seq.s32 s10, $0x1;
	s10 =	sld [smem:$0x3FB1];
	_ =	sdelay $0x3  }
0x37: {  	[smem:$0x3FB1] =	sst s10  }
0x38: {  	s10 =	sld [smem:$0x3FB2]  }
0x39: {  	_ = 	snop;
	(pc) =	sbr.ind lr, $3  }
0x3a: {  	_ = 	snop  }
0x3b: {  	_ = 	snop  }
0x3c: {  	p2 =	seq.s32 s10, $0x1;
	s10 =	sld [smem:$0x3FB1]  }
0x3d: {  	_ =	shalt  }
0x3e: {  	_ =	shalt  }
0x3f: {  	_ =	shalt  }
0x40: {  	_ =	shalt  }
0x41: {  	_ =	shalt  }
0x42: {  	_ =	shalt  }
0x43: {  	_ =	shalt  }
0x44: {  	_ =	shalt  }
0x45: {  	_ =	shalt  }
0x46: {  	_ =	shalt  }
0x47: {  	_ =	shalt  }
0x48: {  	_ =	shalt  }
0x49: {  	_ =	shalt  }
0x4a: {  	_ =	shalt  }
0x4b: {  	_ =	shalt  }
0x4c: {  	_ =	shalt  }
0x4d: {  	_ =	shalt  }
0x4e: {  	_ =	shalt  }
0x4f: {  	_ =	shalt  }
0x50: {  	_ =	shalt  }
0x51: {  	_ =	shalt  }
0x52: {  	_ =	shalt  }
0x53: {  	_ =	shalt  }
0x54: {  	_ =	shalt  }
0x55: {  	_ =	shalt  }
0x56: {  	_ =	shalt  }
0x57: {  	_ =	shalt  }
0x58: {  	_ =	shalt  }
0x59: {  	_ =	shalt  }
0x5a: {  	_ =	shalt  }
0x5b: {  	_ =	shalt  }
0x5c: {  	_ =	shalt  }
0x5d: {  	_ =	shalt  }
0x5e: {  	_ =	shalt  }
0x5f: {  	_ =	shalt  }
0x60: {  	_ =	shalt  }
0x61: {  	_ =	shalt  }
0x62: {  	_ =	shalt  }
0x63: {  	_ =	shalt  }
0x64: {  	_ =	shalt  }
0x65: {  	_ =	shalt  }
0x66: {  	_ =	shalt  }
0x67: {  	_ =	shalt  }
0x68: {  	_ =	shalt  }
0x69: {  	_ =	shalt  }
0x6a: {  	_ =	shalt  }
0x6b: {  	_ =	shalt  }
0x6c: {  	_ =	shalt  }
0x6d: {  	_ =	shalt  }
0x6e: {  	_ =	shalt  }
0x6f: {  	_ =	shalt  }
0x70: {  	_ =	shalt  }
0x71: {  	_ =	shalt  }
0x72: {  	_ =	shalt  }
0x73: {  	_ =	shalt  }
0x74: {  	_ =	shalt  }
0x75: {  	_ =	shalt  }
0x76: {  	_ =	shalt  }
0x77: {  	_ =	shalt  }
0x78: {  	_ =	shalt  }
0x79: {  	_ =	shalt  }
0x7a: {  	_ =	shalt  }
0x7b: {  	_ =	shalt  }
0x7c: {  	_ =	shalt  }
0x7d: {  	_ =	shalt  }
0x7e: {  	_ =	shalt  }
0x7f: {  	_ =	shalt  }
0x80: {  	_ =	shalt  }
0x81: {  	_ =	shalt  }
0x82: {  	_ =	shalt  }
0x83: {  	_ =	shalt  }
0x84: {  	_ =	shalt  }
0x85: {  	_ =	shalt  }
0x86: {  	_ =	shalt  }
0x87: {  	_ =	shalt  }
.Lfunc_end0:
.L_simem_size_0:
called_computation.1_lowered:
.L_overlay_start_0:
0x88: {  	s2 =	sld [smem:$0x3FD9]  }
0x89: {  	s3 =	sld [smem:$0x3FFE];
	_ =	sdelay $0x1  }
0x8a: {  	s1 =	srdreg.scid  }
0x8b: {  	s0 =	sand.u32 $0x1, s1  }
0x8c: {  	s16 =	sshll.u32 s0, $0xA;
	s2 =	sadd.s32 s3, s2  }
0x8d: {  	s2 =	sadd.s32 s2, s16  }
0x8e: {  	[smem:$0x3FBD] =	sst s2  }
0x8f: {  	_ = 	snop  }
0x90: {  	(tm) =	ssettm $0x1  }
0x91: {  	s17 =	sld [smem:$0x3FFB];
	_ =	sdelay $0x3  }
0x92: {  	_ =	strace s17  }
0x93: {  	s2 =	sld [smem:$0x3FFC];
	_ =	sdelay $0x3  }
0x94: {  	_ =	strace s2  }
0x95: {  	s2 =	sld [smem:$0x3FFD];
	_ =	sdelay $0x3  }
0x96: {  	_ =	strace s2  }
0x97: {  	_ =	strace $0x8FFFFFFF  }
0x98: {  	s18 =	sld [smem:$0x3FDB];
	_ =	sdelay $0x1  }
0x99: {  	s19 =	simm.s32 $_scs_section_size  }
0x9a: {  	s4 =	simm.s32 $_size__tile_overlayer_lowered;
	s5 =	simm.s32 $_tile_overlayer_lowered  }
0x9b: {  	s22 =	simm.s32 $0x1BFF;
	s21 =	sshll.u32 s5, $0x1;
	s2 =	sadd.s32 s19, s18  }
0x9c: {  	s6 =	simm.s32 $0x0;
	s20 =	sshll.u32 s4, $0x1;
	s4 =	sadd.s32 s21, s2  }
0x9d: {  	[timem:s6], [sflag:s22] =	dma.local [hbm:s4], s20  }
0x9e: {  	_ =	swait.ge [sflag:s22], s20  }
0x9f: {  	s3 =	ssub.s32 $0x0, s20;
	[sflag:s22] =	ssyncset.done $0x0  }
0xa0: {  	[sflag:s22] =	ssyncadd.s32 s3;
	_ =	sdelay $0x1  }
0xa1: {  	s23 =	simm.s32 $0x1B8B  }
0xa2: {  	_ =	swait.ge [sflag:s23], $0x1  }
0xa3: {  	[sflag:s23] =	ssyncset.done $0x0  }
0xa4: {  	s25 =	simm.s32 $0x1B8E;
	s24 =	sld [smem:$0x3FFE];
	[sflag:s23] =	ssyncadd.s32 $0xFFFFFFFF  }
0xa5: {  	s26 =	simm.s32 $execute0_lowered;
	[smem:$0x3FD2] =	sst s25  }
0xa6: {  	s4 =	sshll.u32 s26, $0x1;
	_ =	strace $0x80000049;
	[dreg:$0x1] =	wrdreg $0xFFFFFFFF  }
0xa7: {  	s28 =	simm.s32 $_size_execute0_lowered;
	s2 =	sadd.s32 s2, s4;
	[dreg:$0x0] =	wrdreg $0x0  }
0xa8: {  	s4 =	sshll.u32 s28, $0x1;
	[dreg:$0x2] =	wrdreg s2  }
0xa9: {  	[dreg:$0x3] =	wrdreg s4  }
0xaa: {  	[dreg:$0x4] =	wrdreg $0xC0  }
0xab: {  	_ =	task [dreg:s6], $0x5FFFF  }
0xac: {  	[dreg:$0x1] =	wrdreg $0xFFFFFFFF  }
0xad: {  	[dreg:$0x0] =	wrdreg $0x60  }
0xae: {  	[dreg:$0x2] =	wrdreg s24  }
0xaf: {  	[dreg:$0x3] =	wrdreg $0x54000  }
0xb0: {  	[dreg:$0x4] =	wrdreg $0x9  }
0xb1: {  	_ =	task.clear_ibuf [dreg:s6], $0x5FFFF;
	_ =	strace $0x90000049  }
0xb2: {  	s29 =	simm.s32 $0x9;
	_ =	strace $0x8000004B  }
0xb3: {  	_ =	swait.ge [sflag:s29], $0x1  }
0xb4: {  	[sflag:s29] =	ssyncadd.s32 $0xFFFFFFFF  }
0xb5: {  	_ =	strace $0x9000004B  }
0xb6: {  	_ =	sfence  }
0xb7: {  	s30 =	sld [smem:$0x0];
	_ =	sdelay $0x2  }
0xb8: {  	s31 =	sshll.u32 s1, $0xD;
	s1 =	sshrl.u32 s1, $0x2  }
0xb9: {  	s3 =	sand.u32 $0x4000, s31;
	s1 =	sadd.s32 s1, s30  }
0xba: {  	s0 =	sor.u32 s3, s0;
	s1 =	sshll.u32 s1, $0x11  }
0xbb: {  	s0 =	sor.u32 s1, s0  }
0xbc: {  	s0 =	sadd.s32 $0x8F2B, s0  }
0xbd: {  	[sflag:s0] =	ssyncadd.remote.s32 $0x1  }
0xbe: {  	_ =	sfence.sel $0xFFFF  }
0xbf: {  	[dreg:$0x0] =	wrdreg $0xFFFFFFFF;
	(pc) =	sbr.abs _section_cstart, $3  }
0xc0: {  	[dreg:$0x1] =	wrdreg $0xFFFFFFFF  }
0xc1: {  	_ =	task.clear_ibuf [dreg:s6], $0x2FFFF;
	_ =	strace $0x9FFFFFFF  }
0xc2: {  	(tm) =	ssettm $0x7FFFFFFF  }
0xc3: {  	_ =	shalt  }
tec
execute0_lowered:
.L_overlay_start_1:
0x0: {  	(tag) =	ssettag $0x1  }
0x1: {  	s3 =	rddreg [dreg:$0x0]  }
0x2: {  	s1 =	rddreg [dreg:$0x1]  }
0x3: {  	s2 =	simm.s32 $0x0;
	s0 =	srdreg.scid;
	s19 =	stileid.u32  }
0x4: {  	s28 =	simm.s32 $0x1;
	s29 =	simm.s32 $0x5;
	s30 =	simm.s32 $0x2  }
0x5: {  	s31 =	simm.s32 $0x6;
	[smem:$0x7FF] =	sst s2;
	s4 =	sand.u32 $0x1, s0  }
0x6: {  	s7 =	smul.u32 $0x14000, s19;
	s8 =	sadd.s32 $0x3DA00, s3;
	_ =	strace $0x8000004A  }
0x7: {  	s0 =	ssub.s32 $0x2, s4;
	s5 =	sshll.u32 s4, $0x4;
	s13 =	smul.u32 $0x140000, s4  }
0x8: {  	s4 =	smul.u32 $0x27100, s4;
	s6 =	sshrl.u32 s0, $0x1;
	s5 =	sor.u32 s19, s5  }
0x9: {  	s9 =	sor.u32 $0x2800, s7;
	s10 =	sadd.s32 $0x5000, s7;
	s11 =	sadd.s32 $0x7800, s7  }
0xa: {  	s15 =	sadd.s32 $0xA000, s7;
	s16 =	sadd.s32 $0xC800, s7;
	s5 =	smul.u32 $0x2710, s5  }
0xb: {  	s17 =	sadd.s32 $0xF000, s7;
	s0 =	ssub.s32 s0, s6;
	s6 =	smul.u32 $0x50000, s19  }
0xc: {  	s21 =	sadd.s32 s13, s9;
	s14 =	sadd.s32 s13, s10;
	s24 =	sadd.s32 s13, s11  }
0xd: {  	s25 =	sadd.s32 s13, s15;
	s26 =	sadd.s32 s13, s16;
	s14 =	sshrl.u32 s14, $0x3  }
0xe: {  	s0 =	smax.u32 s0, $0x1;
	s12 =	sadd.s32 $0x190, s5;
	s18 =	sadd.s32 $0x1E0, s5  }
0xf: {  	s20 =	sadd.s32 $0x230, s5;
	s23 =	sadd.s32 s8, s14;
	[dreg:$0x1d] =	wrdreg s0  }
0x10: {  	s14 =	sshrl.u32 s26, $0x3;
	s6 =	sshrl.u32 s6, $0x2;
	[dreg:$0x3] =	wrdreg s12  }
0x11: {  	s0 =	simm.s32 $0x3;
	[dreg:$0x4] =	wrdreg s18;
	s18 =	sadd.s32 $0x11800, s7  }
0x12: {  	[dreg:$0x5] =	wrdreg s20;
	s7 =	sadd.s32 s7, s13;
	s12 =	sshrl.u32 s21, $0x3  }
0x13: {  	[dreg:$0x8] =	wrdreg s23;
	s21 =	sadd.s32 s8, s14;
	s14 =	sadd.s32 $0xC400, s3  }
0x14: {  	s7 =	sshrl.u32 s7, $0x3;
	s22 =	sadd.s32 s8, s12;
	s12 =	sshrl.u32 s25, $0x3  }
0x15: {  	[dreg:$0xb] =	wrdreg s21;
	s23 =	sadd.s32 s13, s18;
	s21 =	sadd.s32 s10, s1  }
0x16: {  	s7 =	sadd.s32 s8, s7;
	[dreg:$0x7] =	wrdreg s22;
	s20 =	sadd.s32 s8, s12  }
0x17: {  	s22 =	sadd.s32 s13, s17;
	s12 =	sshrl.u32 s23, $0x3;
	[dreg:$0x13] =	wrdreg s21  }
0x18: {  	s13 =	sadd.s32 $0x2600, s3;
	s23 =	sadd.s32 s16, s1;
	[dreg:$0x6] =	wrdreg s7  }
0x19: {  	s16 =	sadd.s32 s18, s1;
	s7 =	sshrl.u32 s24, $0x3;
	[dreg:$0xa] =	wrdreg s20  }
0x1a: {  	s24 =	smul.u32 $0x2710, s19;
	s25 =	sadd.s32 s8, s12;
	[dreg:$0x11] =	wrdreg s23  }
0x1b: {  	s12 =	sadd.s32 $0x16800, s3;
	s3 =	sadd.s32 $0x16200, s3;
	[dreg:$0x14] =	wrdreg s16  }
0x1c: {  	s19 =	sadd.s32 s6, s1;
	s20 =	sadd.s32 s9, s1;
	[dreg:$0xd] =	wrdreg s25  }
0x1d: {  	s9 =	sshrl.u32 s5, $0x3;
	s6 =	simm.s32 $0x7;
	[dreg:$0xe] =	wrdreg s3  }
0x1e: {  	s7 =	sadd.s32 s8, s7;
	s5 =	sadd.s32 $0xA, s9;
	[smem:$0x7FD] =	sst s19  }
0x1f: {  	s3 =	sadd.s32 $0x1E, s9;
	[dreg:$0x9] =	wrdreg s7;
	s10 =	sadd.s32 s13, s5  }
0x20: {  	s7 =	sshrl.u32 s22, $0x3;
	s5 =	sadd.s32 s14, s5;
	[dreg:$0x15] =	wrdreg s10  }
0x21: {  	s22 =	sadd.s32 s15, s1;
	s15 =	sadd.s32 s14, s9;
	[dreg:$0x16] =	wrdreg s5  }
0x22: {  	s26 =	sadd.s32 s24, s4;
	s25 =	sadd.s32 s13, s3;
	[dreg:$0x18] =	wrdreg s15  }
0x23: {  	s4 =	sadd.s32 s17, s1;
	s3 =	sadd.s32 s14, s3;
	[dreg:$0x1b] =	wrdreg s25  }
0x24: {  	s17 =	sadd.s32 $0x14, s9;
	s7 =	sadd.s32 s8, s7;
	[dreg:$0x1c] =	wrdreg s3  }
0x25: {  	s8 =	sadd.s32 s11, s1;
	s11 =	sadd.s32 s13, s9;
	[dreg:$0x10] =	wrdreg s22  }
0x26: {  	s24 =	sadd.s32 s13, s17;
	s5 =	sadd.s32 s14, s17;
	[dreg:$0x12] =	wrdreg s4  }
0x27: {  	s26 =	sadd.s32 $0x140, s26;
	s9 =	simm.s32 $0x280;
	[dreg:$0xc] =	wrdreg s7  }
0x28: {  	s10 =	simm.s32 $0x100;
	s15 =	simm.s32 $0x180;
	[dreg:$0x17] =	wrdreg s11  }
0x29: {  	s25 =	simm.s32 $0x50;
	s3 =	simm.s32 $0x4;
	[dreg:$0x19] =	wrdreg s24  }
0x2a: {  	s17 =	simm.s32 $0x0;
	s18 =	smov.u32 s8;
	[dreg:$0x1a] =	wrdreg s5  }
0x2b: {  	[dreg:$0x1e] =	wrdreg s26;
	s5 =	simm.s32 $0x400;
	s7 =	simm.s32 $0x200  }
0x2c: {  	s8 =	simm.s32 $0x80;
	s11 =	simm.s32 $0x300;
	[dreg:$0x1f] =	wrdreg s17  }
0x2d: {  	s24 =	simm.s32 $0x380;
	s26 =	simm.s32 $0x2C00;
	[dreg:$0xf] =	wrdreg s18  }
.LBB2_1:
0x2e: {  	s17 =	rddreg [dreg:$0xe]  }
0x2f: {  	[tilespmem:s5], [sflag:$0x7] =	stream.linear.gather [hbm4b:s17+s2], $0x2800, $0x38;
	[tilespmem:$0x19400] =	vst v63  }
0x30: {  	_ =	swait.ge [sflag:s6], $0x2800  }
0x31: {  	[sflag:s6] =	ssyncset.done $0x0  }
0x32: {  	[sflag:s6] =	ssyncadd.s32 $0xFFFFD800  }
0x33: {  	[spmem:s19] =	stream.linear.scatter [tilespmem:s5], [sflag:$0x7], $0x2800, $0x38;
	[tilespmem:$0x19400] =	vst v63  }
0x34: {  	_ =	swait.ge [sflag:s6], $0x2800  }
0x35: {  	[sflag:s6] =	ssyncset.done $0x0  }
0x36: {  	[sflag:s6] =	ssyncadd.s32 $0xFFFFD800  }
0x37: {  	[spmem:s20] =	stream.linear.scatter [tilespmem:s5], [sflag:$0x7], $0x2800, $0x38;
	[tilespmem:$0x19400] =	vst v63  }
0x38: {  	_ =	swait.ge [sflag:s6], $0x2800  }
0x39: {  	[sflag:s6] =	ssyncset.done $0x0  }
0x3a: {  	[sflag:s6] =	ssyncadd.s32 $0xFFFFD800  }
0x3b: {  	[spmem:s21] =	stream.linear.scatter [tilespmem:s5], [sflag:$0x7], $0x2800, $0x38;
	[tilespmem:$0x19400] =	vst v63  }
0x3c: {  	_ =	swait.ge [sflag:s6], $0x2800  }
0x3d: {  	[sflag:s6] =	ssyncset.done $0x0  }
0x3e: {  	[sflag:s6] =	ssyncadd.s32 $0xFFFFD800  }
0x3f: {  	[spmem:s18] =	stream.linear.scatter [tilespmem:s5], [sflag:$0x7], $0x2800, $0x38;
	[tilespmem:$0x19400] =	vst v63  }
0x40: {  	_ =	swait.ge [sflag:s6], $0x2800  }
0x41: {  	[sflag:s6] =	ssyncset.done $0x0  }
0x42: {  	s17 =	smov.u32 s22;
	[sflag:s6] =	ssyncadd.s32 $0xFFFFD800  }
0x43: {  	[spmem:s17] =	stream.linear.scatter [tilespmem:s5], [sflag:$0x7], $0x2800, $0x38;
	[tilespmem:$0x19400] =	vst v63  }
0x44: {  	_ =	swait.ge [sflag:s6], $0x2800  }
0x45: {  	[sflag:s6] =	ssyncset.done $0x0  }
0x46: {  	s22 =	smov.u32 s19;
	s19 =	smov.u32 s23;
	[sflag:s6] =	ssyncadd.s32 $0xFFFFD800  }
0x47: {  	[spmem:s19] =	stream.linear.scatter [tilespmem:s5], [sflag:$0x7], $0x2800, $0x38;
	[tilespmem:$0x19400] =	vst v63  }
0x48: {  	_ =	swait.ge [sflag:s6], $0x2800  }
0x49: {  	[sflag:s6] =	ssyncset.done $0x0  }
0x4a: {  	[sflag:s6] =	ssyncadd.s32 $0xFFFFD800  }
0x4b: {  	[spmem:s4] =	stream.linear.scatter [tilespmem:s5], [sflag:$0x7], $0x2800, $0x38;
	[tilespmem:$0x19400] =	vst v63  }
0x4c: {  	_ =	swait.ge [sflag:s6], $0x2800  }
0x4d: {  	[sflag:s6] =	ssyncset.done $0x0  }
0x4e: {  	[sflag:s6] =	ssyncadd.s32 $0xFFFFD800  }
0x4f: {  	[spmem:s16] =	stream.linear.scatter [tilespmem:s5], [sflag:$0x7], $0x2800, $0x38;
	[tilespmem:$0x19400] =	vst v63  }
0x50: {  	_ =	swait.ge [sflag:s6], $0x2800  }
0x51: {  	[sflag:s6] =	ssyncset.done $0x0  }
0x52: {  	[sflag:s6] =	ssyncadd.s32 $0xFFFFD800  }
0x53: {  	[bflag:$0x0] =	sbarrier.arrive $0xFFFF  }
0x54: {  	s17 =	rddreg [dreg:$0x17]  }
0x55: {  	[tilespmem:s2], [sflag:$0x7] =	stream.linear.gather [hbm4b:s17+s2], $0x50, $0x38;
	[tilespmem:$0x19400] =	vst v63  }
0x56: {  	_ =	swait.ge [sflag:s6], $0x50  }
0x57: {  	[sflag:s6] =	ssyncset.done $0x0  }
0x58: {  	s18 =	rddreg [dreg:$0x18];
	[sflag:s6] =	ssyncadd.s32 $0xFFFFFFB0  }
0x59: {  	[tilespmem:s7], [sflag:$0x7] =	stream.linear.gather [hbm4b:s18+s2], $0x50, $0x38;
	[tilespmem:$0x19400] =	vst v63  }
0x5a: {  	_ =	swait.ge [sflag:s6], $0x50  }
0x5b: {  	[sflag:s6] =	ssyncset.done $0x0  }
0x5c: {  	s19 =	rddreg [dreg:$0x15];
	[sflag:s6] =	ssyncadd.s32 $0xFFFFFFB0  }
0x5d: {  	[tilespmem:s8], [sflag:$0x7] =	stream.linear.gather [hbm4b:s19+s2], $0x50, $0x38;
	[tilespmem:$0x19400] =	vst v63  }
0x5e: {  	_ =	swait.ge [sflag:s6], $0x50  }
0x5f: {  	[sflag:s6] =	ssyncset.done $0x0  }
0x60: {  	s23 =	smov.u32 s20;
	s20 =	rddreg [dreg:$0x16];
	[sflag:s6] =	ssyncadd.s32 $0xFFFFFFB0  }
0x61: {  	[tilespmem:s9], [sflag:$0x7] =	stream.linear.gather [hbm4b:s20+s2], $0x50, $0x38;
	[tilespmem:$0x19400] =	vst v63  }
0x62: {  	_ =	swait.ge [sflag:s6], $0x50  }
0x63: {  	[sflag:s6] =	ssyncset.done $0x0  }
0x64: {  	s21 =	rddreg [dreg:$0x19];
	[sflag:s6] =	ssyncadd.s32 $0xFFFFFFB0  }
0x65: {  	[tilespmem:s10], [sflag:$0x5] =	stream.linear.gather [hbm4b:s21+s2], $0x50, $0x38;
	[tilespmem:$0x19400] =	vst v63  }
0x66: {  	s16 =	rddreg [dreg:$0x1a]  }
0x67: {  	[tilespmem:s11], [sflag:$0x5] =	stream.linear.gather [hbm4b:s16+s2], $0x50, $0x38;
	[tilespmem:$0x19400] =	vst v63  }
0x68: {  	s17 =	rddreg [dreg:$0x1b]  }
0x69: {  	[tilespmem:s15], [sflag:$0x6] =	stream.linear.gather [hbm4b:s17+s2], $0x50, $0x38;
	[tilespmem:$0x19400] =	vst v63  }
0x6a: {  	s18 =	rddreg [dreg:$0x1c]  }
0x6b: {  	[tilespmem:s24], [sflag:$0x6] =	stream.linear.gather [hbm4b:s18+s2], $0x50, $0x38;
	[tilespmem:$0x19400] =	vst v63  }
0x6c: {  	_ = 	snop  }
0x6d: {  	[tilespmem:s5], [sflag:$0x1] =	stream.indirect.gather [hbm4b:s12+s25], $0x80, s2, s25, $0xb8;
	[tilespmem:$0x19400] =	vst v63  }
0x6e: {  	_ = 	snop  }
0x6f: {  	[tilespmem:s26], [sflag:$0x2] =	stream.indirect.gather [hbm4b:s12+s25], $0x80, s8, s25, $0xb8;
	[tilespmem:$0x19400] =	vst v63  }
0x70: {  	_ =	swait.ge [sflag:s28], $0x2800  }
0x71: {  	[sflag:s28] =	ssyncset.done $0x0  }
0x72: {  	[sflag:s28] =	ssyncadd.s32 $0xFFFFD800  }
0x73: {  	[spmem:s1] =	stream.indirect.scatter.add.f32 [tilespmem:s5], [sflag:$0x7], $0x80, s7, s25, $0xb8;
	[tilespmem:$0x19400] =	vst v63  }
0x74: {  	_ =	swait.ge [sflag:s6], $0x2800  }
0x75: {  	s4 =	rddreg [dreg:$0x1e]  }
0x76: {  	[sflag:s6] =	ssyncset.done $0x0;
	s19 =	sshrl.u32 s4, $0x3  }
0x77: {  	[sflag:s6] =	ssyncadd.s32 $0xFFFFD800;
	s20 =	sadd.s32 s13, s19  }
0x78: {  	[tilespmem:s2], [sflag:$0x3] =	stream.linear.gather [hbm4b:s20+s2], $0x50, $0x38;
	[tilespmem:$0x19400] =	vst v63  }
0x79: {  	s17 =	sadd.s32 s14, s19  }
0x7a: {  	[tilespmem:s7], [sflag:$0x3] =	stream.linear.gather [hbm4b:s17+s2], $0x50, $0x38;
	[tilespmem:$0x19400] =	vst v63  }
0x7b: {  	_ =	swait.ge [sflag:s29], $0x50  }
0x7c: {  	[sflag:s29] =	ssyncset.done $0x0  }
0x7d: {  	[sflag:s29] =	ssyncadd.s32 $0xFFFFFFB0  }
0x7e: {  	_ =	swait.ge [sflag:s29], $0x50  }
0x7f: {  	[sflag:s29] =	ssyncset.done $0x0  }
0x80: {  	[sflag:s29] =	ssyncadd.s32 $0xFFFFFFB0  }
0x81: {  	[tilespmem:s5], [sflag:$0x1] =	stream.indirect.gather [hbm4b:s12+s25], $0x80, s10, s25, $0xb8;
	[tilespmem:$0x19400] =	vst v63  }
0x82: {  	_ =	swait.ge [sflag:s30], $0x2800  }
0x83: {  	[sflag:s30] =	ssyncset.done $0x0  }
0x84: {  	s21 =	smin.u32 s2, $0x77;
	[sflag:s30] =	ssyncadd.s32 $0xFFFFD800  }
0x85: {  	[spmem:s1] =	stream.indirect.scatter.add.f32 [tilespmem:s26], [sflag:$0x7], $0x80, s9, s25, $0xb8;
	[tilespmem:$0x19400] =	vst v63  }
0x86: {  	s17 =	smul.u32 $0x50, s21;
	_ =	swait.ge [sflag:s6], $0x2800  }
0x87: {  	s16 =	rddreg [dreg:$0x3]  }
0x88: {  	s17 =	sadd.s32 s17, s16  }
0x89: {  	[sflag:s6] =	ssyncset.done $0x0;
	s17 =	sshrl.u32 s17, $0x3  }
0x8a: {  	[sflag:s6] =	ssyncadd.s32 $0xFFFFD800;
	s19 =	sadd.s32 s13, s17  }
0x8b: {  	[tilespmem:s8], [sflag:$0x4] =	stream.linear.gather [hbm4b:s19+s2], $0x50, $0x38;
	[tilespmem:$0x19400] =	vst v63  }
0x8c: {  	s17 =	sadd.s32 s14, s17  }
0x8d: {  	[tilespmem:s9], [sflag:$0x4] =	stream.linear.gather [hbm4b:s17+s2], $0x50, $0x38;
	[tilespmem:$0x19400] =	vst v63  }
0x8e: {  	_ =	swait.ge [sflag:s31], $0x50  }
0x8f: {  	[sflag:s31] =	ssyncset.done $0x0  }
0x90: {  	[sflag:s31] =	ssyncadd.s32 $0xFFFFFFB0  }
0x91: {  	_ =	swait.ge [sflag:s31], $0x50  }
0x92: {  	[sflag:s31] =	ssyncset.done $0x0  }
0x93: {  	[sflag:s31] =	ssyncadd.s32 $0xFFFFFFB0  }
0x94: {  	[tilespmem:s26], [sflag:$0x2] =	stream.indirect.gather [hbm4b:s12+s25], $0x80, s15, s25, $0xb8;
	[tilespmem:$0x19400] =	vst v63  }
0x95: {  	_ =	swait.ge [sflag:s28], $0x2800  }
0x96: {  	[sflag:s28] =	ssyncset.done $0x0  }
0x97: {  	s20 =	smin.u32 s2, $0x76;
	[sflag:s28] =	ssyncadd.s32 $0xFFFFD800  }
0x98: {  	[spmem:s1] =	stream.indirect.scatter.add.f32 [tilespmem:s5], [sflag:$0x7], $0x80, s11, s25, $0xb8;
	[tilespmem:$0x19400] =	vst v63  }
0x99: {  	s17 =	smul.u32 $0x50, s20;
	_ =	swait.ge [sflag:s6], $0x2800  }
0x9a: {  	s21 =	rddreg [dreg:$0x4]  }
0x9b: {  	s17 =	sadd.s32 s17, s21  }
0x9c: {  	[sflag:s6] =	ssyncset.done $0x0;
	s17 =	sshrl.u32 s17, $0x3  }
0x9d: {  	[sflag:s6] =	ssyncadd.s32 $0xFFFFD800;
	s16 =	sadd.s32 s13, s17  }
0x9e: {  	[tilespmem:s10], [sflag:$0x5] =	stream.linear.gather [hbm4b:s16+s2], $0x50, $0x38;
	[tilespmem:$0x19400] =	vst v63  }
0x9f: {  	s17 =	sadd.s32 s14, s17  }
0xa0: {  	[tilespmem:s11], [sflag:$0x5] =	stream.linear.gather [hbm4b:s17+s2], $0x50, $0x38;
	[tilespmem:$0x19400] =	vst v63  }
0xa1: {  	_ =	swait.ge [sflag:s0], $0x50  }
0xa2: {  	[sflag:s0] =	ssyncset.done $0x0  }
0xa3: {  	[sflag:s0] =	ssyncadd.s32 $0xFFFFFFB0  }
0xa4: {  	_ =	swait.ge [sflag:s0], $0x50  }
0xa5: {  	[sflag:s0] =	ssyncset.done $0x0  }
0xa6: {  	[sflag:s0] =	ssyncadd.s32 $0xFFFFFFB0  }
0xa7: {  	[tilespmem:s5], [sflag:$0x1] =	stream.indirect.gather [hbm4b:s12+s25], $0x80, s2, s25, $0xb8;
	[tilespmem:$0x19400] =	vst v63  }
0xa8: {  	_ =	swait.ge [sflag:s30], $0x2800  }
0xa9: {  	[sflag:s30] =	ssyncset.done $0x0  }
0xaa: {  	s19 =	smin.u32 s2, $0x75;
	[sflag:s30] =	ssyncadd.s32 $0xFFFFD800  }
0xab: {  	[spmem:s1] =	stream.indirect.scatter.add.f32 [tilespmem:s26], [sflag:$0x7], $0x80, s24, s25, $0xb8;
	[tilespmem:$0x19400] =	vst v63  }
0xac: {  	s17 =	smul.u32 $0x50, s19;
	_ =	swait.ge [sflag:s6], $0x2800  }
0xad: {  	s20 =	rddreg [dreg:$0x5]  }
0xae: {  	s17 =	sadd.s32 s17, s20  }
0xaf: {  	[sflag:s6] =	ssyncset.done $0x0;
	s17 =	sshrl.u32 s17, $0x3  }
0xb0: {  	[sflag:s6] =	ssyncadd.s32 $0xFFFFD800;
	s21 =	sadd.s32 s13, s17  }
0xb1: {  	[tilespmem:s15], [sflag:$0x6] =	stream.linear.gather [hbm4b:s21+s2], $0x50, $0x38;
	[tilespmem:$0x19400] =	vst v63  }
0xb2: {  	s17 =	sadd.s32 s14, s17  }
0xb3: {  	[tilespmem:s24], [sflag:$0x6] =	stream.linear.gather [hbm4b:s17+s2], $0x50, $0x38;
	[tilespmem:$0x19400] =	vst v63  }
0xb4: {  	_ =	swait.ge [sflag:s3], $0x50  }
0xb5: {  	[sflag:s3] =	ssyncset.done $0x0  }
0xb6: {  	[sflag:s3] =	ssyncadd.s32 $0xFFFFFFB0  }
0xb7: {  	_ =	swait.ge [sflag:s3], $0x50  }
0xb8: {  	[sflag:s3] =	ssyncset.done $0x0  }
0xb9: {  	s18 =	sadd.s32 $0x140, s4;
	s17 =	simm.s32 $0x4;
	[sflag:s3] =	ssyncadd.s32 $0xFFFFFFB0  }
.LBB2_2:
0xba: {  	[tilespmem:s26], [sflag:$0x2] =	stream.indirect.gather [hbm4b:s12+s25], $0x80, s8, s25, $0xb8;
	[tilespmem:$0x19400] =	vst v63  }
0xbb: {  	_ =	swait.ge [sflag:s28], $0x2800  }
0xbc: {  	[sflag:s28] =	ssyncset.done $0x0  }
0xbd: {  	[sflag:s28] =	ssyncadd.s32 $0xFFFFD800  }
0xbe: {  	[spmem:s1] =	stream.indirect.scatter.add.f32 [tilespmem:s5], [sflag:$0x7], $0x80, s7, s25, $0xb8;
	[tilespmem:$0x19400] =	vst v63  }
0xbf: {  	_ =	swait.ge [sflag:s6], $0x2800  }
0xc0: {  	s20 =	sshrl.u32 s18, $0x3;
	[sflag:s6] =	ssyncset.done $0x0  }
0xc1: {  	s21 =	sadd.s32 s13, s20;
	[sflag:s6] =	ssyncadd.s32 $0xFFFFD800  }
0xc2: {  	[tilespmem:s2], [sflag:$0x3] =	stream.linear.gather [hbm4b:s21+s2], $0x50, $0x38;
	[tilespmem:$0x19400] =	vst v63  }
0xc3: {  	s20 =	sadd.s32 s14, s20  }
0xc4: {  	[tilespmem:s7], [sflag:$0x3] =	stream.linear.gather [hbm4b:s20+s2], $0x50, $0x38;
	[tilespmem:$0x19400] =	vst v63  }
0xc5: {  	_ =	swait.ge [sflag:s29], $0x50  }
0xc6: {  	[sflag:s29] =	ssyncset.done $0x0  }
0xc7: {  	[sflag:s29] =	ssyncadd.s32 $0xFFFFFFB0  }
0xc8: {  	_ =	swait.ge [sflag:s29], $0x50  }
0xc9: {  	[sflag:s29] =	ssyncset.done $0x0  }
0xca: {  	[sflag:s29] =	ssyncadd.s32 $0xFFFFFFB0  }
0xcb: {  	[tilespmem:s5], [sflag:$0x1] =	stream.indirect.gather [hbm4b:s12+s25], $0x80, s10, s25, $0xb8;
	[tilespmem:$0x19400] =	vst v63  }
0xcc: {  	_ =	swait.ge [sflag:s30], $0x2800  }
0xcd: {  	s19 =	smov.u32 s17;
	[sflag:s30] =	ssyncset.done $0x0  }
0xce: {  	s21 =	smin.u32 s19, $0x77;
	[sflag:s30] =	ssyncadd.s32 $0xFFFFD800  }
0xcf: {  	[spmem:s1] =	stream.indirect.scatter.add.f32 [tilespmem:s26], [sflag:$0x7], $0x80, s9, s25, $0xb8;
	[tilespmem:$0x19400] =	vst v63  }
0xd0: {  	s20 =	smul.u32 $0x50, s21;
	_ =	swait.ge [sflag:s6], $0x2800  }
0xd1: {  	s4 =	rddreg [dreg:$0x3]  }
0xd2: {  	s20 =	sadd.s32 s20, s4  }
0xd3: {  	[sflag:s6] =	ssyncset.done $0x0;
	s20 =	sshrl.u32 s20, $0x3  }
0xd4: {  	[sflag:s6] =	ssyncadd.s32 $0xFFFFD800;
	s16 =	sadd.s32 s13, s20  }
0xd5: {  	[tilespmem:s8], [sflag:$0x4] =	stream.linear.gather [hbm4b:s16+s2], $0x50, $0x38;
	[tilespmem:$0x19400] =	vst v63  }
0xd6: {  	s20 =	sadd.s32 s14, s20  }
0xd7: {  	[tilespmem:s9], [sflag:$0x4] =	stream.linear.gather [hbm4b:s20+s2], $0x50, $0x38;
	[tilespmem:$0x19400] =	vst v63  }
0xd8: {  	_ =	swait.ge [sflag:s31], $0x50  }
0xd9: {  	[sflag:s31] =	ssyncset.done $0x0  }
0xda: {  	[sflag:s31] =	ssyncadd.s32 $0xFFFFFFB0  }
0xdb: {  	_ =	swait.ge [sflag:s31], $0x50  }
0xdc: {  	[sflag:s31] =	ssyncset.done $0x0  }
0xdd: {  	[sflag:s31] =	ssyncadd.s32 $0xFFFFFFB0  }
0xde: {  	[tilespmem:s26], [sflag:$0x2] =	stream.indirect.gather [hbm4b:s12+s25], $0x80, s15, s25, $0xb8;
	[tilespmem:$0x19400] =	vst v63  }
0xdf: {  	_ =	swait.ge [sflag:s28], $0x2800  }
0xe0: {  	[sflag:s28] =	ssyncset.done $0x0  }
0xe1: {  	s4 =	smin.u32 s19, $0x76;
	[sflag:s28] =	ssyncadd.s32 $0xFFFFD800  }
0xe2: {  	[spmem:s1] =	stream.indirect.scatter.add.f32 [tilespmem:s5], [sflag:$0x7], $0x80, s11, s25, $0xb8;
	[tilespmem:$0x19400] =	vst v63  }
0xe3: {  	s20 =	smul.u32 $0x50, s4;
	_ =	swait.ge [sflag:s6], $0x2800  }
0xe4: {  	s16 =	rddreg [dreg:$0x4]  }
0xe5: {  	s20 =	sadd.s32 s20, s16  }
0xe6: {  	[sflag:s6] =	ssyncset.done $0x0;
	s20 =	sshrl.u32 s20, $0x3  }
0xe7: {  	[sflag:s6] =	ssyncadd.s32 $0xFFFFD800;
	s4 =	sadd.s32 s13, s20  }
0xe8: {  	[tilespmem:s10], [sflag:$0x5] =	stream.linear.gather [hbm4b:s4+s2], $0x50, $0x38;
	[tilespmem:$0x19400] =	vst v63  }
0xe9: {  	s20 =	sadd.s32 s14, s20  }
0xea: {  	[tilespmem:s11], [sflag:$0x5] =	stream.linear.gather [hbm4b:s20+s2], $0x50, $0x38;
	[tilespmem:$0x19400] =	vst v63  }
0xeb: {  	_ =	swait.ge [sflag:s0], $0x50  }
0xec: {  	[sflag:s0] =	ssyncset.done $0x0  }
0xed: {  	[sflag:s0] =	ssyncadd.s32 $0xFFFFFFB0  }
0xee: {  	_ =	swait.ge [sflag:s0], $0x50  }
0xef: {  	[sflag:s0] =	ssyncset.done $0x0  }
0xf0: {  	[sflag:s0] =	ssyncadd.s32 $0xFFFFFFB0  }
0xf1: {  	[tilespmem:s5], [sflag:$0x1] =	stream.indirect.gather [hbm4b:s12+s25], $0x80, s2, s25, $0xb8;
	[tilespmem:$0x19400] =	vst v63  }
0xf2: {  	_ =	swait.ge [sflag:s30], $0x2800  }
0xf3: {  	[sflag:s30] =	ssyncset.done $0x0  }
0xf4: {  	s19 =	smin.u32 s19, $0x75;
	[sflag:s30] =	ssyncadd.s32 $0xFFFFD800  }
0xf5: {  	[spmem:s1] =	stream.indirect.scatter.add.f32 [tilespmem:s26], [sflag:$0x7], $0x80, s24, s25, $0xb8;
	[tilespmem:$0x19400] =	vst v63  }
0xf6: {  	s19 =	smul.u32 $0x50, s19;
	_ =	swait.ge [sflag:s6], $0x2800  }
0xf7: {  	s16 =	rddreg [dreg:$0x5]  }
0xf8: {  	s19 =	sadd.s32 s19, s16  }
0xf9: {  	[sflag:s6] =	ssyncset.done $0x0;
	s19 =	sshrl.u32 s19, $0x3  }
0xfa: {  	[sflag:s6] =	ssyncadd.s32 $0xFFFFD800;
	s21 =	sadd.s32 s13, s19  }
0xfb: {  	[tilespmem:s15], [sflag:$0x6] =	stream.linear.gather [hbm4b:s21+s2], $0x50, $0x38;
	[tilespmem:$0x19400] =	vst v63  }
0xfc: {  	s19 =	sadd.s32 s14, s19  }
0xfd: {  	[tilespmem:s24], [sflag:$0x6] =	stream.linear.gather [hbm4b:s19+s2], $0x50, $0x38;
	[tilespmem:$0x19400] =	vst v63  }
0xfe: {  	p0 =	sne.s32 s17, $0x78;
	_ =	swait.ge [sflag:s3], $0x50  }
.Ltmp0:
0xff: {  	[sflag:s3] =	ssyncset.done $0x0;
	(pc) =	sbr.rel @p0 .LBB2_2-.Ltmp0, $4  }
0x100: {  	[sflag:s3] =	ssyncadd.s32 $0xFFFFFFB0  }
0x101: {  	_ =	swait.ge [sflag:s3], $0x50  }
0x102: {  	[sflag:s3] =	ssyncset.done $0x0  }
0x103: {  	s17 =	sadd.s32 $0x4, s17;
	s18 =	sadd.s32 $0x140, s18;
	[sflag:s3] =	ssyncadd.s32 $0xFFFFFFB0  }
0x104: {  	[tilespmem:s26], [sflag:$0x2] =	stream.indirect.gather [hbm4b:s12+s25], $0x80, s8, s25, $0xb8;
	[tilespmem:$0x19400] =	vst v63  }
0x105: {  	_ =	swait.ge [sflag:s28], $0x2800  }
0x106: {  	[sflag:s28] =	ssyncset.done $0x0  }
0x107: {  	[sflag:s28] =	ssyncadd.s32 $0xFFFFD800  }
0x108: {  	[spmem:s1] =	stream.indirect.scatter.add.f32 [tilespmem:s5], [sflag:$0x7], $0x80, s7, s25, $0xb8;
	[tilespmem:$0x19400] =	vst v63  }
0x109: {  	_ =	swait.ge [sflag:s6], $0x2800  }
0x10a: {  	[sflag:s6] =	ssyncset.done $0x0  }
0x10b: {  	[sflag:s6] =	ssyncadd.s32 $0xFFFFD800  }
0x10c: {  	_ =	swait.ge [sflag:s30], $0x2800  }
0x10d: {  	[sflag:s30] =	ssyncset.done $0x0  }
0x10e: {  	[sflag:s30] =	ssyncadd.s32 $0xFFFFD800  }
0x10f: {  	_ =	swait.ge [sflag:s29], $0x50  }
0x110: {  	[sflag:s29] =	ssyncset.done $0x0  }
0x111: {  	[sflag:s29] =	ssyncadd.s32 $0xFFFFFFB0  }
0x112: {  	_ =	swait.ge [sflag:s29], $0x50  }
0x113: {  	[sflag:s29] =	ssyncset.done $0x0  }
0x114: {  	[sflag:s29] =	ssyncadd.s32 $0xFFFFFFB0  }
0x115: {  	_ =	swait.ge [sflag:s31], $0x50  }
0x116: {  	[sflag:s31] =	ssyncset.done $0x0  }
0x117: {  	[sflag:s31] =	ssyncadd.s32 $0xFFFFFFB0  }
0x118: {  	_ =	swait.ge [sflag:s31], $0x50  }
0x119: {  	[sflag:s31] =	ssyncset.done $0x0  }
0x11a: {  	[sflag:s31] =	ssyncadd.s32 $0xFFFFFFB0  }
0x11b: {  	[bflag:$0x0] =	sbarrier.arrive $0xFFFF  }
0x11c: {  	[tilespmem:s5], [sflag:$0x7] =	stream.linear.gather [spmem:s22], $0x2800, $0x38;
	[tilespmem:$0x19400] =	vst v63  }
0x11d: {  	_ =	swait.ge [sflag:s6], $0x2800  }
0x11e: {  	[sflag:s6] =	ssyncset.done $0x0  }
0x11f: {  	s17 =	rddreg [dreg:$0x6];
	[sflag:s6] =	ssyncadd.s32 $0xFFFFD800  }
0x120: {  	[hbm4b:s17+s2] =	stream.linear.scatter [tilespmem:s5], [sflag:$0x7], $0x2800, $0x38;
	[tilespmem:$0x19400] =	vst v63  }
0x121: {  	_ =	swait.ge [sflag:s6], $0x2800  }
0x122: {  	[sflag:s6] =	ssyncset.done $0x0  }
0x123: {  	[sflag:s6] =	ssyncadd.s32 $0xFFFFD800  }
0x124: {  	[tilespmem:s5], [sflag:$0x7] =	stream.linear.gather [spmem:s23], $0x2800, $0x38;
	[tilespmem:$0x19400] =	vst v63  }
0x125: {  	_ =	swait.ge [sflag:s6], $0x2800  }
0x126: {  	[sflag:s6] =	ssyncset.done $0x0  }
0x127: {  	s18 =	rddreg [dreg:$0x7];
	[sflag:s6] =	ssyncadd.s32 $0xFFFFD800  }
0x128: {  	[hbm4b:s18+s2] =	stream.linear.scatter [tilespmem:s5], [sflag:$0x7], $0x2800, $0x38;
	[tilespmem:$0x19400] =	vst v63  }
0x129: {  	_ =	swait.ge [sflag:s6], $0x2800  }
0x12a: {  	[sflag:s6] =	ssyncset.done $0x0  }
0x12b: {  	s21 =	rddreg [dreg:$0x13];
	[sflag:s6] =	ssyncadd.s32 $0xFFFFD800  }
0x12c: {  	[tilespmem:s5], [sflag:$0x7] =	stream.linear.gather [spmem:s21], $0x2800, $0x38;
	[tilespmem:$0x19400] =	vst v63  }
0x12d: {  	_ =	swait.ge [sflag:s6], $0x2800  }
0x12e: {  	[sflag:s6] =	ssyncset.done $0x0  }
0x12f: {  	s19 =	rddreg [dreg:$0x8];
	[sflag:s6] =	ssyncadd.s32 $0xFFFFD800  }
0x130: {  	[hbm4b:s19+s2] =	stream.linear.scatter [tilespmem:s5], [sflag:$0x7], $0x2800, $0x38;
	[tilespmem:$0x19400] =	vst v63  }
0x131: {  	_ =	swait.ge [sflag:s6], $0x2800  }
0x132: {  	[sflag:s6] =	ssyncset.done $0x0  }
0x133: {  	s18 =	rddreg [dreg:$0xf];
	[sflag:s6] =	ssyncadd.s32 $0xFFFFD800  }
0x134: {  	[tilespmem:s5], [sflag:$0x7] =	stream.linear.gather [spmem:s18], $0x2800, $0x38;
	[tilespmem:$0x19400] =	vst v63  }
0x135: {  	_ =	swait.ge [sflag:s6], $0x2800  }
0x136: {  	[sflag:s6] =	ssyncset.done $0x0  }
0x137: {  	s22 =	rddreg [dreg:$0x9];
	[sflag:s6] =	ssyncadd.s32 $0xFFFFD800  }
0x138: {  	[hbm4b:s22+s2] =	stream.linear.scatter [tilespmem:s5], [sflag:$0x7], $0x2800, $0x38;
	[tilespmem:$0x19400] =	vst v63  }
0x139: {  	_ =	swait.ge [sflag:s6], $0x2800  }
0x13a: {  	[sflag:s6] =	ssyncset.done $0x0  }
0x13b: {  	s22 =	rddreg [dreg:$0x10];
	[sflag:s6] =	ssyncadd.s32 $0xFFFFD800  }
0x13c: {  	[tilespmem:s5], [sflag:$0x7] =	stream.linear.gather [spmem:s22], $0x2800, $0x38;
	[tilespmem:$0x19400] =	vst v63  }
0x13d: {  	_ =	swait.ge [sflag:s6], $0x2800  }
0x13e: {  	[sflag:s6] =	ssyncset.done $0x0  }
0x13f: {  	s20 =	smov.u32 s23;
	s23 =	rddreg [dreg:$0xa];
	[sflag:s6] =	ssyncadd.s32 $0xFFFFD800  }
0x140: {  	[hbm4b:s23+s2] =	stream.linear.scatter [tilespmem:s5], [sflag:$0x7], $0x2800, $0x38;
	[tilespmem:$0x19400] =	vst v63  }
0x141: {  	_ =	swait.ge [sflag:s6], $0x2800  }
0x142: {  	[sflag:s6] =	ssyncset.done $0x0  }
0x143: {  	s23 =	rddreg [dreg:$0x11];
	[sflag:s6] =	ssyncadd.s32 $0xFFFFD800  }
0x144: {  	[tilespmem:s5], [sflag:$0x7] =	stream.linear.gather [spmem:s23], $0x2800, $0x38;
	[tilespmem:$0x19400] =	vst v63  }
0x145: {  	_ =	swait.ge [sflag:s6], $0x2800  }
0x146: {  	[sflag:s6] =	ssyncset.done $0x0  }
0x147: {  	s4 =	rddreg [dreg:$0xb];
	[sflag:s6] =	ssyncadd.s32 $0xFFFFD800  }
0x148: {  	[hbm4b:s4+s2] =	stream.linear.scatter [tilespmem:s5], [sflag:$0x7], $0x2800, $0x38;
	[tilespmem:$0x19400] =	vst v63  }
0x149: {  	_ =	swait.ge [sflag:s6], $0x2800  }
0x14a: {  	[sflag:s6] =	ssyncset.done $0x0  }
0x14b: {  	s4 =	rddreg [dreg:$0x12];
	[sflag:s6] =	ssyncadd.s32 $0xFFFFD800  }
0x14c: {  	[tilespmem:s5], [sflag:$0x7] =	stream.linear.gather [spmem:s4], $0x2800, $0x38;
	[tilespmem:$0x19400] =	vst v63  }
0x14d: {  	_ =	swait.ge [sflag:s6], $0x2800  }
0x14e: {  	[sflag:s6] =	ssyncset.done $0x0  }
0x14f: {  	s16 =	rddreg [dreg:$0xc];
	[sflag:s6] =	ssyncadd.s32 $0xFFFFD800  }
0x150: {  	[hbm4b:s16+s2] =	stream.linear.scatter [tilespmem:s5], [sflag:$0x7], $0x2800, $0x38;
	[tilespmem:$0x19400] =	vst v63  }
0x151: {  	_ =	swait.ge [sflag:s6], $0x2800  }
0x152: {  	[sflag:s6] =	ssyncset.done $0x0  }
0x153: {  	s16 =	rddreg [dreg:$0x14];
	[sflag:s6] =	ssyncadd.s32 $0xFFFFD800  }
0x154: {  	[tilespmem:s5], [sflag:$0x7] =	stream.linear.gather [spmem:s16], $0x2800, $0x38;
	[tilespmem:$0x19400] =	vst v63  }
0x155: {  	_ =	swait.ge [sflag:s6], $0x2800  }
0x156: {  	[sflag:s6] =	ssyncset.done $0x0  }
0x157: {  	s19 =	rddreg [dreg:$0xd];
	[sflag:s6] =	ssyncadd.s32 $0xFFFFD800  }
0x158: {  	[hbm4b:s19+s2] =	stream.linear.scatter [tilespmem:s5], [sflag:$0x7], $0x2800, $0x38;
	[tilespmem:$0x19400] =	vst v63  }
0x159: {  	_ =	swait.ge [sflag:s6], $0x2800  }
0x15a: {  	s19 =	rddreg [dreg:$0x1f]  }
0x15b: {  	s17 =	rddreg [dreg:$0x1d];
	s19 =	sadd.s32 $0x1, s19  }
0x15c: {  	p0 =	sne.s32 s19, s17  }
.Ltmp1:
0x15d: {  	_ = 	snop;
	(pc) =	sbr.rel @p0 .LBB2_1-.Ltmp1, $3  }
0x15e: {  	_ =	sdelay $0x1  }
0x15f: {  	[sflag:s6] =	ssyncset.done $0x0;
	[dreg:$0x1f] =	wrdreg s19  }
0x160: {  	[sflag:s6] =	ssyncadd.s32 $0xFFFFD800;
	s19 =	sld [smem:$0x7FD]  }
0x161: {  	_ =	sfence.sel $0x180000  }
0x162: {  	[bflag:$0x0] =	sbarrier.arrive $0xFFFF  }
0x163: {  	_ =	strace $0x9000004A  }
0x164: {  	s0 =	stileid.u32;
	[bflag:$0x2] =	sbarrier.arrive $0xFFFF  }
0x165: {  	p0 =	sne.s32 s0, $0x0;
	s0 =	rddreg [dreg:$0x2]  }
0x166: {  	s0 =	sadd.s32 @!p0 $0x100000, s0  }
0x167: {  	[sflag:s0] =	ssyncadd.tile.s32 @!p0 $0x1;
	_ =	shalt  }
.Lfunc_end2:
_tile_overlayer_lowered:
.L_overlay_start_2:
0x168: {  	(tag) =	ssettag $0x2  }
0x169: {  	s0 =	rddreg [dreg:$0x0];
	s2 =	stileid.u32  }
0x16a: {  	s1 =	rddreg [dreg:$0x1];
	p0 =	sne.s32 s2, $0x0  }
0x16b: {  	s3 =	rddreg [dreg:$0x2];
	[bflag:$0x3] =	sbarrier.arrive $0xFFFF;
	s2 =	simm.s32 @!p0 $0x1C07  }
0x16c: {  	[timem:s3], [sflag:s2] =	dma.local @!p0 [hbm:s0], s1  }
0x16d: {  	s0 =	simm.s32 @!p0 $0x7  }
0x16e: {  	_ =	swait.ge @!p0 [sflag:s0], s1  }
0x16f: {  	s1 =	ssub.s32 @!p0 $0x0, s1;
	[sflag:s0] =	ssyncset.done @!p0 $0x0  }
0x170: {  	[sflag:s0] =	ssyncadd.s32 @!p0 s1  }
0x171: {  	[bflag:$0x3] =	sbarrier.arrive $0xFFFF  }
0x172: {  	_ =	shalt  }

// kernel: kernel.16.cloned.1.call-start
scs
__scs_entry_jumppad:
0x0: {  	(pc) =	sbr.rel $0x88, $3  }
0x1: {  	(tag) =	ssettag $0x0;
	lr =	simm.s32 $0x1  }
0x2: {  	[smem:$0x3F96] =	sst lr;
	_ =	strace $0xD0000000  }
0x3: {  	_ = 	snop  }
0x4: {  	_ = 	snop  }
0x5: {  	_ = 	snop  }
0x6: {  	_ = 	snop  }
0x7: {  	_ = 	snop  }
__scs_overlays_trampoline_lowered:
0x8: {  	[smem:$0x3FA5] =	sst s0  }
0x9: {  	[smem:$0x3FA6] =	sst s1  }
0xa: {  	[smem:$0x3FA7] =	sst s2  }
0xb: {  	[smem:$0x3FA8] =	sst s3  }
0xc: {  	[smem:$0x3FA9] =	sst s4  }
0xd: {  	[smem:$0x3FAA] =	sst s5  }
0xe: {  	[smem:$0x3FAB] =	sst s6  }
0xf: {  	[smem:$0x3FAC] =	sst s7  }
0x10: {  	[smem:$0x3FAD] =	sst s8  }
0x11: {  	[smem:$0x3FAE] =	sst s9;
	s0 =	simm.s32 @!p0 $0x0  }
0x12: {  	s1 =	sld [smem:$0x3F94];
	s0 =	simm.s32 @p0 $0x1  }
0x13: {  	[smem:$0x3FAF] =	sst s0;
	s0 =	simm.s32 @!p1 $0x0  }
0x14: {  	s2 =	sld [smem:$0x3F93];
	s0 =	simm.s32 @p1 $0x1  }
0x15: {  	[smem:$0x3FB0] =	sst s0;
	s0 =	simm.s32 @!p2 $0x0  }
0x16: {  	s3 =	sld [smem:$0x3FDB];
	s0 =	simm.s32 @p2 $0x1  }
0x17: {  	s4 =	simm.s32 $0x1BF5;
	[smem:$0x3FB2] =	sst s0  }
0x18: {  	s0 =	sld [smem:$0x3F95];
	_ =	swait.ge [sflag:s4], $0x0  }
0x19: {  	s7 =	sld [smem:$0x3F96]  }
0x1a: {  	s8 =	sadd.s32 $0xFFFFE003, lr  }
0x1b: {  	s9 =	sadd.s32 $0xFFFFFEF7, lr;
	s5 =	simm.s32 $0xFFFFFFFF;
	p2 =	slt.u32 s8, $0xFFFFF086  }
0x1c: {  	p1 =	slt.u32 s9, $0xF7A;
	s5 =	simm.s32 @!p2 $0x0  }
0x1d: {  	s5 =	simm.s32 @p1 $0x1;
	p0 =	seq.s32 s7, s2  }
0x1e: {  	s7 =	smul.u32 @!p0 $0xF7A, s2;
	p2 =	seq.s32 @!p0 s5, $0x0  }
0x1f: {  	s9 =	smul.u32 $0xF7A, s1;
	s8 =	simm.s32 @!p0 $0x1BF5;
	p2 =	por !p2, p0  }
0x20: {  	[sflag:s8] =	ssyncset.s32 @!p0 $0xFFFFF086;
	s6 =	sadd.s32 @!p0 s3, s7;
	s7 =	simm.s32 @!p0 $0x108  }
0x21: {  	s3 =	sadd.s32 s3, s9;
	s6 =	sadd.s32 @!p0 $0x88, s6;
	s7 =	simm.s32 @p2 $0x1082  }
0x22: {  	[simem:s7], [sflag:s8] =	dma.local @!p0 [hbm:s6], $0xF7A  }
0x23: {  	s9 =	sor.u32 $0xD0000000, s2;
	s6 =	simm.s32 $0x108;
	_ =	swait.ge @!p0 [sflag:s8], $0x0  }
0x24: {  	s3 =	sadd.s32 $0x88, s3;
	s6 =	simm.s32 @!p1 $0x1082;
	[sflag:s4] =	ssyncset.s32 $0xFFFFF086  }
0x25: {  	[simem:s6], [sflag:s4] =	dma.local [hbm:s3], $0xF7A  }
0x26: {  	[smem:$0x3F96] =	sst s1;
	(tag) =	ssettag s2;
	_ =	strace s9  }
0x27: {  	s1 =	sld [smem:$0x3FA6]  }
0x28: {  	s2 =	sld [smem:$0x3FA7]  }
0x29: {  	s4 =	sld [smem:$0x3FA9]  }
0x2a: {  	p0 =	seq.s32 s5, $0x0;
	s5 =	sld [smem:$0x3FAA]  }
0x2b: {  	s6 =	sld [smem:$0x3FAB]  }
0x2c: {  	s7 =	sld [smem:$0x3FAC]  }
0x2d: {  	s3 =	simm.s32 $0x108;
	s8 =	sld [smem:$0x3FAD]  }
0x2e: {  	s3 =	simm.s32 @!p0 $0x1082;
	s9 =	sld [smem:$0x3FAE]  }
0x2f: {  	lr =	sadd.s32 s0, s3;
	s0 =	sld [smem:$0x3FA5]  }
0x30: {  	s3 =	sld [smem:$0x3FA8]  }
0x31: {  	[smem:$0x3FB1] =	sst s10  }
0x32: {  	s10 =	sld [smem:$0x3FAF];
	_ =	sdelay $0x3  }
0x33: {  	p0 =	seq.s32 s10, $0x1;
	s10 =	sld [smem:$0x3FB1];
	_ =	sdelay $0x3  }
0x34: {  	[smem:$0x3FB1] =	sst s10  }
0x35: {  	s10 =	sld [smem:$0x3FB0];
	_ =	sdelay $0x3  }
0x36: {  	p1 =	seq.s32 s10, $0x1;
	s10 =	sld [smem:$0x3FB1];
	_ =	sdelay $0x3  }
0x37: {  	[smem:$0x3FB1] =	sst s10  }
0x38: {  	s10 =	sld [smem:$0x3FB2]  }
0x39: {  	_ = 	snop;
	(pc) =	sbr.ind lr, $3  }
0x3a: {  	_ = 	snop  }
0x3b: {  	_ = 	snop  }
0x3c: {  	p2 =	seq.s32 s10, $0x1;
	s10 =	sld [smem:$0x3FB1]  }
0x3d: {  	_ =	shalt  }
0x3e: {  	_ =	shalt  }
0x3f: {  	_ =	shalt  }
0x40: {  	_ =	shalt  }
0x41: {  	_ =	shalt  }
0x42: {  	_ =	shalt  }
0x43: {  	_ =	shalt  }
0x44: {  	_ =	shalt  }
0x45: {  	_ =	shalt  }
0x46: {  	_ =	shalt  }
0x47: {  	_ =	shalt  }
0x48: {  	_ =	shalt  }
0x49: {  	_ =	shalt  }
0x4a: {  	_ =	shalt  }
0x4b: {  	_ =	shalt  }
0x4c: {  	_ =	shalt  }
0x4d: {  	_ =	shalt  }
0x4e: {  	_ =	shalt  }
0x4f: {  	_ =	shalt  }
0x50: {  	_ =	shalt  }
0x51: {  	_ =	shalt  }
0x52: {  	_ =	shalt  }
0x53: {  	_ =	shalt  }
0x54: {  	_ =	shalt  }
0x55: {  	_ =	shalt  }
0x56: {  	_ =	shalt  }
0x57: {  	_ =	shalt  }
0x58: {  	_ =	shalt  }
0x59: {  	_ =	shalt  }
0x5a: {  	_ =	shalt  }
0x5b: {  	_ =	shalt  }
0x5c: {  	_ =	shalt  }
0x5d: {  	_ =	shalt  }
0x5e: {  	_ =	shalt  }
0x5f: {  	_ =	shalt  }
0x60: {  	_ =	shalt  }
0x61: {  	_ =	shalt  }
0x62: {  	_ =	shalt  }
0x63: {  	_ =	shalt  }
0x64: {  	_ =	shalt  }
0x65: {  	_ =	shalt  }
0x66: {  	_ =	shalt  }
0x67: {  	_ =	shalt  }
0x68: {  	_ =	shalt  }
0x69: {  	_ =	shalt  }
0x6a: {  	_ =	shalt  }
0x6b: {  	_ =	shalt  }
0x6c: {  	_ =	shalt  }
0x6d: {  	_ =	shalt  }
0x6e: {  	_ =	shalt  }
0x6f: {  	_ =	shalt  }
0x70: {  	_ =	shalt  }
0x71: {  	_ =	shalt  }
0x72: {  	_ =	shalt  }
0x73: {  	_ =	shalt  }
0x74: {  	_ =	shalt  }
0x75: {  	_ =	shalt  }
0x76: {  	_ =	shalt  }
0x77: {  	_ =	shalt  }
0x78: {  	_ =	shalt  }
0x79: {  	_ =	shalt  }
0x7a: {  	_ =	shalt  }
0x7b: {  	_ =	shalt  }
0x7c: {  	_ =	shalt  }
0x7d: {  	_ =	shalt  }
0x7e: {  	_ =	shalt  }
0x7f: {  	_ =	shalt  }
0x80: {  	_ =	shalt  }
0x81: {  	_ =	shalt  }
0x82: {  	_ =	shalt  }
0x83: {  	_ =	shalt  }
0x84: {  	_ =	shalt  }
0x85: {  	_ =	shalt  }
0x86: {  	_ =	shalt  }
0x87: {  	_ =	shalt  }
.Lfunc_end0:
.L_simem_size_0:
called_computation.2_lowered:
.L_overlay_start_0:
0x88: {  	s2 =	sld [smem:$0x3FD9]  }
0x89: {  	s3 =	sld [smem:$0x3FFE];
	_ =	sdelay $0x1  }
0x8a: {  	s1 =	srdreg.scid  }
0x8b: {  	s0 =	sand.u32 $0x1, s1  }
0x8c: {  	s16 =	sshll.u32 s0, $0xA;
	s2 =	sadd.s32 s3, s2  }
0x8d: {  	s2 =	sadd.s32 s2, s16  }
0x8e: {  	[smem:$0x3FBD] =	sst s2  }
0x8f: {  	_ = 	snop  }
0x90: {  	(tm) =	ssettm $0x1  }
0x91: {  	s17 =	sld [smem:$0x3FFB];
	_ =	sdelay $0x3  }
0x92: {  	_ =	strace s17  }
0x93: {  	s2 =	sld [smem:$0x3FFC];
	_ =	sdelay $0x3  }
0x94: {  	_ =	strace s2  }
0x95: {  	s2 =	sld [smem:$0x3FFD];
	_ =	sdelay $0x3  }
0x96: {  	_ =	strace s2  }
0x97: {  	_ =	strace $0x8FFFFFFF  }
0x98: {  	s18 =	sld [smem:$0x3FDB];
	_ =	sdelay $0x1  }
0x99: {  	s19 =	simm.s32 $_scs_section_size  }
0x9a: {  	s4 =	simm.s32 $_size__tile_overlayer_lowered;
	s5 =	simm.s32 $_tile_overlayer_lowered  }
0x9b: {  	s22 =	simm.s32 $0x1BFF;
	s21 =	sshll.u32 s5, $0x1;
	s2 =	sadd.s32 s19, s18  }
0x9c: {  	s6 =	simm.s32 $0x0;
	s20 =	sshll.u32 s4, $0x1;
	s4 =	sadd.s32 s21, s2  }
0x9d: {  	[timem:s6], [sflag:s22] =	dma.local [hbm:s4], s20  }
0x9e: {  	_ =	swait.ge [sflag:s22], s20  }
0x9f: {  	s3 =	ssub.s32 $0x0, s20;
	[sflag:s22] =	ssyncset.done $0x0  }
0xa0: {  	[sflag:s22] =	ssyncadd.s32 s3;
	_ =	sdelay $0x1  }
0xa1: {  	s23 =	simm.s32 $0x1B8B  }
0xa2: {  	_ =	swait.ge [sflag:s23], $0x1  }
0xa3: {  	[sflag:s23] =	ssyncset.done $0x0  }
0xa4: {  	s25 =	simm.s32 $0x1B8E;
	s24 =	sld [smem:$0x3FFE];
	[sflag:s23] =	ssyncadd.s32 $0xFFFFFFFF  }
0xa5: {  	s26 =	simm.s32 $execute0_lowered;
	[smem:$0x3FD2] =	sst s25  }
0xa6: {  	s4 =	sshll.u32 s26, $0x1;
	_ =	strace $0x8000004C;
	[dreg:$0x1] =	wrdreg $0xFFFFFFFF  }
0xa7: {  	s28 =	simm.s32 $_size_execute0_lowered;
	s2 =	sadd.s32 s2, s4;
	[dreg:$0x0] =	wrdreg $0x0  }
0xa8: {  	s4 =	sshll.u32 s28, $0x1;
	[dreg:$0x2] =	wrdreg s2  }
0xa9: {  	[dreg:$0x3] =	wrdreg s4  }
0xaa: {  	[dreg:$0x4] =	wrdreg $0xC0  }
0xab: {  	_ =	task [dreg:s6], $0x5FFFF  }
0xac: {  	[dreg:$0x1] =	wrdreg $0xFFFFFFFF  }
0xad: {  	[dreg:$0x0] =	wrdreg $0x60  }
0xae: {  	[dreg:$0x2] =	wrdreg s24  }
0xaf: {  	[dreg:$0x3] =	wrdreg $0x54000  }
0xb0: {  	[dreg:$0x4] =	wrdreg $0x9  }
0xb1: {  	_ =	task.clear_ibuf [dreg:s6], $0x5FFFF;
	_ =	strace $0x9000004C  }
0xb2: {  	s29 =	simm.s32 $0x9;
	_ =	strace $0x8000004E  }
0xb3: {  	_ =	swait.ge [sflag:s29], $0x1  }
0xb4: {  	[sflag:s29] =	ssyncadd.s32 $0xFFFFFFFF  }
0xb5: {  	_ =	strace $0x9000004E  }
0xb6: {  	_ =	sfence  }
0xb7: {  	s30 =	sld [smem:$0x0];
	_ =	sdelay $0x2  }
0xb8: {  	s31 =	sshll.u32 s1, $0xD;
	s1 =	sshrl.u32 s1, $0x2  }
0xb9: {  	s3 =	sand.u32 $0x4000, s31;
	s1 =	sadd.s32 s1, s30  }
0xba: {  	s0 =	sor.u32 s3, s0;
	s1 =	sshll.u32 s1, $0x11  }
0xbb: {  	s0 =	sor.u32 s1, s0  }
0xbc: {  	s0 =	sadd.s32 $0x8F2B, s0  }
0xbd: {  	[sflag:s0] =	ssyncadd.remote.s32 $0x1  }
0xbe: {  	_ =	sfence.sel $0xFFFF  }
0xbf: {  	[dreg:$0x0] =	wrdreg $0xFFFFFFFF;
	(pc) =	sbr.abs _section_cstart, $3  }
0xc0: {  	[dreg:$0x1] =	wrdreg $0xFFFFFFFF  }
0xc1: {  	_ =	task.clear_ibuf [dreg:s6], $0x2FFFF;
	_ =	strace $0x9FFFFFFF  }
0xc2: {  	(tm) =	ssettm $0x7FFFFFFF  }
0xc3: {  	_ =	shalt  }
tec
execute0_lowered:
.L_overlay_start_1:
0x0: {  	(tag) =	ssettag $0x1  }
0x1: {  	s3 =	rddreg [dreg:$0x0]  }
0x2: {  	s1 =	rddreg [dreg:$0x1]  }
0x3: {  	s2 =	simm.s32 $0x0;
	s0 =	srdreg.scid;
	s19 =	stileid.u32  }
0x4: {  	s28 =	simm.s32 $0x1;
	s29 =	simm.s32 $0x5;
	s30 =	simm.s32 $0x2  }
0x5: {  	s31 =	simm.s32 $0x6;
	[smem:$0x7FF] =	sst s2;
	s4 =	sand.u32 $0x1, s0  }
0x6: {  	s7 =	smul.u32 $0x14000, s19;
	s8 =	sadd.s32 $0x3DA00, s3;
	_ =	strace $0x8000004D  }
0x7: {  	s0 =	ssub.s32 $0x2, s4;
	s5 =	sshll.u32 s4, $0x4;
	s13 =	smul.u32 $0x140000, s4  }
0x8: {  	s4 =	smul.u32 $0x27100, s4;
	s6 =	sshrl.u32 s0, $0x1;
	s5 =	sor.u32 s19, s5  }
0x9: {  	s9 =	sor.u32 $0x2800, s7;
	s10 =	sadd.s32 $0x5000, s7;
	s11 =	sadd.s32 $0x7800, s7  }
0xa: {  	s15 =	sadd.s32 $0xA000, s7;
	s16 =	sadd.s32 $0xC800, s7;
	s5 =	smul.u32 $0x2710, s5  }
0xb: {  	s17 =	sadd.s32 $0xF000, s7;
	s0 =	ssub.s32 s0, s6;
	s6 =	smul.u32 $0x50000, s19  }
0xc: {  	s21 =	sadd.s32 s13, s9;
	s14 =	sadd.s32 s13, s10;
	s24 =	sadd.s32 s13, s11  }
0xd: {  	s25 =	sadd.s32 s13, s15;
	s26 =	sadd.s32 s13, s16;
	s14 =	sshrl.u32 s14, $0x3  }
0xe: {  	s0 =	smax.u32 s0, $0x1;
	s12 =	sadd.s32 $0x190, s5;
	s18 =	sadd.s32 $0x1E0, s5  }
0xf: {  	s20 =	sadd.s32 $0x230, s5;
	s23 =	sadd.s32 s8, s14;
	[dreg:$0x1d] =	wrdreg s0  }
0x10: {  	s14 =	sshrl.u32 s26, $0x3;
	s6 =	sshrl.u32 s6, $0x2;
	[dreg:$0x3] =	wrdreg s12  }
0x11: {  	s0 =	simm.s32 $0x3;
	[dreg:$0x4] =	wrdreg s18;
	s18 =	sadd.s32 $0x11800, s7  }
0x12: {  	[dreg:$0x5] =	wrdreg s20;
	s7 =	sadd.s32 s7, s13;
	s12 =	sshrl.u32 s21, $0x3  }
0x13: {  	[dreg:$0x8] =	wrdreg s23;
	s21 =	sadd.s32 s8, s14;
	s14 =	sadd.s32 $0xC400, s3  }
0x14: {  	s7 =	sshrl.u32 s7, $0x3;
	s22 =	sadd.s32 s8, s12;
	s12 =	sshrl.u32 s25, $0x3  }
0x15: {  	[dreg:$0xb] =	wrdreg s21;
	s23 =	sadd.s32 s13, s18;
	s21 =	sadd.s32 s10, s1  }
0x16: {  	s7 =	sadd.s32 s8, s7;
	[dreg:$0x7] =	wrdreg s22;
	s20 =	sadd.s32 s8, s12  }
0x17: {  	s22 =	sadd.s32 s13, s17;
	s12 =	sshrl.u32 s23, $0x3;
	[dreg:$0x13] =	wrdreg s21  }
0x18: {  	s13 =	sadd.s32 $0x2600, s3;
	s23 =	sadd.s32 s16, s1;
	[dreg:$0x6] =	wrdreg s7  }
0x19: {  	s16 =	sadd.s32 s18, s1;
	s7 =	sshrl.u32 s24, $0x3;
	[dreg:$0xa] =	wrdreg s20  }
0x1a: {  	s24 =	smul.u32 $0x2710, s19;
	s25 =	sadd.s32 s8, s12;
	[dreg:$0x11] =	wrdreg s23  }
0x1b: {  	s12 =	sadd.s32 $0x16800, s3;
	s3 =	sadd.s32 $0x16200, s3;
	[dreg:$0x14] =	wrdreg s16  }
0x1c: {  	s19 =	sadd.s32 s6, s1;
	s20 =	sadd.s32 s9, s1;
	[dreg:$0xd] =	wrdreg s25  }
0x1d: {  	s9 =	sshrl.u32 s5, $0x3;
	s6 =	simm.s32 $0x7;
	[dreg:$0xe] =	wrdreg s3  }
0x1e: {  	s7 =	sadd.s32 s8, s7;
	s5 =	sadd.s32 $0xA, s9;
	[smem:$0x7FD] =	sst s19  }
0x1f: {  	s3 =	sadd.s32 $0x1E, s9;
	[dreg:$0x9] =	wrdreg s7;
	s10 =	sadd.s32 s13, s5  }
0x20: {  	s7 =	sshrl.u32 s22, $0x3;
	s5 =	sadd.s32 s14, s5;
	[dreg:$0x15] =	wrdreg s10  }
0x21: {  	s22 =	sadd.s32 s15, s1;
	s15 =	sadd.s32 s14, s9;
	[dreg:$0x16] =	wrdreg s5  }
0x22: {  	s26 =	sadd.s32 s24, s4;
	s25 =	sadd.s32 s13, s3;
	[dreg:$0x18] =	wrdreg s15  }
0x23: {  	s4 =	sadd.s32 s17, s1;
	s3 =	sadd.s32 s14, s3;
	[dreg:$0x1b] =	wrdreg s25  }
0x24: {  	s17 =	sadd.s32 $0x14, s9;
	s7 =	sadd.s32 s8, s7;
	[dreg:$0x1c] =	wrdreg s3  }
0x25: {  	s8 =	sadd.s32 s11, s1;
	s11 =	sadd.s32 s13, s9;
	[dreg:$0x10] =	wrdreg s22  }
0x26: {  	s24 =	sadd.s32 s13, s17;
	s5 =	sadd.s32 s14, s17;
	[dreg:$0x12] =	wrdreg s4  }
0x27: {  	s26 =	sadd.s32 $0x140, s26;
	s9 =	simm.s32 $0x280;
	[dreg:$0xc] =	wrdreg s7  }
0x28: {  	s10 =	simm.s32 $0x100;
	s15 =	simm.s32 $0x180;
	[dreg:$0x17] =	wrdreg s11  }
0x29: {  	s25 =	simm.s32 $0x50;
	s3 =	simm.s32 $0x4;
	[dreg:$0x19] =	wrdreg s24  }
0x2a: {  	s17 =	simm.s32 $0x0;
	s18 =	smov.u32 s8;
	[dreg:$0x1a] =	wrdreg s5  }
0x2b: {  	[dreg:$0x1e] =	wrdreg s26;
	s5 =	simm.s32 $0x400;
	s7 =	simm.s32 $0x200  }
0x2c: {  	s8 =	simm.s32 $0x80;
	s11 =	simm.s32 $0x300;
	[dreg:$0x1f] =	wrdreg s17  }
0x2d: {  	s24 =	simm.s32 $0x380;
	s26 =	simm.s32 $0x2C00;
	[dreg:$0xf] =	wrdreg s18  }
.LBB2_1:
0x2e: {  	s17 =	rddreg [dreg:$0xe]  }
0x2f: {  	[tilespmem:s5], [sflag:$0x7] =	stream.linear.gather [hbm4b:s17+s2], $0x2800, $0x38;
	[tilespmem:$0x19400] =	vst v63  }
0x30: {  	_ =	swait.ge [sflag:s6], $0x2800  }
0x31: {  	[sflag:s6] =	ssyncset.done $0x0  }
0x32: {  	[sflag:s6] =	ssyncadd.s32 $0xFFFFD800  }
0x33: {  	[spmem:s19] =	stream.linear.scatter [tilespmem:s5], [sflag:$0x7], $0x2800, $0x38;
	[tilespmem:$0x19400] =	vst v63  }
0x34: {  	_ =	swait.ge [sflag:s6], $0x2800  }
0x35: {  	[sflag:s6] =	ssyncset.done $0x0  }
0x36: {  	[sflag:s6] =	ssyncadd.s32 $0xFFFFD800  }
0x37: {  	[spmem:s20] =	stream.linear.scatter [tilespmem:s5], [sflag:$0x7], $0x2800, $0x38;
	[tilespmem:$0x19400] =	vst v63  }
0x38: {  	_ =	swait.ge [sflag:s6], $0x2800  }
0x39: {  	[sflag:s6] =	ssyncset.done $0x0  }
0x3a: {  	[sflag:s6] =	ssyncadd.s32 $0xFFFFD800  }
0x3b: {  	[spmem:s21] =	stream.linear.scatter [tilespmem:s5], [sflag:$0x7], $0x2800, $0x38;
	[tilespmem:$0x19400] =	vst v63  }
0x3c: {  	_ =	swait.ge [sflag:s6], $0x2800  }
0x3d: {  	[sflag:s6] =	ssyncset.done $0x0  }
0x3e: {  	[sflag:s6] =	ssyncadd.s32 $0xFFFFD800  }
0x3f: {  	[spmem:s18] =	stream.linear.scatter [tilespmem:s5], [sflag:$0x7], $0x2800, $0x38;
	[tilespmem:$0x19400] =	vst v63  }
0x40: {  	_ =	swait.ge [sflag:s6], $0x2800  }
0x41: {  	[sflag:s6] =	ssyncset.done $0x0  }
0x42: {  	s17 =	smov.u32 s22;
	[sflag:s6] =	ssyncadd.s32 $0xFFFFD800  }
0x43: {  	[spmem:s17] =	stream.linear.scatter [tilespmem:s5], [sflag:$0x7], $0x2800, $0x38;
	[tilespmem:$0x19400] =	vst v63  }
0x44: {  	_ =	swait.ge [sflag:s6], $0x2800  }
0x45: {  	[sflag:s6] =	ssyncset.done $0x0  }
0x46: {  	s22 =	smov.u32 s19;
	s19 =	smov.u32 s23;
	[sflag:s6] =	ssyncadd.s32 $0xFFFFD800  }
0x47: {  	[spmem:s19] =	stream.linear.scatter [tilespmem:s5], [sflag:$0x7], $0x2800, $0x38;
	[tilespmem:$0x19400] =	vst v63  }
0x48: {  	_ =	swait.ge [sflag:s6], $0x2800  }
0x49: {  	[sflag:s6] =	ssyncset.done $0x0  }
0x4a: {  	[sflag:s6] =	ssyncadd.s32 $0xFFFFD800  }
0x4b: {  	[spmem:s4] =	stream.linear.scatter [tilespmem:s5], [sflag:$0x7], $0x2800, $0x38;
	[tilespmem:$0x19400] =	vst v63  }
0x4c: {  	_ =	swait.ge [sflag:s6], $0x2800  }
0x4d: {  	[sflag:s6] =	ssyncset.done $0x0  }
0x4e: {  	[sflag:s6] =	ssyncadd.s32 $0xFFFFD800  }
0x4f: {  	[spmem:s16] =	stream.linear.scatter [tilespmem:s5], [sflag:$0x7], $0x2800, $0x38;
	[tilespmem:$0x19400] =	vst v63  }
0x50: {  	_ =	swait.ge [sflag:s6], $0x2800  }
0x51: {  	[sflag:s6] =	ssyncset.done $0x0  }
0x52: {  	[sflag:s6] =	ssyncadd.s32 $0xFFFFD800  }
0x53: {  	[bflag:$0x0] =	sbarrier.arrive $0xFFFF  }
0x54: {  	s17 =	rddreg [dreg:$0x17]  }
0x55: {  	[tilespmem:s2], [sflag:$0x7] =	stream.linear.gather [hbm4b:s17+s2], $0x50, $0x38;
	[tilespmem:$0x19400] =	vst v63  }
0x56: {  	_ =	swait.ge [sflag:s6], $0x50  }
0x57: {  	[sflag:s6] =	ssyncset.done $0x0  }
0x58: {  	s18 =	rddreg [dreg:$0x18];
	[sflag:s6] =	ssyncadd.s32 $0xFFFFFFB0  }
0x59: {  	[tilespmem:s7], [sflag:$0x7] =	stream.linear.gather [hbm4b:s18+s2], $0x50, $0x38;
	[tilespmem:$0x19400] =	vst v63  }
0x5a: {  	_ =	swait.ge [sflag:s6], $0x50  }
0x5b: {  	[sflag:s6] =	ssyncset.done $0x0  }
0x5c: {  	s19 =	rddreg [dreg:$0x15];
	[sflag:s6] =	ssyncadd.s32 $0xFFFFFFB0  }
0x5d: {  	[tilespmem:s8], [sflag:$0x7] =	stream.linear.gather [hbm4b:s19+s2], $0x50, $0x38;
	[tilespmem:$0x19400] =	vst v63  }
0x5e: {  	_ =	swait.ge [sflag:s6], $0x50  }
0x5f: {  	[sflag:s6] =	ssyncset.done $0x0  }
0x60: {  	s23 =	smov.u32 s20;
	s20 =	rddreg [dreg:$0x16];
	[sflag:s6] =	ssyncadd.s32 $0xFFFFFFB0  }
0x61: {  	[tilespmem:s9], [sflag:$0x7] =	stream.linear.gather [hbm4b:s20+s2], $0x50, $0x38;
	[tilespmem:$0x19400] =	vst v63  }
0x62: {  	_ =	swait.ge [sflag:s6], $0x50  }
0x63: {  	[sflag:s6] =	ssyncset.done $0x0  }
0x64: {  	s21 =	rddreg [dreg:$0x19];
	[sflag:s6] =	ssyncadd.s32 $0xFFFFFFB0  }
0x65: {  	[tilespmem:s10], [sflag:$0x5] =	stream.linear.gather [hbm4b:s21+s2], $0x50, $0x38;
	[tilespmem:$0x19400] =	vst v63  }
0x66: {  	s16 =	rddreg [dreg:$0x1a]  }
0x67: {  	[tilespmem:s11], [sflag:$0x5] =	stream.linear.gather [hbm4b:s16+s2], $0x50, $0x38;
	[tilespmem:$0x19400] =	vst v63  }
0x68: {  	s17 =	rddreg [dreg:$0x1b]  }
0x69: {  	[tilespmem:s15], [sflag:$0x6] =	stream.linear.gather [hbm4b:s17+s2], $0x50, $0x38;
	[tilespmem:$0x19400] =	vst v63  }
0x6a: {  	s18 =	rddreg [dreg:$0x1c]  }
0x6b: {  	[tilespmem:s24], [sflag:$0x6] =	stream.linear.gather [hbm4b:s18+s2], $0x50, $0x38;
	[tilespmem:$0x19400] =	vst v63  }
0x6c: {  	_ = 	snop  }
0x6d: {  	[tilespmem:s5], [sflag:$0x1] =	stream.indirect.gather [hbm4b:s12+s25], $0x80, s2, s25, $0xb8;
	[tilespmem:$0x19400] =	vst v63  }
0x6e: {  	_ = 	snop  }
0x6f: {  	[tilespmem:s26], [sflag:$0x2] =	stream.indirect.gather [hbm4b:s12+s25], $0x80, s8, s25, $0xb8;
	[tilespmem:$0x19400] =	vst v63  }
0x70: {  	_ =	swait.ge [sflag:s28], $0x2800  }
0x71: {  	[sflag:s28] =	ssyncset.done $0x0  }
0x72: {  	[sflag:s28] =	ssyncadd.s32 $0xFFFFD800  }
0x73: {  	[spmem:s1] =	stream.indirect.scatter.add.f32 [tilespmem:s5], [sflag:$0x7], $0x80, s7, s25, $0xb8;
	[tilespmem:$0x19400] =	vst v63  }
0x74: {  	_ =	swait.ge [sflag:s6], $0x2800  }
0x75: {  	s4 =	rddreg [dreg:$0x1e]  }
0x76: {  	[sflag:s6] =	ssyncset.done $0x0;
	s19 =	sshrl.u32 s4, $0x3  }
0x77: {  	[sflag:s6] =	ssyncadd.s32 $0xFFFFD800;
	s20 =	sadd.s32 s13, s19  }
0x78: {  	[tilespmem:s2], [sflag:$0x3] =	stream.linear.gather [hbm4b:s20+s2], $0x50, $0x38;
	[tilespmem:$0x19400] =	vst v63  }
0x79: {  	s17 =	sadd.s32 s14, s19  }
0x7a: {  	[tilespmem:s7], [sflag:$0x3] =	stream.linear.gather [hbm4b:s17+s2], $0x50, $0x38;
	[tilespmem:$0x19400] =	vst v63  }
0x7b: {  	_ =	swait.ge [sflag:s29], $0x50  }
0x7c: {  	[sflag:s29] =	ssyncset.done $0x0  }
0x7d: {  	[sflag:s29] =	ssyncadd.s32 $0xFFFFFFB0  }
0x7e: {  	_ =	swait.ge [sflag:s29], $0x50  }
0x7f: {  	[sflag:s29] =	ssyncset.done $0x0  }
0x80: {  	[sflag:s29] =	ssyncadd.s32 $0xFFFFFFB0  }
0x81: {  	[tilespmem:s5], [sflag:$0x1] =	stream.indirect.gather [hbm4b:s12+s25], $0x80, s10, s25, $0xb8;
	[tilespmem:$0x19400] =	vst v63  }
0x82: {  	_ =	swait.ge [sflag:s30], $0x2800  }
0x83: {  	[sflag:s30] =	ssyncset.done $0x0  }
0x84: {  	s21 =	smin.u32 s2, $0x77;
	[sflag:s30] =	ssyncadd.s32 $0xFFFFD800  }
0x85: {  	[spmem:s1] =	stream.indirect.scatter.add.f32 [tilespmem:s26], [sflag:$0x7], $0x80, s9, s25, $0xb8;
	[tilespmem:$0x19400] =	vst v63  }
0x86: {  	s17 =	smul.u32 $0x50, s21;
	_ =	swait.ge [sflag:s6], $0x2800  }
0x87: {  	s16 =	rddreg [dreg:$0x3]  }
0x88: {  	s17 =	sadd.s32 s17, s16  }
0x89: {  	[sflag:s6] =	ssyncset.done $0x0;
	s17 =	sshrl.u32 s17, $0x3  }
0x8a: {  	[sflag:s6] =	ssyncadd.s32 $0xFFFFD800;
	s19 =	sadd.s32 s13, s17  }
0x8b: {  	[tilespmem:s8], [sflag:$0x4] =	stream.linear.gather [hbm4b:s19+s2], $0x50, $0x38;
	[tilespmem:$0x19400] =	vst v63  }
0x8c: {  	s17 =	sadd.s32 s14, s17  }
0x8d: {  	[tilespmem:s9], [sflag:$0x4] =	stream.linear.gather [hbm4b:s17+s2], $0x50, $0x38;
	[tilespmem:$0x19400] =	vst v63  }
0x8e: {  	_ =	swait.ge [sflag:s31], $0x50  }
0x8f: {  	[sflag:s31] =	ssyncset.done $0x0  }
0x90: {  	[sflag:s31] =	ssyncadd.s32 $0xFFFFFFB0  }
0x91: {  	_ =	swait.ge [sflag:s31], $0x50  }
0x92: {  	[sflag:s31] =	ssyncset.done $0x0  }
0x93: {  	[sflag:s31] =	ssyncadd.s32 $0xFFFFFFB0  }
0x94: {  	[tilespmem:s26], [sflag:$0x2] =	stream.indirect.gather [hbm4b:s12+s25], $0x80, s15, s25, $0xb8;
	[tilespmem:$0x19400] =	vst v63  }
0x95: {  	_ =	swait.ge [sflag:s28], $0x2800  }
0x96: {  	[sflag:s28] =	ssyncset.done $0x0  }
0x97: {  	s20 =	smin.u32 s2, $0x76;
	[sflag:s28] =	ssyncadd.s32 $0xFFFFD800  }
0x98: {  	[spmem:s1] =	stream.indirect.scatter.add.f32 [tilespmem:s5], [sflag:$0x7], $0x80, s11, s25, $0xb8;
	[tilespmem:$0x19400] =	vst v63  }
0x99: {  	s17 =	smul.u32 $0x50, s20;
	_ =	swait.ge [sflag:s6], $0x2800  }
0x9a: {  	s21 =	rddreg [dreg:$0x4]  }
0x9b: {  	s17 =	sadd.s32 s17, s21  }
0x9c: {  	[sflag:s6] =	ssyncset.done $0x0;
	s17 =	sshrl.u32 s17, $0x3  }
0x9d: {  	[sflag:s6] =	ssyncadd.s32 $0xFFFFD800;
	s16 =	sadd.s32 s13, s17  }
0x9e: {  	[tilespmem:s10], [sflag:$0x5] =	stream.linear.gather [hbm4b:s16+s2], $0x50, $0x38;
	[tilespmem:$0x19400] =	vst v63  }
0x9f: {  	s17 =	sadd.s32 s14, s17  }
0xa0: {  	[tilespmem:s11], [sflag:$0x5] =	stream.linear.gather [hbm4b:s17+s2], $0x50, $0x38;
	[tilespmem:$0x19400] =	vst v63  }
0xa1: {  	_ =	swait.ge [sflag:s0], $0x50  }
0xa2: {  	[sflag:s0] =	ssyncset.done $0x0  }
0xa3: {  	[sflag:s0] =	ssyncadd.s32 $0xFFFFFFB0  }
0xa4: {  	_ =	swait.ge [sflag:s0], $0x50  }
0xa5: {  	[sflag:s0] =	ssyncset.done $0x0  }
0xa6: {  	[sflag:s0] =	ssyncadd.s32 $0xFFFFFFB0  }
0xa7: {  	[tilespmem:s5], [sflag:$0x1] =	stream.indirect.gather [hbm4b:s12+s25], $0x80, s2, s25, $0xb8;
	[tilespmem:$0x19400] =	vst v63  }
0xa8: {  	_ =	swait.ge [sflag:s30], $0x2800  }
0xa9: {  	[sflag:s30] =	ssyncset.done $0x0  }
0xaa: {  	s19 =	smin.u32 s2, $0x75;
	[sflag:s30] =	ssyncadd.s32 $0xFFFFD800  }
0xab: {  	[spmem:s1] =	stream.indirect.scatter.add.f32 [tilespmem:s26], [sflag:$0x7], $0x80, s24, s25, $0xb8;
	[tilespmem:$0x19400] =	vst v63  }
0xac: {  	s17 =	smul.u32 $0x50, s19;
	_ =	swait.ge [sflag:s6], $0x2800  }
0xad: {  	s20 =	rddreg [dreg:$0x5]  }
0xae: {  	s17 =	sadd.s32 s17, s20  }
0xaf: {  	[sflag:s6] =	ssyncset.done $0x0;
	s17 =	sshrl.u32 s17, $0x3  }
0xb0: {  	[sflag:s6] =	ssyncadd.s32 $0xFFFFD800;
	s21 =	sadd.s32 s13, s17  }
0xb1: {  	[tilespmem:s15], [sflag:$0x6] =	stream.linear.gather [hbm4b:s21+s2], $0x50, $0x38;
	[tilespmem:$0x19400] =	vst v63  }
0xb2: {  	s17 =	sadd.s32 s14, s17  }
0xb3: {  	[tilespmem:s24], [sflag:$0x6] =	stream.linear.gather [hbm4b:s17+s2], $0x50, $0x38;
	[tilespmem:$0x19400] =	vst v63  }
0xb4: {  	_ =	swait.ge [sflag:s3], $0x50  }
0xb5: {  	[sflag:s3] =	ssyncset.done $0x0  }
0xb6: {  	[sflag:s3] =	ssyncadd.s32 $0xFFFFFFB0  }
0xb7: {  	_ =	swait.ge [sflag:s3], $0x50  }
0xb8: {  	[sflag:s3] =	ssyncset.done $0x0  }
0xb9: {  	s18 =	sadd.s32 $0x140, s4;
	s17 =	simm.s32 $0x4;
	[sflag:s3] =	ssyncadd.s32 $0xFFFFFFB0  }
.LBB2_2:
0xba: {  	[tilespmem:s26], [sflag:$0x2] =	stream.indirect.gather [hbm4b:s12+s25], $0x80, s8, s25, $0xb8;
	[tilespmem:$0x19400] =	vst v63  }
0xbb: {  	_ =	swait.ge [sflag:s28], $0x2800  }
0xbc: {  	[sflag:s28] =	ssyncset.done $0x0  }
0xbd: {  	[sflag:s28] =	ssyncadd.s32 $0xFFFFD800  }
0xbe: {  	[spmem:s1] =	stream.indirect.scatter.add.f32 [tilespmem:s5], [sflag:$0x7], $0x80, s7, s25, $0xb8;
	[tilespmem:$0x19400] =	vst v63  }
0xbf: {  	_ =	swait.ge [sflag:s6], $0x2800  }
0xc0: {  	s20 =	sshrl.u32 s18, $0x3;
	[sflag:s6] =	ssyncset.done $0x0  }
0xc1: {  	s21 =	sadd.s32 s13, s20;
	[sflag:s6] =	ssyncadd.s32 $0xFFFFD800  }
0xc2: {  	[tilespmem:s2], [sflag:$0x3] =	stream.linear.gather [hbm4b:s21+s2], $0x50, $0x38;
	[tilespmem:$0x19400] =	vst v63  }
0xc3: {  	s20 =	sadd.s32 s14, s20  }
0xc4: {  	[tilespmem:s7], [sflag:$0x3] =	stream.linear.gather [hbm4b:s20+s2], $0x50, $0x38;
	[tilespmem:$0x19400] =	vst v63  }
0xc5: {  	_ =	swait.ge [sflag:s29], $0x50  }
0xc6: {  	[sflag:s29] =	ssyncset.done $0x0  }
0xc7: {  	[sflag:s29] =	ssyncadd.s32 $0xFFFFFFB0  }
0xc8: {  	_ =	swait.ge [sflag:s29], $0x50  }
0xc9: {  	[sflag:s29] =	ssyncset.done $0x0  }
0xca: {  	[sflag:s29] =	ssyncadd.s32 $0xFFFFFFB0  }
0xcb: {  	[tilespmem:s5], [sflag:$0x1] =	stream.indirect.gather [hbm4b:s12+s25], $0x80, s10, s25, $0xb8;
	[tilespmem:$0x19400] =	vst v63  }
0xcc: {  	_ =	swait.ge [sflag:s30], $0x2800  }
0xcd: {  	s19 =	smov.u32 s17;
	[sflag:s30] =	ssyncset.done $0x0  }
0xce: {  	s21 =	smin.u32 s19, $0x77;
	[sflag:s30] =	ssyncadd.s32 $0xFFFFD800  }
0xcf: {  	[spmem:s1] =	stream.indirect.scatter.add.f32 [tilespmem:s26], [sflag:$0x7], $0x80, s9, s25, $0xb8;
	[tilespmem:$0x19400] =	vst v63  }
0xd0: {  	s20 =	smul.u32 $0x50, s21;
	_ =	swait.ge [sflag:s6], $0x2800  }
0xd1: {  	s4 =	rddreg [dreg:$0x3]  }
0xd2: {  	s20 =	sadd.s32 s20, s4  }
0xd3: {  	[sflag:s6] =	ssyncset.done $0x0;
	s20 =	sshrl.u32 s20, $0x3  }
0xd4: {  	[sflag:s6] =	ssyncadd.s32 $0xFFFFD800;
	s16 =	sadd.s32 s13, s20  }
0xd5: {  	[tilespmem:s8], [sflag:$0x4] =	stream.linear.gather [hbm4b:s16+s2], $0x50, $0x38;
	[tilespmem:$0x19400] =	vst v63  }
0xd6: {  	s20 =	sadd.s32 s14, s20  }
0xd7: {  	[tilespmem:s9], [sflag:$0x4] =	stream.linear.gather [hbm4b:s20+s2], $0x50, $0x38;
	[tilespmem:$0x19400] =	vst v63  }
0xd8: {  	_ =	swait.ge [sflag:s31], $0x50  }
0xd9: {  	[sflag:s31] =	ssyncset.done $0x0  }
0xda: {  	[sflag:s31] =	ssyncadd.s32 $0xFFFFFFB0  }
0xdb: {  	_ =	swait.ge [sflag:s31], $0x50  }
0xdc: {  	[sflag:s31] =	ssyncset.done $0x0  }
0xdd: {  	[sflag:s31] =	ssyncadd.s32 $0xFFFFFFB0  }
0xde: {  	[tilespmem:s26], [sflag:$0x2] =	stream.indirect.gather [hbm4b:s12+s25], $0x80, s15, s25, $0xb8;
	[tilespmem:$0x19400] =	vst v63  }
0xdf: {  	_ =	swait.ge [sflag:s28], $0x2800  }
0xe0: {  	[sflag:s28] =	ssyncset.done $0x0  }
0xe1: {  	s4 =	smin.u32 s19, $0x76;
	[sflag:s28] =	ssyncadd.s32 $0xFFFFD800  }
0xe2: {  	[spmem:s1] =	stream.indirect.scatter.add.f32 [tilespmem:s5], [sflag:$0x7], $0x80, s11, s25, $0xb8;
	[tilespmem:$0x19400] =	vst v63  }
0xe3: {  	s20 =	smul.u32 $0x50, s4;
	_ =	swait.ge [sflag:s6], $0x2800  }
0xe4: {  	s16 =	rddreg [dreg:$0x4]  }
0xe5: {  	s20 =	sadd.s32 s20, s16  }
0xe6: {  	[sflag:s6] =	ssyncset.done $0x0;
	s20 =	sshrl.u32 s20, $0x3  }
0xe7: {  	[sflag:s6] =	ssyncadd.s32 $0xFFFFD800;
	s4 =	sadd.s32 s13, s20  }
0xe8: {  	[tilespmem:s10], [sflag:$0x5] =	stream.linear.gather [hbm4b:s4+s2], $0x50, $0x38;
	[tilespmem:$0x19400] =	vst v63  }
0xe9: {  	s20 =	sadd.s32 s14, s20  }
0xea: {  	[tilespmem:s11], [sflag:$0x5] =	stream.linear.gather [hbm4b:s20+s2], $0x50, $0x38;
	[tilespmem:$0x19400] =	vst v63  }
0xeb: {  	_ =	swait.ge [sflag:s0], $0x50  }
0xec: {  	[sflag:s0] =	ssyncset.done $0x0  }
0xed: {  	[sflag:s0] =	ssyncadd.s32 $0xFFFFFFB0  }
0xee: {  	_ =	swait.ge [sflag:s0], $0x50  }
0xef: {  	[sflag:s0] =	ssyncset.done $0x0  }
0xf0: {  	[sflag:s0] =	ssyncadd.s32 $0xFFFFFFB0  }
0xf1: {  	[tilespmem:s5], [sflag:$0x1] =	stream.indirect.gather [hbm4b:s12+s25], $0x80, s2, s25, $0xb8;
	[tilespmem:$0x19400] =	vst v63  }
0xf2: {  	_ =	swait.ge [sflag:s30], $0x2800  }
0xf3: {  	[sflag:s30] =	ssyncset.done $0x0  }
0xf4: {  	s19 =	smin.u32 s19, $0x75;
	[sflag:s30] =	ssyncadd.s32 $0xFFFFD800  }
0xf5: {  	[spmem:s1] =	stream.indirect.scatter.add.f32 [tilespmem:s26], [sflag:$0x7], $0x80, s24, s25, $0xb8;
	[tilespmem:$0x19400] =	vst v63  }
0xf6: {  	s19 =	smul.u32 $0x50, s19;
	_ =	swait.ge [sflag:s6], $0x2800  }
0xf7: {  	s16 =	rddreg [dreg:$0x5]  }
0xf8: {  	s19 =	sadd.s32 s19, s16  }
0xf9: {  	[sflag:s6] =	ssyncset.done $0x0;
	s19 =	sshrl.u32 s19, $0x3  }
0xfa: {  	[sflag:s6] =	ssyncadd.s32 $0xFFFFD800;
	s21 =	sadd.s32 s13, s19  }
0xfb: {  	[tilespmem:s15], [sflag:$0x6] =	stream.linear.gather [hbm4b:s21+s2], $0x50, $0x38;
	[tilespmem:$0x19400] =	vst v63  }
0xfc: {  	s19 =	sadd.s32 s14, s19  }
0xfd: {  	[tilespmem:s24], [sflag:$0x6] =	stream.linear.gather [hbm4b:s19+s2], $0x50, $0x38;
	[tilespmem:$0x19400] =	vst v63  }
0xfe: {  	p0 =	sne.s32 s17, $0x78;
	_ =	swait.ge [sflag:s3], $0x50  }
.Ltmp0:
0xff: {  	[sflag:s3] =	ssyncset.done $0x0;
	(pc) =	sbr.rel @p0 .LBB2_2-.Ltmp0, $4  }
0x100: {  	[sflag:s3] =	ssyncadd.s32 $0xFFFFFFB0  }
0x101: {  	_ =	swait.ge [sflag:s3], $0x50  }
0x102: {  	[sflag:s3] =	ssyncset.done $0x0  }
0x103: {  	s17 =	sadd.s32 $0x4, s17;
	s18 =	sadd.s32 $0x140, s18;
	[sflag:s3] =	ssyncadd.s32 $0xFFFFFFB0  }
0x104: {  	[tilespmem:s26], [sflag:$0x2] =	stream.indirect.gather [hbm4b:s12+s25], $0x80, s8, s25, $0xb8;
	[tilespmem:$0x19400] =	vst v63  }
0x105: {  	_ =	swait.ge [sflag:s28], $0x2800  }
0x106: {  	[sflag:s28] =	ssyncset.done $0x0  }
0x107: {  	[sflag:s28] =	ssyncadd.s32 $0xFFFFD800  }
0x108: {  	[spmem:s1] =	stream.indirect.scatter.add.f32 [tilespmem:s5], [sflag:$0x7], $0x80, s7, s25, $0xb8;
	[tilespmem:$0x19400] =	vst v63  }
0x109: {  	_ =	swait.ge [sflag:s6], $0x2800  }
0x10a: {  	[sflag:s6] =	ssyncset.done $0x0  }
0x10b: {  	[sflag:s6] =	ssyncadd.s32 $0xFFFFD800  }
0x10c: {  	_ =	swait.ge [sflag:s30], $0x2800  }
0x10d: {  	[sflag:s30] =	ssyncset.done $0x0  }
0x10e: {  	[sflag:s30] =	ssyncadd.s32 $0xFFFFD800  }
0x10f: {  	_ =	swait.ge [sflag:s29], $0x50  }
0x110: {  	[sflag:s29] =	ssyncset.done $0x0  }
0x111: {  	[sflag:s29] =	ssyncadd.s32 $0xFFFFFFB0  }
0x112: {  	_ =	swait.ge [sflag:s29], $0x50  }
0x113: {  	[sflag:s29] =	ssyncset.done $0x0  }
0x114: {  	[sflag:s29] =	ssyncadd.s32 $0xFFFFFFB0  }
0x115: {  	_ =	swait.ge [sflag:s31], $0x50  }
0x116: {  	[sflag:s31] =	ssyncset.done $0x0  }
0x117: {  	[sflag:s31] =	ssyncadd.s32 $0xFFFFFFB0  }
0x118: {  	_ =	swait.ge [sflag:s31], $0x50  }
0x119: {  	[sflag:s31] =	ssyncset.done $0x0  }
0x11a: {  	[sflag:s31] =	ssyncadd.s32 $0xFFFFFFB0  }
0x11b: {  	[bflag:$0x0] =	sbarrier.arrive $0xFFFF  }
0x11c: {  	[tilespmem:s5], [sflag:$0x7] =	stream.linear.gather [spmem:s22], $0x2800, $0x38;
	[tilespmem:$0x19400] =	vst v63  }
0x11d: {  	_ =	swait.ge [sflag:s6], $0x2800  }
0x11e: {  	[sflag:s6] =	ssyncset.done $0x0  }
0x11f: {  	s17 =	rddreg [dreg:$0x6];
	[sflag:s6] =	ssyncadd.s32 $0xFFFFD800  }
0x120: {  	[hbm4b:s17+s2] =	stream.linear.scatter [tilespmem:s5], [sflag:$0x7], $0x2800, $0x38;
	[tilespmem:$0x19400] =	vst v63  }
0x121: {  	_ =	swait.ge [sflag:s6], $0x2800  }
0x122: {  	[sflag:s6] =	ssyncset.done $0x0  }
0x123: {  	[sflag:s6] =	ssyncadd.s32 $0xFFFFD800  }
0x124: {  	[tilespmem:s5], [sflag:$0x7] =	stream.linear.gather [spmem:s23], $0x2800, $0x38;
	[tilespmem:$0x19400] =	vst v63  }
0x125: {  	_ =	swait.ge [sflag:s6], $0x2800  }
0x126: {  	[sflag:s6] =	ssyncset.done $0x0  }
0x127: {  	s18 =	rddreg [dreg:$0x7];
	[sflag:s6] =	ssyncadd.s32 $0xFFFFD800  }
0x128: {  	[hbm4b:s18+s2] =	stream.linear.scatter [tilespmem:s5], [sflag:$0x7], $0x2800, $0x38;
	[tilespmem:$0x19400] =	vst v63  }
0x129: {  	_ =	swait.ge [sflag:s6], $0x2800  }
0x12a: {  	[sflag:s6] =	ssyncset.done $0x0  }
0x12b: {  	s21 =	rddreg [dreg:$0x13];
	[sflag:s6] =	ssyncadd.s32 $0xFFFFD800  }
0x12c: {  	[tilespmem:s5], [sflag:$0x7] =	stream.linear.gather [spmem:s21], $0x2800, $0x38;
	[tilespmem:$0x19400] =	vst v63  }
0x12d: {  	_ =	swait.ge [sflag:s6], $0x2800  }
0x12e: {  	[sflag:s6] =	ssyncset.done $0x0  }
0x12f: {  	s19 =	rddreg [dreg:$0x8];
	[sflag:s6] =	ssyncadd.s32 $0xFFFFD800  }
0x130: {  	[hbm4b:s19+s2] =	stream.linear.scatter [tilespmem:s5], [sflag:$0x7], $0x2800, $0x38;
	[tilespmem:$0x19400] =	vst v63  }
0x131: {  	_ =	swait.ge [sflag:s6], $0x2800  }
0x132: {  	[sflag:s6] =	ssyncset.done $0x0  }
0x133: {  	s18 =	rddreg [dreg:$0xf];
	[sflag:s6] =	ssyncadd.s32 $0xFFFFD800  }
0x134: {  	[tilespmem:s5], [sflag:$0x7] =	stream.linear.gather [spmem:s18], $0x2800, $0x38;
	[tilespmem:$0x19400] =	vst v63  }
0x135: {  	_ =	swait.ge [sflag:s6], $0x2800  }
0x136: {  	[sflag:s6] =	ssyncset.done $0x0  }
0x137: {  	s22 =	rddreg [dreg:$0x9];
	[sflag:s6] =	ssyncadd.s32 $0xFFFFD800  }
0x138: {  	[hbm4b:s22+s2] =	stream.linear.scatter [tilespmem:s5], [sflag:$0x7], $0x2800, $0x38;
	[tilespmem:$0x19400] =	vst v63  }
0x139: {  	_ =	swait.ge [sflag:s6], $0x2800  }
0x13a: {  	[sflag:s6] =	ssyncset.done $0x0  }
0x13b: {  	s22 =	rddreg [dreg:$0x10];
	[sflag:s6] =	ssyncadd.s32 $0xFFFFD800  }
0x13c: {  	[tilespmem:s5], [sflag:$0x7] =	stream.linear.gather [spmem:s22], $0x2800, $0x38;
	[tilespmem:$0x19400] =	vst v63  }
0x13d: {  	_ =	swait.ge [sflag:s6], $0x2800  }
0x13e: {  	[sflag:s6] =	ssyncset.done $0x0  }
0x13f: {  	s20 =	smov.u32 s23;
	s23 =	rddreg [dreg:$0xa];
	[sflag:s6] =	ssyncadd.s32 $0xFFFFD800  }
0x140: {  	[hbm4b:s23+s2] =	stream.linear.scatter [tilespmem:s5], [sflag:$0x7], $0x2800, $0x38;
	[tilespmem:$0x19400] =	vst v63  }
0x141: {  	_ =	swait.ge [sflag:s6], $0x2800  }
0x142: {  	[sflag:s6] =	ssyncset.done $0x0  }
0x143: {  	s23 =	rddreg [dreg:$0x11];
	[sflag:s6] =	ssyncadd.s32 $0xFFFFD800  }
0x144: {  	[tilespmem:s5], [sflag:$0x7] =	stream.linear.gather [spmem:s23], $0x2800, $0x38;
	[tilespmem:$0x19400] =	vst v63  }
0x145: {  	_ =	swait.ge [sflag:s6], $0x2800  }
0x146: {  	[sflag:s6] =	ssyncset.done $0x0  }
0x147: {  	s4 =	rddreg [dreg:$0xb];
	[sflag:s6] =	ssyncadd.s32 $0xFFFFD800  }
0x148: {  	[hbm4b:s4+s2] =	stream.linear.scatter [tilespmem:s5], [sflag:$0x7], $0x2800, $0x38;
	[tilespmem:$0x19400] =	vst v63  }
0x149: {  	_ =	swait.ge [sflag:s6], $0x2800  }
0x14a: {  	[sflag:s6] =	ssyncset.done $0x0  }
0x14b: {  	s4 =	rddreg [dreg:$0x12];
	[sflag:s6] =	ssyncadd.s32 $0xFFFFD800  }
0x14c: {  	[tilespmem:s5], [sflag:$0x7] =	stream.linear.gather [spmem:s4], $0x2800, $0x38;
	[tilespmem:$0x19400] =	vst v63  }
0x14d: {  	_ =	swait.ge [sflag:s6], $0x2800  }
0x14e: {  	[sflag:s6] =	ssyncset.done $0x0  }
0x14f: {  	s16 =	rddreg [dreg:$0xc];
	[sflag:s6] =	ssyncadd.s32 $0xFFFFD800  }
0x150: {  	[hbm4b:s16+s2] =	stream.linear.scatter [tilespmem:s5], [sflag:$0x7], $0x2800, $0x38;
	[tilespmem:$0x19400] =	vst v63  }
0x151: {  	_ =	swait.ge [sflag:s6], $0x2800  }
0x152: {  	[sflag:s6] =	ssyncset.done $0x0  }
0x153: {  	s16 =	rddreg [dreg:$0x14];
	[sflag:s6] =	ssyncadd.s32 $0xFFFFD800  }
0x154: {  	[tilespmem:s5], [sflag:$0x7] =	stream.linear.gather [spmem:s16], $0x2800, $0x38;
	[tilespmem:$0x19400] =	vst v63  }
0x155: {  	_ =	swait.ge [sflag:s6], $0x2800  }
0x156: {  	[sflag:s6] =	ssyncset.done $0x0  }
0x157: {  	s19 =	rddreg [dreg:$0xd];
	[sflag:s6] =	ssyncadd.s32 $0xFFFFD800  }
0x158: {  	[hbm4b:s19+s2] =	stream.linear.scatter [tilespmem:s5], [sflag:$0x7], $0x2800, $0x38;
	[tilespmem:$0x19400] =	vst v63  }
0x159: {  	_ =	swait.ge [sflag:s6], $0x2800  }
0x15a: {  	s19 =	rddreg [dreg:$0x1f]  }
0x15b: {  	s17 =	rddreg [dreg:$0x1d];
	s19 =	sadd.s32 $0x1, s19  }
0x15c: {  	p0 =	sne.s32 s19, s17  }
.Ltmp1:
0x15d: {  	_ = 	snop;
	(pc) =	sbr.rel @p0 .LBB2_1-.Ltmp1, $3  }
0x15e: {  	_ =	sdelay $0x1  }
0x15f: {  	[sflag:s6] =	ssyncset.done $0x0;
	[dreg:$0x1f] =	wrdreg s19  }
0x160: {  	[sflag:s6] =	ssyncadd.s32 $0xFFFFD800;
	s19 =	sld [smem:$0x7FD]  }
0x161: {  	_ =	sfence.sel $0x180000  }
0x162: {  	[bflag:$0x0] =	sbarrier.arrive $0xFFFF  }
0x163: {  	_ =	strace $0x9000004D  }
0x164: {  	s0 =	stileid.u32;
	[bflag:$0x2] =	sbarrier.arrive $0xFFFF  }
0x165: {  	p0 =	sne.s32 s0, $0x0;
	s0 =	rddreg [dreg:$0x2]  }
0x166: {  	s0 =	sadd.s32 @!p0 $0x100000, s0  }
0x167: {  	[sflag:s0] =	ssyncadd.tile.s32 @!p0 $0x1;
	_ =	shalt  }
.Lfunc_end2:
_tile_overlayer_lowered:
.L_overlay_start_2:
0x168: {  	(tag) =	ssettag $0x2  }
0x169: {  	s0 =	rddreg [dreg:$0x0];
	s2 =	stileid.u32  }
0x16a: {  	s1 =	rddreg [dreg:$0x1];
	p0 =	sne.s32 s2, $0x0  }
0x16b: {  	s3 =	rddreg [dreg:$0x2];
	[bflag:$0x3] =	sbarrier.arrive $0xFFFF;
	s2 =	simm.s32 @!p0 $0x1C07  }
0x16c: {  	[timem:s3], [sflag:s2] =	dma.local @!p0 [hbm:s0], s1  }
0x16d: {  	s0 =	simm.s32 @!p0 $0x7  }
0x16e: {  	_ =	swait.ge @!p0 [sflag:s0], s1  }
0x16f: {  	s1 =	ssub.s32 @!p0 $0x0, s1;
	[sflag:s0] =	ssyncset.done @!p0 $0x0  }
0x170: {  	[sflag:s0] =	ssyncadd.s32 @!p0 s1  }
0x171: {  	[bflag:$0x3] =	sbarrier.arrive $0xFFFF  }
0x172: {  	_ =	shalt  }

// kernel: kernel.19.cloned.1.call-start
scs
__scs_entry_jumppad:
0x0: {  	(pc) =	sbr.rel $0x88, $3  }
0x1: {  	(tag) =	ssettag $0x0;
	lr =	simm.s32 $0x1  }
0x2: {  	[smem:$0x3F96] =	sst lr;
	_ =	strace $0xD0000000  }
0x3: {  	_ = 	snop  }
0x4: {  	_ = 	snop  }
0x5: {  	_ = 	snop  }
0x6: {  	_ = 	snop  }
0x7: {  	_ = 	snop  }
__scs_overlays_trampoline_lowered:
0x8: {  	[smem:$0x3FA5] =	sst s0  }
0x9: {  	[smem:$0x3FA6] =	sst s1  }
0xa: {  	[smem:$0x3FA7] =	sst s2  }
0xb: {  	[smem:$0x3FA8] =	sst s3  }
0xc: {  	[smem:$0x3FA9] =	sst s4  }
0xd: {  	[smem:$0x3FAA] =	sst s5  }
0xe: {  	[smem:$0x3FAB] =	sst s6  }
0xf: {  	[smem:$0x3FAC] =	sst s7  }
0x10: {  	[smem:$0x3FAD] =	sst s8  }
0x11: {  	[smem:$0x3FAE] =	sst s9;
	s0 =	simm.s32 @!p0 $0x0  }
0x12: {  	s1 =	sld [smem:$0x3F94];
	s0 =	simm.s32 @p0 $0x1  }
0x13: {  	[smem:$0x3FAF] =	sst s0;
	s0 =	simm.s32 @!p1 $0x0  }
0x14: {  	s2 =	sld [smem:$0x3F93];
	s0 =	simm.s32 @p1 $0x1  }
0x15: {  	[smem:$0x3FB0] =	sst s0;
	s0 =	simm.s32 @!p2 $0x0  }
0x16: {  	s3 =	sld [smem:$0x3FDB];
	s0 =	simm.s32 @p2 $0x1  }
0x17: {  	s4 =	simm.s32 $0x1BF5;
	[smem:$0x3FB2] =	sst s0  }
0x18: {  	s0 =	sld [smem:$0x3F95];
	_ =	swait.ge [sflag:s4], $0x0  }
0x19: {  	s7 =	sld [smem:$0x3F96]  }
0x1a: {  	s8 =	sadd.s32 $0xFFFFE003, lr  }
0x1b: {  	s9 =	sadd.s32 $0xFFFFFEF7, lr;
	s5 =	simm.s32 $0xFFFFFFFF;
	p2 =	slt.u32 s8, $0xFFFFF086  }
0x1c: {  	p1 =	slt.u32 s9, $0xF7A;
	s5 =	simm.s32 @!p2 $0x0  }
0x1d: {  	s5 =	simm.s32 @p1 $0x1;
	p0 =	seq.s32 s7, s2  }
0x1e: {  	s7 =	smul.u32 @!p0 $0xF7A, s2;
	p2 =	seq.s32 @!p0 s5, $0x0  }
0x1f: {  	s9 =	smul.u32 $0xF7A, s1;
	s8 =	simm.s32 @!p0 $0x1BF5;
	p2 =	por !p2, p0  }
0x20: {  	[sflag:s8] =	ssyncset.s32 @!p0 $0xFFFFF086;
	s6 =	sadd.s32 @!p0 s3, s7;
	s7 =	simm.s32 @!p0 $0x108  }
0x21: {  	s3 =	sadd.s32 s3, s9;
	s6 =	sadd.s32 @!p0 $0x88, s6;
	s7 =	simm.s32 @p2 $0x1082  }
0x22: {  	[simem:s7], [sflag:s8] =	dma.local @!p0 [hbm:s6], $0xF7A  }
0x23: {  	s9 =	sor.u32 $0xD0000000, s2;
	s6 =	simm.s32 $0x108;
	_ =	swait.ge @!p0 [sflag:s8], $0x0  }
0x24: {  	s3 =	sadd.s32 $0x88, s3;
	s6 =	simm.s32 @!p1 $0x1082;
	[sflag:s4] =	ssyncset.s32 $0xFFFFF086  }
0x25: {  	[simem:s6], [sflag:s4] =	dma.local [hbm:s3], $0xF7A  }
0x26: {  	[smem:$0x3F96] =	sst s1;
	(tag) =	ssettag s2;
	_ =	strace s9  }
0x27: {  	s1 =	sld [smem:$0x3FA6]  }
0x28: {  	s2 =	sld [smem:$0x3FA7]  }
0x29: {  	s4 =	sld [smem:$0x3FA9]  }
0x2a: {  	p0 =	seq.s32 s5, $0x0;
	s5 =	sld [smem:$0x3FAA]  }
0x2b: {  	s6 =	sld [smem:$0x3FAB]  }
0x2c: {  	s7 =	sld [smem:$0x3FAC]  }
0x2d: {  	s3 =	simm.s32 $0x108;
	s8 =	sld [smem:$0x3FAD]  }
0x2e: {  	s3 =	simm.s32 @!p0 $0x1082;
	s9 =	sld [smem:$0x3FAE]  }
0x2f: {  	lr =	sadd.s32 s0, s3;
	s0 =	sld [smem:$0x3FA5]  }
0x30: {  	s3 =	sld [smem:$0x3FA8]  }
0x31: {  	[smem:$0x3FB1] =	sst s10  }
0x32: {  	s10 =	sld [smem:$0x3FAF];
	_ =	sdelay $0x3  }
0x33: {  	p0 =	seq.s32 s10, $0x1;
	s10 =	sld [smem:$0x3FB1];
	_ =	sdelay $0x3  }
0x34: {  	[smem:$0x3FB1] =	sst s10  }
0x35: {  	s10 =	sld [smem:$0x3FB0];
	_ =	sdelay $0x3  }
0x36: {  	p1 =	seq.s32 s10, $0x1;
	s10 =	sld [smem:$0x3FB1];
	_ =	sdelay $0x3  }
0x37: {  	[smem:$0x3FB1] =	sst s10  }
0x38: {  	s10 =	sld [smem:$0x3FB2]  }
0x39: {  	_ = 	snop;
	(pc) =	sbr.ind lr, $3  }
0x3a: {  	_ = 	snop  }
0x3b: {  	_ = 	snop  }
0x3c: {  	p2 =	seq.s32 s10, $0x1;
	s10 =	sld [smem:$0x3FB1]  }
0x3d: {  	_ =	shalt  }
0x3e: {  	_ =	shalt  }
0x3f: {  	_ =	shalt  }
0x40: {  	_ =	shalt  }
0x41: {  	_ =	shalt  }
0x42: {  	_ =	shalt  }
0x43: {  	_ =	shalt  }
0x44: {  	_ =	shalt  }
0x45: {  	_ =	shalt  }
0x46: {  	_ =	shalt  }
0x47: {  	_ =	shalt  }
0x48: {  	_ =	shalt  }
0x49: {  	_ =	shalt  }
0x4a: {  	_ =	shalt  }
0x4b: {  	_ =	shalt  }
0x4c: {  	_ =	shalt  }
0x4d: {  	_ =	shalt  }
0x4e: {  	_ =	shalt  }
0x4f: {  	_ =	shalt  }
0x50: {  	_ =	shalt  }
0x51: {  	_ =	shalt  }
0x52: {  	_ =	shalt  }
0x53: {  	_ =	shalt  }
0x54: {  	_ =	shalt  }
0x55: {  	_ =	shalt  }
0x56: {  	_ =	shalt  }
0x57: {  	_ =	shalt  }
0x58: {  	_ =	shalt  }
0x59: {  	_ =	shalt  }
0x5a: {  	_ =	shalt  }
0x5b: {  	_ =	shalt  }
0x5c: {  	_ =	shalt  }
0x5d: {  	_ =	shalt  }
0x5e: {  	_ =	shalt  }
0x5f: {  	_ =	shalt  }
0x60: {  	_ =	shalt  }
0x61: {  	_ =	shalt  }
0x62: {  	_ =	shalt  }
0x63: {  	_ =	shalt  }
0x64: {  	_ =	shalt  }
0x65: {  	_ =	shalt  }
0x66: {  	_ =	shalt  }
0x67: {  	_ =	shalt  }
0x68: {  	_ =	shalt  }
0x69: {  	_ =	shalt  }
0x6a: {  	_ =	shalt  }
0x6b: {  	_ =	shalt  }
0x6c: {  	_ =	shalt  }
0x6d: {  	_ =	shalt  }
0x6e: {  	_ =	shalt  }
0x6f: {  	_ =	shalt  }
0x70: {  	_ =	shalt  }
0x71: {  	_ =	shalt  }
0x72: {  	_ =	shalt  }
0x73: {  	_ =	shalt  }
0x74: {  	_ =	shalt  }
0x75: {  	_ =	shalt  }
0x76: {  	_ =	shalt  }
0x77: {  	_ =	shalt  }
0x78: {  	_ =	shalt  }
0x79: {  	_ =	shalt  }
0x7a: {  	_ =	shalt  }
0x7b: {  	_ =	shalt  }
0x7c: {  	_ =	shalt  }
0x7d: {  	_ =	shalt  }
0x7e: {  	_ =	shalt  }
0x7f: {  	_ =	shalt  }
0x80: {  	_ =	shalt  }
0x81: {  	_ =	shalt  }
0x82: {  	_ =	shalt  }
0x83: {  	_ =	shalt  }
0x84: {  	_ =	shalt  }
0x85: {  	_ =	shalt  }
0x86: {  	_ =	shalt  }
0x87: {  	_ =	shalt  }
.Lfunc_end0:
.L_simem_size_0:
called_computation.3_lowered:
.L_overlay_start_0:
0x88: {  	s2 =	sld [smem:$0x3FD9]  }
0x89: {  	s3 =	sld [smem:$0x3FFE];
	_ =	sdelay $0x1  }
0x8a: {  	s1 =	srdreg.scid  }
0x8b: {  	s0 =	sand.u32 $0x1, s1  }
0x8c: {  	s17 =	sshll.u32 s0, $0xA;
	s2 =	sadd.s32 s3, s2  }
0x8d: {  	s2 =	sadd.s32 s2, s17  }
0x8e: {  	[smem:$0x3FBD] =	sst s2  }
0x8f: {  	_ = 	snop  }
0x90: {  	s2 =	sld [smem:$0x3FC8]  }
0x91: {  	s18 =	sld [smem:$0x3FD0];
	(tm) =	ssettm $0x1  }
0x92: {  	s4 =	sld [smem:$0x3FFB];
	_ =	sdelay $0x3  }
0x93: {  	_ =	strace s4  }
0x94: {  	s4 =	sld [smem:$0x3FFC];
	_ =	sdelay $0x3  }
0x95: {  	_ =	strace s4  }
0x96: {  	s4 =	sld [smem:$0x3FFD];
	_ =	sdelay $0x3  }
0x97: {  	_ =	strace s4  }
0x98: {  	_ =	strace $0x8FFFFFFF  }
0x99: {  	s19 =	sld [smem:$0x3FDB];
	_ =	sdelay $0x1  }
0x9a: {  	s5 =	simm.s32 $_scs_section_size  }
0x9b: {  	s6 =	simm.s32 $_size__tile_overlayer_lowered;
	s7 =	simm.s32 $_tile_overlayer_lowered  }
0x9c: {  	s22 =	simm.s32 $0x1BFF;
	s21 =	sshll.u32 s7, $0x1;
	s4 =	sadd.s32 s5, s19  }
0x9d: {  	s8 =	simm.s32 $0x0;
	s20 =	sshll.u32 s6, $0x1;
	s6 =	sadd.s32 s21, s4  }
0x9e: {  	[timem:s8], [sflag:s22] =	dma.local [hbm:s6], s20  }
0x9f: {  	_ =	swait.ge [sflag:s22], s20  }
0xa0: {  	s5 =	ssub.s32 $0x0, s20;
	[sflag:s22] =	ssyncset.done $0x0  }
0xa1: {  	[sflag:s22] =	ssyncadd.s32 s5;
	_ =	sdelay $0x1  }
0xa2: {  	s23 =	simm.s32 $0x1B8B  }
0xa3: {  	_ =	swait.ge [sflag:s23], $0x1  }
0xa4: {  	[sflag:s23] =	ssyncset.done $0x0  }
0xa5: {  	s25 =	simm.s32 $0x1B8E;
	s24 =	sld [smem:$0x3FFE];
	[sflag:s23] =	ssyncadd.s32 $0xFFFFFFFF  }
0xa6: {  	s26 =	simm.s32 $execute0_lowered;
	[smem:$0x3FD2] =	sst s25  }
0xa7: {  	s6 =	sshll.u32 s26, $0x1;
	_ =	strace $0x8000004F;
	[dreg:$0x1] =	wrdreg $0xFFFFFFFF  }
0xa8: {  	s28 =	simm.s32 $_size_execute0_lowered;
	s4 =	sadd.s32 s4, s6;
	[dreg:$0x0] =	wrdreg $0x0  }
0xa9: {  	s6 =	sshll.u32 s28, $0x1;
	[dreg:$0x2] =	wrdreg s4  }
0xaa: {  	[dreg:$0x3] =	wrdreg s6  }
0xab: {  	[dreg:$0x4] =	wrdreg $0xC0  }
0xac: {  	_ =	task [dreg:s8], $0x5FFFF  }
0xad: {  	[dreg:$0x1] =	wrdreg $0xFFFFFFFF  }
0xae: {  	[dreg:$0x0] =	wrdreg $0x60  }
0xaf: {  	[dreg:$0x2] =	wrdreg s24  }
0xb0: {  	[dreg:$0x3] =	wrdreg s2  }
0xb1: {  	[dreg:$0x4] =	wrdreg s18  }
0xb2: {  	[dreg:$0x5] =	wrdreg $0x9  }
0xb3: {  	_ =	task.clear_ibuf [dreg:s8], $0x6FFFF;
	_ =	strace $0x9000004F  }
0xb4: {  	s29 =	simm.s32 $0x9;
	_ =	strace $0x80000051  }
0xb5: {  	_ =	swait.ge [sflag:s29], $0x1  }
0xb6: {  	[sflag:s29] =	ssyncadd.s32 $0xFFFFFFFF  }
0xb7: {  	_ =	strace $0x90000051  }
0xb8: {  	_ =	sfence  }
0xb9: {  	s30 =	sld [smem:$0x0];
	_ =	sdelay $0x2  }
0xba: {  	s31 =	sshll.u32 s1, $0xD;
	s1 =	sshrl.u32 s1, $0x2  }
0xbb: {  	s3 =	sand.u32 $0x4000, s31;
	s1 =	sadd.s32 s1, s30  }
0xbc: {  	s0 =	sor.u32 s3, s0;
	s1 =	sshll.u32 s1, $0x11  }
0xbd: {  	s0 =	sor.u32 s1, s0  }
0xbe: {  	s0 =	sadd.s32 $0x8F2B, s0  }
0xbf: {  	[sflag:s0] =	ssyncadd.remote.s32 $0x1  }
0xc0: {  	_ =	sfence.sel $0xFFFF  }
0xc1: {  	[dreg:$0x0] =	wrdreg $0xFFFFFFFF;
	(pc) =	sbr.abs _section_cstart, $3  }
0xc2: {  	[dreg:$0x1] =	wrdreg $0xFFFFFFFF  }
0xc3: {  	_ =	task.clear_ibuf [dreg:s8], $0x2FFFF;
	_ =	strace $0x9FFFFFFF  }
0xc4: {  	(tm) =	ssettm $0x7FFFFFFF  }
0xc5: {  	_ =	shalt  }
tec
execute0_lowered:
.L_overlay_start_1:
0x0: {  	(tag) =	ssettag $0x1  }
0x1: {  	s1 =	srdreg.scid  }
0x2: {  	s0 =	stileid.u32;
	s1 =	sand.u32 $0x1, s1  }
0x3: {  	s24 =	rddreg [dreg:$0x0];
	s4 =	sshll.u32 s0, $0x9;
	s3 =	sshll.u32 s1, $0xD  }
0x4: {  	s12 =	rddreg [dreg:$0x1];
	s2 =	simm.s32 $0x0;
	s22 =	sor.u32 s4, s3  }
0x5: {  	[smem:$0x7FF] =	sst s2;
	s3 =	sshrl.u32 s22, $0x3  }
0x6: {  	s14 =	rddreg [dreg:$0x2];
	_ =	strace $0x80000050;
	s26 =	sadd.s32 s12, s3  }
0x7: {  	s25 =	sor.u32 $0x80, s22;
	s3 =	sadd.s32 s14, s3;
	[dreg:$0x4] =	wrdreg s26  }
0x8: {  	s6 =	sshrl.u32 s25, $0x3;
	[dreg:$0x5] =	wrdreg s3  }
0x9: {  	s0 =	sadd.s32 s12, s6;
	s4 =	rddreg [dreg:$0x4]  }
0xa: {  	s3 =	simm.s32 $0x3;
	[dreg:$0x6] =	wrdreg s0  }
0xb: {  	[tilespmem:s2], [sflag:$0x3] =	stream.linear.gather [hbm4b:s4+s2], $0x80, $0x38;
	[tilespmem:$0x10400] =	vst v63  }
0xc: {  	_ =	swait.ge [sflag:s3], $0x80  }
0xd: {  	[sflag:s3] =	ssyncset.done $0x0  }
0xe: {  	s4 =	simm.s32 $0x200;
	s5 =	rddreg [dreg:$0x5];
	[sflag:s3] =	ssyncadd.s32 $0xFFFFFF80  }
0xf: {  	[tilespmem:s4], [sflag:$0x3] =	stream.linear.gather [hbm4b:s5+s2], $0x80, $0x38;
	[tilespmem:$0x10400] =	vst v63  }
0x10: {  	_ =	swait.ge [sflag:s3], $0x80  }
0x11: {  	[sflag:s3] =	ssyncset.done $0x0  }
0x12: {  	s5 =	simm.s32 $0x80;
	s7 =	rddreg [dreg:$0x6];
	[sflag:s3] =	ssyncadd.s32 $0xFFFFFF80  }
0x13: {  	[tilespmem:s5], [sflag:$0x3] =	stream.linear.gather [hbm4b:s7+s2], $0x80, $0x38;
	[tilespmem:$0x10400] =	vst v63  }
0x14: {  	_ =	swait.ge [sflag:s3], $0x80  }
0x15: {  	[sflag:s3] =	ssyncset.done $0x0  }
0x16: {  	s6 =	sadd.s32 s14, s6;
	s7 =	simm.s32 $0x280;
	[sflag:s3] =	ssyncadd.s32 $0xFFFFFF80  }
0x17: {  	[tilespmem:s7], [sflag:$0x3] =	stream.linear.gather [hbm4b:s6+s2], $0x80, $0x38;
	[tilespmem:$0x10400] =	vst v63  }
0x18: {  	s28 =	sor.u32 $0x100, s22;
	_ =	swait.ge [sflag:s3], $0x80  }
0x19: {  	s10 =	sshrl.u32 s28, $0x3;
	[sflag:s3] =	ssyncset.done $0x0  }
0x1a: {  	s9 =	simm.s32 $0x100;
	s8 =	sadd.s32 s12, s10;
	[sflag:s3] =	ssyncadd.s32 $0xFFFFFF80  }
0x1b: {  	[tilespmem:s9], [sflag:$0x3] =	stream.linear.gather [hbm4b:s8+s2], $0x80, $0x38;
	[tilespmem:$0x10400] =	vst v63  }
0x1c: {  	_ =	swait.ge [sflag:s3], $0x80  }
0x1d: {  	[sflag:s3] =	ssyncset.done $0x0  }
0x1e: {  	s11 =	simm.s32 $0x300;
	s10 =	sadd.s32 s14, s10;
	[sflag:s3] =	ssyncadd.s32 $0xFFFFFF80  }
0x1f: {  	[tilespmem:s11], [sflag:$0x3] =	stream.linear.gather [hbm4b:s10+s2], $0x80, $0x38;
	[tilespmem:$0x10400] =	vst v63  }
0x20: {  	s30 =	sor.u32 $0x180, s22;
	_ =	swait.ge [sflag:s3], $0x80  }
0x21: {  	s15 =	sshrl.u32 s30, $0x3;
	[sflag:s3] =	ssyncset.done $0x0  }
0x22: {  	s13 =	simm.s32 $0x180;
	s12 =	sadd.s32 s12, s15;
	[sflag:s3] =	ssyncadd.s32 $0xFFFFFF80  }
0x23: {  	[tilespmem:s13], [sflag:$0x3] =	stream.linear.gather [hbm4b:s12+s2], $0x80, $0x38;
	[tilespmem:$0x10400] =	vst v63  }
0x24: {  	_ =	swait.ge [sflag:s3], $0x80  }
0x25: {  	[sflag:s3] =	ssyncset.done $0x0  }
0x26: {  	s14 =	sadd.s32 s14, s15;
	s15 =	simm.s32 $0x380;
	[sflag:s3] =	ssyncadd.s32 $0xFFFFFF80  }
0x27: {  	[tilespmem:s15], [sflag:$0x3] =	stream.linear.gather [hbm4b:s14+s2], $0x80, $0x38;
	[tilespmem:$0x10400] =	vst v63  }
0x28: {  	_ =	swait.ge [sflag:s3], $0x80  }
0x29: {  	[sflag:s3] =	ssyncset.done $0x0  }
0x2a: {  	s17 =	simm.s32 $0x400;
	s16 =	sadd.s32 $0x2600, s24;
	[sflag:s3] =	ssyncadd.s32 $0xFFFFFF80  }
0x2b: {  	[tilespmem:s17], [sflag:$0x1] =	stream.indirect.gather [hbm4b:s16+s5], $0x80, s2, s5, $0xb8;
	[tilespmem:$0x10400] =	vst v63  }
0x2c: {  	s18 =	simm.s32 $0x4400  }
0x2d: {  	[tilespmem:s18], [sflag:$0x1] =	stream.indirect.gather [hbm4b:s16+s5], $0x80, s5, s5, $0xb8;
	[tilespmem:$0x10400] =	vst v63  }
0x2e: {  	s19 =	simm.s32 $0x8400  }
0x2f: {  	[tilespmem:s19], [sflag:$0x2] =	stream.indirect.gather [hbm4b:s16+s5], $0x80, s4, s5, $0xb8;
	[tilespmem:$0x10400] =	vst v63  }
0x30: {  	s20 =	simm.s32 $0xC400;
	s21 =	simm.s32 $0x1  }
0x31: {  	[tilespmem:s20], [sflag:$0x2] =	stream.indirect.gather [hbm4b:s16+s5], $0x80, s7, s5, $0xb8;
	[tilespmem:$0x10400] =	vst v63  }
0x32: {  	_ =	swait.ge [sflag:s21], $0x4000  }
0x33: {  	s31 =	sadd.s32 $0x29800, s24;
	s26 =	sshll.u32 s22, $0x4;
	[sflag:s21] =	ssyncset.done $0x0  }
0x34: {  	s22 =	sadd.s32 s31, s26;
	[sflag:s21] =	ssyncadd.s32 $0xFFFFC000  }
0x35: {  	[hbm4b:s22+s2] =	stream.linear.scatter [tilespmem:s17], [sflag:$0x3], $0x4000, $0x38;
	[tilespmem:$0x10400] =	vst v63  }
0x36: {  	_ =	swait.ge [sflag:s3], $0x4000  }
0x37: {  	[sflag:s3] =	ssyncset.done $0x0  }
0x38: {  	s23 =	simm.s32 $0x2;
	[sflag:s3] =	ssyncadd.s32 $0xFFFFC000  }
0x39: {  	[tilespmem:s17], [sflag:$0x1] =	stream.indirect.gather [hbm4b:s16+s5], $0x80, s9, s5, $0xb8;
	[tilespmem:$0x10400] =	vst v63  }
0x3a: {  	_ =	swait.ge [sflag:s23], $0x4000  }
0x3b: {  	s0 =	sadd.s32 $0x69800, s24;
	[sflag:s23] =	ssyncset.done $0x0  }
0x3c: {  	s24 =	sadd.s32 s0, s26;
	[sflag:s23] =	ssyncadd.s32 $0xFFFFC000  }
0x3d: {  	[hbm4b:s24+s2] =	stream.linear.scatter [tilespmem:s19], [sflag:$0x3], $0x4000, $0x38;
	[tilespmem:$0x10400] =	vst v63  }
0x3e: {  	_ =	swait.ge [sflag:s3], $0x4000  }
0x3f: {  	[sflag:s3] =	ssyncset.done $0x0  }
0x40: {  	[sflag:s3] =	ssyncadd.s32 $0xFFFFC000  }
0x41: {  	[tilespmem:s19], [sflag:$0x2] =	stream.indirect.gather [hbm4b:s16+s5], $0x80, s11, s5, $0xb8;
	[tilespmem:$0x10400] =	vst v63  }
0x42: {  	_ =	swait.ge [sflag:s21], $0x4000  }
0x43: {  	s26 =	sshll.u32 s25, $0x4;
	[sflag:s21] =	ssyncset.done $0x0  }
0x44: {  	s25 =	sadd.s32 s31, s26;
	[sflag:s21] =	ssyncadd.s32 $0xFFFFC000  }
0x45: {  	[hbm4b:s25+s2] =	stream.linear.scatter [tilespmem:s18], [sflag:$0x3], $0x4000, $0x38;
	[tilespmem:$0x10400] =	vst v63  }
0x46: {  	_ =	swait.ge [sflag:s3], $0x4000  }
0x47: {  	[sflag:s3] =	ssyncset.done $0x0  }
0x48: {  	[sflag:s3] =	ssyncadd.s32 $0xFFFFC000  }
0x49: {  	[tilespmem:s18], [sflag:$0x1] =	stream.indirect.gather [hbm4b:s16+s5], $0x80, s13, s5, $0xb8;
	[tilespmem:$0x10400] =	vst v63  }
0x4a: {  	_ =	swait.ge [sflag:s23], $0x4000  }
0x4b: {  	[sflag:s23] =	ssyncset.done $0x0  }
0x4c: {  	s26 =	sadd.s32 s0, s26;
	[dreg:$0x7] =	wrdreg s0;
	[sflag:s23] =	ssyncadd.s32 $0xFFFFC000  }
0x4d: {  	[hbm4b:s26+s2] =	stream.linear.scatter [tilespmem:s20], [sflag:$0x3], $0x4000, $0x38;
	[tilespmem:$0x10400] =	vst v63  }
0x4e: {  	_ =	swait.ge [sflag:s3], $0x4000  }
0x4f: {  	[sflag:s3] =	ssyncset.done $0x0  }
0x50: {  	[sflag:s3] =	ssyncadd.s32 $0xFFFFC000  }
0x51: {  	[tilespmem:s20], [sflag:$0x2] =	stream.indirect.gather [hbm4b:s16+s5], $0x80, s15, s5, $0xb8;
	[tilespmem:$0x10400] =	vst v63  }
0x52: {  	_ =	swait.ge [sflag:s21], $0x4000  }
0x53: {  	s29 =	sshll.u32 s28, $0x4;
	[sflag:s21] =	ssyncset.done $0x0  }
0x54: {  	s28 =	sadd.s32 s31, s29;
	[sflag:s21] =	ssyncadd.s32 $0xFFFFC000  }
0x55: {  	[hbm4b:s28+s2] =	stream.linear.scatter [tilespmem:s17], [sflag:$0x3], $0x4000, $0x38;
	[tilespmem:$0x10400] =	vst v63  }
0x56: {  	_ =	swait.ge [sflag:s3], $0x4000  }
0x57: {  	[sflag:s3] =	ssyncset.done $0x0  }
0x58: {  	[sflag:s3] =	ssyncadd.s32 $0xFFFFC000  }
0x59: {  	_ =	swait.ge [sflag:s23], $0x4000  }
0x5a: {  	[sflag:s23] =	ssyncset.done $0x0  }
0x5b: {  	s29 =	sadd.s32 s0, s29;
	[sflag:s23] =	ssyncadd.s32 $0xFFFFC000  }
0x5c: {  	[hbm4b:s29+s2] =	stream.linear.scatter [tilespmem:s19], [sflag:$0x3], $0x4000, $0x38;
	[tilespmem:$0x10400] =	vst v63  }
0x5d: {  	_ =	swait.ge [sflag:s3], $0x4000  }
0x5e: {  	[sflag:s3] =	ssyncset.done $0x0  }
0x5f: {  	[sflag:s3] =	ssyncadd.s32 $0xFFFFC000  }
0x60: {  	s0 =	sshll.u32 s30, $0x4;
	_ =	swait.ge [sflag:s21], $0x4000  }
0x61: {  	s30 =	sadd.s32 s31, s0;
	s31 =	ssub.s32 $0x2, s1;
	[sflag:s21] =	ssyncset.done $0x0  }
0x62: {  	s1 =	sshrl.u32 s31, $0x1;
	[sflag:s21] =	ssyncadd.s32 $0xFFFFC000  }
0x63: {  	[hbm4b:s30+s2] =	stream.linear.scatter [tilespmem:s18], [sflag:$0x3], $0x4000, $0x38;
	[tilespmem:$0x10400] =	vst v63  }
0x64: {  	s1 =	ssub.s32 s31, s1;
	_ =	swait.ge [sflag:s3], $0x4000  }
0x65: {  	s1 =	smax.u32 s1, $0x1;
	[sflag:s3] =	ssyncset.done $0x0  }
0x66: {  	p0 =	sne.s32 s1, $0x1;
	[sflag:s3] =	ssyncadd.s32 $0xFFFFC000  }
.Ltmp0:
0x67: {  	_ =	swait.ge [sflag:s23], $0x4000;
	(pc) =	sbr.rel @!p0 .LBB2_2-.Ltmp0, $4  }
0x68: {  	[sflag:s23] =	ssyncset.done $0x0;
	s31 =	rddreg [dreg:$0x7]  }
0x69: {  	s31 =	sadd.s32 s31, s0;
	[sflag:s23] =	ssyncadd.s32 $0xFFFFC000  }
0x6a: {  	[hbm4b:s31+s2] =	stream.linear.scatter [tilespmem:s20], [sflag:$0x3], $0x4000, $0x38;
	[tilespmem:$0x10400] =	vst v63  }
0x6b: {  	s1 =	sadd.s32 $0xFFFFFFFF, s1;
	_ =	swait.ge [sflag:s3], $0x4000  }
.LBB2_1:
0x6c: {  	[sflag:s3] =	ssyncset.done $0x0  }
0x6d: {  	s0 =	rddreg [dreg:$0x4];
	[sflag:s3] =	ssyncadd.s32 $0xFFFFC000  }
0x6e: {  	[tilespmem:s2], [sflag:$0x3] =	stream.linear.gather [hbm4b:s0+s2], $0x80, $0x38;
	[tilespmem:$0x10400] =	vst v63  }
0x6f: {  	_ =	swait.ge [sflag:s3], $0x80  }
0x70: {  	[sflag:s3] =	ssyncset.done $0x0  }
0x71: {  	s0 =	rddreg [dreg:$0x5];
	[sflag:s3] =	ssyncadd.s32 $0xFFFFFF80  }
0x72: {  	[tilespmem:s4], [sflag:$0x3] =	stream.linear.gather [hbm4b:s0+s2], $0x80, $0x38;
	[tilespmem:$0x10400] =	vst v63  }
0x73: {  	_ =	swait.ge [sflag:s3], $0x80  }
0x74: {  	[sflag:s3] =	ssyncset.done $0x0  }
0x75: {  	s0 =	rddreg [dreg:$0x6];
	[sflag:s3] =	ssyncadd.s32 $0xFFFFFF80  }
0x76: {  	[tilespmem:s5], [sflag:$0x3] =	stream.linear.gather [hbm4b:s0+s2], $0x80, $0x38;
	[tilespmem:$0x10400] =	vst v63  }
0x77: {  	_ =	swait.ge [sflag:s3], $0x80  }
0x78: {  	[sflag:s3] =	ssyncset.done $0x0  }
0x79: {  	[sflag:s3] =	ssyncadd.s32 $0xFFFFFF80  }
0x7a: {  	[tilespmem:s7], [sflag:$0x3] =	stream.linear.gather [hbm4b:s6+s2], $0x80, $0x38;
	[tilespmem:$0x10400] =	vst v63  }
0x7b: {  	_ =	swait.ge [sflag:s3], $0x80  }
0x7c: {  	[sflag:s3] =	ssyncset.done $0x0  }
0x7d: {  	[sflag:s3] =	ssyncadd.s32 $0xFFFFFF80  }
0x7e: {  	[tilespmem:s9], [sflag:$0x3] =	stream.linear.gather [hbm4b:s8+s2], $0x80, $0x38;
	[tilespmem:$0x10400] =	vst v63  }
0x7f: {  	_ =	swait.ge [sflag:s3], $0x80  }
0x80: {  	[sflag:s3] =	ssyncset.done $0x0  }
0x81: {  	[sflag:s3] =	ssyncadd.s32 $0xFFFFFF80  }
0x82: {  	[tilespmem:s11], [sflag:$0x3] =	stream.linear.gather [hbm4b:s10+s2], $0x80, $0x38;
	[tilespmem:$0x10400] =	vst v63  }
0x83: {  	_ =	swait.ge [sflag:s3], $0x80  }
0x84: {  	[sflag:s3] =	ssyncset.done $0x0  }
0x85: {  	[sflag:s3] =	ssyncadd.s32 $0xFFFFFF80  }
0x86: {  	[tilespmem:s13], [sflag:$0x3] =	stream.linear.gather [hbm4b:s12+s2], $0x80, $0x38;
	[tilespmem:$0x10400] =	vst v63  }
0x87: {  	_ =	swait.ge [sflag:s3], $0x80  }
0x88: {  	[sflag:s3] =	ssyncset.done $0x0  }
0x89: {  	[sflag:s3] =	ssyncadd.s32 $0xFFFFFF80  }
0x8a: {  	[tilespmem:s15], [sflag:$0x3] =	stream.linear.gather [hbm4b:s14+s2], $0x80, $0x38;
	[tilespmem:$0x10400] =	vst v63  }
0x8b: {  	_ =	swait.ge [sflag:s3], $0x80  }
0x8c: {  	[sflag:s3] =	ssyncset.done $0x0  }
0x8d: {  	[sflag:s3] =	ssyncadd.s32 $0xFFFFFF80  }
0x8e: {  	[tilespmem:s17], [sflag:$0x1] =	stream.indirect.gather [hbm4b:s16+s5], $0x80, s2, s5, $0xb8;
	[tilespmem:$0x10400] =	vst v63  }
0x8f: {  	_ = 	snop  }
0x90: {  	[tilespmem:s18], [sflag:$0x1] =	stream.indirect.gather [hbm4b:s16+s5], $0x80, s5, s5, $0xb8;
	[tilespmem:$0x10400] =	vst v63  }
0x91: {  	_ = 	snop  }
0x92: {  	[tilespmem:s19], [sflag:$0x2] =	stream.indirect.gather [hbm4b:s16+s5], $0x80, s4, s5, $0xb8;
	[tilespmem:$0x10400] =	vst v63  }
0x93: {  	_ = 	snop  }
0x94: {  	[tilespmem:s20], [sflag:$0x2] =	stream.indirect.gather [hbm4b:s16+s5], $0x80, s7, s5, $0xb8;
	[tilespmem:$0x10400] =	vst v63  }
0x95: {  	_ =	swait.ge [sflag:s21], $0x4000  }
0x96: {  	[sflag:s21] =	ssyncset.done $0x0  }
0x97: {  	[sflag:s21] =	ssyncadd.s32 $0xFFFFC000  }
0x98: {  	[hbm4b:s22+s2] =	stream.linear.scatter [tilespmem:s17], [sflag:$0x3], $0x4000, $0x38;
	[tilespmem:$0x10400] =	vst v63  }
0x99: {  	_ =	swait.ge [sflag:s3], $0x4000  }
0x9a: {  	[sflag:s3] =	ssyncset.done $0x0  }
0x9b: {  	[sflag:s3] =	ssyncadd.s32 $0xFFFFC000  }
0x9c: {  	[tilespmem:s17], [sflag:$0x1] =	stream.indirect.gather [hbm4b:s16+s5], $0x80, s9, s5, $0xb8;
	[tilespmem:$0x10400] =	vst v63  }
0x9d: {  	_ =	swait.ge [sflag:s23], $0x4000  }
0x9e: {  	[sflag:s23] =	ssyncset.done $0x0  }
0x9f: {  	[sflag:s23] =	ssyncadd.s32 $0xFFFFC000  }
0xa0: {  	[hbm4b:s24+s2] =	stream.linear.scatter [tilespmem:s19], [sflag:$0x3], $0x4000, $0x38;
	[tilespmem:$0x10400] =	vst v63  }
0xa1: {  	_ =	swait.ge [sflag:s3], $0x4000  }
0xa2: {  	[sflag:s3] =	ssyncset.done $0x0  }
0xa3: {  	[sflag:s3] =	ssyncadd.s32 $0xFFFFC000  }
0xa4: {  	[tilespmem:s19], [sflag:$0x2] =	stream.indirect.gather [hbm4b:s16+s5], $0x80, s11, s5, $0xb8;
	[tilespmem:$0x10400] =	vst v63  }
0xa5: {  	_ =	swait.ge [sflag:s21], $0x4000  }
0xa6: {  	[sflag:s21] =	ssyncset.done $0x0  }
0xa7: {  	[sflag:s21] =	ssyncadd.s32 $0xFFFFC000  }
0xa8: {  	[hbm4b:s25+s2] =	stream.linear.scatter [tilespmem:s18], [sflag:$0x3], $0x4000, $0x38;
	[tilespmem:$0x10400] =	vst v63  }
0xa9: {  	_ =	swait.ge [sflag:s3], $0x4000  }
0xaa: {  	[sflag:s3] =	ssyncset.done $0x0  }
0xab: {  	[sflag:s3] =	ssyncadd.s32 $0xFFFFC000  }
0xac: {  	[tilespmem:s18], [sflag:$0x1] =	stream.indirect.gather [hbm4b:s16+s5], $0x80, s13, s5, $0xb8;
	[tilespmem:$0x10400] =	vst v63  }
0xad: {  	_ =	swait.ge [sflag:s23], $0x4000  }
0xae: {  	[sflag:s23] =	ssyncset.done $0x0  }
0xaf: {  	[sflag:s23] =	ssyncadd.s32 $0xFFFFC000  }
0xb0: {  	[hbm4b:s26+s2] =	stream.linear.scatter [tilespmem:s20], [sflag:$0x3], $0x4000, $0x38;
	[tilespmem:$0x10400] =	vst v63  }
0xb1: {  	_ =	swait.ge [sflag:s3], $0x4000  }
0xb2: {  	[sflag:s3] =	ssyncset.done $0x0  }
0xb3: {  	[sflag:s3] =	ssyncadd.s32 $0xFFFFC000  }
0xb4: {  	[tilespmem:s20], [sflag:$0x2] =	stream.indirect.gather [hbm4b:s16+s5], $0x80, s15, s5, $0xb8;
	[tilespmem:$0x10400] =	vst v63  }
0xb5: {  	_ =	swait.ge [sflag:s21], $0x4000  }
0xb6: {  	[sflag:s21] =	ssyncset.done $0x0  }
0xb7: {  	[sflag:s21] =	ssyncadd.s32 $0xFFFFC000  }
0xb8: {  	[hbm4b:s28+s2] =	stream.linear.scatter [tilespmem:s17], [sflag:$0x3], $0x4000, $0x38;
	[tilespmem:$0x10400] =	vst v63  }
0xb9: {  	_ =	swait.ge [sflag:s3], $0x4000  }
0xba: {  	[sflag:s3] =	ssyncset.done $0x0  }
0xbb: {  	[sflag:s3] =	ssyncadd.s32 $0xFFFFC000  }
0xbc: {  	_ =	swait.ge [sflag:s23], $0x4000  }
0xbd: {  	[sflag:s23] =	ssyncset.done $0x0  }
0xbe: {  	[sflag:s23] =	ssyncadd.s32 $0xFFFFC000  }
0xbf: {  	[hbm4b:s29+s2] =	stream.linear.scatter [tilespmem:s19], [sflag:$0x3], $0x4000, $0x38;
	[tilespmem:$0x10400] =	vst v63  }
0xc0: {  	_ =	swait.ge [sflag:s3], $0x4000  }
0xc1: {  	[sflag:s3] =	ssyncset.done $0x0  }
0xc2: {  	[sflag:s3] =	ssyncadd.s32 $0xFFFFC000  }
0xc3: {  	_ =	swait.ge [sflag:s21], $0x4000  }
0xc4: {  	[sflag:s21] =	ssyncset.done $0x0  }
0xc5: {  	[sflag:s21] =	ssyncadd.s32 $0xFFFFC000  }
0xc6: {  	[hbm4b:s30+s2] =	stream.linear.scatter [tilespmem:s18], [sflag:$0x3], $0x4000, $0x38;
	[tilespmem:$0x10400] =	vst v63  }
0xc7: {  	_ =	swait.ge [sflag:s3], $0x4000  }
0xc8: {  	[sflag:s3] =	ssyncset.done $0x0  }
0xc9: {  	p0 =	sne.s32 s1, $0x1;
	[sflag:s3] =	ssyncadd.s32 $0xFFFFC000  }
.Ltmp1:
0xca: {  	_ =	swait.ge [sflag:s23], $0x4000;
	(pc) =	sbr.rel @p0 .LBB2_1-.Ltmp1, $4  }
0xcb: {  	[sflag:s23] =	ssyncset.done $0x0  }
0xcc: {  	[sflag:s23] =	ssyncadd.s32 $0xFFFFC000  }
0xcd: {  	[hbm4b:s31+s2] =	stream.linear.scatter [tilespmem:s20], [sflag:$0x3], $0x4000, $0x38;
	[tilespmem:$0x10400] =	vst v63  }
0xce: {  	s1 =	sadd.s32 $0xFFFFFFFF, s1;
	_ =	swait.ge [sflag:s3], $0x4000  }
.LBB2_2:
0xcf: {  	[sflag:s3] =	ssyncset.done $0x0  }
0xd0: {  	[sflag:s3] =	ssyncadd.s32 $0xFFFFC000  }
0xd1: {  	_ =	sfence.sel $0x180000  }
0xd2: {  	[bflag:$0x0] =	sbarrier.arrive $0xFFFF  }
0xd3: {  	_ =	strace $0x90000050  }
0xd4: {  	s0 =	stileid.u32;
	[bflag:$0x2] =	sbarrier.arrive $0xFFFF  }
0xd5: {  	p0 =	sne.s32 s0, $0x0;
	s0 =	rddreg [dreg:$0x3]  }
0xd6: {  	s0 =	sadd.s32 @!p0 $0x100000, s0  }
0xd7: {  	[sflag:s0] =	ssyncadd.tile.s32 @!p0 $0x1;
	_ =	shalt  }
.Lfunc_end2:
_tile_overlayer_lowered:
.L_overlay_start_2:
0xd8: {  	(tag) =	ssettag $0x2  }
0xd9: {  	s0 =	rddreg [dreg:$0x0];
	s2 =	stileid.u32  }
0xda: {  	s1 =	rddreg [dreg:$0x1];
	p0 =	sne.s32 s2, $0x0  }
0xdb: {  	s3 =	rddreg [dreg:$0x2];
	[bflag:$0x3] =	sbarrier.arrive $0xFFFF;
	s2 =	simm.s32 @!p0 $0x1C03  }
0xdc: {  	[timem:s3], [sflag:s2] =	dma.local @!p0 [hbm:s0], s1  }
0xdd: {  	s0 =	simm.s32 @!p0 $0x3  }
0xde: {  	_ =	swait.ge @!p0 [sflag:s0], s1  }
0xdf: {  	s1 =	ssub.s32 @!p0 $0x0, s1;
	[sflag:s0] =	ssyncset.done @!p0 $0x0  }
0xe0: {  	[sflag:s0] =	ssyncadd.s32 @!p0 s1  }
0xe1: {  	[bflag:$0x3] =	sbarrier.arrive $0xFFFF  }
0xe2: {  	_ =	shalt  }

</sc_bundles>
